<compile_context>
chip_gen: v7x
topology: tpu7x:2x2x1
jax: 0.10.2.dev20260603
libtpu: 0.0.44.dev20260713+nightly
codegen_flags: <defaults>
</compile_context>

<pallas_src>
import functools

import jax
import jax.numpy as jnp
from jax import lax
from jax.experimental import pallas as pl
from jax.experimental.pallas import tpu as pltpu
from jax.experimental.pallas import tpu_sc as plsc

N_NODES = 10000
N_EDGES = 160000
NUM_TILES = 16
NUM_CORES = 2
EDGE_BLOCK = 128
EDGES_PER_TILE = 10240
N_HALVES = 2
NB_H = EDGES_PER_TILE // (N_HALVES * EDGE_BLOCK)
E_PAD = NUM_TILES * EDGES_PER_TILE
ACC_ROWS = 10112
INIT_ROWS = ACC_ROWS // NUM_TILES
OUT_ROWS = 624
DUMMY_ROW = N_NODES


def _agg_window(h_ref, acc, src_v, dst_v, rows_a, rows_b, sem_a, sem_b):
    pltpu.async_copy(h_ref.at[src_v.at[0]], rows_a, sem_a)

    def body(i, carry):
        j = 2 * i
        pltpu.async_copy(h_ref.at[src_v.at[j + 1]], rows_b, sem_b)
        pltpu.make_async_copy(h_ref.at[src_v.at[j]], rows_a, sem_a).wait()
        pltpu.sync_copy(rows_a, acc.at[dst_v.at[j]], add=True)
        pltpu.async_copy(h_ref.at[src_v.at[j + 2]], rows_a, sem_a)
        pltpu.make_async_copy(h_ref.at[src_v.at[j + 1]], rows_b, sem_b).wait()
        pltpu.sync_copy(rows_b, acc.at[dst_v.at[j + 1]], add=True)
        return carry
    lax.fori_loop(0, (NB_H - 2) // 2, body, 0)
    j = NB_H - 2
    pltpu.async_copy(h_ref.at[src_v.at[j + 1]], rows_b, sem_b)
    pltpu.make_async_copy(h_ref.at[src_v.at[j]], rows_a, sem_a).wait()
    pltpu.sync_copy(rows_a, acc.at[dst_v.at[j]], add=True)
    pltpu.make_async_copy(h_ref.at[src_v.at[j + 1]], rows_b, sem_b).wait()
    pltpu.sync_copy(rows_b, acc.at[dst_v.at[j + 1]], add=True)


def _flush(acc, out_ref, obase, tid):

    @pl.when(tid < NUM_TILES - 1)
    def _():
        pltpu.sync_copy(
            acc.at[pl.ds(tid * OUT_ROWS, OUT_ROWS)],
            out_ref.at[pl.ds(obase + tid * OUT_ROWS, OUT_ROWS)])

    @pl.when(tid == NUM_TILES - 1)
    def _():
        last = (NUM_TILES - 1) * OUT_ROWS
        pltpu.sync_copy(
            acc.at[pl.ds(last, N_NODES - last)],
            out_ref.at[pl.ds(obase + last, N_NODES - last)])


_SC_SCRATCH = [
    pltpu.VMEM_SHARED((ACC_ROWS, 128), jnp.float32),
    pltpu.VMEM((NB_H, EDGE_BLOCK), jnp.int32),
    pltpu.VMEM((NB_H, EDGE_BLOCK), jnp.int32),
    pltpu.VMEM((EDGE_BLOCK, 128), jnp.float32),
    pltpu.VMEM((EDGE_BLOCK, 128), jnp.float32),
    pltpu.SemaphoreType.DMA,
    pltpu.SemaphoreType.DMA,
]
_SC_MESH = plsc.VectorSubcoreMesh(core_axis_name="c", subcore_axis_name="s")


@functools.partial(
    pl.kernel,
    out_type=jax.ShapeDtypeStruct((NUM_CORES * N_NODES, 128), jnp.float32),
    mesh=_SC_MESH, scratch_types=_SC_SCRATCH)
def _sc_agg_pair(h_ref, srcp_ref, dst_ref, init_ref, out_ref,
                 acc, src_v, dst_v, rows_a, rows_b, sem_a, sem_b):
    cid = lax.axis_index("c")
    tid = lax.axis_index("s")
    pltpu.sync_copy(init_ref, acc.at[pl.ds(tid * INIT_ROWS, INIT_ROWS)])
    plsc.subcore_barrier()
    for half in range(N_HALVES):
        pltpu.sync_copy(srcp_ref.at[cid, tid, half], src_v)
        pltpu.sync_copy(dst_ref.at[tid, half], dst_v)
        _agg_window(h_ref, acc, src_v, dst_v, rows_a, rows_b, sem_a, sem_b)
    plsc.subcore_barrier()
    _flush(acc, out_ref, cid * N_NODES, tid)


@functools.partial(
    pl.kernel,
    out_type=jax.ShapeDtypeStruct((4 * NUM_CORES * N_NODES, 128),
                                  jnp.float32),
    mesh=_SC_MESH, scratch_types=_SC_SCRATCH)
def _sc_agg_quad(h_ref, srcp_ref, dst_ref, init_ref, out_ref,
                 acc, src_v, dst_v, rows_a, rows_b, sem_a, sem_b):
    cid = lax.axis_index("c")
    tid = lax.axis_index("s")
    for p in range(4):
        pltpu.sync_copy(init_ref, acc.at[pl.ds(tid * INIT_ROWS, INIT_ROWS)])
        plsc.subcore_barrier()
        for half in range(N_HALVES):
            pltpu.sync_copy(srcp_ref.at[p, cid, tid, half], src_v)
            pltpu.sync_copy(dst_ref.at[tid, half], dst_v)
            _agg_window(h_ref, acc, src_v, dst_v, rows_a, rows_b,
                        sem_a, sem_b)
        plsc.subcore_barrier()
        _flush(acc, out_ref, (2 * p + cid) * N_NODES, tid)
        if p < 3:
            plsc.subcore_barrier()


@functools.partial(
    pl.kernel,
    out_type=jax.ShapeDtypeStruct((NUM_CORES * N_NODES, 128), jnp.float32),
    mesh=_SC_MESH, scratch_types=_SC_SCRATCH)
def _sc_agg_split(h_ref, srcs_ref, dsts_ref, init_ref, out_ref,
                  acc, src_v, dst_v, rows_a, rows_b, sem_a, sem_b):
    cid = lax.axis_index("c")
    tid = lax.axis_index("s")
    pltpu.sync_copy(init_ref.at[cid],
                    acc.at[pl.ds(tid * INIT_ROWS, INIT_ROWS)])
    plsc.subcore_barrier()
    pltpu.sync_copy(srcs_ref.at[cid, tid], src_v)
    pltpu.sync_copy(dsts_ref.at[cid, tid], dst_v)
    _agg_window(h_ref, acc, src_v, dst_v, rows_a, rows_b, sem_a, sem_b)
    plsc.subcore_barrier()
    _flush(acc, out_ref, cid * N_NODES, tid)


def _mm_body(oc, bn, relu, a_ref, w_ref, b_ref, o_ref):
    c = pl.program_id(1)
    nc = pl.num_programs(1)

    @pl.when(c == 0)
    def _():
        for o in range(oc):
            o_ref[o] = jnp.broadcast_to(b_ref[o], (bn, 128))

    m = jnp.dot(a_ref[...].astype(jnp.bfloat16),
                w_ref[...].astype(jnp.bfloat16),
                preferred_element_type=jnp.float32)
    for o in range(oc):
        o_ref[o] += m[:, o * 128:(o + 1) * 128]

    if relu:
        @pl.when(c == nc - 1)
        def _():
            for o in range(oc):
                o_ref[o] = jnp.maximum(o_ref[o], 0.0)


def _tc_matmul(a3, w3, bias, relu):
    cc, n, _ = a3.shape
    o_full = w3.shape[2]
    oc = o_full // 128
    bn = 1000
    return pl.pallas_call(
        functools.partial(_mm_body, oc, bn, relu),
        grid=(n // bn, cc),
        in_specs=[
            pl.BlockSpec((None, bn, 128), lambda nb, c: (c, nb, 0)),
            pl.BlockSpec((None, 128, o_full), lambda nb, c: (c, 0, 0)),
            pl.BlockSpec((oc, 1, 128), lambda nb, c: (0, 0, 0)),
        ],
        out_specs=pl.BlockSpec((oc, bn, 128), lambda nb, c: (0, nb, 0)),
        out_shape=jax.ShapeDtypeStruct((oc, n, 128), jnp.float32),
    )(a3, w3, bias.reshape(oc, 1, 128))


def _mm_acc_body(oc, bn, first, last, a_ref, w_ref, b_ref, z_ref, o_ref):
    c = pl.program_id(1)
    nc = pl.num_programs(1)

    @pl.when(c == 0)
    def _():
        for o in range(oc):
            if first:
                o_ref[o] = jnp.broadcast_to(b_ref[o], (bn, 128))
            else:
                o_ref[o] = z_ref[o]

    m = jnp.dot(a_ref[...].astype(jnp.bfloat16),
                w_ref[...].astype(jnp.bfloat16),
                preferred_element_type=jnp.float32)
    for o in range(oc):
        o_ref[o] += m[:, o * 128:(o + 1) * 128]

    if last:
        @pl.when(c == nc - 1)
        def _():
            for o in range(oc):
                o_ref[o] = jnp.maximum(o_ref[o], 0.0)


def _tc_matmul_acc(a3, w3, bias, z, first, last):
    cc, n, _ = a3.shape
    o_full = w3.shape[2]
    oc = o_full // 128
    bn = 1000
    if z is None:
        z = jnp.zeros((oc, n, 128), jnp.float32)
    return pl.pallas_call(
        functools.partial(_mm_acc_body, oc, bn, first, last),
        grid=(n // bn, cc),
        in_specs=[
            pl.BlockSpec((None, bn, 128), lambda nb, c: (c, nb, 0)),
            pl.BlockSpec((None, 128, o_full), lambda nb, c: (c, 0, 0)),
            pl.BlockSpec((oc, 1, 128), lambda nb, c: (0, 0, 0)),
            pl.BlockSpec((oc, bn, 128), lambda nb, c: (0, nb, 0)),
        ],
        out_specs=pl.BlockSpec((oc, bn, 128), lambda nb, c: (0, nb, 0)),
        out_shape=jax.ShapeDtypeStruct((oc, n, 128), jnp.float32),
    )(a3, w3, bias.reshape(oc, 1, 128), z)


def _add_body(pa_ref, pb_ref, o_ref):
    o_ref[...] = pa_ref[...] + pb_ref[...]


def _tc_add(pa, pb):
    n = pa.shape[0]
    bn = 1000
    return pl.pallas_call(
        _add_body,
        grid=(n // bn,),
        in_specs=[pl.BlockSpec((bn, 128), lambda nb: (nb, 0))] * 2,
        out_specs=pl.BlockSpec((bn, 128), lambda nb: (nb, 0)),
        out_shape=jax.ShapeDtypeStruct((n, 128), jnp.float32),
    )(pa, pb)


def kernel(features, edge_index, W0, b0, W1, b1, W2, b2):
    n, f_in = features.shape
    src = edge_index[0]
    dst = edge_index[1]
    pad = E_PAD - N_EDGES
    src_p = jnp.concatenate([src, jnp.zeros((pad,), jnp.int32)])
    dst_p = jnp.concatenate([dst, jnp.full((pad,), DUMMY_ROW, jnp.int32)])
    chunk_off = (jnp.arange(4)[:, None] * 2 + jnp.arange(2)[None, :]) * n
    srcp_all = (src_p[None, None, :] + chunk_off[:, :, None]).reshape(
        4, NUM_CORES, NUM_TILES, N_HALVES, NB_H, EDGE_BLOCK)
    dst3 = dst_p.reshape(NUM_TILES, N_HALVES, NB_H, EDGE_BLOCK)
    srcs = src_p.reshape(NUM_CORES, NUM_TILES, NB_H, EDGE_BLOCK)
    dsts = dst_p.reshape(NUM_CORES, NUM_TILES, NB_H, EDGE_BLOCK)
    zero_init = jnp.zeros((INIT_ROWS, 128), jnp.float32)
    b2_init = jnp.stack([jnp.broadcast_to(b2, (INIT_ROWS, 128)),
                         jnp.zeros((INIT_ROWS, 128), jnp.float32)])

    x3 = features.reshape(n, 2, 128).transpose(1, 0, 2)
    a0 = _sc_agg_pair(x3.reshape(2 * n, 128), srcp_all[0], dst3, zero_init)
    a0 = a0.reshape(2, n, 128)
    h1 = _tc_matmul(a0, W0.reshape(2, 128, -1), b0, relu=True)

    a1 = _sc_agg_quad(h1.reshape(8 * n, 128), srcp_all, dst3, zero_init)
    h2 = _tc_matmul(a1.reshape(8, n, 128), W1.reshape(8, 128, -1), b1,
                    relu=True)

    t = _tc_matmul(h2, W2.reshape(8, 128, -1), jnp.zeros((128,), jnp.float32),
                   relu=False)
    parts = _sc_agg_split(t[0], srcs, dsts, b2_init)
    return _tc_add(parts[:n], parts[n:])

# --- scband reference (transcript-rebuilt; emitter-appended) ---
"""Pipeline reference for scband-gcn-16965120819584 (READ-ONLY COPY).

The authoritative reference and input builder live on the scoring server;
editing this copy changes nothing except your own understanding.
"""

import jax, jax.numpy as jnp
import numpy as np

N_NODES = 10000
N_EDGES = 160000
IN_FEATS = 256
N_HIDDEN = 1024
N_CLASSES = 128


def setup_inputs(seed: int = 0) -> dict:
    key = jax.random.key(seed)
    k_feat, k_edge, k0, k1, k2 = jax.random.split(key, 5)
    features = jax.random.normal(k_feat, (N_NODES, IN_FEATS), dtype=jnp.float32)
    edge_index = jax.random.randint(k_edge, (2, N_EDGES), 0, N_NODES, dtype=jnp.int64 if jax.config.jax_enable_x64 else jnp.int32).astype(jnp.int32)
    # Linear layers: layer0 (in->hidden), layer1 (hidden->hidden), projection (hidden->classes)
    def linear_params(k, fan_in, fan_out):
        kw, kb = jax.random.split(k)
        bound = 1.0 / np.sqrt(fan_in)
        W = jax.random.uniform(kw, (fan_in, fan_out), minval=-bound, maxval=bound, dtype=jnp.float32)
        b = jax.random.uniform(kb, (fan_out,), minval=-bound, maxval=bound, dtype=jnp.float32)
        return W, b
    W0, b0 = linear_params(k0, IN_FEATS, N_HIDDEN)
    W1, b1 = linear_params(k1, N_HIDDEN, N_HIDDEN)
    W2, b2 = linear_params(k2, N_HIDDEN, N_CLASSES)
    return {"features": features, "edge_index": edge_index,
            "W0": W0, "b0": b0, "W1": W1, "b1": b1, "W2": W2, "b2": b2}


def reference(features, edge_index, W0, b0, W1, b1, W2, b2):
    # GCN with DGL-style update_all('from_src', 'sum', NodeUpdateModule):
    #   message = source node features, reduce = sum over incoming edges,
    #   node update = Linear(accum) [+ activation]. dropout=0.0 so it is a no-op.
    src = edge_index[0]
    dst = edge_index[1]
    h = features
    layers = [(W0, b0, True), (W1, b1, True), (W2, b2, False)]
    for W, b, act in layers:
        msg = jnp.take(h, src, axis=0)              # gather from src nodes
        accum = jax.ops.segment_sum(msg, dst, num_segments=N_NODES)  # sum over incoming edges
        h = accum @ W + b
        if act:
            h = jax.nn.relu(h)
    return h

if __name__ == "__main__":
    import jax
    _d = setup_inputs()
    print(jax.jit(kernel)(*tuple(_d.values())))

</pallas_src>

<mosaic_0001>
#map = affine_map<(d0, d1) -> (0, 0)>
#map1 = affine_map<(d0, d1) -> (0, 0, 0, 0, 0)>
#map2 = affine_map<(d0, d1) -> (0, 0, 0, 0)>
module attributes {stable_mosaic.version = 14 : i64} {
  func.func @_sc_agg_pair(%arg0: i32, %arg1: i32, %arg2: memref<20000x128xf32, #tpu.memory_space<hbm>>, %arg3: memref<2x16x2x40x128xi32, #tpu.memory_space<hbm>>, %arg4: memref<16x2x40x128xi32, #tpu.memory_space<hbm>>, %arg5: memref<632x128xf32, #tpu.memory_space<hbm>>, %arg6: memref<20000x128xf32, #tpu.memory_space<hbm>>, %arg7: memref<10112x128xf32, #tpu.memory_space<vmem_shared>>, %arg8: memref<40x128xi32, #tpu.memory_space<vmem>>, %arg9: memref<40x128xi32, #tpu.memory_space<vmem>>, %arg10: memref<128x128xf32, #tpu.memory_space<vmem>>, %arg11: memref<128x128xf32, #tpu.memory_space<vmem>>, %arg12: memref<!tpu.dma_semaphore, #tpu.memory_space<semaphore_mem>>, %arg13: memref<!tpu.dma_semaphore, #tpu.memory_space<semaphore_mem>>) attributes {dimension_semantics = [#tpu.dimension_semantics<core_parallel>, #tpu.dimension_semantics<subcore_parallel>], iteration_bounds = array<i64: 2, 16>, scalar_prefetch = 0 : i64, scratch_operands = 7 : i64, tpu.core_type = #tpu.core_type<sc_vector_subcore>, window_params = [{transform_indices = #map}, {transform_indices = #map1}, {transform_indices = #map2}, {transform_indices = #map}, {transform_indices = #map}]} {
    %mul3A = arith.constant 632 : i32
    %mul3A_0 = arith.muli %arg1, %mul3A : i32
    "tpu.region"() ({
      %run_scoped3A_82 = tpu.sem_alloc : memref<!tpu.dma_semaphore, #tpu.memory_space<semaphore_mem>>
      %dma_start3A_83 = arith.constant 0 : i32
      %dma_start3A_84 = tpu.memref_slice %arg7[%mul3A_0, %dma_start3A_83] : memref<10112x128xf32, #tpu.memory_space<vmem_shared>> -> memref<632x128xf32, #tpu.memory_space<vmem_shared>>
      tpu.enqueue_dma source(%arg5 : memref<632x128xf32, #tpu.memory_space<hbm>>) target(%dma_start3A_84 : memref<632x128xf32, #tpu.memory_space<vmem_shared>>) target_semaphore(%run_scoped3A_82 : memref<!tpu.dma_semaphore, #tpu.memory_space<semaphore_mem>>)
      %dma_wait3A_85 = arith.constant 0 : i32
      %dma_wait3A_86 = tpu.memref_slice %arg7[%mul3A_0, %dma_wait3A_85] : memref<10112x128xf32, #tpu.memory_space<vmem_shared>> -> memref<632x128xf32, #tpu.memory_space<vmem_shared>>
      tpu.wait_dma2 semaphore(%run_scoped3A_82 : memref<!tpu.dma_semaphore, #tpu.memory_space<semaphore_mem>>) src(%arg5 : memref<632x128xf32, #tpu.memory_space<hbm>>) dst(%dma_wait3A_86 : memref<632x128xf32, #tpu.memory_space<vmem_shared>>)
      tpu.yield
    }) : () -> ()
    %barrier3A = arith.constant 0 : index
    tpu.barrier barrier_id(%barrier3A)
    %run_scoped3A = arith.constant 0 : i32
    "tpu.region"() ({
      %run_scoped3A_82 = tpu.sem_alloc : memref<!tpu.dma_semaphore, #tpu.memory_space<semaphore_mem>>
      %dma_start3A_83 = arith.constant 0 : i32
      %dma_start3A_84 = arith.constant 0 : i32
      %dma_start3A_85 = tpu.memref_slice %arg3[%arg0, %arg1, %run_scoped3A, %dma_start3A_83, %dma_start3A_84] : memref<2x16x2x40x128xi32, #tpu.memory_space<hbm>> -> memref<1x1x1x40x128xi32, #tpu.memory_space<hbm>>
      %dma_start3A_86 = tpu.memref_squeeze %dma_start3A_85 : memref<1x1x1x40x128xi32, #tpu.memory_space<hbm>> -> memref<40x128xi32, #tpu.memory_space<hbm>>
      %dma_start3A_87 = arith.constant 0 : i32
      %dma_start3A_88 = arith.constant 0 : i32
      %dma_start3A_89 = tpu.memref_slice %arg3[%arg0, %arg1, %run_scoped3A, %dma_start3A_87, %dma_start3A_88] : memref<2x16x2x40x128xi32, #tpu.memory_space<hbm>> -> memref<1x1x1x40x128xi32, #tpu.memory_space<hbm>>
      %dma_start3A_90 = tpu.memref_squeeze %dma_start3A_89 : memref<1x1x1x40x128xi32, #tpu.memory_space<hbm>> -> memref<40x128xi32, #tpu.memory_space<hbm>>
      tpu.enqueue_dma source(%dma_start3A_90 : memref<40x128xi32, #tpu.memory_space<hbm>>) target(%arg8 : memref<40x128xi32, #tpu.memory_space<vmem>>) target_semaphore(%run_scoped3A_82 : memref<!tpu.dma_semaphore, #tpu.memory_space<semaphore_mem>>)
      %dma_wait3A_91 = arith.constant 0 : i32
      %dma_wait3A_92 = arith.constant 0 : i32
      %dma_wait3A_93 = tpu.memref_slice %arg3[%arg0, %arg1, %run_scoped3A, %dma_wait3A_91, %dma_wait3A_92] : memref<2x16x2x40x128xi32, #tpu.memory_space<hbm>> -> memref<1x1x1x40x128xi32, #tpu.memory_space<hbm>>
      %dma_wait3A_94 = tpu.memref_squeeze %dma_wait3A_93 : memref<1x1x1x40x128xi32, #tpu.memory_space<hbm>> -> memref<40x128xi32, #tpu.memory_space<hbm>>
      %dma_wait3A_95 = arith.constant 0 : i32
      %dma_wait3A_96 = arith.constant 0 : i32
      %dma_wait3A_97 = tpu.memref_slice %arg3[%arg0, %arg1, %run_scoped3A, %dma_wait3A_95, %dma_wait3A_96] : memref<2x16x2x40x128xi32, #tpu.memory_space<hbm>> -> memref<1x1x1x40x128xi32, #tpu.memory_space<hbm>>
      %dma_wait3A_98 = tpu.memref_squeeze %dma_wait3A_97 : memref<1x1x1x40x128xi32, #tpu.memory_space<hbm>> -> memref<40x128xi32, #tpu.memory_space<hbm>>
      tpu.wait_dma2 semaphore(%run_scoped3A_82 : memref<!tpu.dma_semaphore, #tpu.memory_space<semaphore_mem>>) src(%dma_wait3A_98 : memref<40x128xi32, #tpu.memory_space<hbm>>) dst(%arg8 : memref<40x128xi32, #tpu.memory_space<vmem>>)
      tpu.yield
    }) : () -> ()
    %run_scoped3A_1 = arith.constant 0 : i32
    "tpu.region"() ({
      %run_scoped3A_82 = tpu.sem_alloc : memref<!tpu.dma_semaphore, #tpu.memory_space<semaphore_mem>>
      %dma_start3A_83 = arith.constant 0 : i32
      %dma_start3A_84 = arith.constant 0 : i32
      %dma_start3A_85 = tpu.memref_slice %arg4[%arg1, %run_scoped3A_1, %dma_start3A_83, %dma_start3A_84] : memref<16x2x40x128xi32, #tpu.memory_space<hbm>> -> memref<1x1x40x128xi32, #tpu.memory_space<hbm>>
      %dma_start3A_86 = tpu.memref_squeeze %dma_start3A_85 : memref<1x1x40x128xi32, #tpu.memory_space<hbm>> -> memref<40x128xi32, #tpu.memory_space<hbm>>
      %dma_start3A_87 = arith.constant 0 : i32
      %dma_start3A_88 = arith.constant 0 : i32
      %dma_start3A_89 = tpu.memref_slice %arg4[%arg1, %run_scoped3A_1, %dma_start3A_87, %dma_start3A_88] : memref<16x2x40x128xi32, #tpu.memory_space<hbm>> -> memref<1x1x40x128xi32, #tpu.memory_space<hbm>>
      %dma_start3A_90 = tpu.memref_squeeze %dma_start3A_89 : memref<1x1x40x128xi32, #tpu.memory_space<hbm>> -> memref<40x128xi32, #tpu.memory_space<hbm>>
      tpu.enqueue_dma source(%dma_start3A_90 : memref<40x128xi32, #tpu.memory_space<hbm>>) target(%arg9 : memref<40x128xi32, #tpu.memory_space<vmem>>) target_semaphore(%run_scoped3A_82 : memref<!tpu.dma_semaphore, #tpu.memory_space<semaphore_mem>>)
      %dma_wait3A_91 = arith.constant 0 : i32
      %dma_wait3A_92 = arith.constant 0 : i32
      %dma_wait3A_93 = tpu.memref_slice %arg4[%arg1, %run_scoped3A_1, %dma_wait3A_91, %dma_wait3A_92] : memref<16x2x40x128xi32, #tpu.memory_space<hbm>> -> memref<1x1x40x128xi32, #tpu.memory_space<hbm>>
      %dma_wait3A_94 = tpu.memref_squeeze %dma_wait3A_93 : memref<1x1x40x128xi32, #tpu.memory_space<hbm>> -> memref<40x128xi32, #tpu.memory_space<hbm>>
      %dma_wait3A_95 = arith.constant 0 : i32
      %dma_wait3A_96 = arith.constant 0 : i32
      %dma_wait3A_97 = tpu.memref_slice %arg4[%arg1, %run_scoped3A_1, %dma_wait3A_95, %dma_wait3A_96] : memref<16x2x40x128xi32, #tpu.memory_space<hbm>> -> memref<1x1x40x128xi32, #tpu.memory_space<hbm>>
      %dma_wait3A_98 = tpu.memref_squeeze %dma_wait3A_97 : memref<1x1x40x128xi32, #tpu.memory_space<hbm>> -> memref<40x128xi32, #tpu.memory_space<hbm>>
      tpu.wait_dma2 semaphore(%run_scoped3A_82 : memref<!tpu.dma_semaphore, #tpu.memory_space<semaphore_mem>>) src(%dma_wait3A_98 : memref<40x128xi32, #tpu.memory_space<hbm>>) dst(%arg9 : memref<40x128xi32, #tpu.memory_space<vmem>>)
      tpu.yield
    }) : () -> ()
    %dma_start3A = arith.constant 0 : i32
    %dma_start3A_2 = arith.constant 0 : i32
    %dma_start3A_3 = tpu.memref_slice %arg8[%dma_start3A, %dma_start3A_2] : memref<40x128xi32, #tpu.memory_space<vmem>> -> memref<1x128xi32, #tpu.memory_space<vmem>>
    %dma_start3A_4 = tpu.memref_squeeze %dma_start3A_3 : memref<1x128xi32, #tpu.memory_space<vmem>> -> memref<128xi32, #tpu.memory_space<vmem>>
    %dma_start3A_5 = arith.constant 0 : i32
    %dma_start3A_6 = arith.constant 0 : i32
    %dma_start3A_7 = tpu.memref_slice %arg2[%dma_start3A_5, %dma_start3A_6] : memref<20000x128xf32, #tpu.memory_space<hbm>> -> memref<20000x128xf32, #tpu.memory_space<hbm>>
    tpu.enqueue_indirect_dma source(%dma_start3A_7 : memref<20000x128xf32, #tpu.memory_space<hbm>>) target(%arg10 : memref<128x128xf32, #tpu.memory_space<vmem>>) offsets(%dma_start3A_4 : memref<128xi32, #tpu.memory_space<vmem>>) semaphore(%arg12 : memref<!tpu.dma_semaphore, #tpu.memory_space<semaphore_mem>>)
    %scan3A = arith.constant 0 : i32
    %scan3A_8 = arith.constant 0 : i32
    %scan3A_9 = arith.constant 19 : i32
    %scan3A_10 = arith.addi %scan3A_8, %scan3A_9 : i32
    %scan3A_11 = arith.constant 1 : i32
    scf.for %scan3A_82 = %scan3A_8 to %scan3A_10 step %scan3A_11  : i32 {
      %mul3A_83 = arith.constant 2 : i32
      %mul3A_84 = arith.muli %mul3A_83, %scan3A_82 : i32
      %add3A = arith.constant 1 : i32
      %add3A_85 = arith.addi %mul3A_84, %add3A : i32
      %dma_start3A_86 = arith.constant 0 : i32
      %dma_start3A_87 = tpu.memref_slice %arg8[%add3A_85, %dma_start3A_86] : memref<40x128xi32, #tpu.memory_space<vmem>> -> memref<1x128xi32, #tpu.memory_space<vmem>>
      %dma_start3A_88 = tpu.memref_squeeze %dma_start3A_87 : memref<1x128xi32, #tpu.memory_space<vmem>> -> memref<128xi32, #tpu.memory_space<vmem>>
      %dma_start3A_89 = arith.constant 0 : i32
      %dma_start3A_90 = arith.constant 0 : i32
      %dma_start3A_91 = tpu.memref_slice %arg2[%dma_start3A_89, %dma_start3A_90] : memref<20000x128xf32, #tpu.memory_space<hbm>> -> memref<20000x128xf32, #tpu.memory_space<hbm>>
      tpu.enqueue_indirect_dma source(%dma_start3A_91 : memref<20000x128xf32, #tpu.memory_space<hbm>>) target(%arg11 : memref<128x128xf32, #tpu.memory_space<vmem>>) offsets(%dma_start3A_88 : memref<128xi32, #tpu.memory_space<vmem>>) semaphore(%arg13 : memref<!tpu.dma_semaphore, #tpu.memory_space<semaphore_mem>>)
      %dma_wait3A_92 = arith.constant 0 : i32
      %dma_wait3A_93 = tpu.memref_slice %arg8[%mul3A_84, %dma_wait3A_92] : memref<40x128xi32, #tpu.memory_space<vmem>> -> memref<1x128xi32, #tpu.memory_space<vmem>>
      %dma_wait3A_94 = tpu.memref_squeeze %dma_wait3A_93 : memref<1x128xi32, #tpu.memory_space<vmem>> -> memref<128xi32, #tpu.memory_space<vmem>>
      %dma_wait3A_95 = arith.constant 0 : i32
      %dma_wait3A_96 = arith.constant 0 : i32
      %dma_wait3A_97 = tpu.memref_slice %arg2[%dma_wait3A_95, %dma_wait3A_96] : memref<20000x128xf32, #tpu.memory_space<hbm>> -> memref<20000x128xf32, #tpu.memory_space<hbm>>
      tpu.wait_indirect_dma semaphore(%arg12 : memref<!tpu.dma_semaphore, #tpu.memory_space<semaphore_mem>>) src(%dma_wait3A_97 : memref<20000x128xf32, #tpu.memory_space<hbm>>) dst(%arg10 : memref<128x128xf32, #tpu.memory_space<vmem>>)
      "tpu.region"() ({
        %run_scoped3A_116 = tpu.sem_alloc : memref<!tpu.dma_semaphore, #tpu.memory_space<semaphore_mem>>
        %dma_start3A_117 = arith.constant 0 : i32
        %dma_start3A_118 = tpu.memref_slice %arg9[%mul3A_84, %dma_start3A_117] : memref<40x128xi32, #tpu.memory_space<vmem>> -> memref<1x128xi32, #tpu.memory_space<vmem>>
        %dma_start3A_119 = tpu.memref_squeeze %dma_start3A_118 : memref<1x128xi32, #tpu.memory_space<vmem>> -> memref<128xi32, #tpu.memory_space<vmem>>
        %dma_start3A_120 = arith.constant 0 : i32
        %dma_start3A_121 = arith.constant 0 : i32
        %dma_start3A_122 = tpu.memref_slice %arg7[%dma_start3A_120, %dma_start3A_121] : memref<10112x128xf32, #tpu.memory_space<vmem_shared>> -> memref<10112x128xf32, #tpu.memory_space<vmem_shared>>
        tpu.enqueue_indirect_dma source(%arg10 : memref<128x128xf32, #tpu.memory_space<vmem>>) target(%dma_start3A_122 : memref<10112x128xf32, #tpu.memory_space<vmem_shared>>) offsets(%dma_start3A_119 : memref<128xi32, #tpu.memory_space<vmem>>) semaphore(%run_scoped3A_116 : memref<!tpu.dma_semaphore, #tpu.memory_space<semaphore_mem>>) {add = true}
        %dma_wait3A_123 = arith.constant 0 : i32
        %dma_wait3A_124 = tpu.memref_slice %arg9[%mul3A_84, %dma_wait3A_123] : memref<40x128xi32, #tpu.memory_space<vmem>> -> memref<1x128xi32, #tpu.memory_space<vmem>>
        %dma_wait3A_125 = tpu.memref_squeeze %dma_wait3A_124 : memref<1x128xi32, #tpu.memory_space<vmem>> -> memref<128xi32, #tpu.memory_space<vmem>>
        %dma_wait3A_126 = arith.constant 0 : i32
        %dma_wait3A_127 = arith.constant 0 : i32
        %dma_wait3A_128 = tpu.memref_slice %arg7[%dma_wait3A_126, %dma_wait3A_127] : memref<10112x128xf32, #tpu.memory_space<vmem_shared>> -> memref<10112x128xf32, #tpu.memory_space<vmem_shared>>
        tpu.wait_indirect_dma semaphore(%run_scoped3A_116 : memref<!tpu.dma_semaphore, #tpu.memory_space<semaphore_mem>>) src(%arg10 : memref<128x128xf32, #tpu.memory_space<vmem>>) dst(%dma_wait3A_128 : memref<10112x128xf32, #tpu.memory_space<vmem_shared>>)
        tpu.yield
      }) : () -> ()
      %add3A_98 = arith.constant 2 : i32
      %add3A_99 = arith.addi %mul3A_84, %add3A_98 : i32
      %dma_start3A_100 = arith.constant 0 : i32
      %dma_start3A_101 = tpu.memref_slice %arg8[%add3A_99, %dma_start3A_100] : memref<40x128xi32, #tpu.memory_space<vmem>> -> memref<1x128xi32, #tpu.memory_space<vmem>>
      %dma_start3A_102 = tpu.memref_squeeze %dma_start3A_101 : memref<1x128xi32, #tpu.memory_space<vmem>> -> memref<128xi32, #tpu.memory_space<vmem>>
      %dma_start3A_103 = arith.constant 0 : i32
      %dma_start3A_104 = arith.constant 0 : i32
      %dma_start3A_105 = tpu.memref_slice %arg2[%dma_start3A_103, %dma_start3A_104] : memref<20000x128xf32, #tpu.memory_space<hbm>> -> memref<20000x128xf32, #tpu.memory_space<hbm>>
      tpu.enqueue_indirect_dma source(%dma_start3A_105 : memref<20000x128xf32, #tpu.memory_space<hbm>>) target(%arg10 : memref<128x128xf32, #tpu.memory_space<vmem>>) offsets(%dma_start3A_102 : memref<128xi32, #tpu.memory_space<vmem>>) semaphore(%arg12 : memref<!tpu.dma_semaphore, #tpu.memory_space<semaphore_mem>>)
      %add3A_106 = arith.constant 1 : i32
      %add3A_107 = arith.addi %mul3A_84, %add3A_106 : i32
      %dma_wait3A_108 = arith.constant 0 : i32
      %dma_wait3A_109 = tpu.memref_slice %arg8[%add3A_107, %dma_wait3A_108] : memref<40x128xi32, #tpu.memory_space<vmem>> -> memref<1x128xi32, #tpu.memory_space<vmem>>
      %dma_wait3A_110 = tpu.memref_squeeze %dma_wait3A_109 : memref<1x128xi32, #tpu.memory_space<vmem>> -> memref<128xi32, #tpu.memory_space<vmem>>
      %dma_wait3A_111 = arith.constant 0 : i32
      %dma_wait3A_112 = arith.constant 0 : i32
      %dma_wait3A_113 = tpu.memref_slice %arg2[%dma_wait3A_111, %dma_wait3A_112] : memref<20000x128xf32, #tpu.memory_space<hbm>> -> memref<20000x128xf32, #tpu.memory_space<hbm>>
      tpu.wait_indirect_dma semaphore(%arg13 : memref<!tpu.dma_semaphore, #tpu.memory_space<semaphore_mem>>) src(%dma_wait3A_113 : memref<20000x128xf32, #tpu.memory_space<hbm>>) dst(%arg11 : memref<128x128xf32, #tpu.memory_space<vmem>>)
      %add3A_114 = arith.constant 1 : i32
      %add3A_115 = arith.addi %mul3A_84, %add3A_114 : i32
      "tpu.region"() ({
        %run_scoped3A_116 = tpu.sem_alloc : memref<!tpu.dma_semaphore, #tpu.memory_space<semaphore_mem>>
        %dma_start3A_117 = arith.constant 0 : i32
        %dma_start3A_118 = tpu.memref_slice %arg9[%add3A_115, %dma_start3A_117] : memref<40x128xi32, #tpu.memory_space<vmem>> -> memref<1x128xi32, #tpu.memory_space<vmem>>
        %dma_start3A_119 = tpu.memref_squeeze %dma_start3A_118 : memref<1x128xi32, #tpu.memory_space<vmem>> -> memref<128xi32, #tpu.memory_space<vmem>>
        %dma_start3A_120 = arith.constant 0 : i32
        %dma_start3A_121 = arith.constant 0 : i32
        %dma_start3A_122 = tpu.memref_slice %arg7[%dma_start3A_120, %dma_start3A_121] : memref<10112x128xf32, #tpu.memory_space<vmem_shared>> -> memref<10112x128xf32, #tpu.memory_space<vmem_shared>>
        tpu.enqueue_indirect_dma source(%arg11 : memref<128x128xf32, #tpu.memory_space<vmem>>) target(%dma_start3A_122 : memref<10112x128xf32, #tpu.memory_space<vmem_shared>>) offsets(%dma_start3A_119 : memref<128xi32, #tpu.memory_space<vmem>>) semaphore(%run_scoped3A_116 : memref<!tpu.dma_semaphore, #tpu.memory_space<semaphore_mem>>) {add = true}
        %dma_wait3A_123 = arith.constant 0 : i32
        %dma_wait3A_124 = tpu.memref_slice %arg9[%add3A_115, %dma_wait3A_123] : memref<40x128xi32, #tpu.memory_space<vmem>> -> memref<1x128xi32, #tpu.memory_space<vmem>>
        %dma_wait3A_125 = tpu.memref_squeeze %dma_wait3A_124 : memref<1x128xi32, #tpu.memory_space<vmem>> -> memref<128xi32, #tpu.memory_space<vmem>>
        %dma_wait3A_126 = arith.constant 0 : i32
        %dma_wait3A_127 = arith.constant 0 : i32
        %dma_wait3A_128 = tpu.memref_slice %arg7[%dma_wait3A_126, %dma_wait3A_127] : memref<10112x128xf32, #tpu.memory_space<vmem_shared>> -> memref<10112x128xf32, #tpu.memory_space<vmem_shared>>
        tpu.wait_indirect_dma semaphore(%run_scoped3A_116 : memref<!tpu.dma_semaphore, #tpu.memory_space<semaphore_mem>>) src(%arg11 : memref<128x128xf32, #tpu.memory_space<vmem>>) dst(%dma_wait3A_128 : memref<10112x128xf32, #tpu.memory_space<vmem_shared>>)
        tpu.yield
      }) : () -> ()
    }
    %scan3A_12 = arith.constant 19 : i32
    %dma_start3A_13 = arith.constant 39 : i32
    %dma_start3A_14 = arith.constant 0 : i32
    %dma_start3A_15 = tpu.memref_slice %arg8[%dma_start3A_13, %dma_start3A_14] : memref<40x128xi32, #tpu.memory_space<vmem>> -> memref<1x128xi32, #tpu.memory_space<vmem>>
    %dma_start3A_16 = tpu.memref_squeeze %dma_start3A_15 : memref<1x128xi32, #tpu.memory_space<vmem>> -> memref<128xi32, #tpu.memory_space<vmem>>
    %dma_start3A_17 = arith.constant 0 : i32
    %dma_start3A_18 = arith.constant 0 : i32
    %dma_start3A_19 = tpu.memref_slice %arg2[%dma_start3A_17, %dma_start3A_18] : memref<20000x128xf32, #tpu.memory_space<hbm>> -> memref<20000x128xf32, #tpu.memory_space<hbm>>
    tpu.enqueue_indirect_dma source(%dma_start3A_19 : memref<20000x128xf32, #tpu.memory_space<hbm>>) target(%arg11 : memref<128x128xf32, #tpu.memory_space<vmem>>) offsets(%dma_start3A_16 : memref<128xi32, #tpu.memory_space<vmem>>) semaphore(%arg13 : memref<!tpu.dma_semaphore, #tpu.memory_space<semaphore_mem>>)
    %dma_wait3A = arith.constant 38 : i32
    %dma_wait3A_20 = arith.constant 0 : i32
    %dma_wait3A_21 = tpu.memref_slice %arg8[%dma_wait3A, %dma_wait3A_20] : memref<40x128xi32, #tpu.memory_space<vmem>> -> memref<1x128xi32, #tpu.memory_space<vmem>>
    %dma_wait3A_22 = tpu.memref_squeeze %dma_wait3A_21 : memref<1x128xi32, #tpu.memory_space<vmem>> -> memref<128xi32, #tpu.memory_space<vmem>>
    %dma_wait3A_23 = arith.constant 0 : i32
    %dma_wait3A_24 = arith.constant 0 : i32
    %dma_wait3A_25 = tpu.memref_slice %arg2[%dma_wait3A_23, %dma_wait3A_24] : memref<20000x128xf32, #tpu.memory_space<hbm>> -> memref<20000x128xf32, #tpu.memory_space<hbm>>
    tpu.wait_indirect_dma semaphore(%arg12 : memref<!tpu.dma_semaphore, #tpu.memory_space<semaphore_mem>>) src(%dma_wait3A_25 : memref<20000x128xf32, #tpu.memory_space<hbm>>) dst(%arg10 : memref<128x128xf32, #tpu.memory_space<vmem>>)
    %run_scoped3A_26 = arith.constant 38 : i32
    "tpu.region"() ({
      %run_scoped3A_82 = tpu.sem_alloc : memref<!tpu.dma_semaphore, #tpu.memory_space<semaphore_mem>>
      %dma_start3A_83 = arith.constant 0 : i32
      %dma_start3A_84 = tpu.memref_slice %arg9[%run_scoped3A_26, %dma_start3A_83] : memref<40x128xi32, #tpu.memory_space<vmem>> -> memref<1x128xi32, #tpu.memory_space<vmem>>
      %dma_start3A_85 = tpu.memref_squeeze %dma_start3A_84 : memref<1x128xi32, #tpu.memory_space<vmem>> -> memref<128xi32, #tpu.memory_space<vmem>>
      %dma_start3A_86 = arith.constant 0 : i32
      %dma_start3A_87 = arith.constant 0 : i32
      %dma_start3A_88 = tpu.memref_slice %arg7[%dma_start3A_86, %dma_start3A_87] : memref<10112x128xf32, #tpu.memory_space<vmem_shared>> -> memref<10112x128xf32, #tpu.memory_space<vmem_shared>>
      tpu.enqueue_indirect_dma source(%arg10 : memref<128x128xf32, #tpu.memory_space<vmem>>) target(%dma_start3A_88 : memref<10112x128xf32, #tpu.memory_space<vmem_shared>>) offsets(%dma_start3A_85 : memref<128xi32, #tpu.memory_space<vmem>>) semaphore(%run_scoped3A_82 : memref<!tpu.dma_semaphore, #tpu.memory_space<semaphore_mem>>) {add = true}
      %dma_wait3A_89 = arith.constant 0 : i32
      %dma_wait3A_90 = tpu.memref_slice %arg9[%run_scoped3A_26, %dma_wait3A_89] : memref<40x128xi32, #tpu.memory_space<vmem>> -> memref<1x128xi32, #tpu.memory_space<vmem>>
      %dma_wait3A_91 = tpu.memref_squeeze %dma_wait3A_90 : memref<1x128xi32, #tpu.memory_space<vmem>> -> memref<128xi32, #tpu.memory_space<vmem>>
      %dma_wait3A_92 = arith.constant 0 : i32
      %dma_wait3A_93 = arith.constant 0 : i32
      %dma_wait3A_94 = tpu.memref_slice %arg7[%dma_wait3A_92, %dma_wait3A_93] : memref<10112x128xf32, #tpu.memory_space<vmem_shared>> -> memref<10112x128xf32, #tpu.memory_space<vmem_shared>>
      tpu.wait_indirect_dma semaphore(%run_scoped3A_82 : memref<!tpu.dma_semaphore, #tpu.memory_space<semaphore_mem>>) src(%arg10 : memref<128x128xf32, #tpu.memory_space<vmem>>) dst(%dma_wait3A_94 : memref<10112x128xf32, #tpu.memory_space<vmem_shared>>)
      tpu.yield
    }) : () -> ()
    %dma_wait3A_27 = arith.constant 39 : i32
    %dma_wait3A_28 = arith.constant 0 : i32
    %dma_wait3A_29 = tpu.memref_slice %arg8[%dma_wait3A_27, %dma_wait3A_28] : memref<40x128xi32, #tpu.memory_space<vmem>> -> memref<1x128xi32, #tpu.memory_space<vmem>>
    %dma_wait3A_30 = tpu.memref_squeeze %dma_wait3A_29 : memref<1x128xi32, #tpu.memory_space<vmem>> -> memref<128xi32, #tpu.memory_space<vmem>>
    %dma_wait3A_31 = arith.constant 0 : i32
    %dma_wait3A_32 = arith.constant 0 : i32
    %dma_wait3A_33 = tpu.memref_slice %arg2[%dma_wait3A_31, %dma_wait3A_32] : memref<20000x128xf32, #tpu.memory_space<hbm>> -> memref<20000x128xf32, #tpu.memory_space<hbm>>
    tpu.wait_indirect_dma semaphore(%arg13 : memref<!tpu.dma_semaphore, #tpu.memory_space<semaphore_mem>>) src(%dma_wait3A_33 : memref<20000x128xf32, #tpu.memory_space<hbm>>) dst(%arg11 : memref<128x128xf32, #tpu.memory_space<vmem>>)
    %run_scoped3A_34 = arith.constant 39 : i32
    "tpu.region"() ({
      %run_scoped3A_82 = tpu.sem_alloc : memref<!tpu.dma_semaphore, #tpu.memory_space<semaphore_mem>>
      %dma_start3A_83 = arith.constant 0 : i32
      %dma_start3A_84 = tpu.memref_slice %arg9[%run_scoped3A_34, %dma_start3A_83] : memref<40x128xi32, #tpu.memory_space<vmem>> -> memref<1x128xi32, #tpu.memory_space<vmem>>
      %dma_start3A_85 = tpu.memref_squeeze %dma_start3A_84 : memref<1x128xi32, #tpu.memory_space<vmem>> -> memref<128xi32, #tpu.memory_space<vmem>>
      %dma_start3A_86 = arith.constant 0 : i32
      %dma_start3A_87 = arith.constant 0 : i32
      %dma_start3A_88 = tpu.memref_slice %arg7[%dma_start3A_86, %dma_start3A_87] : memref<10112x128xf32, #tpu.memory_space<vmem_shared>> -> memref<10112x128xf32, #tpu.memory_space<vmem_shared>>
      tpu.enqueue_indirect_dma source(%arg11 : memref<128x128xf32, #tpu.memory_space<vmem>>) target(%dma_start3A_88 : memref<10112x128xf32, #tpu.memory_space<vmem_shared>>) offsets(%dma_start3A_85 : memref<128xi32, #tpu.memory_space<vmem>>) semaphore(%run_scoped3A_82 : memref<!tpu.dma_semaphore, #tpu.memory_space<semaphore_mem>>) {add = true}
      %dma_wait3A_89 = arith.constant 0 : i32
      %dma_wait3A_90 = tpu.memref_slice %arg9[%run_scoped3A_34, %dma_wait3A_89] : memref<40x128xi32, #tpu.memory_space<vmem>> -> memref<1x128xi32, #tpu.memory_space<vmem>>
      %dma_wait3A_91 = tpu.memref_squeeze %dma_wait3A_90 : memref<1x128xi32, #tpu.memory_space<vmem>> -> memref<128xi32, #tpu.memory_space<vmem>>
      %dma_wait3A_92 = arith.constant 0 : i32
      %dma_wait3A_93 = arith.constant 0 : i32
      %dma_wait3A_94 = tpu.memref_slice %arg7[%dma_wait3A_92, %dma_wait3A_93] : memref<10112x128xf32, #tpu.memory_space<vmem_shared>> -> memref<10112x128xf32, #tpu.memory_space<vmem_shared>>
      tpu.wait_indirect_dma semaphore(%run_scoped3A_82 : memref<!tpu.dma_semaphore, #tpu.memory_space<semaphore_mem>>) src(%arg11 : memref<128x128xf32, #tpu.memory_space<vmem>>) dst(%dma_wait3A_94 : memref<10112x128xf32, #tpu.memory_space<vmem_shared>>)
      tpu.yield
    }) : () -> ()
    %run_scoped3A_35 = arith.constant 1 : i32
    "tpu.region"() ({
      %run_scoped3A_82 = tpu.sem_alloc : memref<!tpu.dma_semaphore, #tpu.memory_space<semaphore_mem>>
      %dma_start3A_83 = arith.constant 0 : i32
      %dma_start3A_84 = arith.constant 0 : i32
      %dma_start3A_85 = tpu.memref_slice %arg3[%arg0, %arg1, %run_scoped3A_35, %dma_start3A_83, %dma_start3A_84] : memref<2x16x2x40x128xi32, #tpu.memory_space<hbm>> -> memref<1x1x1x40x128xi32, #tpu.memory_space<hbm>>
      %dma_start3A_86 = tpu.memref_squeeze %dma_start3A_85 : memref<1x1x1x40x128xi32, #tpu.memory_space<hbm>> -> memref<40x128xi32, #tpu.memory_space<hbm>>
      %dma_start3A_87 = arith.constant 0 : i32
      %dma_start3A_88 = arith.constant 0 : i32
      %dma_start3A_89 = tpu.memref_slice %arg3[%arg0, %arg1, %run_scoped3A_35, %dma_start3A_87, %dma_start3A_88] : memref<2x16x2x40x128xi32, #tpu.memory_space<hbm>> -> memref<1x1x1x40x128xi32, #tpu.memory_space<hbm>>
      %dma_start3A_90 = tpu.memref_squeeze %dma_start3A_89 : memref<1x1x1x40x128xi32, #tpu.memory_space<hbm>> -> memref<40x128xi32, #tpu.memory_space<hbm>>
      tpu.enqueue_dma source(%dma_start3A_90 : memref<40x128xi32, #tpu.memory_space<hbm>>) target(%arg8 : memref<40x128xi32, #tpu.memory_space<vmem>>) target_semaphore(%run_scoped3A_82 : memref<!tpu.dma_semaphore, #tpu.memory_space<semaphore_mem>>)
      %dma_wait3A_91 = arith.constant 0 : i32
      %dma_wait3A_92 = arith.constant 0 : i32
      %dma_wait3A_93 = tpu.memref_slice %arg3[%arg0, %arg1, %run_scoped3A_35, %dma_wait3A_91, %dma_wait3A_92] : memref<2x16x2x40x128xi32, #tpu.memory_space<hbm>> -> memref<1x1x1x40x128xi32, #tpu.memory_space<hbm>>
      %dma_wait3A_94 = tpu.memref_squeeze %dma_wait3A_93 : memref<1x1x1x40x128xi32, #tpu.memory_space<hbm>> -> memref<40x128xi32, #tpu.memory_space<hbm>>
      %dma_wait3A_95 = arith.constant 0 : i32
      %dma_wait3A_96 = arith.constant 0 : i32
      %dma_wait3A_97 = tpu.memref_slice %arg3[%arg0, %arg1, %run_scoped3A_35, %dma_wait3A_95, %dma_wait3A_96] : memref<2x16x2x40x128xi32, #tpu.memory_space<hbm>> -> memref<1x1x1x40x128xi32, #tpu.memory_space<hbm>>
      %dma_wait3A_98 = tpu.memref_squeeze %dma_wait3A_97 : memref<1x1x1x40x128xi32, #tpu.memory_space<hbm>> -> memref<40x128xi32, #tpu.memory_space<hbm>>
      tpu.wait_dma2 semaphore(%run_scoped3A_82 : memref<!tpu.dma_semaphore, #tpu.memory_space<semaphore_mem>>) src(%dma_wait3A_98 : memref<40x128xi32, #tpu.memory_space<hbm>>) dst(%arg8 : memref<40x128xi32, #tpu.memory_space<vmem>>)
      tpu.yield
    }) : () -> ()
    %run_scoped3A_36 = arith.constant 1 : i32
    "tpu.region"() ({
      %run_scoped3A_82 = tpu.sem_alloc : memref<!tpu.dma_semaphore, #tpu.memory_space<semaphore_mem>>
      %dma_start3A_83 = arith.constant 0 : i32
      %dma_start3A_84 = arith.constant 0 : i32
      %dma_start3A_85 = tpu.memref_slice %arg4[%arg1, %run_scoped3A_36, %dma_start3A_83, %dma_start3A_84] : memref<16x2x40x128xi32, #tpu.memory_space<hbm>> -> memref<1x1x40x128xi32, #tpu.memory_space<hbm>>
      %dma_start3A_86 = tpu.memref_squeeze %dma_start3A_85 : memref<1x1x40x128xi32, #tpu.memory_space<hbm>> -> memref<40x128xi32, #tpu.memory_space<hbm>>
      %dma_start3A_87 = arith.constant 0 : i32
      %dma_start3A_88 = arith.constant 0 : i32
      %dma_start3A_89 = tpu.memref_slice %arg4[%arg1, %run_scoped3A_36, %dma_start3A_87, %dma_start3A_88] : memref<16x2x40x128xi32, #tpu.memory_space<hbm>> -> memref<1x1x40x128xi32, #tpu.memory_space<hbm>>
      %dma_start3A_90 = tpu.memref_squeeze %dma_start3A_89 : memref<1x1x40x128xi32, #tpu.memory_space<hbm>> -> memref<40x128xi32, #tpu.memory_space<hbm>>
      tpu.enqueue_dma source(%dma_start3A_90 : memref<40x128xi32, #tpu.memory_space<hbm>>) target(%arg9 : memref<40x128xi32, #tpu.memory_space<vmem>>) target_semaphore(%run_scoped3A_82 : memref<!tpu.dma_semaphore, #tpu.memory_space<semaphore_mem>>)
      %dma_wait3A_91 = arith.constant 0 : i32
      %dma_wait3A_92 = arith.constant 0 : i32
      %dma_wait3A_93 = tpu.memref_slice %arg4[%arg1, %run_scoped3A_36, %dma_wait3A_91, %dma_wait3A_92] : memref<16x2x40x128xi32, #tpu.memory_space<hbm>> -> memref<1x1x40x128xi32, #tpu.memory_space<hbm>>
      %dma_wait3A_94 = tpu.memref_squeeze %dma_wait3A_93 : memref<1x1x40x128xi32, #tpu.memory_space<hbm>> -> memref<40x128xi32, #tpu.memory_space<hbm>>
      %dma_wait3A_95 = arith.constant 0 : i32
      %dma_wait3A_96 = arith.constant 0 : i32
      %dma_wait3A_97 = tpu.memref_slice %arg4[%arg1, %run_scoped3A_36, %dma_wait3A_95, %dma_wait3A_96] : memref<16x2x40x128xi32, #tpu.memory_space<hbm>> -> memref<1x1x40x128xi32, #tpu.memory_space<hbm>>
      %dma_wait3A_98 = tpu.memref_squeeze %dma_wait3A_97 : memref<1x1x40x128xi32, #tpu.memory_space<hbm>> -> memref<40x128xi32, #tpu.memory_space<hbm>>
      tpu.wait_dma2 semaphore(%run_scoped3A_82 : memref<!tpu.dma_semaphore, #tpu.memory_space<semaphore_mem>>) src(%dma_wait3A_98 : memref<40x128xi32, #tpu.memory_space<hbm>>) dst(%arg9 : memref<40x128xi32, #tpu.memory_space<vmem>>)
      tpu.yield
    }) : () -> ()
    %dma_start3A_37 = arith.constant 0 : i32
    %dma_start3A_38 = arith.constant 0 : i32
    %dma_start3A_39 = tpu.memref_slice %arg8[%dma_start3A_37, %dma_start3A_38] : memref<40x128xi32, #tpu.memory_space<vmem>> -> memref<1x128xi32, #tpu.memory_space<vmem>>
    %dma_start3A_40 = tpu.memref_squeeze %dma_start3A_39 : memref<1x128xi32, #tpu.memory_space<vmem>> -> memref<128xi32, #tpu.memory_space<vmem>>
    %dma_start3A_41 = arith.constant 0 : i32
    %dma_start3A_42 = arith.constant 0 : i32
    %dma_start3A_43 = tpu.memref_slice %arg2[%dma_start3A_41, %dma_start3A_42] : memref<20000x128xf32, #tpu.memory_space<hbm>> -> memref<20000x128xf32, #tpu.memory_space<hbm>>
    tpu.enqueue_indirect_dma source(%dma_start3A_43 : memref<20000x128xf32, #tpu.memory_space<hbm>>) target(%arg10 : memref<128x128xf32, #tpu.memory_space<vmem>>) offsets(%dma_start3A_40 : memref<128xi32, #tpu.memory_space<vmem>>) semaphore(%arg12 : memref<!tpu.dma_semaphore, #tpu.memory_space<semaphore_mem>>)
    %scan3A_44 = arith.constant 0 : i32
    %scan3A_45 = arith.constant 0 : i32
    %scan3A_46 = arith.constant 19 : i32
    %scan3A_47 = arith.addi %scan3A_45, %scan3A_46 : i32
    %scan3A_48 = arith.constant 1 : i32
    scf.for %scan3A_82 = %scan3A_45 to %scan3A_47 step %scan3A_48  : i32 {
      %mul3A_83 = arith.constant 2 : i32
      %mul3A_84 = arith.muli %mul3A_83, %scan3A_82 : i32
      %add3A = arith.constant 1 : i32
      %add3A_85 = arith.addi %mul3A_84, %add3A : i32
      %dma_start3A_86 = arith.constant 0 : i32
      %dma_start3A_87 = tpu.memref_slice %arg8[%add3A_85, %dma_start3A_86] : memref<40x128xi32, #tpu.memory_space<vmem>> -> memref<1x128xi32, #tpu.memory_space<vmem>>
      %dma_start3A_88 = tpu.memref_squeeze %dma_start3A_87 : memref<1x128xi32, #tpu.memory_space<vmem>> -> memref<128xi32, #tpu.memory_space<vmem>>
      %dma_start3A_89 = arith.constant 0 : i32
      %dma_start3A_90 = arith.constant 0 : i32
      %dma_start3A_91 = tpu.memref_slice %arg2[%dma_start3A_89, %dma_start3A_90] : memref<20000x128xf32, #tpu.memory_space<hbm>> -> memref<20000x128xf32, #tpu.memory_space<hbm>>
      tpu.enqueue_indirect_dma source(%dma_start3A_91 : memref<20000x128xf32, #tpu.memory_space<hbm>>) target(%arg11 : memref<128x128xf32, #tpu.memory_space<vmem>>) offsets(%dma_start3A_88 : memref<128xi32, #tpu.memory_space<vmem>>) semaphore(%arg13 : memref<!tpu.dma_semaphore, #tpu.memory_space<semaphore_mem>>)
      %dma_wait3A_92 = arith.constant 0 : i32
      %dma_wait3A_93 = tpu.memref_slice %arg8[%mul3A_84, %dma_wait3A_92] : memref<40x128xi32, #tpu.memory_space<vmem>> -> memref<1x128xi32, #tpu.memory_space<vmem>>
      %dma_wait3A_94 = tpu.memref_squeeze %dma_wait3A_93 : memref<1x128xi32, #tpu.memory_space<vmem>> -> memref<128xi32, #tpu.memory_space<vmem>>
      %dma_wait3A_95 = arith.constant 0 : i32
      %dma_wait3A_96 = arith.constant 0 : i32
      %dma_wait3A_97 = tpu.memref_slice %arg2[%dma_wait3A_95, %dma_wait3A_96] : memref<20000x128xf32, #tpu.memory_space<hbm>> -> memref<20000x128xf32, #tpu.memory_space<hbm>>
      tpu.wait_indirect_dma semaphore(%arg12 : memref<!tpu.dma_semaphore, #tpu.memory_space<semaphore_mem>>) src(%dma_wait3A_97 : memref<20000x128xf32, #tpu.memory_space<hbm>>) dst(%arg10 : memref<128x128xf32, #tpu.memory_space<vmem>>)
      "tpu.region"() ({
        %run_scoped3A_116 = tpu.sem_alloc : memref<!tpu.dma_semaphore, #tpu.memory_space<semaphore_mem>>
        %dma_start3A_117 = arith.constant 0 : i32
        %dma_start3A_118 = tpu.memref_slice %arg9[%mul3A_84, %dma_start3A_117] : memref<40x128xi32, #tpu.memory_space<vmem>> -> memref<1x128xi32, #tpu.memory_space<vmem>>
        %dma_start3A_119 = tpu.memref_squeeze %dma_start3A_118 : memref<1x128xi32, #tpu.memory_space<vmem>> -> memref<128xi32, #tpu.memory_space<vmem>>
        %dma_start3A_120 = arith.constant 0 : i32
        %dma_start3A_121 = arith.constant 0 : i32
        %dma_start3A_122 = tpu.memref_slice %arg7[%dma_start3A_120, %dma_start3A_121] : memref<10112x128xf32, #tpu.memory_space<vmem_shared>> -> memref<10112x128xf32, #tpu.memory_space<vmem_shared>>
        tpu.enqueue_indirect_dma source(%arg10 : memref<128x128xf32, #tpu.memory_space<vmem>>) target(%dma_start3A_122 : memref<10112x128xf32, #tpu.memory_space<vmem_shared>>) offsets(%dma_start3A_119 : memref<128xi32, #tpu.memory_space<vmem>>) semaphore(%run_scoped3A_116 : memref<!tpu.dma_semaphore, #tpu.memory_space<semaphore_mem>>) {add = true}
        %dma_wait3A_123 = arith.constant 0 : i32
        %dma_wait3A_124 = tpu.memref_slice %arg9[%mul3A_84, %dma_wait3A_123] : memref<40x128xi32, #tpu.memory_space<vmem>> -> memref<1x128xi32, #tpu.memory_space<vmem>>
        %dma_wait3A_125 = tpu.memref_squeeze %dma_wait3A_124 : memref<1x128xi32, #tpu.memory_space<vmem>> -> memref<128xi32, #tpu.memory_space<vmem>>
        %dma_wait3A_126 = arith.constant 0 : i32
        %dma_wait3A_127 = arith.constant 0 : i32
        %dma_wait3A_128 = tpu.memref_slice %arg7[%dma_wait3A_126, %dma_wait3A_127] : memref<10112x128xf32, #tpu.memory_space<vmem_shared>> -> memref<10112x128xf32, #tpu.memory_space<vmem_shared>>
        tpu.wait_indirect_dma semaphore(%run_scoped3A_116 : memref<!tpu.dma_semaphore, #tpu.memory_space<semaphore_mem>>) src(%arg10 : memref<128x128xf32, #tpu.memory_space<vmem>>) dst(%dma_wait3A_128 : memref<10112x128xf32, #tpu.memory_space<vmem_shared>>)
        tpu.yield
      }) : () -> ()
      %add3A_98 = arith.constant 2 : i32
      %add3A_99 = arith.addi %mul3A_84, %add3A_98 : i32
      %dma_start3A_100 = arith.constant 0 : i32
      %dma_start3A_101 = tpu.memref_slice %arg8[%add3A_99, %dma_start3A_100] : memref<40x128xi32, #tpu.memory_space<vmem>> -> memref<1x128xi32, #tpu.memory_space<vmem>>
      %dma_start3A_102 = tpu.memref_squeeze %dma_start3A_101 : memref<1x128xi32, #tpu.memory_space<vmem>> -> memref<128xi32, #tpu.memory_space<vmem>>
      %dma_start3A_103 = arith.constant 0 : i32
      %dma_start3A_104 = arith.constant 0 : i32
      %dma_start3A_105 = tpu.memref_slice %arg2[%dma_start3A_103, %dma_start3A_104] : memref<20000x128xf32, #tpu.memory_space<hbm>> -> memref<20000x128xf32, #tpu.memory_space<hbm>>
      tpu.enqueue_indirect_dma source(%dma_start3A_105 : memref<20000x128xf32, #tpu.memory_space<hbm>>) target(%arg10 : memref<128x128xf32, #tpu.memory_space<vmem>>) offsets(%dma_start3A_102 : memref<128xi32, #tpu.memory_space<vmem>>) semaphore(%arg12 : memref<!tpu.dma_semaphore, #tpu.memory_space<semaphore_mem>>)
      %add3A_106 = arith.constant 1 : i32
      %add3A_107 = arith.addi %mul3A_84, %add3A_106 : i32
      %dma_wait3A_108 = arith.constant 0 : i32
      %dma_wait3A_109 = tpu.memref_slice %arg8[%add3A_107, %dma_wait3A_108] : memref<40x128xi32, #tpu.memory_space<vmem>> -> memref<1x128xi32, #tpu.memory_space<vmem>>
      %dma_wait3A_110 = tpu.memref_squeeze %dma_wait3A_109 : memref<1x128xi32, #tpu.memory_space<vmem>> -> memref<128xi32, #tpu.memory_space<vmem>>
      %dma_wait3A_111 = arith.constant 0 : i32
      %dma_wait3A_112 = arith.constant 0 : i32
      %dma_wait3A_113 = tpu.memref_slice %arg2[%dma_wait3A_111, %dma_wait3A_112] : memref<20000x128xf32, #tpu.memory_space<hbm>> -> memref<20000x128xf32, #tpu.memory_space<hbm>>
      tpu.wait_indirect_dma semaphore(%arg13 : memref<!tpu.dma_semaphore, #tpu.memory_space<semaphore_mem>>) src(%dma_wait3A_113 : memref<20000x128xf32, #tpu.memory_space<hbm>>) dst(%arg11 : memref<128x128xf32, #tpu.memory_space<vmem>>)
      %add3A_114 = arith.constant 1 : i32
      %add3A_115 = arith.addi %mul3A_84, %add3A_114 : i32
      "tpu.region"() ({
        %run_scoped3A_116 = tpu.sem_alloc : memref<!tpu.dma_semaphore, #tpu.memory_space<semaphore_mem>>
        %dma_start3A_117 = arith.constant 0 : i32
        %dma_start3A_118 = tpu.memref_slice %arg9[%add3A_115, %dma_start3A_117] : memref<40x128xi32, #tpu.memory_space<vmem>> -> memref<1x128xi32, #tpu.memory_space<vmem>>
        %dma_start3A_119 = tpu.memref_squeeze %dma_start3A_118 : memref<1x128xi32, #tpu.memory_space<vmem>> -> memref<128xi32, #tpu.memory_space<vmem>>
        %dma_start3A_120 = arith.constant 0 : i32
        %dma_start3A_121 = arith.constant 0 : i32
        %dma_start3A_122 = tpu.memref_slice %arg7[%dma_start3A_120, %dma_start3A_121] : memref<10112x128xf32, #tpu.memory_space<vmem_shared>> -> memref<10112x128xf32, #tpu.memory_space<vmem_shared>>
        tpu.enqueue_indirect_dma source(%arg11 : memref<128x128xf32, #tpu.memory_space<vmem>>) target(%dma_start3A_122 : memref<10112x128xf32, #tpu.memory_space<vmem_shared>>) offsets(%dma_start3A_119 : memref<128xi32, #tpu.memory_space<vmem>>) semaphore(%run_scoped3A_116 : memref<!tpu.dma_semaphore, #tpu.memory_space<semaphore_mem>>) {add = true}
        %dma_wait3A_123 = arith.constant 0 : i32
        %dma_wait3A_124 = tpu.memref_slice %arg9[%add3A_115, %dma_wait3A_123] : memref<40x128xi32, #tpu.memory_space<vmem>> -> memref<1x128xi32, #tpu.memory_space<vmem>>
        %dma_wait3A_125 = tpu.memref_squeeze %dma_wait3A_124 : memref<1x128xi32, #tpu.memory_space<vmem>> -> memref<128xi32, #tpu.memory_space<vmem>>
        %dma_wait3A_126 = arith.constant 0 : i32
        %dma_wait3A_127 = arith.constant 0 : i32
        %dma_wait3A_128 = tpu.memref_slice %arg7[%dma_wait3A_126, %dma_wait3A_127] : memref<10112x128xf32, #tpu.memory_space<vmem_shared>> -> memref<10112x128xf32, #tpu.memory_space<vmem_shared>>
        tpu.wait_indirect_dma semaphore(%run_scoped3A_116 : memref<!tpu.dma_semaphore, #tpu.memory_space<semaphore_mem>>) src(%arg11 : memref<128x128xf32, #tpu.memory_space<vmem>>) dst(%dma_wait3A_128 : memref<10112x128xf32, #tpu.memory_space<vmem_shared>>)
        tpu.yield
      }) : () -> ()
    }
    %scan3A_49 = arith.constant 19 : i32
    %dma_start3A_50 = arith.constant 39 : i32
    %dma_start3A_51 = arith.constant 0 : i32
    %dma_start3A_52 = tpu.memref_slice %arg8[%dma_start3A_50, %dma_start3A_51] : memref<40x128xi32, #tpu.memory_space<vmem>> -> memref<1x128xi32, #tpu.memory_space<vmem>>
    %dma_start3A_53 = tpu.memref_squeeze %dma_start3A_52 : memref<1x128xi32, #tpu.memory_space<vmem>> -> memref<128xi32, #tpu.memory_space<vmem>>
    %dma_start3A_54 = arith.constant 0 : i32
    %dma_start3A_55 = arith.constant 0 : i32
    %dma_start3A_56 = tpu.memref_slice %arg2[%dma_start3A_54, %dma_start3A_55] : memref<20000x128xf32, #tpu.memory_space<hbm>> -> memref<20000x128xf32, #tpu.memory_space<hbm>>
    tpu.enqueue_indirect_dma source(%dma_start3A_56 : memref<20000x128xf32, #tpu.memory_space<hbm>>) target(%arg11 : memref<128x128xf32, #tpu.memory_space<vmem>>) offsets(%dma_start3A_53 : memref<128xi32, #tpu.memory_space<vmem>>) semaphore(%arg13 : memref<!tpu.dma_semaphore, #tpu.memory_space<semaphore_mem>>)
    %dma_wait3A_57 = arith.constant 38 : i32
    %dma_wait3A_58 = arith.constant 0 : i32
    %dma_wait3A_59 = tpu.memref_slice %arg8[%dma_wait3A_57, %dma_wait3A_58] : memref<40x128xi32, #tpu.memory_space<vmem>> -> memref<1x128xi32, #tpu.memory_space<vmem>>
    %dma_wait3A_60 = tpu.memref_squeeze %dma_wait3A_59 : memref<1x128xi32, #tpu.memory_space<vmem>> -> memref<128xi32, #tpu.memory_space<vmem>>
    %dma_wait3A_61 = arith.constant 0 : i32
    %dma_wait3A_62 = arith.constant 0 : i32
    %dma_wait3A_63 = tpu.memref_slice %arg2[%dma_wait3A_61, %dma_wait3A_62] : memref<20000x128xf32, #tpu.memory_space<hbm>> -> memref<20000x128xf32, #tpu.memory_space<hbm>>
    tpu.wait_indirect_dma semaphore(%arg12 : memref<!tpu.dma_semaphore, #tpu.memory_space<semaphore_mem>>) src(%dma_wait3A_63 : memref<20000x128xf32, #tpu.memory_space<hbm>>) dst(%arg10 : memref<128x128xf32, #tpu.memory_space<vmem>>)
    %run_scoped3A_64 = arith.constant 38 : i32
    "tpu.region"() ({
      %run_scoped3A_82 = tpu.sem_alloc : memref<!tpu.dma_semaphore, #tpu.memory_space<semaphore_mem>>
      %dma_start3A_83 = arith.constant 0 : i32
      %dma_start3A_84 = tpu.memref_slice %arg9[%run_scoped3A_64, %dma_start3A_83] : memref<40x128xi32, #tpu.memory_space<vmem>> -> memref<1x128xi32, #tpu.memory_space<vmem>>
      %dma_start3A_85 = tpu.memref_squeeze %dma_start3A_84 : memref<1x128xi32, #tpu.memory_space<vmem>> -> memref<128xi32, #tpu.memory_space<vmem>>
      %dma_start3A_86 = arith.constant 0 : i32
      %dma_start3A_87 = arith.constant 0 : i32
      %dma_start3A_88 = tpu.memref_slice %arg7[%dma_start3A_86, %dma_start3A_87] : memref<10112x128xf32, #tpu.memory_space<vmem_shared>> -> memref<10112x128xf32, #tpu.memory_space<vmem_shared>>
      tpu.enqueue_indirect_dma source(%arg10 : memref<128x128xf32, #tpu.memory_space<vmem>>) target(%dma_start3A_88 : memref<10112x128xf32, #tpu.memory_space<vmem_shared>>) offsets(%dma_start3A_85 : memref<128xi32, #tpu.memory_space<vmem>>) semaphore(%run_scoped3A_82 : memref<!tpu.dma_semaphore, #tpu.memory_space<semaphore_mem>>) {add = true}
      %dma_wait3A_89 = arith.constant 0 : i32
      %dma_wait3A_90 = tpu.memref_slice %arg9[%run_scoped3A_64, %dma_wait3A_89] : memref<40x128xi32, #tpu.memory_space<vmem>> -> memref<1x128xi32, #tpu.memory_space<vmem>>
      %dma_wait3A_91 = tpu.memref_squeeze %dma_wait3A_90 : memref<1x128xi32, #tpu.memory_space<vmem>> -> memref<128xi32, #tpu.memory_space<vmem>>
      %dma_wait3A_92 = arith.constant 0 : i32
      %dma_wait3A_93 = arith.constant 0 : i32
      %dma_wait3A_94 = tpu.memref_slice %arg7[%dma_wait3A_92, %dma_wait3A_93] : memref<10112x128xf32, #tpu.memory_space<vmem_shared>> -> memref<10112x128xf32, #tpu.memory_space<vmem_shared>>
      tpu.wait_indirect_dma semaphore(%run_scoped3A_82 : memref<!tpu.dma_semaphore, #tpu.memory_space<semaphore_mem>>) src(%arg10 : memref<128x128xf32, #tpu.memory_space<vmem>>) dst(%dma_wait3A_94 : memref<10112x128xf32, #tpu.memory_space<vmem_shared>>)
      tpu.yield
    }) : () -> ()
    %dma_wait3A_65 = arith.constant 39 : i32
    %dma_wait3A_66 = arith.constant 0 : i32
    %dma_wait3A_67 = tpu.memref_slice %arg8[%dma_wait3A_65, %dma_wait3A_66] : memref<40x128xi32, #tpu.memory_space<vmem>> -> memref<1x128xi32, #tpu.memory_space<vmem>>
    %dma_wait3A_68 = tpu.memref_squeeze %dma_wait3A_67 : memref<1x128xi32, #tpu.memory_space<vmem>> -> memref<128xi32, #tpu.memory_space<vmem>>
    %dma_wait3A_69 = arith.constant 0 : i32
    %dma_wait3A_70 = arith.constant 0 : i32
    %dma_wait3A_71 = tpu.memref_slice %arg2[%dma_wait3A_69, %dma_wait3A_70] : memref<20000x128xf32, #tpu.memory_space<hbm>> -> memref<20000x128xf32, #tpu.memory_space<hbm>>
    tpu.wait_indirect_dma semaphore(%arg13 : memref<!tpu.dma_semaphore, #tpu.memory_space<semaphore_mem>>) src(%dma_wait3A_71 : memref<20000x128xf32, #tpu.memory_space<hbm>>) dst(%arg11 : memref<128x128xf32, #tpu.memory_space<vmem>>)
    %run_scoped3A_72 = arith.constant 39 : i32
    "tpu.region"() ({
      %run_scoped3A_82 = tpu.sem_alloc : memref<!tpu.dma_semaphore, #tpu.memory_space<semaphore_mem>>
      %dma_start3A_83 = arith.constant 0 : i32
      %dma_start3A_84 = tpu.memref_slice %arg9[%run_scoped3A_72, %dma_start3A_83] : memref<40x128xi32, #tpu.memory_space<vmem>> -> memref<1x128xi32, #tpu.memory_space<vmem>>
      %dma_start3A_85 = tpu.memref_squeeze %dma_start3A_84 : memref<1x128xi32, #tpu.memory_space<vmem>> -> memref<128xi32, #tpu.memory_space<vmem>>
      %dma_start3A_86 = arith.constant 0 : i32
      %dma_start3A_87 = arith.constant 0 : i32
      %dma_start3A_88 = tpu.memref_slice %arg7[%dma_start3A_86, %dma_start3A_87] : memref<10112x128xf32, #tpu.memory_space<vmem_shared>> -> memref<10112x128xf32, #tpu.memory_space<vmem_shared>>
      tpu.enqueue_indirect_dma source(%arg11 : memref<128x128xf32, #tpu.memory_space<vmem>>) target(%dma_start3A_88 : memref<10112x128xf32, #tpu.memory_space<vmem_shared>>) offsets(%dma_start3A_85 : memref<128xi32, #tpu.memory_space<vmem>>) semaphore(%run_scoped3A_82 : memref<!tpu.dma_semaphore, #tpu.memory_space<semaphore_mem>>) {add = true}
      %dma_wait3A_89 = arith.constant 0 : i32
      %dma_wait3A_90 = tpu.memref_slice %arg9[%run_scoped3A_72, %dma_wait3A_89] : memref<40x128xi32, #tpu.memory_space<vmem>> -> memref<1x128xi32, #tpu.memory_space<vmem>>
      %dma_wait3A_91 = tpu.memref_squeeze %dma_wait3A_90 : memref<1x128xi32, #tpu.memory_space<vmem>> -> memref<128xi32, #tpu.memory_space<vmem>>
      %dma_wait3A_92 = arith.constant 0 : i32
      %dma_wait3A_93 = arith.constant 0 : i32
      %dma_wait3A_94 = tpu.memref_slice %arg7[%dma_wait3A_92, %dma_wait3A_93] : memref<10112x128xf32, #tpu.memory_space<vmem_shared>> -> memref<10112x128xf32, #tpu.memory_space<vmem_shared>>
      tpu.wait_indirect_dma semaphore(%run_scoped3A_82 : memref<!tpu.dma_semaphore, #tpu.memory_space<semaphore_mem>>) src(%arg11 : memref<128x128xf32, #tpu.memory_space<vmem>>) dst(%dma_wait3A_94 : memref<10112x128xf32, #tpu.memory_space<vmem_shared>>)
      tpu.yield
    }) : () -> ()
    %barrier3A_73 = arith.constant 0 : index
    tpu.barrier barrier_id(%barrier3A_73)
    %mul3A_74 = arith.constant 10000 : i32
    %mul3A_75 = arith.muli %arg0, %mul3A_74 : i32
    %lt3A = arith.constant 15 : i32
    %lt3A_76 = arith.cmpi slt, %arg1, %lt3A : i32
    %convert_element_type3A = arith.extui %lt3A_76 : i1 to i32
    %cond3A = arith.constant 0 : i32
    %cond3A_77 = arith.cmpi ne, %convert_element_type3A, %cond3A : i32
    scf.if %cond3A_77 {
      %mul3A_82 = arith.constant 624 : i32
      %mul3A_83 = arith.muli %arg1, %mul3A_82 : i32
      %mul3A_84 = arith.constant 624 : i32
      %mul3A_85 = arith.muli %arg1, %mul3A_84 : i32
      %add3A = arith.addi %mul3A_75, %mul3A_85 : i32
      "tpu.region"() ({
        %run_scoped3A_86 = tpu.sem_alloc : memref<!tpu.dma_semaphore, #tpu.memory_space<semaphore_mem>>
        %dma_start3A_87 = arith.constant 0 : i32
        %dma_start3A_88 = tpu.memref_slice %arg6[%add3A, %dma_start3A_87] : memref<20000x128xf32, #tpu.memory_space<hbm>> -> memref<624x128xf32, #tpu.memory_space<hbm>>
        %dma_start3A_89 = arith.constant 0 : i32
        %dma_start3A_90 = tpu.memref_slice %arg7[%mul3A_83, %dma_start3A_89] : memref<10112x128xf32, #tpu.memory_space<vmem_shared>> -> memref<624x128xf32, #tpu.memory_space<vmem_shared>>
        tpu.enqueue_dma source(%dma_start3A_90 : memref<624x128xf32, #tpu.memory_space<vmem_shared>>) target(%dma_start3A_88 : memref<624x128xf32, #tpu.memory_space<hbm>>) target_semaphore(%run_scoped3A_86 : memref<!tpu.dma_semaphore, #tpu.memory_space<semaphore_mem>>)
        %dma_wait3A_91 = arith.constant 0 : i32
        %dma_wait3A_92 = tpu.memref_slice %arg6[%add3A, %dma_wait3A_91] : memref<20000x128xf32, #tpu.memory_space<hbm>> -> memref<624x128xf32, #tpu.memory_space<hbm>>
        %dma_wait3A_93 = arith.constant 0 : i32
        %dma_wait3A_94 = tpu.memref_slice %arg7[%mul3A_83, %dma_wait3A_93] : memref<10112x128xf32, #tpu.memory_space<vmem_shared>> -> memref<624x128xf32, #tpu.memory_space<vmem_shared>>
        tpu.wait_dma2 semaphore(%run_scoped3A_86 : memref<!tpu.dma_semaphore, #tpu.memory_space<semaphore_mem>>) src(%dma_wait3A_94 : memref<624x128xf32, #tpu.memory_space<vmem_shared>>) dst(%dma_wait3A_92 : memref<624x128xf32, #tpu.memory_space<hbm>>)
        tpu.yield
      }) : () -> ()
    } else {
    }
    %eq3A = arith.constant 15 : i32
    %eq3A_78 = arith.cmpi eq, %arg1, %eq3A : i32
    %convert_element_type3A_79 = arith.extui %eq3A_78 : i1 to i32
    %cond3A_80 = arith.constant 0 : i32
    %cond3A_81 = arith.cmpi ne, %convert_element_type3A_79, %cond3A_80 : i32
    scf.if %cond3A_81 {
      %add3A = arith.constant 9360 : i32
      %add3A_82 = arith.addi %mul3A_75, %add3A : i32
      "tpu.region"() ({
        %run_scoped3A_83 = tpu.sem_alloc : memref<!tpu.dma_semaphore, #tpu.memory_space<semaphore_mem>>
        %dma_start3A_84 = arith.constant 0 : i32
        %dma_start3A_85 = tpu.memref_slice %arg6[%add3A_82, %dma_start3A_84] : memref<20000x128xf32, #tpu.memory_space<hbm>> -> memref<640x128xf32, #tpu.memory_space<hbm>>
        %dma_start3A_86 = arith.constant 9360 : i32
        %dma_start3A_87 = arith.constant 0 : i32
        %dma_start3A_88 = tpu.memref_slice %arg7[%dma_start3A_86, %dma_start3A_87] : memref<10112x128xf32, #tpu.memory_space<vmem_shared>> -> memref<640x128xf32, #tpu.memory_space<vmem_shared>>
        tpu.enqueue_dma source(%dma_start3A_88 : memref<640x128xf32, #tpu.memory_space<vmem_shared>>) target(%dma_start3A_85 : memref<640x128xf32, #tpu.memory_space<hbm>>) target_semaphore(%run_scoped3A_83 : memref<!tpu.dma_semaphore, #tpu.memory_space<semaphore_mem>>)
        %dma_wait3A_89 = arith.constant 0 : i32
        %dma_wait3A_90 = tpu.memref_slice %arg6[%add3A_82, %dma_wait3A_89] : memref<20000x128xf32, #tpu.memory_space<hbm>> -> memref<640x128xf32, #tpu.memory_space<hbm>>
        %dma_wait3A_91 = arith.constant 9360 : i32
        %dma_wait3A_92 = arith.constant 0 : i32
        %dma_wait3A_93 = tpu.memref_slice %arg7[%dma_wait3A_91, %dma_wait3A_92] : memref<10112x128xf32, #tpu.memory_space<vmem_shared>> -> memref<640x128xf32, #tpu.memory_space<vmem_shared>>
        tpu.wait_dma2 semaphore(%run_scoped3A_83 : memref<!tpu.dma_semaphore, #tpu.memory_space<semaphore_mem>>) src(%dma_wait3A_93 : memref<640x128xf32, #tpu.memory_space<vmem_shared>>) dst(%dma_wait3A_90 : memref<640x128xf32, #tpu.memory_space<hbm>>)
        tpu.yield
      }) : () -> ()
    } else {
    }
    return
  }
}

#map = affine_map<(d0, d1) -> (0, 0)>
#map1 = affine_map<(d0, d1) -> (0, 0, 0, 0)>
#map2 = affine_map<(d0, d1) -> (0, 0, 0)>
module attributes {stable_mosaic.version = 14 : i64} {
  func.func @_sc_agg_split(%arg0: i32, %arg1: i32, %arg2: memref<10000x128xf32, #tpu.memory_space<hbm>>, %arg3: memref<2x16x40x128xi32, #tpu.memory_space<hbm>>, %arg4: memref<2x16x40x128xi32, #tpu.memory_space<hbm>>, %arg5: memref<2x632x128xf32, #tpu.memory_space<hbm>>, %arg6: memref<20000x128xf32, #tpu.memory_space<hbm>>, %arg7: memref<10112x128xf32, #tpu.memory_space<vmem_shared>>, %arg8: memref<40x128xi32, #tpu.memory_space<vmem>>, %arg9: memref<40x128xi32, #tpu.memory_space<vmem>>, %arg10: memref<128x128xf32, #tpu.memory_space<vmem>>, %arg11: memref<128x128xf32, #tpu.memory_space<vmem>>, %arg12: memref<!tpu.dma_semaphore, #tpu.memory_space<semaphore_mem>>, %arg13: memref<!tpu.dma_semaphore, #tpu.memory_space<semaphore_mem>>) attributes {dimension_semantics = [#tpu.dimension_semantics<core_parallel>, #tpu.dimension_semantics<subcore_parallel>], iteration_bounds = array<i64: 2, 16>, scalar_prefetch = 0 : i64, scratch_operands = 7 : i64, tpu.core_type = #tpu.core_type<sc_vector_subcore>, window_params = [{transform_indices = #map}, {transform_indices = #map1}, {transform_indices = #map1}, {transform_indices = #map2}, {transform_indices = #map}]} {
    %mul3A = arith.constant 632 : i32
    %mul3A_0 = arith.muli %arg1, %mul3A : i32
    "tpu.region"() ({
      %run_scoped3A_42 = tpu.sem_alloc : memref<!tpu.dma_semaphore, #tpu.memory_space<semaphore_mem>>
      %dma_start3A_43 = arith.constant 0 : i32
      %dma_start3A_44 = tpu.memref_slice %arg7[%mul3A_0, %dma_start3A_43] : memref<10112x128xf32, #tpu.memory_space<vmem_shared>> -> memref<632x128xf32, #tpu.memory_space<vmem_shared>>
      %dma_start3A_45 = arith.constant 0 : i32
      %dma_start3A_46 = arith.constant 0 : i32
      %dma_start3A_47 = tpu.memref_slice %arg5[%arg0, %dma_start3A_45, %dma_start3A_46] : memref<2x632x128xf32, #tpu.memory_space<hbm>> -> memref<1x632x128xf32, #tpu.memory_space<hbm>>
      %dma_start3A_48 = tpu.memref_squeeze %dma_start3A_47 : memref<1x632x128xf32, #tpu.memory_space<hbm>> -> memref<632x128xf32, #tpu.memory_space<hbm>>
      tpu.enqueue_dma source(%dma_start3A_48 : memref<632x128xf32, #tpu.memory_space<hbm>>) target(%dma_start3A_44 : memref<632x128xf32, #tpu.memory_space<vmem_shared>>) target_semaphore(%run_scoped3A_42 : memref<!tpu.dma_semaphore, #tpu.memory_space<semaphore_mem>>)
      %dma_wait3A_49 = arith.constant 0 : i32
      %dma_wait3A_50 = tpu.memref_slice %arg7[%mul3A_0, %dma_wait3A_49] : memref<10112x128xf32, #tpu.memory_space<vmem_shared>> -> memref<632x128xf32, #tpu.memory_space<vmem_shared>>
      %dma_wait3A_51 = arith.constant 0 : i32
      %dma_wait3A_52 = arith.constant 0 : i32
      %dma_wait3A_53 = tpu.memref_slice %arg5[%arg0, %dma_wait3A_51, %dma_wait3A_52] : memref<2x632x128xf32, #tpu.memory_space<hbm>> -> memref<1x632x128xf32, #tpu.memory_space<hbm>>
      %dma_wait3A_54 = tpu.memref_squeeze %dma_wait3A_53 : memref<1x632x128xf32, #tpu.memory_space<hbm>> -> memref<632x128xf32, #tpu.memory_space<hbm>>
      tpu.wait_dma2 semaphore(%run_scoped3A_42 : memref<!tpu.dma_semaphore, #tpu.memory_space<semaphore_mem>>) src(%dma_wait3A_54 : memref<632x128xf32, #tpu.memory_space<hbm>>) dst(%dma_wait3A_50 : memref<632x128xf32, #tpu.memory_space<vmem_shared>>)
      tpu.yield
    }) : () -> ()
    %barrier3A = arith.constant 0 : index
    tpu.barrier barrier_id(%barrier3A)
    "tpu.region"() ({
      %run_scoped3A_42 = tpu.sem_alloc : memref<!tpu.dma_semaphore, #tpu.memory_space<semaphore_mem>>
      %dma_start3A_43 = arith.constant 0 : i32
      %dma_start3A_44 = arith.constant 0 : i32
      %dma_start3A_45 = tpu.memref_slice %arg3[%arg0, %arg1, %dma_start3A_43, %dma_start3A_44] : memref<2x16x40x128xi32, #tpu.memory_space<hbm>> -> memref<1x1x40x128xi32, #tpu.memory_space<hbm>>
      %dma_start3A_46 = tpu.memref_squeeze %dma_start3A_45 : memref<1x1x40x128xi32, #tpu.memory_space<hbm>> -> memref<40x128xi32, #tpu.memory_space<hbm>>
      %dma_start3A_47 = arith.constant 0 : i32
      %dma_start3A_48 = arith.constant 0 : i32
      %dma_start3A_49 = tpu.memref_slice %arg3[%arg0, %arg1, %dma_start3A_47, %dma_start3A_48] : memref<2x16x40x128xi32, #tpu.memory_space<hbm>> -> memref<1x1x40x128xi32, #tpu.memory_space<hbm>>
      %dma_start3A_50 = tpu.memref_squeeze %dma_start3A_49 : memref<1x1x40x128xi32, #tpu.memory_space<hbm>> -> memref<40x128xi32, #tpu.memory_space<hbm>>
      tpu.enqueue_dma source(%dma_start3A_50 : memref<40x128xi32, #tpu.memory_space<hbm>>) target(%arg8 : memref<40x128xi32, #tpu.memory_space<vmem>>) target_semaphore(%run_scoped3A_42 : memref<!tpu.dma_semaphore, #tpu.memory_space<semaphore_mem>>)
      %dma_wait3A_51 = arith.constant 0 : i32
      %dma_wait3A_52 = arith.constant 0 : i32
      %dma_wait3A_53 = tpu.memref_slice %arg3[%arg0, %arg1, %dma_wait3A_51, %dma_wait3A_52] : memref<2x16x40x128xi32, #tpu.memory_space<hbm>> -> memref<1x1x40x128xi32, #tpu.memory_space<hbm>>
      %dma_wait3A_54 = tpu.memref_squeeze %dma_wait3A_53 : memref<1x1x40x128xi32, #tpu.memory_space<hbm>> -> memref<40x128xi32, #tpu.memory_space<hbm>>
      %dma_wait3A_55 = arith.constant 0 : i32
      %dma_wait3A_56 = arith.constant 0 : i32
      %dma_wait3A_57 = tpu.memref_slice %arg3[%arg0, %arg1, %dma_wait3A_55, %dma_wait3A_56] : memref<2x16x40x128xi32, #tpu.memory_space<hbm>> -> memref<1x1x40x128xi32, #tpu.memory_space<hbm>>
      %dma_wait3A_58 = tpu.memref_squeeze %dma_wait3A_57 : memref<1x1x40x128xi32, #tpu.memory_space<hbm>> -> memref<40x128xi32, #tpu.memory_space<hbm>>
      tpu.wait_dma2 semaphore(%run_scoped3A_42 : memref<!tpu.dma_semaphore, #tpu.memory_space<semaphore_mem>>) src(%dma_wait3A_58 : memref<40x128xi32, #tpu.memory_space<hbm>>) dst(%arg8 : memref<40x128xi32, #tpu.memory_space<vmem>>)
      tpu.yield
    }) : () -> ()
    "tpu.region"() ({
      %run_scoped3A_42 = tpu.sem_alloc : memref<!tpu.dma_semaphore, #tpu.memory_space<semaphore_mem>>
      %dma_start3A_43 = arith.constant 0 : i32
      %dma_start3A_44 = arith.constant 0 : i32
      %dma_start3A_45 = tpu.memref_slice %arg4[%arg0, %arg1, %dma_start3A_43, %dma_start3A_44] : memref<2x16x40x128xi32, #tpu.memory_space<hbm>> -> memref<1x1x40x128xi32, #tpu.memory_space<hbm>>
      %dma_start3A_46 = tpu.memref_squeeze %dma_start3A_45 : memref<1x1x40x128xi32, #tpu.memory_space<hbm>> -> memref<40x128xi32, #tpu.memory_space<hbm>>
      %dma_start3A_47 = arith.constant 0 : i32
      %dma_start3A_48 = arith.constant 0 : i32
      %dma_start3A_49 = tpu.memref_slice %arg4[%arg0, %arg1, %dma_start3A_47, %dma_start3A_48] : memref<2x16x40x128xi32, #tpu.memory_space<hbm>> -> memref<1x1x40x128xi32, #tpu.memory_space<hbm>>
      %dma_start3A_50 = tpu.memref_squeeze %dma_start3A_49 : memref<1x1x40x128xi32, #tpu.memory_space<hbm>> -> memref<40x128xi32, #tpu.memory_space<hbm>>
      tpu.enqueue_dma source(%dma_start3A_50 : memref<40x128xi32, #tpu.memory_space<hbm>>) target(%arg9 : memref<40x128xi32, #tpu.memory_space<vmem>>) target_semaphore(%run_scoped3A_42 : memref<!tpu.dma_semaphore, #tpu.memory_space<semaphore_mem>>)
      %dma_wait3A_51 = arith.constant 0 : i32
      %dma_wait3A_52 = arith.constant 0 : i32
      %dma_wait3A_53 = tpu.memref_slice %arg4[%arg0, %arg1, %dma_wait3A_51, %dma_wait3A_52] : memref<2x16x40x128xi32, #tpu.memory_space<hbm>> -> memref<1x1x40x128xi32, #tpu.memory_space<hbm>>
      %dma_wait3A_54 = tpu.memref_squeeze %dma_wait3A_53 : memref<1x1x40x128xi32, #tpu.memory_space<hbm>> -> memref<40x128xi32, #tpu.memory_space<hbm>>
      %dma_wait3A_55 = arith.constant 0 : i32
      %dma_wait3A_56 = arith.constant 0 : i32
      %dma_wait3A_57 = tpu.memref_slice %arg4[%arg0, %arg1, %dma_wait3A_55, %dma_wait3A_56] : memref<2x16x40x128xi32, #tpu.memory_space<hbm>> -> memref<1x1x40x128xi32, #tpu.memory_space<hbm>>
      %dma_wait3A_58 = tpu.memref_squeeze %dma_wait3A_57 : memref<1x1x40x128xi32, #tpu.memory_space<hbm>> -> memref<40x128xi32, #tpu.memory_space<hbm>>
      tpu.wait_dma2 semaphore(%run_scoped3A_42 : memref<!tpu.dma_semaphore, #tpu.memory_space<semaphore_mem>>) src(%dma_wait3A_58 : memref<40x128xi32, #tpu.memory_space<hbm>>) dst(%arg9 : memref<40x128xi32, #tpu.memory_space<vmem>>)
      tpu.yield
    }) : () -> ()
    %dma_start3A = arith.constant 0 : i32
    %dma_start3A_1 = arith.constant 0 : i32
    %dma_start3A_2 = tpu.memref_slice %arg8[%dma_start3A, %dma_start3A_1] : memref<40x128xi32, #tpu.memory_space<vmem>> -> memref<1x128xi32, #tpu.memory_space<vmem>>
    %dma_start3A_3 = tpu.memref_squeeze %dma_start3A_2 : memref<1x128xi32, #tpu.memory_space<vmem>> -> memref<128xi32, #tpu.memory_space<vmem>>
    %dma_start3A_4 = arith.constant 0 : i32
    %dma_start3A_5 = arith.constant 0 : i32
    %dma_start3A_6 = tpu.memref_slice %arg2[%dma_start3A_4, %dma_start3A_5] : memref<10000x128xf32, #tpu.memory_space<hbm>> -> memref<10000x128xf32, #tpu.memory_space<hbm>>
    tpu.enqueue_indirect_dma source(%dma_start3A_6 : memref<10000x128xf32, #tpu.memory_space<hbm>>) target(%arg10 : memref<128x128xf32, #tpu.memory_space<vmem>>) offsets(%dma_start3A_3 : memref<128xi32, #tpu.memory_space<vmem>>) semaphore(%arg12 : memref<!tpu.dma_semaphore, #tpu.memory_space<semaphore_mem>>)
    %scan3A = arith.constant 0 : i32
    %scan3A_7 = arith.constant 0 : i32
    %scan3A_8 = arith.constant 19 : i32
    %scan3A_9 = arith.addi %scan3A_7, %scan3A_8 : i32
    %scan3A_10 = arith.constant 1 : i32
    scf.for %scan3A_42 = %scan3A_7 to %scan3A_9 step %scan3A_10  : i32 {
      %mul3A_43 = arith.constant 2 : i32
      %mul3A_44 = arith.muli %mul3A_43, %scan3A_42 : i32
      %add3A = arith.constant 1 : i32
      %add3A_45 = arith.addi %mul3A_44, %add3A : i32
      %dma_start3A_46 = arith.constant 0 : i32
      %dma_start3A_47 = tpu.memref_slice %arg8[%add3A_45, %dma_start3A_46] : memref<40x128xi32, #tpu.memory_space<vmem>> -> memref<1x128xi32, #tpu.memory_space<vmem>>
      %dma_start3A_48 = tpu.memref_squeeze %dma_start3A_47 : memref<1x128xi32, #tpu.memory_space<vmem>> -> memref<128xi32, #tpu.memory_space<vmem>>
      %dma_start3A_49 = arith.constant 0 : i32
      %dma_start3A_50 = arith.constant 0 : i32
      %dma_start3A_51 = tpu.memref_slice %arg2[%dma_start3A_49, %dma_start3A_50] : memref<10000x128xf32, #tpu.memory_space<hbm>> -> memref<10000x128xf32, #tpu.memory_space<hbm>>
      tpu.enqueue_indirect_dma source(%dma_start3A_51 : memref<10000x128xf32, #tpu.memory_space<hbm>>) target(%arg11 : memref<128x128xf32, #tpu.memory_space<vmem>>) offsets(%dma_start3A_48 : memref<128xi32, #tpu.memory_space<vmem>>) semaphore(%arg13 : memref<!tpu.dma_semaphore, #tpu.memory_space<semaphore_mem>>)
      %dma_wait3A_52 = arith.constant 0 : i32
      %dma_wait3A_53 = tpu.memref_slice %arg8[%mul3A_44, %dma_wait3A_52] : memref<40x128xi32, #tpu.memory_space<vmem>> -> memref<1x128xi32, #tpu.memory_space<vmem>>
      %dma_wait3A_54 = tpu.memref_squeeze %dma_wait3A_53 : memref<1x128xi32, #tpu.memory_space<vmem>> -> memref<128xi32, #tpu.memory_space<vmem>>
      %dma_wait3A_55 = arith.constant 0 : i32
      %dma_wait3A_56 = arith.constant 0 : i32
      %dma_wait3A_57 = tpu.memref_slice %arg2[%dma_wait3A_55, %dma_wait3A_56] : memref<10000x128xf32, #tpu.memory_space<hbm>> -> memref<10000x128xf32, #tpu.memory_space<hbm>>
      tpu.wait_indirect_dma semaphore(%arg12 : memref<!tpu.dma_semaphore, #tpu.memory_space<semaphore_mem>>) src(%dma_wait3A_57 : memref<10000x128xf32, #tpu.memory_space<hbm>>) dst(%arg10 : memref<128x128xf32, #tpu.memory_space<vmem>>)
      "tpu.region"() ({
        %run_scoped3A_76 = tpu.sem_alloc : memref<!tpu.dma_semaphore, #tpu.memory_space<semaphore_mem>>
        %dma_start3A_77 = arith.constant 0 : i32
        %dma_start3A_78 = tpu.memref_slice %arg9[%mul3A_44, %dma_start3A_77] : memref<40x128xi32, #tpu.memory_space<vmem>> -> memref<1x128xi32, #tpu.memory_space<vmem>>
        %dma_start3A_79 = tpu.memref_squeeze %dma_start3A_78 : memref<1x128xi32, #tpu.memory_space<vmem>> -> memref<128xi32, #tpu.memory_space<vmem>>
        %dma_start3A_80 = arith.constant 0 : i32
        %dma_start3A_81 = arith.constant 0 : i32
        %dma_start3A_82 = tpu.memref_slice %arg7[%dma_start3A_80, %dma_start3A_81] : memref<10112x128xf32, #tpu.memory_space<vmem_shared>> -> memref<10112x128xf32, #tpu.memory_space<vmem_shared>>
        tpu.enqueue_indirect_dma source(%arg10 : memref<128x128xf32, #tpu.memory_space<vmem>>) target(%dma_start3A_82 : memref<10112x128xf32, #tpu.memory_space<vmem_shared>>) offsets(%dma_start3A_79 : memref<128xi32, #tpu.memory_space<vmem>>) semaphore(%run_scoped3A_76 : memref<!tpu.dma_semaphore, #tpu.memory_space<semaphore_mem>>) {add = true}
        %dma_wait3A_83 = arith.constant 0 : i32
        %dma_wait3A_84 = tpu.memref_slice %arg9[%mul3A_44, %dma_wait3A_83] : memref<40x128xi32, #tpu.memory_space<vmem>> -> memref<1x128xi32, #tpu.memory_space<vmem>>
        %dma_wait3A_85 = tpu.memref_squeeze %dma_wait3A_84 : memref<1x128xi32, #tpu.memory_space<vmem>> -> memref<128xi32, #tpu.memory_space<vmem>>
        %dma_wait3A_86 = arith.constant 0 : i32
        %dma_wait3A_87 = arith.constant 0 : i32
        %dma_wait3A_88 = tpu.memref_slice %arg7[%dma_wait3A_86, %dma_wait3A_87] : memref<10112x128xf32, #tpu.memory_space<vmem_shared>> -> memref<10112x128xf32, #tpu.memory_space<vmem_shared>>
        tpu.wait_indirect_dma semaphore(%run_scoped3A_76 : memref<!tpu.dma_semaphore, #tpu.memory_space<semaphore_mem>>) src(%arg10 : memref<128x128xf32, #tpu.memory_space<vmem>>) dst(%dma_wait3A_88 : memref<10112x128xf32, #tpu.memory_space<vmem_shared>>)
        tpu.yield
      }) : () -> ()
      %add3A_58 = arith.constant 2 : i32
      %add3A_59 = arith.addi %mul3A_44, %add3A_58 : i32
      %dma_start3A_60 = arith.constant 0 : i32
      %dma_start3A_61 = tpu.memref_slice %arg8[%add3A_59, %dma_start3A_60] : memref<40x128xi32, #tpu.memory_space<vmem>> -> memref<1x128xi32, #tpu.memory_space<vmem>>
      %dma_start3A_62 = tpu.memref_squeeze %dma_start3A_61 : memref<1x128xi32, #tpu.memory_space<vmem>> -> memref<128xi32, #tpu.memory_space<vmem>>
      %dma_start3A_63 = arith.constant 0 : i32
      %dma_start3A_64 = arith.constant 0 : i32
      %dma_start3A_65 = tpu.memref_slice %arg2[%dma_start3A_63, %dma_start3A_64] : memref<10000x128xf32, #tpu.memory_space<hbm>> -> memref<10000x128xf32, #tpu.memory_space<hbm>>
      tpu.enqueue_indirect_dma source(%dma_start3A_65 : memref<10000x128xf32, #tpu.memory_space<hbm>>) target(%arg10 : memref<128x128xf32, #tpu.memory_space<vmem>>) offsets(%dma_start3A_62 : memref<128xi32, #tpu.memory_space<vmem>>) semaphore(%arg12 : memref<!tpu.dma_semaphore, #tpu.memory_space<semaphore_mem>>)
      %add3A_66 = arith.constant 1 : i32
      %add3A_67 = arith.addi %mul3A_44, %add3A_66 : i32
      %dma_wait3A_68 = arith.constant 0 : i32
      %dma_wait3A_69 = tpu.memref_slice %arg8[%add3A_67, %dma_wait3A_68] : memref<40x128xi32, #tpu.memory_space<vmem>> -> memref<1x128xi32, #tpu.memory_space<vmem>>
      %dma_wait3A_70 = tpu.memref_squeeze %dma_wait3A_69 : memref<1x128xi32, #tpu.memory_space<vmem>> -> memref<128xi32, #tpu.memory_space<vmem>>
      %dma_wait3A_71 = arith.constant 0 : i32
      %dma_wait3A_72 = arith.constant 0 : i32
      %dma_wait3A_73 = tpu.memref_slice %arg2[%dma_wait3A_71, %dma_wait3A_72] : memref<10000x128xf32, #tpu.memory_space<hbm>> -> memref<10000x128xf32, #tpu.memory_space<hbm>>
      tpu.wait_indirect_dma semaphore(%arg13 : memref<!tpu.dma_semaphore, #tpu.memory_space<semaphore_mem>>) src(%dma_wait3A_73 : memref<10000x128xf32, #tpu.memory_space<hbm>>) dst(%arg11 : memref<128x128xf32, #tpu.memory_space<vmem>>)
      %add3A_74 = arith.constant 1 : i32
      %add3A_75 = arith.addi %mul3A_44, %add3A_74 : i32
      "tpu.region"() ({
        %run_scoped3A_76 = tpu.sem_alloc : memref<!tpu.dma_semaphore, #tpu.memory_space<semaphore_mem>>
        %dma_start3A_77 = arith.constant 0 : i32
        %dma_start3A_78 = tpu.memref_slice %arg9[%add3A_75, %dma_start3A_77] : memref<40x128xi32, #tpu.memory_space<vmem>> -> memref<1x128xi32, #tpu.memory_space<vmem>>
        %dma_start3A_79 = tpu.memref_squeeze %dma_start3A_78 : memref<1x128xi32, #tpu.memory_space<vmem>> -> memref<128xi32, #tpu.memory_space<vmem>>
        %dma_start3A_80 = arith.constant 0 : i32
        %dma_start3A_81 = arith.constant 0 : i32
        %dma_start3A_82 = tpu.memref_slice %arg7[%dma_start3A_80, %dma_start3A_81] : memref<10112x128xf32, #tpu.memory_space<vmem_shared>> -> memref<10112x128xf32, #tpu.memory_space<vmem_shared>>
        tpu.enqueue_indirect_dma source(%arg11 : memref<128x128xf32, #tpu.memory_space<vmem>>) target(%dma_start3A_82 : memref<10112x128xf32, #tpu.memory_space<vmem_shared>>) offsets(%dma_start3A_79 : memref<128xi32, #tpu.memory_space<vmem>>) semaphore(%run_scoped3A_76 : memref<!tpu.dma_semaphore, #tpu.memory_space<semaphore_mem>>) {add = true}
        %dma_wait3A_83 = arith.constant 0 : i32
        %dma_wait3A_84 = tpu.memref_slice %arg9[%add3A_75, %dma_wait3A_83] : memref<40x128xi32, #tpu.memory_space<vmem>> -> memref<1x128xi32, #tpu.memory_space<vmem>>
        %dma_wait3A_85 = tpu.memref_squeeze %dma_wait3A_84 : memref<1x128xi32, #tpu.memory_space<vmem>> -> memref<128xi32, #tpu.memory_space<vmem>>
        %dma_wait3A_86 = arith.constant 0 : i32
        %dma_wait3A_87 = arith.constant 0 : i32
        %dma_wait3A_88 = tpu.memref_slice %arg7[%dma_wait3A_86, %dma_wait3A_87] : memref<10112x128xf32, #tpu.memory_space<vmem_shared>> -> memref<10112x128xf32, #tpu.memory_space<vmem_shared>>
        tpu.wait_indirect_dma semaphore(%run_scoped3A_76 : memref<!tpu.dma_semaphore, #tpu.memory_space<semaphore_mem>>) src(%arg11 : memref<128x128xf32, #tpu.memory_space<vmem>>) dst(%dma_wait3A_88 : memref<10112x128xf32, #tpu.memory_space<vmem_shared>>)
        tpu.yield
      }) : () -> ()
    }
    %scan3A_11 = arith.constant 19 : i32
    %dma_start3A_12 = arith.constant 39 : i32
    %dma_start3A_13 = arith.constant 0 : i32
    %dma_start3A_14 = tpu.memref_slice %arg8[%dma_start3A_12, %dma_start3A_13] : memref<40x128xi32, #tpu.memory_space<vmem>> -> memref<1x128xi32, #tpu.memory_space<vmem>>
    %dma_start3A_15 = tpu.memref_squeeze %dma_start3A_14 : memref<1x128xi32, #tpu.memory_space<vmem>> -> memref<128xi32, #tpu.memory_space<vmem>>
    %dma_start3A_16 = arith.constant 0 : i32
    %dma_start3A_17 = arith.constant 0 : i32
    %dma_start3A_18 = tpu.memref_slice %arg2[%dma_start3A_16, %dma_start3A_17] : memref<10000x128xf32, #tpu.memory_space<hbm>> -> memref<10000x128xf32, #tpu.memory_space<hbm>>
    tpu.enqueue_indirect_dma source(%dma_start3A_18 : memref<10000x128xf32, #tpu.memory_space<hbm>>) target(%arg11 : memref<128x128xf32, #tpu.memory_space<vmem>>) offsets(%dma_start3A_15 : memref<128xi32, #tpu.memory_space<vmem>>) semaphore(%arg13 : memref<!tpu.dma_semaphore, #tpu.memory_space<semaphore_mem>>)
    %dma_wait3A = arith.constant 38 : i32
    %dma_wait3A_19 = arith.constant 0 : i32
    %dma_wait3A_20 = tpu.memref_slice %arg8[%dma_wait3A, %dma_wait3A_19] : memref<40x128xi32, #tpu.memory_space<vmem>> -> memref<1x128xi32, #tpu.memory_space<vmem>>
    %dma_wait3A_21 = tpu.memref_squeeze %dma_wait3A_20 : memref<1x128xi32, #tpu.memory_space<vmem>> -> memref<128xi32, #tpu.memory_space<vmem>>
    %dma_wait3A_22 = arith.constant 0 : i32
    %dma_wait3A_23 = arith.constant 0 : i32
    %dma_wait3A_24 = tpu.memref_slice %arg2[%dma_wait3A_22, %dma_wait3A_23] : memref<10000x128xf32, #tpu.memory_space<hbm>> -> memref<10000x128xf32, #tpu.memory_space<hbm>>
    tpu.wait_indirect_dma semaphore(%arg12 : memref<!tpu.dma_semaphore, #tpu.memory_space<semaphore_mem>>) src(%dma_wait3A_24 : memref<10000x128xf32, #tpu.memory_space<hbm>>) dst(%arg10 : memref<128x128xf32, #tpu.memory_space<vmem>>)
    %run_scoped3A = arith.constant 38 : i32
    "tpu.region"() ({
      %run_scoped3A_42 = tpu.sem_alloc : memref<!tpu.dma_semaphore, #tpu.memory_space<semaphore_mem>>
      %dma_start3A_43 = arith.constant 0 : i32
      %dma_start3A_44 = tpu.memref_slice %arg9[%run_scoped3A, %dma_start3A_43] : memref<40x128xi32, #tpu.memory_space<vmem>> -> memref<1x128xi32, #tpu.memory_space<vmem>>
      %dma_start3A_45 = tpu.memref_squeeze %dma_start3A_44 : memref<1x128xi32, #tpu.memory_space<vmem>> -> memref<128xi32, #tpu.memory_space<vmem>>
      %dma_start3A_46 = arith.constant 0 : i32
      %dma_start3A_47 = arith.constant 0 : i32
      %dma_start3A_48 = tpu.memref_slice %arg7[%dma_start3A_46, %dma_start3A_47] : memref<10112x128xf32, #tpu.memory_space<vmem_shared>> -> memref<10112x128xf32, #tpu.memory_space<vmem_shared>>
      tpu.enqueue_indirect_dma source(%arg10 : memref<128x128xf32, #tpu.memory_space<vmem>>) target(%dma_start3A_48 : memref<10112x128xf32, #tpu.memory_space<vmem_shared>>) offsets(%dma_start3A_45 : memref<128xi32, #tpu.memory_space<vmem>>) semaphore(%run_scoped3A_42 : memref<!tpu.dma_semaphore, #tpu.memory_space<semaphore_mem>>) {add = true}
      %dma_wait3A_49 = arith.constant 0 : i32
      %dma_wait3A_50 = tpu.memref_slice %arg9[%run_scoped3A, %dma_wait3A_49] : memref<40x128xi32, #tpu.memory_space<vmem>> -> memref<1x128xi32, #tpu.memory_space<vmem>>
      %dma_wait3A_51 = tpu.memref_squeeze %dma_wait3A_50 : memref<1x128xi32, #tpu.memory_space<vmem>> -> memref<128xi32, #tpu.memory_space<vmem>>
      %dma_wait3A_52 = arith.constant 0 : i32
      %dma_wait3A_53 = arith.constant 0 : i32
      %dma_wait3A_54 = tpu.memref_slice %arg7[%dma_wait3A_52, %dma_wait3A_53] : memref<10112x128xf32, #tpu.memory_space<vmem_shared>> -> memref<10112x128xf32, #tpu.memory_space<vmem_shared>>
      tpu.wait_indirect_dma semaphore(%run_scoped3A_42 : memref<!tpu.dma_semaphore, #tpu.memory_space<semaphore_mem>>) src(%arg10 : memref<128x128xf32, #tpu.memory_space<vmem>>) dst(%dma_wait3A_54 : memref<10112x128xf32, #tpu.memory_space<vmem_shared>>)
      tpu.yield
    }) : () -> ()
    %dma_wait3A_25 = arith.constant 39 : i32
    %dma_wait3A_26 = arith.constant 0 : i32
    %dma_wait3A_27 = tpu.memref_slice %arg8[%dma_wait3A_25, %dma_wait3A_26] : memref<40x128xi32, #tpu.memory_space<vmem>> -> memref<1x128xi32, #tpu.memory_space<vmem>>
    %dma_wait3A_28 = tpu.memref_squeeze %dma_wait3A_27 : memref<1x128xi32, #tpu.memory_space<vmem>> -> memref<128xi32, #tpu.memory_space<vmem>>
    %dma_wait3A_29 = arith.constant 0 : i32
    %dma_wait3A_30 = arith.constant 0 : i32
    %dma_wait3A_31 = tpu.memref_slice %arg2[%dma_wait3A_29, %dma_wait3A_30] : memref<10000x128xf32, #tpu.memory_space<hbm>> -> memref<10000x128xf32, #tpu.memory_space<hbm>>
    tpu.wait_indirect_dma semaphore(%arg13 : memref<!tpu.dma_semaphore, #tpu.memory_space<semaphore_mem>>) src(%dma_wait3A_31 : memref<10000x128xf32, #tpu.memory_space<hbm>>) dst(%arg11 : memref<128x128xf32, #tpu.memory_space<vmem>>)
    %run_scoped3A_32 = arith.constant 39 : i32
    "tpu.region"() ({
      %run_scoped3A_42 = tpu.sem_alloc : memref<!tpu.dma_semaphore, #tpu.memory_space<semaphore_mem>>
      %dma_start3A_43 = arith.constant 0 : i32
      %dma_start3A_44 = tpu.memref_slice %arg9[%run_scoped3A_32, %dma_start3A_43] : memref<40x128xi32, #tpu.memory_space<vmem>> -> memref<1x128xi32, #tpu.memory_space<vmem>>
      %dma_start3A_45 = tpu.memref_squeeze %dma_start3A_44 : memref<1x128xi32, #tpu.memory_space<vmem>> -> memref<128xi32, #tpu.memory_space<vmem>>
      %dma_start3A_46 = arith.constant 0 : i32
      %dma_start3A_47 = arith.constant 0 : i32
      %dma_start3A_48 = tpu.memref_slice %arg7[%dma_start3A_46, %dma_start3A_47] : memref<10112x128xf32, #tpu.memory_space<vmem_shared>> -> memref<10112x128xf32, #tpu.memory_space<vmem_shared>>
      tpu.enqueue_indirect_dma source(%arg11 : memref<128x128xf32, #tpu.memory_space<vmem>>) target(%dma_start3A_48 : memref<10112x128xf32, #tpu.memory_space<vmem_shared>>) offsets(%dma_start3A_45 : memref<128xi32, #tpu.memory_space<vmem>>) semaphore(%run_scoped3A_42 : memref<!tpu.dma_semaphore, #tpu.memory_space<semaphore_mem>>) {add = true}
      %dma_wait3A_49 = arith.constant 0 : i32
      %dma_wait3A_50 = tpu.memref_slice %arg9[%run_scoped3A_32, %dma_wait3A_49] : memref<40x128xi32, #tpu.memory_space<vmem>> -> memref<1x128xi32, #tpu.memory_space<vmem>>
      %dma_wait3A_51 = tpu.memref_squeeze %dma_wait3A_50 : memref<1x128xi32, #tpu.memory_space<vmem>> -> memref<128xi32, #tpu.memory_space<vmem>>
      %dma_wait3A_52 = arith.constant 0 : i32
      %dma_wait3A_53 = arith.constant 0 : i32
      %dma_wait3A_54 = tpu.memref_slice %arg7[%dma_wait3A_52, %dma_wait3A_53] : memref<10112x128xf32, #tpu.memory_space<vmem_shared>> -> memref<10112x128xf32, #tpu.memory_space<vmem_shared>>
      tpu.wait_indirect_dma semaphore(%run_scoped3A_42 : memref<!tpu.dma_semaphore, #tpu.memory_space<semaphore_mem>>) src(%arg11 : memref<128x128xf32, #tpu.memory_space<vmem>>) dst(%dma_wait3A_54 : memref<10112x128xf32, #tpu.memory_space<vmem_shared>>)
      tpu.yield
    }) : () -> ()
    %barrier3A_33 = arith.constant 0 : index
    tpu.barrier barrier_id(%barrier3A_33)
    %mul3A_34 = arith.constant 10000 : i32
    %mul3A_35 = arith.muli %arg0, %mul3A_34 : i32
    %lt3A = arith.constant 15 : i32
    %lt3A_36 = arith.cmpi slt, %arg1, %lt3A : i32
    %convert_element_type3A = arith.extui %lt3A_36 : i1 to i32
    %cond3A = arith.constant 0 : i32
    %cond3A_37 = arith.cmpi ne, %convert_element_type3A, %cond3A : i32
    scf.if %cond3A_37 {
      %mul3A_42 = arith.constant 624 : i32
      %mul3A_43 = arith.muli %arg1, %mul3A_42 : i32
      %mul3A_44 = arith.constant 624 : i32
      %mul3A_45 = arith.muli %arg1, %mul3A_44 : i32
      %add3A = arith.addi %mul3A_35, %mul3A_45 : i32
      "tpu.region"() ({
        %run_scoped3A_46 = tpu.sem_alloc : memref<!tpu.dma_semaphore, #tpu.memory_space<semaphore_mem>>
        %dma_start3A_47 = arith.constant 0 : i32
        %dma_start3A_48 = tpu.memref_slice %arg6[%add3A, %dma_start3A_47] : memref<20000x128xf32, #tpu.memory_space<hbm>> -> memref<624x128xf32, #tpu.memory_space<hbm>>
        %dma_start3A_49 = arith.constant 0 : i32
        %dma_start3A_50 = tpu.memref_slice %arg7[%mul3A_43, %dma_start3A_49] : memref<10112x128xf32, #tpu.memory_space<vmem_shared>> -> memref<624x128xf32, #tpu.memory_space<vmem_shared>>
        tpu.enqueue_dma source(%dma_start3A_50 : memref<624x128xf32, #tpu.memory_space<vmem_shared>>) target(%dma_start3A_48 : memref<624x128xf32, #tpu.memory_space<hbm>>) target_semaphore(%run_scoped3A_46 : memref<!tpu.dma_semaphore, #tpu.memory_space<semaphore_mem>>)
        %dma_wait3A_51 = arith.constant 0 : i32
        %dma_wait3A_52 = tpu.memref_slice %arg6[%add3A, %dma_wait3A_51] : memref<20000x128xf32, #tpu.memory_space<hbm>> -> memref<624x128xf32, #tpu.memory_space<hbm>>
        %dma_wait3A_53 = arith.constant 0 : i32
        %dma_wait3A_54 = tpu.memref_slice %arg7[%mul3A_43, %dma_wait3A_53] : memref<10112x128xf32, #tpu.memory_space<vmem_shared>> -> memref<624x128xf32, #tpu.memory_space<vmem_shared>>
        tpu.wait_dma2 semaphore(%run_scoped3A_46 : memref<!tpu.dma_semaphore, #tpu.memory_space<semaphore_mem>>) src(%dma_wait3A_54 : memref<624x128xf32, #tpu.memory_space<vmem_shared>>) dst(%dma_wait3A_52 : memref<624x128xf32, #tpu.memory_space<hbm>>)
        tpu.yield
      }) : () -> ()
    } else {
    }
    %eq3A = arith.constant 15 : i32
    %eq3A_38 = arith.cmpi eq, %arg1, %eq3A : i32
    %convert_element_type3A_39 = arith.extui %eq3A_38 : i1 to i32
    %cond3A_40 = arith.constant 0 : i32
    %cond3A_41 = arith.cmpi ne, %convert_element_type3A_39, %cond3A_40 : i32
    scf.if %cond3A_41 {
      %add3A = arith.constant 9360 : i32
      %add3A_42 = arith.addi %mul3A_35, %add3A : i32
      "tpu.region"() ({
        %run_scoped3A_43 = tpu.sem_alloc : memref<!tpu.dma_semaphore, #tpu.memory_space<semaphore_mem>>
        %dma_start3A_44 = arith.constant 0 : i32
        %dma_start3A_45 = tpu.memref_slice %arg6[%add3A_42, %dma_start3A_44] : memref<20000x128xf32, #tpu.memory_space<hbm>> -> memref<640x128xf32, #tpu.memory_space<hbm>>
        %dma_start3A_46 = arith.constant 9360 : i32
        %dma_start3A_47 = arith.constant 0 : i32
        %dma_start3A_48 = tpu.memref_slice %arg7[%dma_start3A_46, %dma_start3A_47] : memref<10112x128xf32, #tpu.memory_space<vmem_shared>> -> memref<640x128xf32, #tpu.memory_space<vmem_shared>>
        tpu.enqueue_dma source(%dma_start3A_48 : memref<640x128xf32, #tpu.memory_space<vmem_shared>>) target(%dma_start3A_45 : memref<640x128xf32, #tpu.memory_space<hbm>>) target_semaphore(%run_scoped3A_43 : memref<!tpu.dma_semaphore, #tpu.memory_space<semaphore_mem>>)
        %dma_wait3A_49 = arith.constant 0 : i32
        %dma_wait3A_50 = tpu.memref_slice %arg6[%add3A_42, %dma_wait3A_49] : memref<20000x128xf32, #tpu.memory_space<hbm>> -> memref<640x128xf32, #tpu.memory_space<hbm>>
        %dma_wait3A_51 = arith.constant 9360 : i32
        %dma_wait3A_52 = arith.constant 0 : i32
        %dma_wait3A_53 = tpu.memref_slice %arg7[%dma_wait3A_51, %dma_wait3A_52] : memref<10112x128xf32, #tpu.memory_space<vmem_shared>> -> memref<640x128xf32, #tpu.memory_space<vmem_shared>>
        tpu.wait_dma2 semaphore(%run_scoped3A_43 : memref<!tpu.dma_semaphore, #tpu.memory_space<semaphore_mem>>) src(%dma_wait3A_53 : memref<640x128xf32, #tpu.memory_space<vmem_shared>>) dst(%dma_wait3A_50 : memref<640x128xf32, #tpu.memory_space<hbm>>)
        tpu.yield
      }) : () -> ()
    } else {
    }
    return
  }
}

#map = affine_map<(d0, d1) -> (0, 0)>
#map1 = affine_map<(d0, d1) -> (0, 0, 0, 0, 0, 0)>
#map2 = affine_map<(d0, d1) -> (0, 0, 0, 0)>
module attributes {stable_mosaic.version = 14 : i64} {
  func.func @_sc_agg_quad(%arg0: i32, %arg1: i32, %arg2: memref<80000x128xf32, #tpu.memory_space<hbm>>, %arg3: memref<4x2x16x2x40x128xi32, #tpu.memory_space<hbm>>, %arg4: memref<16x2x40x128xi32, #tpu.memory_space<hbm>>, %arg5: memref<632x128xf32, #tpu.memory_space<hbm>>, %arg6: memref<80000x128xf32, #tpu.memory_space<hbm>>, %arg7: memref<10112x128xf32, #tpu.memory_space<vmem_shared>>, %arg8: memref<40x128xi32, #tpu.memory_space<vmem>>, %arg9: memref<40x128xi32, #tpu.memory_space<vmem>>, %arg10: memref<128x128xf32, #tpu.memory_space<vmem>>, %arg11: memref<128x128xf32, #tpu.memory_space<vmem>>, %arg12: memref<!tpu.dma_semaphore, #tpu.memory_space<semaphore_mem>>, %arg13: memref<!tpu.dma_semaphore, #tpu.memory_space<semaphore_mem>>) attributes {dimension_semantics = [#tpu.dimension_semantics<core_parallel>, #tpu.dimension_semantics<subcore_parallel>], iteration_bounds = array<i64: 2, 16>, scalar_prefetch = 0 : i64, scratch_operands = 7 : i64, tpu.core_type = #tpu.core_type<sc_vector_subcore>, window_params = [{transform_indices = #map}, {transform_indices = #map1}, {transform_indices = #map2}, {transform_indices = #map}, {transform_indices = #map}]} {
    %mul3A = arith.constant 632 : i32
    %mul3A_0 = arith.muli %arg1, %mul3A : i32
    "tpu.region"() ({
      %run_scoped3A_376 = tpu.sem_alloc : memref<!tpu.dma_semaphore, #tpu.memory_space<semaphore_mem>>
      %dma_start3A_377 = arith.constant 0 : i32
      %dma_start3A_378 = tpu.memref_slice %arg7[%mul3A_0, %dma_start3A_377] : memref<10112x128xf32, #tpu.memory_space<vmem_shared>> -> memref<632x128xf32, #tpu.memory_space<vmem_shared>>
      tpu.enqueue_dma source(%arg5 : memref<632x128xf32, #tpu.memory_space<hbm>>) target(%dma_start3A_378 : memref<632x128xf32, #tpu.memory_space<vmem_shared>>) target_semaphore(%run_scoped3A_376 : memref<!tpu.dma_semaphore, #tpu.memory_space<semaphore_mem>>)
      %dma_wait3A_379 = arith.constant 0 : i32
      %dma_wait3A_380 = tpu.memref_slice %arg7[%mul3A_0, %dma_wait3A_379] : memref<10112x128xf32, #tpu.memory_space<vmem_shared>> -> memref<632x128xf32, #tpu.memory_space<vmem_shared>>
      tpu.wait_dma2 semaphore(%run_scoped3A_376 : memref<!tpu.dma_semaphore, #tpu.memory_space<semaphore_mem>>) src(%arg5 : memref<632x128xf32, #tpu.memory_space<hbm>>) dst(%dma_wait3A_380 : memref<632x128xf32, #tpu.memory_space<vmem_shared>>)
      tpu.yield
    }) : () -> ()
    %barrier3A = arith.constant 0 : index
    tpu.barrier barrier_id(%barrier3A)
    %run_scoped3A = arith.constant 0 : i32
    %run_scoped3A_1 = arith.constant 0 : i32
    "tpu.region"() ({
      %run_scoped3A_376 = tpu.sem_alloc : memref<!tpu.dma_semaphore, #tpu.memory_space<semaphore_mem>>
      %dma_start3A_377 = arith.constant 0 : i32
      %dma_start3A_378 = arith.constant 0 : i32
      %dma_start3A_379 = tpu.memref_slice %arg3[%run_scoped3A, %arg0, %arg1, %run_scoped3A_1, %dma_start3A_377, %dma_start3A_378] : memref<4x2x16x2x40x128xi32, #tpu.memory_space<hbm>> -> memref<1x1x1x1x40x128xi32, #tpu.memory_space<hbm>>
      %dma_start3A_380 = tpu.memref_squeeze %dma_start3A_379 : memref<1x1x1x1x40x128xi32, #tpu.memory_space<hbm>> -> memref<40x128xi32, #tpu.memory_space<hbm>>
      %dma_start3A_381 = arith.constant 0 : i32
      %dma_start3A_382 = arith.constant 0 : i32
      %dma_start3A_383 = tpu.memref_slice %arg3[%run_scoped3A, %arg0, %arg1, %run_scoped3A_1, %dma_start3A_381, %dma_start3A_382] : memref<4x2x16x2x40x128xi32, #tpu.memory_space<hbm>> -> memref<1x1x1x1x40x128xi32, #tpu.memory_space<hbm>>
      %dma_start3A_384 = tpu.memref_squeeze %dma_start3A_383 : memref<1x1x1x1x40x128xi32, #tpu.memory_space<hbm>> -> memref<40x128xi32, #tpu.memory_space<hbm>>
      tpu.enqueue_dma source(%dma_start3A_384 : memref<40x128xi32, #tpu.memory_space<hbm>>) target(%arg8 : memref<40x128xi32, #tpu.memory_space<vmem>>) target_semaphore(%run_scoped3A_376 : memref<!tpu.dma_semaphore, #tpu.memory_space<semaphore_mem>>)
      %dma_wait3A_385 = arith.constant 0 : i32
      %dma_wait3A_386 = arith.constant 0 : i32
      %dma_wait3A_387 = tpu.memref_slice %arg3[%run_scoped3A, %arg0, %arg1, %run_scoped3A_1, %dma_wait3A_385, %dma_wait3A_386] : memref<4x2x16x2x40x128xi32, #tpu.memory_space<hbm>> -> memref<1x1x1x1x40x128xi32, #tpu.memory_space<hbm>>
      %dma_wait3A_388 = tpu.memref_squeeze %dma_wait3A_387 : memref<1x1x1x1x40x128xi32, #tpu.memory_space<hbm>> -> memref<40x128xi32, #tpu.memory_space<hbm>>
      %dma_wait3A_389 = arith.constant 0 : i32
      %dma_wait3A_390 = arith.constant 0 : i32
      %dma_wait3A_391 = tpu.memref_slice %arg3[%run_scoped3A, %arg0, %arg1, %run_scoped3A_1, %dma_wait3A_389, %dma_wait3A_390] : memref<4x2x16x2x40x128xi32, #tpu.memory_space<hbm>> -> memref<1x1x1x1x40x128xi32, #tpu.memory_space<hbm>>
      %dma_wait3A_392 = tpu.memref_squeeze %dma_wait3A_391 : memref<1x1x1x1x40x128xi32, #tpu.memory_space<hbm>> -> memref<40x128xi32, #tpu.memory_space<hbm>>
      tpu.wait_dma2 semaphore(%run_scoped3A_376 : memref<!tpu.dma_semaphore, #tpu.memory_space<semaphore_mem>>) src(%dma_wait3A_392 : memref<40x128xi32, #tpu.memory_space<hbm>>) dst(%arg8 : memref<40x128xi32, #tpu.memory_space<vmem>>)
      tpu.yield
    }) : () -> ()
    %run_scoped3A_2 = arith.constant 0 : i32
    "tpu.region"() ({
      %run_scoped3A_376 = tpu.sem_alloc : memref<!tpu.dma_semaphore, #tpu.memory_space<semaphore_mem>>
      %dma_start3A_377 = arith.constant 0 : i32
      %dma_start3A_378 = arith.constant 0 : i32
      %dma_start3A_379 = tpu.memref_slice %arg4[%arg1, %run_scoped3A_2, %dma_start3A_377, %dma_start3A_378] : memref<16x2x40x128xi32, #tpu.memory_space<hbm>> -> memref<1x1x40x128xi32, #tpu.memory_space<hbm>>
      %dma_start3A_380 = tpu.memref_squeeze %dma_start3A_379 : memref<1x1x40x128xi32, #tpu.memory_space<hbm>> -> memref<40x128xi32, #tpu.memory_space<hbm>>
      %dma_start3A_381 = arith.constant 0 : i32
      %dma_start3A_382 = arith.constant 0 : i32
      %dma_start3A_383 = tpu.memref_slice %arg4[%arg1, %run_scoped3A_2, %dma_start3A_381, %dma_start3A_382] : memref<16x2x40x128xi32, #tpu.memory_space<hbm>> -> memref<1x1x40x128xi32, #tpu.memory_space<hbm>>
      %dma_start3A_384 = tpu.memref_squeeze %dma_start3A_383 : memref<1x1x40x128xi32, #tpu.memory_space<hbm>> -> memref<40x128xi32, #tpu.memory_space<hbm>>
      tpu.enqueue_dma source(%dma_start3A_384 : memref<40x128xi32, #tpu.memory_space<hbm>>) target(%arg9 : memref<40x128xi32, #tpu.memory_space<vmem>>) target_semaphore(%run_scoped3A_376 : memref<!tpu.dma_semaphore, #tpu.memory_space<semaphore_mem>>)
      %dma_wait3A_385 = arith.constant 0 : i32
      %dma_wait3A_386 = arith.constant 0 : i32
      %dma_wait3A_387 = tpu.memref_slice %arg4[%arg1, %run_scoped3A_2, %dma_wait3A_385, %dma_wait3A_386] : memref<16x2x40x128xi32, #tpu.memory_space<hbm>> -> memref<1x1x40x128xi32, #tpu.memory_space<hbm>>
      %dma_wait3A_388 = tpu.memref_squeeze %dma_wait3A_387 : memref<1x1x40x128xi32, #tpu.memory_space<hbm>> -> memref<40x128xi32, #tpu.memory_space<hbm>>
      %dma_wait3A_389 = arith.constant 0 : i32
      %dma_wait3A_390 = arith.constant 0 : i32
      %dma_wait3A_391 = tpu.memref_slice %arg4[%arg1, %run_scoped3A_2, %dma_wait3A_389, %dma_wait3A_390] : memref<16x2x40x128xi32, #tpu.memory_space<hbm>> -> memref<1x1x40x128xi32, #tpu.memory_space<hbm>>
      %dma_wait3A_392 = tpu.memref_squeeze %dma_wait3A_391 : memref<1x1x40x128xi32, #tpu.memory_space<hbm>> -> memref<40x128xi32, #tpu.memory_space<hbm>>
      tpu.wait_dma2 semaphore(%run_scoped3A_376 : memref<!tpu.dma_semaphore, #tpu.memory_space<semaphore_mem>>) src(%dma_wait3A_392 : memref<40x128xi32, #tpu.memory_space<hbm>>) dst(%arg9 : memref<40x128xi32, #tpu.memory_space<vmem>>)
      tpu.yield
    }) : () -> ()
    %dma_start3A = arith.constant 0 : i32
    %dma_start3A_3 = arith.constant 0 : i32
    %dma_start3A_4 = tpu.memref_slice %arg8[%dma_start3A, %dma_start3A_3] : memref<40x128xi32, #tpu.memory_space<vmem>> -> memref<1x128xi32, #tpu.memory_space<vmem>>
    %dma_start3A_5 = tpu.memref_squeeze %dma_start3A_4 : memref<1x128xi32, #tpu.memory_space<vmem>> -> memref<128xi32, #tpu.memory_space<vmem>>
    %dma_start3A_6 = arith.constant 0 : i32
    %dma_start3A_7 = arith.constant 0 : i32
    %dma_start3A_8 = tpu.memref_slice %arg2[%dma_start3A_6, %dma_start3A_7] : memref<80000x128xf32, #tpu.memory_space<hbm>> -> memref<80000x128xf32, #tpu.memory_space<hbm>>
    tpu.enqueue_indirect_dma source(%dma_start3A_8 : memref<80000x128xf32, #tpu.memory_space<hbm>>) target(%arg10 : memref<128x128xf32, #tpu.memory_space<vmem>>) offsets(%dma_start3A_5 : memref<128xi32, #tpu.memory_space<vmem>>) semaphore(%arg12 : memref<!tpu.dma_semaphore, #tpu.memory_space<semaphore_mem>>)
    %scan3A = arith.constant 0 : i32
    %scan3A_9 = arith.constant 0 : i32
    %scan3A_10 = arith.constant 19 : i32
    %scan3A_11 = arith.addi %scan3A_9, %scan3A_10 : i32
    %scan3A_12 = arith.constant 1 : i32
    scf.for %scan3A_376 = %scan3A_9 to %scan3A_11 step %scan3A_12  : i32 {
      %mul3A_377 = arith.constant 2 : i32
      %mul3A_378 = arith.muli %mul3A_377, %scan3A_376 : i32
      %add3A_379 = arith.constant 1 : i32
      %add3A_380 = arith.addi %mul3A_378, %add3A_379 : i32
      %dma_start3A_381 = arith.constant 0 : i32
      %dma_start3A_382 = tpu.memref_slice %arg8[%add3A_380, %dma_start3A_381] : memref<40x128xi32, #tpu.memory_space<vmem>> -> memref<1x128xi32, #tpu.memory_space<vmem>>
      %dma_start3A_383 = tpu.memref_squeeze %dma_start3A_382 : memref<1x128xi32, #tpu.memory_space<vmem>> -> memref<128xi32, #tpu.memory_space<vmem>>
      %dma_start3A_384 = arith.constant 0 : i32
      %dma_start3A_385 = arith.constant 0 : i32
      %dma_start3A_386 = tpu.memref_slice %arg2[%dma_start3A_384, %dma_start3A_385] : memref<80000x128xf32, #tpu.memory_space<hbm>> -> memref<80000x128xf32, #tpu.memory_space<hbm>>
      tpu.enqueue_indirect_dma source(%dma_start3A_386 : memref<80000x128xf32, #tpu.memory_space<hbm>>) target(%arg11 : memref<128x128xf32, #tpu.memory_space<vmem>>) offsets(%dma_start3A_383 : memref<128xi32, #tpu.memory_space<vmem>>) semaphore(%arg13 : memref<!tpu.dma_semaphore, #tpu.memory_space<semaphore_mem>>)
      %dma_wait3A_387 = arith.constant 0 : i32
      %dma_wait3A_388 = tpu.memref_slice %arg8[%mul3A_378, %dma_wait3A_387] : memref<40x128xi32, #tpu.memory_space<vmem>> -> memref<1x128xi32, #tpu.memory_space<vmem>>
      %dma_wait3A_389 = tpu.memref_squeeze %dma_wait3A_388 : memref<1x128xi32, #tpu.memory_space<vmem>> -> memref<128xi32, #tpu.memory_space<vmem>>
      %dma_wait3A_390 = arith.constant 0 : i32
      %dma_wait3A_391 = arith.constant 0 : i32
      %dma_wait3A_392 = tpu.memref_slice %arg2[%dma_wait3A_390, %dma_wait3A_391] : memref<80000x128xf32, #tpu.memory_space<hbm>> -> memref<80000x128xf32, #tpu.memory_space<hbm>>
      tpu.wait_indirect_dma semaphore(%arg12 : memref<!tpu.dma_semaphore, #tpu.memory_space<semaphore_mem>>) src(%dma_wait3A_392 : memref<80000x128xf32, #tpu.memory_space<hbm>>) dst(%arg10 : memref<128x128xf32, #tpu.memory_space<vmem>>)
      "tpu.region"() ({
        %run_scoped3A_411 = tpu.sem_alloc : memref<!tpu.dma_semaphore, #tpu.memory_space<semaphore_mem>>
        %dma_start3A_412 = arith.constant 0 : i32
        %dma_start3A_413 = tpu.memref_slice %arg9[%mul3A_378, %dma_start3A_412] : memref<40x128xi32, #tpu.memory_space<vmem>> -> memref<1x128xi32, #tpu.memory_space<vmem>>
        %dma_start3A_414 = tpu.memref_squeeze %dma_start3A_413 : memref<1x128xi32, #tpu.memory_space<vmem>> -> memref<128xi32, #tpu.memory_space<vmem>>
        %dma_start3A_415 = arith.constant 0 : i32
        %dma_start3A_416 = arith.constant 0 : i32
        %dma_start3A_417 = tpu.memref_slice %arg7[%dma_start3A_415, %dma_start3A_416] : memref<10112x128xf32, #tpu.memory_space<vmem_shared>> -> memref<10112x128xf32, #tpu.memory_space<vmem_shared>>
        tpu.enqueue_indirect_dma source(%arg10 : memref<128x128xf32, #tpu.memory_space<vmem>>) target(%dma_start3A_417 : memref<10112x128xf32, #tpu.memory_space<vmem_shared>>) offsets(%dma_start3A_414 : memref<128xi32, #tpu.memory_space<vmem>>) semaphore(%run_scoped3A_411 : memref<!tpu.dma_semaphore, #tpu.memory_space<semaphore_mem>>) {add = true}
        %dma_wait3A_418 = arith.constant 0 : i32
        %dma_wait3A_419 = tpu.memref_slice %arg9[%mul3A_378, %dma_wait3A_418] : memref<40x128xi32, #tpu.memory_space<vmem>> -> memref<1x128xi32, #tpu.memory_space<vmem>>
        %dma_wait3A_420 = tpu.memref_squeeze %dma_wait3A_419 : memref<1x128xi32, #tpu.memory_space<vmem>> -> memref<128xi32, #tpu.memory_space<vmem>>
        %dma_wait3A_421 = arith.constant 0 : i32
        %dma_wait3A_422 = arith.constant 0 : i32
        %dma_wait3A_423 = tpu.memref_slice %arg7[%dma_wait3A_421, %dma_wait3A_422] : memref<10112x128xf32, #tpu.memory_space<vmem_shared>> -> memref<10112x128xf32, #tpu.memory_space<vmem_shared>>
        tpu.wait_indirect_dma semaphore(%run_scoped3A_411 : memref<!tpu.dma_semaphore, #tpu.memory_space<semaphore_mem>>) src(%arg10 : memref<128x128xf32, #tpu.memory_space<vmem>>) dst(%dma_wait3A_423 : memref<10112x128xf32, #tpu.memory_space<vmem_shared>>)
        tpu.yield
      }) : () -> ()
      %add3A_393 = arith.constant 2 : i32
      %add3A_394 = arith.addi %mul3A_378, %add3A_393 : i32
      %dma_start3A_395 = arith.constant 0 : i32
      %dma_start3A_396 = tpu.memref_slice %arg8[%add3A_394, %dma_start3A_395] : memref<40x128xi32, #tpu.memory_space<vmem>> -> memref<1x128xi32, #tpu.memory_space<vmem>>
      %dma_start3A_397 = tpu.memref_squeeze %dma_start3A_396 : memref<1x128xi32, #tpu.memory_space<vmem>> -> memref<128xi32, #tpu.memory_space<vmem>>
      %dma_start3A_398 = arith.constant 0 : i32
      %dma_start3A_399 = arith.constant 0 : i32
      %dma_start3A_400 = tpu.memref_slice %arg2[%dma_start3A_398, %dma_start3A_399] : memref<80000x128xf32, #tpu.memory_space<hbm>> -> memref<80000x128xf32, #tpu.memory_space<hbm>>
      tpu.enqueue_indirect_dma source(%dma_start3A_400 : memref<80000x128xf32, #tpu.memory_space<hbm>>) target(%arg10 : memref<128x128xf32, #tpu.memory_space<vmem>>) offsets(%dma_start3A_397 : memref<128xi32, #tpu.memory_space<vmem>>) semaphore(%arg12 : memref<!tpu.dma_semaphore, #tpu.memory_space<semaphore_mem>>)
      %add3A_401 = arith.constant 1 : i32
      %add3A_402 = arith.addi %mul3A_378, %add3A_401 : i32
      %dma_wait3A_403 = arith.constant 0 : i32
      %dma_wait3A_404 = tpu.memref_slice %arg8[%add3A_402, %dma_wait3A_403] : memref<40x128xi32, #tpu.memory_space<vmem>> -> memref<1x128xi32, #tpu.memory_space<vmem>>
      %dma_wait3A_405 = tpu.memref_squeeze %dma_wait3A_404 : memref<1x128xi32, #tpu.memory_space<vmem>> -> memref<128xi32, #tpu.memory_space<vmem>>
      %dma_wait3A_406 = arith.constant 0 : i32
      %dma_wait3A_407 = arith.constant 0 : i32
      %dma_wait3A_408 = tpu.memref_slice %arg2[%dma_wait3A_406, %dma_wait3A_407] : memref<80000x128xf32, #tpu.memory_space<hbm>> -> memref<80000x128xf32, #tpu.memory_space<hbm>>
      tpu.wait_indirect_dma semaphore(%arg13 : memref<!tpu.dma_semaphore, #tpu.memory_space<semaphore_mem>>) src(%dma_wait3A_408 : memref<80000x128xf32, #tpu.memory_space<hbm>>) dst(%arg11 : memref<128x128xf32, #tpu.memory_space<vmem>>)
      %add3A_409 = arith.constant 1 : i32
      %add3A_410 = arith.addi %mul3A_378, %add3A_409 : i32
      "tpu.region"() ({
        %run_scoped3A_411 = tpu.sem_alloc : memref<!tpu.dma_semaphore, #tpu.memory_space<semaphore_mem>>
        %dma_start3A_412 = arith.constant 0 : i32
        %dma_start3A_413 = tpu.memref_slice %arg9[%add3A_410, %dma_start3A_412] : memref<40x128xi32, #tpu.memory_space<vmem>> -> memref<1x128xi32, #tpu.memory_space<vmem>>
        %dma_start3A_414 = tpu.memref_squeeze %dma_start3A_413 : memref<1x128xi32, #tpu.memory_space<vmem>> -> memref<128xi32, #tpu.memory_space<vmem>>
        %dma_start3A_415 = arith.constant 0 : i32
        %dma_start3A_416 = arith.constant 0 : i32
        %dma_start3A_417 = tpu.memref_slice %arg7[%dma_start3A_415, %dma_start3A_416] : memref<10112x128xf32, #tpu.memory_space<vmem_shared>> -> memref<10112x128xf32, #tpu.memory_space<vmem_shared>>
        tpu.enqueue_indirect_dma source(%arg11 : memref<128x128xf32, #tpu.memory_space<vmem>>) target(%dma_start3A_417 : memref<10112x128xf32, #tpu.memory_space<vmem_shared>>) offsets(%dma_start3A_414 : memref<128xi32, #tpu.memory_space<vmem>>) semaphore(%run_scoped3A_411 : memref<!tpu.dma_semaphore, #tpu.memory_space<semaphore_mem>>) {add = true}
        %dma_wait3A_418 = arith.constant 0 : i32
        %dma_wait3A_419 = tpu.memref_slice %arg9[%add3A_410, %dma_wait3A_418] : memref<40x128xi32, #tpu.memory_space<vmem>> -> memref<1x128xi32, #tpu.memory_space<vmem>>
        %dma_wait3A_420 = tpu.memref_squeeze %dma_wait3A_419 : memref<1x128xi32, #tpu.memory_space<vmem>> -> memref<128xi32, #tpu.memory_space<vmem>>
        %dma_wait3A_421 = arith.constant 0 : i32
        %dma_wait3A_422 = arith.constant 0 : i32
        %dma_wait3A_423 = tpu.memref_slice %arg7[%dma_wait3A_421, %dma_wait3A_422] : memref<10112x128xf32, #tpu.memory_space<vmem_shared>> -> memref<10112x128xf32, #tpu.memory_space<vmem_shared>>
        tpu.wait_indirect_dma semaphore(%run_scoped3A_411 : memref<!tpu.dma_semaphore, #tpu.memory_space<semaphore_mem>>) src(%arg11 : memref<128x128xf32, #tpu.memory_space<vmem>>) dst(%dma_wait3A_423 : memref<10112x128xf32, #tpu.memory_space<vmem_shared>>)
        tpu.yield
      }) : () -> ()
    }
    %scan3A_13 = arith.constant 19 : i32
    %dma_start3A_14 = arith.constant 39 : i32
    %dma_start3A_15 = arith.constant 0 : i32
    %dma_start3A_16 = tpu.memref_slice %arg8[%dma_start3A_14, %dma_start3A_15] : memref<40x128xi32, #tpu.memory_space<vmem>> -> memref<1x128xi32, #tpu.memory_space<vmem>>
    %dma_start3A_17 = tpu.memref_squeeze %dma_start3A_16 : memref<1x128xi32, #tpu.memory_space<vmem>> -> memref<128xi32, #tpu.memory_space<vmem>>
    %dma_start3A_18 = arith.constant 0 : i32
    %dma_start3A_19 = arith.constant 0 : i32
    %dma_start3A_20 = tpu.memref_slice %arg2[%dma_start3A_18, %dma_start3A_19] : memref<80000x128xf32, #tpu.memory_space<hbm>> -> memref<80000x128xf32, #tpu.memory_space<hbm>>
    tpu.enqueue_indirect_dma source(%dma_start3A_20 : memref<80000x128xf32, #tpu.memory_space<hbm>>) target(%arg11 : memref<128x128xf32, #tpu.memory_space<vmem>>) offsets(%dma_start3A_17 : memref<128xi32, #tpu.memory_space<vmem>>) semaphore(%arg13 : memref<!tpu.dma_semaphore, #tpu.memory_space<semaphore_mem>>)
    %dma_wait3A = arith.constant 38 : i32
    %dma_wait3A_21 = arith.constant 0 : i32
    %dma_wait3A_22 = tpu.memref_slice %arg8[%dma_wait3A, %dma_wait3A_21] : memref<40x128xi32, #tpu.memory_space<vmem>> -> memref<1x128xi32, #tpu.memory_space<vmem>>
    %dma_wait3A_23 = tpu.memref_squeeze %dma_wait3A_22 : memref<1x128xi32, #tpu.memory_space<vmem>> -> memref<128xi32, #tpu.memory_space<vmem>>
    %dma_wait3A_24 = arith.constant 0 : i32
    %dma_wait3A_25 = arith.constant 0 : i32
    %dma_wait3A_26 = tpu.memref_slice %arg2[%dma_wait3A_24, %dma_wait3A_25] : memref<80000x128xf32, #tpu.memory_space<hbm>> -> memref<80000x128xf32, #tpu.memory_space<hbm>>
    tpu.wait_indirect_dma semaphore(%arg12 : memref<!tpu.dma_semaphore, #tpu.memory_space<semaphore_mem>>) src(%dma_wait3A_26 : memref<80000x128xf32, #tpu.memory_space<hbm>>) dst(%arg10 : memref<128x128xf32, #tpu.memory_space<vmem>>)
    %run_scoped3A_27 = arith.constant 38 : i32
    "tpu.region"() ({
      %run_scoped3A_376 = tpu.sem_alloc : memref<!tpu.dma_semaphore, #tpu.memory_space<semaphore_mem>>
      %dma_start3A_377 = arith.constant 0 : i32
      %dma_start3A_378 = tpu.memref_slice %arg9[%run_scoped3A_27, %dma_start3A_377] : memref<40x128xi32, #tpu.memory_space<vmem>> -> memref<1x128xi32, #tpu.memory_space<vmem>>
      %dma_start3A_379 = tpu.memref_squeeze %dma_start3A_378 : memref<1x128xi32, #tpu.memory_space<vmem>> -> memref<128xi32, #tpu.memory_space<vmem>>
      %dma_start3A_380 = arith.constant 0 : i32
      %dma_start3A_381 = arith.constant 0 : i32
      %dma_start3A_382 = tpu.memref_slice %arg7[%dma_start3A_380, %dma_start3A_381] : memref<10112x128xf32, #tpu.memory_space<vmem_shared>> -> memref<10112x128xf32, #tpu.memory_space<vmem_shared>>
      tpu.enqueue_indirect_dma source(%arg10 : memref<128x128xf32, #tpu.memory_space<vmem>>) target(%dma_start3A_382 : memref<10112x128xf32, #tpu.memory_space<vmem_shared>>) offsets(%dma_start3A_379 : memref<128xi32, #tpu.memory_space<vmem>>) semaphore(%run_scoped3A_376 : memref<!tpu.dma_semaphore, #tpu.memory_space<semaphore_mem>>) {add = true}
      %dma_wait3A_383 = arith.constant 0 : i32
      %dma_wait3A_384 = tpu.memref_slice %arg9[%run_scoped3A_27, %dma_wait3A_383] : memref<40x128xi32, #tpu.memory_space<vmem>> -> memref<1x128xi32, #tpu.memory_space<vmem>>
      %dma_wait3A_385 = tpu.memref_squeeze %dma_wait3A_384 : memref<1x128xi32, #tpu.memory_space<vmem>> -> memref<128xi32, #tpu.memory_space<vmem>>
      %dma_wait3A_386 = arith.constant 0 : i32
      %dma_wait3A_387 = arith.constant 0 : i32
      %dma_wait3A_388 = tpu.memref_slice %arg7[%dma_wait3A_386, %dma_wait3A_387] : memref<10112x128xf32, #tpu.memory_space<vmem_shared>> -> memref<10112x128xf32, #tpu.memory_space<vmem_shared>>
      tpu.wait_indirect_dma semaphore(%run_scoped3A_376 : memref<!tpu.dma_semaphore, #tpu.memory_space<semaphore_mem>>) src(%arg10 : memref<128x128xf32, #tpu.memory_space<vmem>>) dst(%dma_wait3A_388 : memref<10112x128xf32, #tpu.memory_space<vmem_shared>>)
      tpu.yield
    }) : () -> ()
    %dma_wait3A_28 = arith.constant 39 : i32
    %dma_wait3A_29 = arith.constant 0 : i32
    %dma_wait3A_30 = tpu.memref_slice %arg8[%dma_wait3A_28, %dma_wait3A_29] : memref<40x128xi32, #tpu.memory_space<vmem>> -> memref<1x128xi32, #tpu.memory_space<vmem>>
    %dma_wait3A_31 = tpu.memref_squeeze %dma_wait3A_30 : memref<1x128xi32, #tpu.memory_space<vmem>> -> memref<128xi32, #tpu.memory_space<vmem>>
    %dma_wait3A_32 = arith.constant 0 : i32
    %dma_wait3A_33 = arith.constant 0 : i32
    %dma_wait3A_34 = tpu.memref_slice %arg2[%dma_wait3A_32, %dma_wait3A_33] : memref<80000x128xf32, #tpu.memory_space<hbm>> -> memref<80000x128xf32, #tpu.memory_space<hbm>>
    tpu.wait_indirect_dma semaphore(%arg13 : memref<!tpu.dma_semaphore, #tpu.memory_space<semaphore_mem>>) src(%dma_wait3A_34 : memref<80000x128xf32, #tpu.memory_space<hbm>>) dst(%arg11 : memref<128x128xf32, #tpu.memory_space<vmem>>)
    %run_scoped3A_35 = arith.constant 39 : i32
    "tpu.region"() ({
      %run_scoped3A_376 = tpu.sem_alloc : memref<!tpu.dma_semaphore, #tpu.memory_space<semaphore_mem>>
      %dma_start3A_377 = arith.constant 0 : i32
      %dma_start3A_378 = tpu.memref_slice %arg9[%run_scoped3A_35, %dma_start3A_377] : memref<40x128xi32, #tpu.memory_space<vmem>> -> memref<1x128xi32, #tpu.memory_space<vmem>>
      %dma_start3A_379 = tpu.memref_squeeze %dma_start3A_378 : memref<1x128xi32, #tpu.memory_space<vmem>> -> memref<128xi32, #tpu.memory_space<vmem>>
      %dma_start3A_380 = arith.constant 0 : i32
      %dma_start3A_381 = arith.constant 0 : i32
      %dma_start3A_382 = tpu.memref_slice %arg7[%dma_start3A_380, %dma_start3A_381] : memref<10112x128xf32, #tpu.memory_space<vmem_shared>> -> memref<10112x128xf32, #tpu.memory_space<vmem_shared>>
      tpu.enqueue_indirect_dma source(%arg11 : memref<128x128xf32, #tpu.memory_space<vmem>>) target(%dma_start3A_382 : memref<10112x128xf32, #tpu.memory_space<vmem_shared>>) offsets(%dma_start3A_379 : memref<128xi32, #tpu.memory_space<vmem>>) semaphore(%run_scoped3A_376 : memref<!tpu.dma_semaphore, #tpu.memory_space<semaphore_mem>>) {add = true}
      %dma_wait3A_383 = arith.constant 0 : i32
      %dma_wait3A_384 = tpu.memref_slice %arg9[%run_scoped3A_35, %dma_wait3A_383] : memref<40x128xi32, #tpu.memory_space<vmem>> -> memref<1x128xi32, #tpu.memory_space<vmem>>
      %dma_wait3A_385 = tpu.memref_squeeze %dma_wait3A_384 : memref<1x128xi32, #tpu.memory_space<vmem>> -> memref<128xi32, #tpu.memory_space<vmem>>
      %dma_wait3A_386 = arith.constant 0 : i32
      %dma_wait3A_387 = arith.constant 0 : i32
      %dma_wait3A_388 = tpu.memref_slice %arg7[%dma_wait3A_386, %dma_wait3A_387] : memref<10112x128xf32, #tpu.memory_space<vmem_shared>> -> memref<10112x128xf32, #tpu.memory_space<vmem_shared>>
      tpu.wait_indirect_dma semaphore(%run_scoped3A_376 : memref<!tpu.dma_semaphore, #tpu.memory_space<semaphore_mem>>) src(%arg11 : memref<128x128xf32, #tpu.memory_space<vmem>>) dst(%dma_wait3A_388 : memref<10112x128xf32, #tpu.memory_space<vmem_shared>>)
      tpu.yield
    }) : () -> ()
    %run_scoped3A_36 = arith.constant 0 : i32
    %run_scoped3A_37 = arith.constant 1 : i32
    "tpu.region"() ({
      %run_scoped3A_376 = tpu.sem_alloc : memref<!tpu.dma_semaphore, #tpu.memory_space<semaphore_mem>>
      %dma_start3A_377 = arith.constant 0 : i32
      %dma_start3A_378 = arith.constant 0 : i32
      %dma_start3A_379 = tpu.memref_slice %arg3[%run_scoped3A_36, %arg0, %arg1, %run_scoped3A_37, %dma_start3A_377, %dma_start3A_378] : memref<4x2x16x2x40x128xi32, #tpu.memory_space<hbm>> -> memref<1x1x1x1x40x128xi32, #tpu.memory_space<hbm>>
      %dma_start3A_380 = tpu.memref_squeeze %dma_start3A_379 : memref<1x1x1x1x40x128xi32, #tpu.memory_space<hbm>> -> memref<40x128xi32, #tpu.memory_space<hbm>>
      %dma_start3A_381 = arith.constant 0 : i32
      %dma_start3A_382 = arith.constant 0 : i32
      %dma_start3A_383 = tpu.memref_slice %arg3[%run_scoped3A_36, %arg0, %arg1, %run_scoped3A_37, %dma_start3A_381, %dma_start3A_382] : memref<4x2x16x2x40x128xi32, #tpu.memory_space<hbm>> -> memref<1x1x1x1x40x128xi32, #tpu.memory_space<hbm>>
      %dma_start3A_384 = tpu.memref_squeeze %dma_start3A_383 : memref<1x1x1x1x40x128xi32, #tpu.memory_space<hbm>> -> memref<40x128xi32, #tpu.memory_space<hbm>>
      tpu.enqueue_dma source(%dma_start3A_384 : memref<40x128xi32, #tpu.memory_space<hbm>>) target(%arg8 : memref<40x128xi32, #tpu.memory_space<vmem>>) target_semaphore(%run_scoped3A_376 : memref<!tpu.dma_semaphore, #tpu.memory_space<semaphore_mem>>)
      %dma_wait3A_385 = arith.constant 0 : i32
      %dma_wait3A_386 = arith.constant 0 : i32
      %dma_wait3A_387 = tpu.memref_slice %arg3[%run_scoped3A_36, %arg0, %arg1, %run_scoped3A_37, %dma_wait3A_385, %dma_wait3A_386] : memref<4x2x16x2x40x128xi32, #tpu.memory_space<hbm>> -> memref<1x1x1x1x40x128xi32, #tpu.memory_space<hbm>>
      %dma_wait3A_388 = tpu.memref_squeeze %dma_wait3A_387 : memref<1x1x1x1x40x128xi32, #tpu.memory_space<hbm>> -> memref<40x128xi32, #tpu.memory_space<hbm>>
      %dma_wait3A_389 = arith.constant 0 : i32
      %dma_wait3A_390 = arith.constant 0 : i32
      %dma_wait3A_391 = tpu.memref_slice %arg3[%run_scoped3A_36, %arg0, %arg1, %run_scoped3A_37, %dma_wait3A_389, %dma_wait3A_390] : memref<4x2x16x2x40x128xi32, #tpu.memory_space<hbm>> -> memref<1x1x1x1x40x128xi32, #tpu.memory_space<hbm>>
      %dma_wait3A_392 = tpu.memref_squeeze %dma_wait3A_391 : memref<1x1x1x1x40x128xi32, #tpu.memory_space<hbm>> -> memref<40x128xi32, #tpu.memory_space<hbm>>
      tpu.wait_dma2 semaphore(%run_scoped3A_376 : memref<!tpu.dma_semaphore, #tpu.memory_space<semaphore_mem>>) src(%dma_wait3A_392 : memref<40x128xi32, #tpu.memory_space<hbm>>) dst(%arg8 : memref<40x128xi32, #tpu.memory_space<vmem>>)
      tpu.yield
    }) : () -> ()
    %run_scoped3A_38 = arith.constant 1 : i32
    "tpu.region"() ({
      %run_scoped3A_376 = tpu.sem_alloc : memref<!tpu.dma_semaphore, #tpu.memory_space<semaphore_mem>>
      %dma_start3A_377 = arith.constant 0 : i32
      %dma_start3A_378 = arith.constant 0 : i32
      %dma_start3A_379 = tpu.memref_slice %arg4[%arg1, %run_scoped3A_38, %dma_start3A_377, %dma_start3A_378] : memref<16x2x40x128xi32, #tpu.memory_space<hbm>> -> memref<1x1x40x128xi32, #tpu.memory_space<hbm>>
      %dma_start3A_380 = tpu.memref_squeeze %dma_start3A_379 : memref<1x1x40x128xi32, #tpu.memory_space<hbm>> -> memref<40x128xi32, #tpu.memory_space<hbm>>
      %dma_start3A_381 = arith.constant 0 : i32
      %dma_start3A_382 = arith.constant 0 : i32
      %dma_start3A_383 = tpu.memref_slice %arg4[%arg1, %run_scoped3A_38, %dma_start3A_381, %dma_start3A_382] : memref<16x2x40x128xi32, #tpu.memory_space<hbm>> -> memref<1x1x40x128xi32, #tpu.memory_space<hbm>>
      %dma_start3A_384 = tpu.memref_squeeze %dma_start3A_383 : memref<1x1x40x128xi32, #tpu.memory_space<hbm>> -> memref<40x128xi32, #tpu.memory_space<hbm>>
      tpu.enqueue_dma source(%dma_start3A_384 : memref<40x128xi32, #tpu.memory_space<hbm>>) target(%arg9 : memref<40x128xi32, #tpu.memory_space<vmem>>) target_semaphore(%run_scoped3A_376 : memref<!tpu.dma_semaphore, #tpu.memory_space<semaphore_mem>>)
      %dma_wait3A_385 = arith.constant 0 : i32
      %dma_wait3A_386 = arith.constant 0 : i32
      %dma_wait3A_387 = tpu.memref_slice %arg4[%arg1, %run_scoped3A_38, %dma_wait3A_385, %dma_wait3A_386] : memref<16x2x40x128xi32, #tpu.memory_space<hbm>> -> memref<1x1x40x128xi32, #tpu.memory_space<hbm>>
      %dma_wait3A_388 = tpu.memref_squeeze %dma_wait3A_387 : memref<1x1x40x128xi32, #tpu.memory_space<hbm>> -> memref<40x128xi32, #tpu.memory_space<hbm>>
      %dma_wait3A_389 = arith.constant 0 : i32
      %dma_wait3A_390 = arith.constant 0 : i32
      %dma_wait3A_391 = tpu.memref_slice %arg4[%arg1, %run_scoped3A_38, %dma_wait3A_389, %dma_wait3A_390] : memref<16x2x40x128xi32, #tpu.memory_space<hbm>> -> memref<1x1x40x128xi32, #tpu.memory_space<hbm>>
      %dma_wait3A_392 = tpu.memref_squeeze %dma_wait3A_391 : memref<1x1x40x128xi32, #tpu.memory_space<hbm>> -> memref<40x128xi32, #tpu.memory_space<hbm>>
      tpu.wait_dma2 semaphore(%run_scoped3A_376 : memref<!tpu.dma_semaphore, #tpu.memory_space<semaphore_mem>>) src(%dma_wait3A_392 : memref<40x128xi32, #tpu.memory_space<hbm>>) dst(%arg9 : memref<40x128xi32, #tpu.memory_space<vmem>>)
      tpu.yield
    }) : () -> ()
    %dma_start3A_39 = arith.constant 0 : i32
    %dma_start3A_40 = arith.constant 0 : i32
    %dma_start3A_41 = tpu.memref_slice %arg8[%dma_start3A_39, %dma_start3A_40] : memref<40x128xi32, #tpu.memory_space<vmem>> -> memref<1x128xi32, #tpu.memory_space<vmem>>
    %dma_start3A_42 = tpu.memref_squeeze %dma_start3A_41 : memref<1x128xi32, #tpu.memory_space<vmem>> -> memref<128xi32, #tpu.memory_space<vmem>>
    %dma_start3A_43 = arith.constant 0 : i32
    %dma_start3A_44 = arith.constant 0 : i32
    %dma_start3A_45 = tpu.memref_slice %arg2[%dma_start3A_43, %dma_start3A_44] : memref<80000x128xf32, #tpu.memory_space<hbm>> -> memref<80000x128xf32, #tpu.memory_space<hbm>>
    tpu.enqueue_indirect_dma source(%dma_start3A_45 : memref<80000x128xf32, #tpu.memory_space<hbm>>) target(%arg10 : memref<128x128xf32, #tpu.memory_space<vmem>>) offsets(%dma_start3A_42 : memref<128xi32, #tpu.memory_space<vmem>>) semaphore(%arg12 : memref<!tpu.dma_semaphore, #tpu.memory_space<semaphore_mem>>)
    %scan3A_46 = arith.constant 0 : i32
    %scan3A_47 = arith.constant 0 : i32
    %scan3A_48 = arith.constant 19 : i32
    %scan3A_49 = arith.addi %scan3A_47, %scan3A_48 : i32
    %scan3A_50 = arith.constant 1 : i32
    scf.for %scan3A_376 = %scan3A_47 to %scan3A_49 step %scan3A_50  : i32 {
      %mul3A_377 = arith.constant 2 : i32
      %mul3A_378 = arith.muli %mul3A_377, %scan3A_376 : i32
      %add3A_379 = arith.constant 1 : i32
      %add3A_380 = arith.addi %mul3A_378, %add3A_379 : i32
      %dma_start3A_381 = arith.constant 0 : i32
      %dma_start3A_382 = tpu.memref_slice %arg8[%add3A_380, %dma_start3A_381] : memref<40x128xi32, #tpu.memory_space<vmem>> -> memref<1x128xi32, #tpu.memory_space<vmem>>
      %dma_start3A_383 = tpu.memref_squeeze %dma_start3A_382 : memref<1x128xi32, #tpu.memory_space<vmem>> -> memref<128xi32, #tpu.memory_space<vmem>>
      %dma_start3A_384 = arith.constant 0 : i32
      %dma_start3A_385 = arith.constant 0 : i32
      %dma_start3A_386 = tpu.memref_slice %arg2[%dma_start3A_384, %dma_start3A_385] : memref<80000x128xf32, #tpu.memory_space<hbm>> -> memref<80000x128xf32, #tpu.memory_space<hbm>>
      tpu.enqueue_indirect_dma source(%dma_start3A_386 : memref<80000x128xf32, #tpu.memory_space<hbm>>) target(%arg11 : memref<128x128xf32, #tpu.memory_space<vmem>>) offsets(%dma_start3A_383 : memref<128xi32, #tpu.memory_space<vmem>>) semaphore(%arg13 : memref<!tpu.dma_semaphore, #tpu.memory_space<semaphore_mem>>)
      %dma_wait3A_387 = arith.constant 0 : i32
      %dma_wait3A_388 = tpu.memref_slice %arg8[%mul3A_378, %dma_wait3A_387] : memref<40x128xi32, #tpu.memory_space<vmem>> -> memref<1x128xi32, #tpu.memory_space<vmem>>
      %dma_wait3A_389 = tpu.memref_squeeze %dma_wait3A_388 : memref<1x128xi32, #tpu.memory_space<vmem>> -> memref<128xi32, #tpu.memory_space<vmem>>
      %dma_wait3A_390 = arith.constant 0 : i32
      %dma_wait3A_391 = arith.constant 0 : i32
      %dma_wait3A_392 = tpu.memref_slice %arg2[%dma_wait3A_390, %dma_wait3A_391] : memref<80000x128xf32, #tpu.memory_space<hbm>> -> memref<80000x128xf32, #tpu.memory_space<hbm>>
      tpu.wait_indirect_dma semaphore(%arg12 : memref<!tpu.dma_semaphore, #tpu.memory_space<semaphore_mem>>) src(%dma_wait3A_392 : memref<80000x128xf32, #tpu.memory_space<hbm>>) dst(%arg10 : memref<128x128xf32, #tpu.memory_space<vmem>>)
      "tpu.region"() ({
        %run_scoped3A_411 = tpu.sem_alloc : memref<!tpu.dma_semaphore, #tpu.memory_space<semaphore_mem>>
        %dma_start3A_412 = arith.constant 0 : i32
        %dma_start3A_413 = tpu.memref_slice %arg9[%mul3A_378, %dma_start3A_412] : memref<40x128xi32, #tpu.memory_space<vmem>> -> memref<1x128xi32, #tpu.memory_space<vmem>>
        %dma_start3A_414 = tpu.memref_squeeze %dma_start3A_413 : memref<1x128xi32, #tpu.memory_space<vmem>> -> memref<128xi32, #tpu.memory_space<vmem>>
        %dma_start3A_415 = arith.constant 0 : i32
        %dma_start3A_416 = arith.constant 0 : i32
        %dma_start3A_417 = tpu.memref_slice %arg7[%dma_start3A_415, %dma_start3A_416] : memref<10112x128xf32, #tpu.memory_space<vmem_shared>> -> memref<10112x128xf32, #tpu.memory_space<vmem_shared>>
        tpu.enqueue_indirect_dma source(%arg10 : memref<128x128xf32, #tpu.memory_space<vmem>>) target(%dma_start3A_417 : memref<10112x128xf32, #tpu.memory_space<vmem_shared>>) offsets(%dma_start3A_414 : memref<128xi32, #tpu.memory_space<vmem>>) semaphore(%run_scoped3A_411 : memref<!tpu.dma_semaphore, #tpu.memory_space<semaphore_mem>>) {add = true}
        %dma_wait3A_418 = arith.constant 0 : i32
        %dma_wait3A_419 = tpu.memref_slice %arg9[%mul3A_378, %dma_wait3A_418] : memref<40x128xi32, #tpu.memory_space<vmem>> -> memref<1x128xi32, #tpu.memory_space<vmem>>
        %dma_wait3A_420 = tpu.memref_squeeze %dma_wait3A_419 : memref<1x128xi32, #tpu.memory_space<vmem>> -> memref<128xi32, #tpu.memory_space<vmem>>
        %dma_wait3A_421 = arith.constant 0 : i32
        %dma_wait3A_422 = arith.constant 0 : i32
        %dma_wait3A_423 = tpu.memref_slice %arg7[%dma_wait3A_421, %dma_wait3A_422] : memref<10112x128xf32, #tpu.memory_space<vmem_shared>> -> memref<10112x128xf32, #tpu.memory_space<vmem_shared>>
        tpu.wait_indirect_dma semaphore(%run_scoped3A_411 : memref<!tpu.dma_semaphore, #tpu.memory_space<semaphore_mem>>) src(%arg10 : memref<128x128xf32, #tpu.memory_space<vmem>>) dst(%dma_wait3A_423 : memref<10112x128xf32, #tpu.memory_space<vmem_shared>>)
        tpu.yield
      }) : () -> ()
      %add3A_393 = arith.constant 2 : i32
      %add3A_394 = arith.addi %mul3A_378, %add3A_393 : i32
      %dma_start3A_395 = arith.constant 0 : i32
      %dma_start3A_396 = tpu.memref_slice %arg8[%add3A_394, %dma_start3A_395] : memref<40x128xi32, #tpu.memory_space<vmem>> -> memref<1x128xi32, #tpu.memory_space<vmem>>
      %dma_start3A_397 = tpu.memref_squeeze %dma_start3A_396 : memref<1x128xi32, #tpu.memory_space<vmem>> -> memref<128xi32, #tpu.memory_space<vmem>>
      %dma_start3A_398 = arith.constant 0 : i32
      %dma_start3A_399 = arith.constant 0 : i32
      %dma_start3A_400 = tpu.memref_slice %arg2[%dma_start3A_398, %dma_start3A_399] : memref<80000x128xf32, #tpu.memory_space<hbm>> -> memref<80000x128xf32, #tpu.memory_space<hbm>>
      tpu.enqueue_indirect_dma source(%dma_start3A_400 : memref<80000x128xf32, #tpu.memory_space<hbm>>) target(%arg10 : memref<128x128xf32, #tpu.memory_space<vmem>>) offsets(%dma_start3A_397 : memref<128xi32, #tpu.memory_space<vmem>>) semaphore(%arg12 : memref<!tpu.dma_semaphore, #tpu.memory_space<semaphore_mem>>)
      %add3A_401 = arith.constant 1 : i32
      %add3A_402 = arith.addi %mul3A_378, %add3A_401 : i32
      %dma_wait3A_403 = arith.constant 0 : i32
      %dma_wait3A_404 = tpu.memref_slice %arg8[%add3A_402, %dma_wait3A_403] : memref<40x128xi32, #tpu.memory_space<vmem>> -> memref<1x128xi32, #tpu.memory_space<vmem>>
      %dma_wait3A_405 = tpu.memref_squeeze %dma_wait3A_404 : memref<1x128xi32, #tpu.memory_space<vmem>> -> memref<128xi32, #tpu.memory_space<vmem>>
      %dma_wait3A_406 = arith.constant 0 : i32
      %dma_wait3A_407 = arith.constant 0 : i32
      %dma_wait3A_408 = tpu.memref_slice %arg2[%dma_wait3A_406, %dma_wait3A_407] : memref<80000x128xf32, #tpu.memory_space<hbm>> -> memref<80000x128xf32, #tpu.memory_space<hbm>>
      tpu.wait_indirect_dma semaphore(%arg13 : memref<!tpu.dma_semaphore, #tpu.memory_space<semaphore_mem>>) src(%dma_wait3A_408 : memref<80000x128xf32, #tpu.memory_space<hbm>>) dst(%arg11 : memref<128x128xf32, #tpu.memory_space<vmem>>)
      %add3A_409 = arith.constant 1 : i32
      %add3A_410 = arith.addi %mul3A_378, %add3A_409 : i32
      "tpu.region"() ({
        %run_scoped3A_411 = tpu.sem_alloc : memref<!tpu.dma_semaphore, #tpu.memory_space<semaphore_mem>>
        %dma_start3A_412 = arith.constant 0 : i32
        %dma_start3A_413 = tpu.memref_slice %arg9[%add3A_410, %dma_start3A_412] : memref<40x128xi32, #tpu.memory_space<vmem>> -> memref<1x128xi32, #tpu.memory_space<vmem>>
        %dma_start3A_414 = tpu.memref_squeeze %dma_start3A_413 : memref<1x128xi32, #tpu.memory_space<vmem>> -> memref<128xi32, #tpu.memory_space<vmem>>
        %dma_start3A_415 = arith.constant 0 : i32
        %dma_start3A_416 = arith.constant 0 : i32
        %dma_start3A_417 = tpu.memref_slice %arg7[%dma_start3A_415, %dma_start3A_416] : memref<10112x128xf32, #tpu.memory_space<vmem_shared>> -> memref<10112x128xf32, #tpu.memory_space<vmem_shared>>
        tpu.enqueue_indirect_dma source(%arg11 : memref<128x128xf32, #tpu.memory_space<vmem>>) target(%dma_start3A_417 : memref<10112x128xf32, #tpu.memory_space<vmem_shared>>) offsets(%dma_start3A_414 : memref<128xi32, #tpu.memory_space<vmem>>) semaphore(%run_scoped3A_411 : memref<!tpu.dma_semaphore, #tpu.memory_space<semaphore_mem>>) {add = true}
        %dma_wait3A_418 = arith.constant 0 : i32
        %dma_wait3A_419 = tpu.memref_slice %arg9[%add3A_410, %dma_wait3A_418] : memref<40x128xi32, #tpu.memory_space<vmem>> -> memref<1x128xi32, #tpu.memory_space<vmem>>
        %dma_wait3A_420 = tpu.memref_squeeze %dma_wait3A_419 : memref<1x128xi32, #tpu.memory_space<vmem>> -> memref<128xi32, #tpu.memory_space<vmem>>
        %dma_wait3A_421 = arith.constant 0 : i32
        %dma_wait3A_422 = arith.constant 0 : i32
        %dma_wait3A_423 = tpu.memref_slice %arg7[%dma_wait3A_421, %dma_wait3A_422] : memref<10112x128xf32, #tpu.memory_space<vmem_shared>> -> memref<10112x128xf32, #tpu.memory_space<vmem_shared>>
        tpu.wait_indirect_dma semaphore(%run_scoped3A_411 : memref<!tpu.dma_semaphore, #tpu.memory_space<semaphore_mem>>) src(%arg11 : memref<128x128xf32, #tpu.memory_space<vmem>>) dst(%dma_wait3A_423 : memref<10112x128xf32, #tpu.memory_space<vmem_shared>>)
        tpu.yield
      }) : () -> ()
    }
    %scan3A_51 = arith.constant 19 : i32
    %dma_start3A_52 = arith.constant 39 : i32
    %dma_start3A_53 = arith.constant 0 : i32
    %dma_start3A_54 = tpu.memref_slice %arg8[%dma_start3A_52, %dma_start3A_53] : memref<40x128xi32, #tpu.memory_space<vmem>> -> memref<1x128xi32, #tpu.memory_space<vmem>>
    %dma_start3A_55 = tpu.memref_squeeze %dma_start3A_54 : memref<1x128xi32, #tpu.memory_space<vmem>> -> memref<128xi32, #tpu.memory_space<vmem>>
    %dma_start3A_56 = arith.constant 0 : i32
    %dma_start3A_57 = arith.constant 0 : i32
    %dma_start3A_58 = tpu.memref_slice %arg2[%dma_start3A_56, %dma_start3A_57] : memref<80000x128xf32, #tpu.memory_space<hbm>> -> memref<80000x128xf32, #tpu.memory_space<hbm>>
    tpu.enqueue_indirect_dma source(%dma_start3A_58 : memref<80000x128xf32, #tpu.memory_space<hbm>>) target(%arg11 : memref<128x128xf32, #tpu.memory_space<vmem>>) offsets(%dma_start3A_55 : memref<128xi32, #tpu.memory_space<vmem>>) semaphore(%arg13 : memref<!tpu.dma_semaphore, #tpu.memory_space<semaphore_mem>>)
    %dma_wait3A_59 = arith.constant 38 : i32
    %dma_wait3A_60 = arith.constant 0 : i32
    %dma_wait3A_61 = tpu.memref_slice %arg8[%dma_wait3A_59, %dma_wait3A_60] : memref<40x128xi32, #tpu.memory_space<vmem>> -> memref<1x128xi32, #tpu.memory_space<vmem>>
    %dma_wait3A_62 = tpu.memref_squeeze %dma_wait3A_61 : memref<1x128xi32, #tpu.memory_space<vmem>> -> memref<128xi32, #tpu.memory_space<vmem>>
    %dma_wait3A_63 = arith.constant 0 : i32
    %dma_wait3A_64 = arith.constant 0 : i32
    %dma_wait3A_65 = tpu.memref_slice %arg2[%dma_wait3A_63, %dma_wait3A_64] : memref<80000x128xf32, #tpu.memory_space<hbm>> -> memref<80000x128xf32, #tpu.memory_space<hbm>>
    tpu.wait_indirect_dma semaphore(%arg12 : memref<!tpu.dma_semaphore, #tpu.memory_space<semaphore_mem>>) src(%dma_wait3A_65 : memref<80000x128xf32, #tpu.memory_space<hbm>>) dst(%arg10 : memref<128x128xf32, #tpu.memory_space<vmem>>)
    %run_scoped3A_66 = arith.constant 38 : i32
    "tpu.region"() ({
      %run_scoped3A_376 = tpu.sem_alloc : memref<!tpu.dma_semaphore, #tpu.memory_space<semaphore_mem>>
      %dma_start3A_377 = arith.constant 0 : i32
      %dma_start3A_378 = tpu.memref_slice %arg9[%run_scoped3A_66, %dma_start3A_377] : memref<40x128xi32, #tpu.memory_space<vmem>> -> memref<1x128xi32, #tpu.memory_space<vmem>>
      %dma_start3A_379 = tpu.memref_squeeze %dma_start3A_378 : memref<1x128xi32, #tpu.memory_space<vmem>> -> memref<128xi32, #tpu.memory_space<vmem>>
      %dma_start3A_380 = arith.constant 0 : i32
      %dma_start3A_381 = arith.constant 0 : i32
      %dma_start3A_382 = tpu.memref_slice %arg7[%dma_start3A_380, %dma_start3A_381] : memref<10112x128xf32, #tpu.memory_space<vmem_shared>> -> memref<10112x128xf32, #tpu.memory_space<vmem_shared>>
      tpu.enqueue_indirect_dma source(%arg10 : memref<128x128xf32, #tpu.memory_space<vmem>>) target(%dma_start3A_382 : memref<10112x128xf32, #tpu.memory_space<vmem_shared>>) offsets(%dma_start3A_379 : memref<128xi32, #tpu.memory_space<vmem>>) semaphore(%run_scoped3A_376 : memref<!tpu.dma_semaphore, #tpu.memory_space<semaphore_mem>>) {add = true}
      %dma_wait3A_383 = arith.constant 0 : i32
      %dma_wait3A_384 = tpu.memref_slice %arg9[%run_scoped3A_66, %dma_wait3A_383] : memref<40x128xi32, #tpu.memory_space<vmem>> -> memref<1x128xi32, #tpu.memory_space<vmem>>
      %dma_wait3A_385 = tpu.memref_squeeze %dma_wait3A_384 : memref<1x128xi32, #tpu.memory_space<vmem>> -> memref<128xi32, #tpu.memory_space<vmem>>
      %dma_wait3A_386 = arith.constant 0 : i32
      %dma_wait3A_387 = arith.constant 0 : i32
      %dma_wait3A_388 = tpu.memref_slice %arg7[%dma_wait3A_386, %dma_wait3A_387] : memref<10112x128xf32, #tpu.memory_space<vmem_shared>> -> memref<10112x128xf32, #tpu.memory_space<vmem_shared>>
      tpu.wait_indirect_dma semaphore(%run_scoped3A_376 : memref<!tpu.dma_semaphore, #tpu.memory_space<semaphore_mem>>) src(%arg10 : memref<128x128xf32, #tpu.memory_space<vmem>>) dst(%dma_wait3A_388 : memref<10112x128xf32, #tpu.memory_space<vmem_shared>>)
      tpu.yield
    }) : () -> ()
    %dma_wait3A_67 = arith.constant 39 : i32
    %dma_wait3A_68 = arith.constant 0 : i32
    %dma_wait3A_69 = tpu.memref_slice %arg8[%dma_wait3A_67, %dma_wait3A_68] : memref<40x128xi32, #tpu.memory_space<vmem>> -> memref<1x128xi32, #tpu.memory_space<vmem>>
    %dma_wait3A_70 = tpu.memref_squeeze %dma_wait3A_69 : memref<1x128xi32, #tpu.memory_space<vmem>> -> memref<128xi32, #tpu.memory_space<vmem>>
    %dma_wait3A_71 = arith.constant 0 : i32
    %dma_wait3A_72 = arith.constant 0 : i32
    %dma_wait3A_73 = tpu.memref_slice %arg2[%dma_wait3A_71, %dma_wait3A_72] : memref<80000x128xf32, #tpu.memory_space<hbm>> -> memref<80000x128xf32, #tpu.memory_space<hbm>>
    tpu.wait_indirect_dma semaphore(%arg13 : memref<!tpu.dma_semaphore, #tpu.memory_space<semaphore_mem>>) src(%dma_wait3A_73 : memref<80000x128xf32, #tpu.memory_space<hbm>>) dst(%arg11 : memref<128x128xf32, #tpu.memory_space<vmem>>)
    %run_scoped3A_74 = arith.constant 39 : i32
    "tpu.region"() ({
      %run_scoped3A_376 = tpu.sem_alloc : memref<!tpu.dma_semaphore, #tpu.memory_space<semaphore_mem>>
      %dma_start3A_377 = arith.constant 0 : i32
      %dma_start3A_378 = tpu.memref_slice %arg9[%run_scoped3A_74, %dma_start3A_377] : memref<40x128xi32, #tpu.memory_space<vmem>> -> memref<1x128xi32, #tpu.memory_space<vmem>>
      %dma_start3A_379 = tpu.memref_squeeze %dma_start3A_378 : memref<1x128xi32, #tpu.memory_space<vmem>> -> memref<128xi32, #tpu.memory_space<vmem>>
      %dma_start3A_380 = arith.constant 0 : i32
      %dma_start3A_381 = arith.constant 0 : i32
      %dma_start3A_382 = tpu.memref_slice %arg7[%dma_start3A_380, %dma_start3A_381] : memref<10112x128xf32, #tpu.memory_space<vmem_shared>> -> memref<10112x128xf32, #tpu.memory_space<vmem_shared>>
      tpu.enqueue_indirect_dma source(%arg11 : memref<128x128xf32, #tpu.memory_space<vmem>>) target(%dma_start3A_382 : memref<10112x128xf32, #tpu.memory_space<vmem_shared>>) offsets(%dma_start3A_379 : memref<128xi32, #tpu.memory_space<vmem>>) semaphore(%run_scoped3A_376 : memref<!tpu.dma_semaphore, #tpu.memory_space<semaphore_mem>>) {add = true}
      %dma_wait3A_383 = arith.constant 0 : i32
      %dma_wait3A_384 = tpu.memref_slice %arg9[%run_scoped3A_74, %dma_wait3A_383] : memref<40x128xi32, #tpu.memory_space<vmem>> -> memref<1x128xi32, #tpu.memory_space<vmem>>
      %dma_wait3A_385 = tpu.memref_squeeze %dma_wait3A_384 : memref<1x128xi32, #tpu.memory_space<vmem>> -> memref<128xi32, #tpu.memory_space<vmem>>
      %dma_wait3A_386 = arith.constant 0 : i32
      %dma_wait3A_387 = arith.constant 0 : i32
      %dma_wait3A_388 = tpu.memref_slice %arg7[%dma_wait3A_386, %dma_wait3A_387] : memref<10112x128xf32, #tpu.memory_space<vmem_shared>> -> memref<10112x128xf32, #tpu.memory_space<vmem_shared>>
      tpu.wait_indirect_dma semaphore(%run_scoped3A_376 : memref<!tpu.dma_semaphore, #tpu.memory_space<semaphore_mem>>) src(%arg11 : memref<128x128xf32, #tpu.memory_space<vmem>>) dst(%dma_wait3A_388 : memref<10112x128xf32, #tpu.memory_space<vmem_shared>>)
      tpu.yield
    }) : () -> ()
    %barrier3A_75 = arith.constant 0 : index
    tpu.barrier barrier_id(%barrier3A_75)
    %add3A = arith.constant 0 : i32
    %add3A_76 = arith.addi %add3A, %arg0 : i32
    %mul3A_77 = arith.constant 10000 : i32
    %mul3A_78 = arith.muli %add3A_76, %mul3A_77 : i32
    %lt3A = arith.constant 15 : i32
    %lt3A_79 = arith.cmpi slt, %arg1, %lt3A : i32
    %convert_element_type3A = arith.extui %lt3A_79 : i1 to i32
    %cond3A = arith.constant 0 : i32
    %cond3A_80 = arith.cmpi ne, %convert_element_type3A, %cond3A : i32
    scf.if %cond3A_80 {
      %mul3A_376 = arith.constant 624 : i32
      %mul3A_377 = arith.muli %arg1, %mul3A_376 : i32
      %mul3A_378 = arith.constant 624 : i32
      %mul3A_379 = arith.muli %arg1, %mul3A_378 : i32
      %add3A_380 = arith.addi %mul3A_78, %mul3A_379 : i32
      "tpu.region"() ({
        %run_scoped3A_381 = tpu.sem_alloc : memref<!tpu.dma_semaphore, #tpu.memory_space<semaphore_mem>>
        %dma_start3A_382 = arith.constant 0 : i32
        %dma_start3A_383 = tpu.memref_slice %arg6[%add3A_380, %dma_start3A_382] : memref<80000x128xf32, #tpu.memory_space<hbm>> -> memref<624x128xf32, #tpu.memory_space<hbm>>
        %dma_start3A_384 = arith.constant 0 : i32
        %dma_start3A_385 = tpu.memref_slice %arg7[%mul3A_377, %dma_start3A_384] : memref<10112x128xf32, #tpu.memory_space<vmem_shared>> -> memref<624x128xf32, #tpu.memory_space<vmem_shared>>
        tpu.enqueue_dma source(%dma_start3A_385 : memref<624x128xf32, #tpu.memory_space<vmem_shared>>) target(%dma_start3A_383 : memref<624x128xf32, #tpu.memory_space<hbm>>) target_semaphore(%run_scoped3A_381 : memref<!tpu.dma_semaphore, #tpu.memory_space<semaphore_mem>>)
        %dma_wait3A_386 = arith.constant 0 : i32
        %dma_wait3A_387 = tpu.memref_slice %arg6[%add3A_380, %dma_wait3A_386] : memref<80000x128xf32, #tpu.memory_space<hbm>> -> memref<624x128xf32, #tpu.memory_space<hbm>>
        %dma_wait3A_388 = arith.constant 0 : i32
        %dma_wait3A_389 = tpu.memref_slice %arg7[%mul3A_377, %dma_wait3A_388] : memref<10112x128xf32, #tpu.memory_space<vmem_shared>> -> memref<624x128xf32, #tpu.memory_space<vmem_shared>>
        tpu.wait_dma2 semaphore(%run_scoped3A_381 : memref<!tpu.dma_semaphore, #tpu.memory_space<semaphore_mem>>) src(%dma_wait3A_389 : memref<624x128xf32, #tpu.memory_space<vmem_shared>>) dst(%dma_wait3A_387 : memref<624x128xf32, #tpu.memory_space<hbm>>)
        tpu.yield
      }) : () -> ()
    } else {
    }
    %eq3A = arith.constant 15 : i32
    %eq3A_81 = arith.cmpi eq, %arg1, %eq3A : i32
    %convert_element_type3A_82 = arith.extui %eq3A_81 : i1 to i32
    %cond3A_83 = arith.constant 0 : i32
    %cond3A_84 = arith.cmpi ne, %convert_element_type3A_82, %cond3A_83 : i32
    scf.if %cond3A_84 {
      %add3A_376 = arith.constant 9360 : i32
      %add3A_377 = arith.addi %mul3A_78, %add3A_376 : i32
      "tpu.region"() ({
        %run_scoped3A_378 = tpu.sem_alloc : memref<!tpu.dma_semaphore, #tpu.memory_space<semaphore_mem>>
        %dma_start3A_379 = arith.constant 0 : i32
        %dma_start3A_380 = tpu.memref_slice %arg6[%add3A_377, %dma_start3A_379] : memref<80000x128xf32, #tpu.memory_space<hbm>> -> memref<640x128xf32, #tpu.memory_space<hbm>>
        %dma_start3A_381 = arith.constant 9360 : i32
        %dma_start3A_382 = arith.constant 0 : i32
        %dma_start3A_383 = tpu.memref_slice %arg7[%dma_start3A_381, %dma_start3A_382] : memref<10112x128xf32, #tpu.memory_space<vmem_shared>> -> memref<640x128xf32, #tpu.memory_space<vmem_shared>>
        tpu.enqueue_dma source(%dma_start3A_383 : memref<640x128xf32, #tpu.memory_space<vmem_shared>>) target(%dma_start3A_380 : memref<640x128xf32, #tpu.memory_space<hbm>>) target_semaphore(%run_scoped3A_378 : memref<!tpu.dma_semaphore, #tpu.memory_space<semaphore_mem>>)
        %dma_wait3A_384 = arith.constant 0 : i32
        %dma_wait3A_385 = tpu.memref_slice %arg6[%add3A_377, %dma_wait3A_384] : memref<80000x128xf32, #tpu.memory_space<hbm>> -> memref<640x128xf32, #tpu.memory_space<hbm>>
        %dma_wait3A_386 = arith.constant 9360 : i32
        %dma_wait3A_387 = arith.constant 0 : i32
        %dma_wait3A_388 = tpu.memref_slice %arg7[%dma_wait3A_386, %dma_wait3A_387] : memref<10112x128xf32, #tpu.memory_space<vmem_shared>> -> memref<640x128xf32, #tpu.memory_space<vmem_shared>>
        tpu.wait_dma2 semaphore(%run_scoped3A_378 : memref<!tpu.dma_semaphore, #tpu.memory_space<semaphore_mem>>) src(%dma_wait3A_388 : memref<640x128xf32, #tpu.memory_space<vmem_shared>>) dst(%dma_wait3A_385 : memref<640x128xf32, #tpu.memory_space<hbm>>)
        tpu.yield
      }) : () -> ()
    } else {
    }
    %barrier3A_85 = arith.constant 0 : index
    tpu.barrier barrier_id(%barrier3A_85)
    %mul3A_86 = arith.constant 632 : i32
    %mul3A_87 = arith.muli %arg1, %mul3A_86 : i32
    "tpu.region"() ({
      %run_scoped3A_376 = tpu.sem_alloc : memref<!tpu.dma_semaphore, #tpu.memory_space<semaphore_mem>>
      %dma_start3A_377 = arith.constant 0 : i32
      %dma_start3A_378 = tpu.memref_slice %arg7[%mul3A_87, %dma_start3A_377] : memref<10112x128xf32, #tpu.memory_space<vmem_shared>> -> memref<632x128xf32, #tpu.memory_space<vmem_shared>>
      tpu.enqueue_dma source(%arg5 : memref<632x128xf32, #tpu.memory_space<hbm>>) target(%dma_start3A_378 : memref<632x128xf32, #tpu.memory_space<vmem_shared>>) target_semaphore(%run_scoped3A_376 : memref<!tpu.dma_semaphore, #tpu.memory_space<semaphore_mem>>)
      %dma_wait3A_379 = arith.constant 0 : i32
      %dma_wait3A_380 = tpu.memref_slice %arg7[%mul3A_87, %dma_wait3A_379] : memref<10112x128xf32, #tpu.memory_space<vmem_shared>> -> memref<632x128xf32, #tpu.memory_space<vmem_shared>>
      tpu.wait_dma2 semaphore(%run_scoped3A_376 : memref<!tpu.dma_semaphore, #tpu.memory_space<semaphore_mem>>) src(%arg5 : memref<632x128xf32, #tpu.memory_space<hbm>>) dst(%dma_wait3A_380 : memref<632x128xf32, #tpu.memory_space<vmem_shared>>)
      tpu.yield
    }) : () -> ()
    %barrier3A_88 = arith.constant 0 : index
    tpu.barrier barrier_id(%barrier3A_88)
    %run_scoped3A_89 = arith.constant 1 : i32
    %run_scoped3A_90 = arith.constant 0 : i32
    "tpu.region"() ({
      %run_scoped3A_376 = tpu.sem_alloc : memref<!tpu.dma_semaphore, #tpu.memory_space<semaphore_mem>>
      %dma_start3A_377 = arith.constant 0 : i32
      %dma_start3A_378 = arith.constant 0 : i32
      %dma_start3A_379 = tpu.memref_slice %arg3[%run_scoped3A_89, %arg0, %arg1, %run_scoped3A_90, %dma_start3A_377, %dma_start3A_378] : memref<4x2x16x2x40x128xi32, #tpu.memory_space<hbm>> -> memref<1x1x1x1x40x128xi32, #tpu.memory_space<hbm>>
      %dma_start3A_380 = tpu.memref_squeeze %dma_start3A_379 : memref<1x1x1x1x40x128xi32, #tpu.memory_space<hbm>> -> memref<40x128xi32, #tpu.memory_space<hbm>>
      %dma_start3A_381 = arith.constant 0 : i32
      %dma_start3A_382 = arith.constant 0 : i32
      %dma_start3A_383 = tpu.memref_slice %arg3[%run_scoped3A_89, %arg0, %arg1, %run_scoped3A_90, %dma_start3A_381, %dma_start3A_382] : memref<4x2x16x2x40x128xi32, #tpu.memory_space<hbm>> -> memref<1x1x1x1x40x128xi32, #tpu.memory_space<hbm>>
      %dma_start3A_384 = tpu.memref_squeeze %dma_start3A_383 : memref<1x1x1x1x40x128xi32, #tpu.memory_space<hbm>> -> memref<40x128xi32, #tpu.memory_space<hbm>>
      tpu.enqueue_dma source(%dma_start3A_384 : memref<40x128xi32, #tpu.memory_space<hbm>>) target(%arg8 : memref<40x128xi32, #tpu.memory_space<vmem>>) target_semaphore(%run_scoped3A_376 : memref<!tpu.dma_semaphore, #tpu.memory_space<semaphore_mem>>)
      %dma_wait3A_385 = arith.constant 0 : i32
      %dma_wait3A_386 = arith.constant 0 : i32
      %dma_wait3A_387 = tpu.memref_slice %arg3[%run_scoped3A_89, %arg0, %arg1, %run_scoped3A_90, %dma_wait3A_385, %dma_wait3A_386] : memref<4x2x16x2x40x128xi32, #tpu.memory_space<hbm>> -> memref<1x1x1x1x40x128xi32, #tpu.memory_space<hbm>>
      %dma_wait3A_388 = tpu.memref_squeeze %dma_wait3A_387 : memref<1x1x1x1x40x128xi32, #tpu.memory_space<hbm>> -> memref<40x128xi32, #tpu.memory_space<hbm>>
      %dma_wait3A_389 = arith.constant 0 : i32
      %dma_wait3A_390 = arith.constant 0 : i32
      %dma_wait3A_391 = tpu.memref_slice %arg3[%run_scoped3A_89, %arg0, %arg1, %run_scoped3A_90, %dma_wait3A_389, %dma_wait3A_390] : memref<4x2x16x2x40x128xi32, #tpu.memory_space<hbm>> -> memref<1x1x1x1x40x128xi32, #tpu.memory_space<hbm>>
      %dma_wait3A_392 = tpu.memref_squeeze %dma_wait3A_391 : memref<1x1x1x1x40x128xi32, #tpu.memory_space<hbm>> -> memref<40x128xi32, #tpu.memory_space<hbm>>
      tpu.wait_dma2 semaphore(%run_scoped3A_376 : memref<!tpu.dma_semaphore, #tpu.memory_space<semaphore_mem>>) src(%dma_wait3A_392 : memref<40x128xi32, #tpu.memory_space<hbm>>) dst(%arg8 : memref<40x128xi32, #tpu.memory_space<vmem>>)
      tpu.yield
    }) : () -> ()
    %run_scoped3A_91 = arith.constant 0 : i32
    "tpu.region"() ({
      %run_scoped3A_376 = tpu.sem_alloc : memref<!tpu.dma_semaphore, #tpu.memory_space<semaphore_mem>>
      %dma_start3A_377 = arith.constant 0 : i32
      %dma_start3A_378 = arith.constant 0 : i32
      %dma_start3A_379 = tpu.memref_slice %arg4[%arg1, %run_scoped3A_91, %dma_start3A_377, %dma_start3A_378] : memref<16x2x40x128xi32, #tpu.memory_space<hbm>> -> memref<1x1x40x128xi32, #tpu.memory_space<hbm>>
      %dma_start3A_380 = tpu.memref_squeeze %dma_start3A_379 : memref<1x1x40x128xi32, #tpu.memory_space<hbm>> -> memref<40x128xi32, #tpu.memory_space<hbm>>
      %dma_start3A_381 = arith.constant 0 : i32
      %dma_start3A_382 = arith.constant 0 : i32
      %dma_start3A_383 = tpu.memref_slice %arg4[%arg1, %run_scoped3A_91, %dma_start3A_381, %dma_start3A_382] : memref<16x2x40x128xi32, #tpu.memory_space<hbm>> -> memref<1x1x40x128xi32, #tpu.memory_space<hbm>>
      %dma_start3A_384 = tpu.memref_squeeze %dma_start3A_383 : memref<1x1x40x128xi32, #tpu.memory_space<hbm>> -> memref<40x128xi32, #tpu.memory_space<hbm>>
      tpu.enqueue_dma source(%dma_start3A_384 : memref<40x128xi32, #tpu.memory_space<hbm>>) target(%arg9 : memref<40x128xi32, #tpu.memory_space<vmem>>) target_semaphore(%run_scoped3A_376 : memref<!tpu.dma_semaphore, #tpu.memory_space<semaphore_mem>>)
      %dma_wait3A_385 = arith.constant 0 : i32
      %dma_wait3A_386 = arith.constant 0 : i32
      %dma_wait3A_387 = tpu.memref_slice %arg4[%arg1, %run_scoped3A_91, %dma_wait3A_385, %dma_wait3A_386] : memref<16x2x40x128xi32, #tpu.memory_space<hbm>> -> memref<1x1x40x128xi32, #tpu.memory_space<hbm>>
      %dma_wait3A_388 = tpu.memref_squeeze %dma_wait3A_387 : memref<1x1x40x128xi32, #tpu.memory_space<hbm>> -> memref<40x128xi32, #tpu.memory_space<hbm>>
      %dma_wait3A_389 = arith.constant 0 : i32
      %dma_wait3A_390 = arith.constant 0 : i32
      %dma_wait3A_391 = tpu.memref_slice %arg4[%arg1, %run_scoped3A_91, %dma_wait3A_389, %dma_wait3A_390] : memref<16x2x40x128xi32, #tpu.memory_space<hbm>> -> memref<1x1x40x128xi32, #tpu.memory_space<hbm>>
      %dma_wait3A_392 = tpu.memref_squeeze %dma_wait3A_391 : memref<1x1x40x128xi32, #tpu.memory_space<hbm>> -> memref<40x128xi32, #tpu.memory_space<hbm>>
      tpu.wait_dma2 semaphore(%run_scoped3A_376 : memref<!tpu.dma_semaphore, #tpu.memory_space<semaphore_mem>>) src(%dma_wait3A_392 : memref<40x128xi32, #tpu.memory_space<hbm>>) dst(%arg9 : memref<40x128xi32, #tpu.memory_space<vmem>>)
      tpu.yield
    }) : () -> ()
    %dma_start3A_92 = arith.constant 0 : i32
    %dma_start3A_93 = arith.constant 0 : i32
    %dma_start3A_94 = tpu.memref_slice %arg8[%dma_start3A_92, %dma_start3A_93] : memref<40x128xi32, #tpu.memory_space<vmem>> -> memref<1x128xi32, #tpu.memory_space<vmem>>
    %dma_start3A_95 = tpu.memref_squeeze %dma_start3A_94 : memref<1x128xi32, #tpu.memory_space<vmem>> -> memref<128xi32, #tpu.memory_space<vmem>>
    %dma_start3A_96 = arith.constant 0 : i32
    %dma_start3A_97 = arith.constant 0 : i32
    %dma_start3A_98 = tpu.memref_slice %arg2[%dma_start3A_96, %dma_start3A_97] : memref<80000x128xf32, #tpu.memory_space<hbm>> -> memref<80000x128xf32, #tpu.memory_space<hbm>>
    tpu.enqueue_indirect_dma source(%dma_start3A_98 : memref<80000x128xf32, #tpu.memory_space<hbm>>) target(%arg10 : memref<128x128xf32, #tpu.memory_space<vmem>>) offsets(%dma_start3A_95 : memref<128xi32, #tpu.memory_space<vmem>>) semaphore(%arg12 : memref<!tpu.dma_semaphore, #tpu.memory_space<semaphore_mem>>)
    %scan3A_99 = arith.constant 0 : i32
    %scan3A_100 = arith.constant 0 : i32
    %scan3A_101 = arith.constant 19 : i32
    %scan3A_102 = arith.addi %scan3A_100, %scan3A_101 : i32
    %scan3A_103 = arith.constant 1 : i32
    scf.for %scan3A_376 = %scan3A_100 to %scan3A_102 step %scan3A_103  : i32 {
      %mul3A_377 = arith.constant 2 : i32
      %mul3A_378 = arith.muli %mul3A_377, %scan3A_376 : i32
      %add3A_379 = arith.constant 1 : i32
      %add3A_380 = arith.addi %mul3A_378, %add3A_379 : i32
      %dma_start3A_381 = arith.constant 0 : i32
      %dma_start3A_382 = tpu.memref_slice %arg8[%add3A_380, %dma_start3A_381] : memref<40x128xi32, #tpu.memory_space<vmem>> -> memref<1x128xi32, #tpu.memory_space<vmem>>
      %dma_start3A_383 = tpu.memref_squeeze %dma_start3A_382 : memref<1x128xi32, #tpu.memory_space<vmem>> -> memref<128xi32, #tpu.memory_space<vmem>>
      %dma_start3A_384 = arith.constant 0 : i32
      %dma_start3A_385 = arith.constant 0 : i32
      %dma_start3A_386 = tpu.memref_slice %arg2[%dma_start3A_384, %dma_start3A_385] : memref<80000x128xf32, #tpu.memory_space<hbm>> -> memref<80000x128xf32, #tpu.memory_space<hbm>>
      tpu.enqueue_indirect_dma source(%dma_start3A_386 : memref<80000x128xf32, #tpu.memory_space<hbm>>) target(%arg11 : memref<128x128xf32, #tpu.memory_space<vmem>>) offsets(%dma_start3A_383 : memref<128xi32, #tpu.memory_space<vmem>>) semaphore(%arg13 : memref<!tpu.dma_semaphore, #tpu.memory_space<semaphore_mem>>)
      %dma_wait3A_387 = arith.constant 0 : i32
      %dma_wait3A_388 = tpu.memref_slice %arg8[%mul3A_378, %dma_wait3A_387] : memref<40x128xi32, #tpu.memory_space<vmem>> -> memref<1x128xi32, #tpu.memory_space<vmem>>
      %dma_wait3A_389 = tpu.memref_squeeze %dma_wait3A_388 : memref<1x128xi32, #tpu.memory_space<vmem>> -> memref<128xi32, #tpu.memory_space<vmem>>
      %dma_wait3A_390 = arith.constant 0 : i32
      %dma_wait3A_391 = arith.constant 0 : i32
      %dma_wait3A_392 = tpu.memref_slice %arg2[%dma_wait3A_390, %dma_wait3A_391] : memref<80000x128xf32, #tpu.memory_space<hbm>> -> memref<80000x128xf32, #tpu.memory_space<hbm>>
      tpu.wait_indirect_dma semaphore(%arg12 : memref<!tpu.dma_semaphore, #tpu.memory_space<semaphore_mem>>) src(%dma_wait3A_392 : memref<80000x128xf32, #tpu.memory_space<hbm>>) dst(%arg10 : memref<128x128xf32, #tpu.memory_space<vmem>>)
      "tpu.region"() ({
        %run_scoped3A_411 = tpu.sem_alloc : memref<!tpu.dma_semaphore, #tpu.memory_space<semaphore_mem>>
        %dma_start3A_412 = arith.constant 0 : i32
        %dma_start3A_413 = tpu.memref_slice %arg9[%mul3A_378, %dma_start3A_412] : memref<40x128xi32, #tpu.memory_space<vmem>> -> memref<1x128xi32, #tpu.memory_space<vmem>>
        %dma_start3A_414 = tpu.memref_squeeze %dma_start3A_413 : memref<1x128xi32, #tpu.memory_space<vmem>> -> memref<128xi32, #tpu.memory_space<vmem>>
        %dma_start3A_415 = arith.constant 0 : i32
        %dma_start3A_416 = arith.constant 0 : i32
        %dma_start3A_417 = tpu.memref_slice %arg7[%dma_start3A_415, %dma_start3A_416] : memref<10112x128xf32, #tpu.memory_space<vmem_shared>> -> memref<10112x128xf32, #tpu.memory_space<vmem_shared>>
        tpu.enqueue_indirect_dma source(%arg10 : memref<128x128xf32, #tpu.memory_space<vmem>>) target(%dma_start3A_417 : memref<10112x128xf32, #tpu.memory_space<vmem_shared>>) offsets(%dma_start3A_414 : memref<128xi32, #tpu.memory_space<vmem>>) semaphore(%run_scoped3A_411 : memref<!tpu.dma_semaphore, #tpu.memory_space<semaphore_mem>>) {add = true}
        %dma_wait3A_418 = arith.constant 0 : i32
        %dma_wait3A_419 = tpu.memref_slice %arg9[%mul3A_378, %dma_wait3A_418] : memref<40x128xi32, #tpu.memory_space<vmem>> -> memref<1x128xi32, #tpu.memory_space<vmem>>
        %dma_wait3A_420 = tpu.memref_squeeze %dma_wait3A_419 : memref<1x128xi32, #tpu.memory_space<vmem>> -> memref<128xi32, #tpu.memory_space<vmem>>
        %dma_wait3A_421 = arith.constant 0 : i32
        %dma_wait3A_422 = arith.constant 0 : i32
        %dma_wait3A_423 = tpu.memref_slice %arg7[%dma_wait3A_421, %dma_wait3A_422] : memref<10112x128xf32, #tpu.memory_space<vmem_shared>> -> memref<10112x128xf32, #tpu.memory_space<vmem_shared>>
        tpu.wait_indirect_dma semaphore(%run_scoped3A_411 : memref<!tpu.dma_semaphore, #tpu.memory_space<semaphore_mem>>) src(%arg10 : memref<128x128xf32, #tpu.memory_space<vmem>>) dst(%dma_wait3A_423 : memref<10112x128xf32, #tpu.memory_space<vmem_shared>>)
        tpu.yield
      }) : () -> ()
      %add3A_393 = arith.constant 2 : i32
      %add3A_394 = arith.addi %mul3A_378, %add3A_393 : i32
      %dma_start3A_395 = arith.constant 0 : i32
      %dma_start3A_396 = tpu.memref_slice %arg8[%add3A_394, %dma_start3A_395] : memref<40x128xi32, #tpu.memory_space<vmem>> -> memref<1x128xi32, #tpu.memory_space<vmem>>
      %dma_start3A_397 = tpu.memref_squeeze %dma_start3A_396 : memref<1x128xi32, #tpu.memory_space<vmem>> -> memref<128xi32, #tpu.memory_space<vmem>>
      %dma_start3A_398 = arith.constant 0 : i32
      %dma_start3A_399 = arith.constant 0 : i32
      %dma_start3A_400 = tpu.memref_slice %arg2[%dma_start3A_398, %dma_start3A_399] : memref<80000x128xf32, #tpu.memory_space<hbm>> -> memref<80000x128xf32, #tpu.memory_space<hbm>>
      tpu.enqueue_indirect_dma source(%dma_start3A_400 : memref<80000x128xf32, #tpu.memory_space<hbm>>) target(%arg10 : memref<128x128xf32, #tpu.memory_space<vmem>>) offsets(%dma_start3A_397 : memref<128xi32, #tpu.memory_space<vmem>>) semaphore(%arg12 : memref<!tpu.dma_semaphore, #tpu.memory_space<semaphore_mem>>)
      %add3A_401 = arith.constant 1 : i32
      %add3A_402 = arith.addi %mul3A_378, %add3A_401 : i32
      %dma_wait3A_403 = arith.constant 0 : i32
      %dma_wait3A_404 = tpu.memref_slice %arg8[%add3A_402, %dma_wait3A_403] : memref<40x128xi32, #tpu.memory_space<vmem>> -> memref<1x128xi32, #tpu.memory_space<vmem>>
      %dma_wait3A_405 = tpu.memref_squeeze %dma_wait3A_404 : memref<1x128xi32, #tpu.memory_space<vmem>> -> memref<128xi32, #tpu.memory_space<vmem>>
      %dma_wait3A_406 = arith.constant 0 : i32
      %dma_wait3A_407 = arith.constant 0 : i32
      %dma_wait3A_408 = tpu.memref_slice %arg2[%dma_wait3A_406, %dma_wait3A_407] : memref<80000x128xf32, #tpu.memory_space<hbm>> -> memref<80000x128xf32, #tpu.memory_space<hbm>>
      tpu.wait_indirect_dma semaphore(%arg13 : memref<!tpu.dma_semaphore, #tpu.memory_space<semaphore_mem>>) src(%dma_wait3A_408 : memref<80000x128xf32, #tpu.memory_space<hbm>>) dst(%arg11 : memref<128x128xf32, #tpu.memory_space<vmem>>)
      %add3A_409 = arith.constant 1 : i32
      %add3A_410 = arith.addi %mul3A_378, %add3A_409 : i32
      "tpu.region"() ({
        %run_scoped3A_411 = tpu.sem_alloc : memref<!tpu.dma_semaphore, #tpu.memory_space<semaphore_mem>>
        %dma_start3A_412 = arith.constant 0 : i32
        %dma_start3A_413 = tpu.memref_slice %arg9[%add3A_410, %dma_start3A_412] : memref<40x128xi32, #tpu.memory_space<vmem>> -> memref<1x128xi32, #tpu.memory_space<vmem>>
        %dma_start3A_414 = tpu.memref_squeeze %dma_start3A_413 : memref<1x128xi32, #tpu.memory_space<vmem>> -> memref<128xi32, #tpu.memory_space<vmem>>
        %dma_start3A_415 = arith.constant 0 : i32
        %dma_start3A_416 = arith.constant 0 : i32
        %dma_start3A_417 = tpu.memref_slice %arg7[%dma_start3A_415, %dma_start3A_416] : memref<10112x128xf32, #tpu.memory_space<vmem_shared>> -> memref<10112x128xf32, #tpu.memory_space<vmem_shared>>
        tpu.enqueue_indirect_dma source(%arg11 : memref<128x128xf32, #tpu.memory_space<vmem>>) target(%dma_start3A_417 : memref<10112x128xf32, #tpu.memory_space<vmem_shared>>) offsets(%dma_start3A_414 : memref<128xi32, #tpu.memory_space<vmem>>) semaphore(%run_scoped3A_411 : memref<!tpu.dma_semaphore, #tpu.memory_space<semaphore_mem>>) {add = true}
        %dma_wait3A_418 = arith.constant 0 : i32
        %dma_wait3A_419 = tpu.memref_slice %arg9[%add3A_410, %dma_wait3A_418] : memref<40x128xi32, #tpu.memory_space<vmem>> -> memref<1x128xi32, #tpu.memory_space<vmem>>
        %dma_wait3A_420 = tpu.memref_squeeze %dma_wait3A_419 : memref<1x128xi32, #tpu.memory_space<vmem>> -> memref<128xi32, #tpu.memory_space<vmem>>
        %dma_wait3A_421 = arith.constant 0 : i32
        %dma_wait3A_422 = arith.constant 0 : i32
        %dma_wait3A_423 = tpu.memref_slice %arg7[%dma_wait3A_421, %dma_wait3A_422] : memref<10112x128xf32, #tpu.memory_space<vmem_shared>> -> memref<10112x128xf32, #tpu.memory_space<vmem_shared>>
        tpu.wait_indirect_dma semaphore(%run_scoped3A_411 : memref<!tpu.dma_semaphore, #tpu.memory_space<semaphore_mem>>) src(%arg11 : memref<128x128xf32, #tpu.memory_space<vmem>>) dst(%dma_wait3A_423 : memref<10112x128xf32, #tpu.memory_space<vmem_shared>>)
        tpu.yield
      }) : () -> ()
    }
    %scan3A_104 = arith.constant 19 : i32
    %dma_start3A_105 = arith.constant 39 : i32
    %dma_start3A_106 = arith.constant 0 : i32
    %dma_start3A_107 = tpu.memref_slice %arg8[%dma_start3A_105, %dma_start3A_106] : memref<40x128xi32, #tpu.memory_space<vmem>> -> memref<1x128xi32, #tpu.memory_space<vmem>>
    %dma_start3A_108 = tpu.memref_squeeze %dma_start3A_107 : memref<1x128xi32, #tpu.memory_space<vmem>> -> memref<128xi32, #tpu.memory_space<vmem>>
    %dma_start3A_109 = arith.constant 0 : i32
    %dma_start3A_110 = arith.constant 0 : i32
    %dma_start3A_111 = tpu.memref_slice %arg2[%dma_start3A_109, %dma_start3A_110] : memref<80000x128xf32, #tpu.memory_space<hbm>> -> memref<80000x128xf32, #tpu.memory_space<hbm>>
    tpu.enqueue_indirect_dma source(%dma_start3A_111 : memref<80000x128xf32, #tpu.memory_space<hbm>>) target(%arg11 : memref<128x128xf32, #tpu.memory_space<vmem>>) offsets(%dma_start3A_108 : memref<128xi32, #tpu.memory_space<vmem>>) semaphore(%arg13 : memref<!tpu.dma_semaphore, #tpu.memory_space<semaphore_mem>>)
    %dma_wait3A_112 = arith.constant 38 : i32
    %dma_wait3A_113 = arith.constant 0 : i32
    %dma_wait3A_114 = tpu.memref_slice %arg8[%dma_wait3A_112, %dma_wait3A_113] : memref<40x128xi32, #tpu.memory_space<vmem>> -> memref<1x128xi32, #tpu.memory_space<vmem>>
    %dma_wait3A_115 = tpu.memref_squeeze %dma_wait3A_114 : memref<1x128xi32, #tpu.memory_space<vmem>> -> memref<128xi32, #tpu.memory_space<vmem>>
    %dma_wait3A_116 = arith.constant 0 : i32
    %dma_wait3A_117 = arith.constant 0 : i32
    %dma_wait3A_118 = tpu.memref_slice %arg2[%dma_wait3A_116, %dma_wait3A_117] : memref<80000x128xf32, #tpu.memory_space<hbm>> -> memref<80000x128xf32, #tpu.memory_space<hbm>>
    tpu.wait_indirect_dma semaphore(%arg12 : memref<!tpu.dma_semaphore, #tpu.memory_space<semaphore_mem>>) src(%dma_wait3A_118 : memref<80000x128xf32, #tpu.memory_space<hbm>>) dst(%arg10 : memref<128x128xf32, #tpu.memory_space<vmem>>)
    %run_scoped3A_119 = arith.constant 38 : i32
    "tpu.region"() ({
      %run_scoped3A_376 = tpu.sem_alloc : memref<!tpu.dma_semaphore, #tpu.memory_space<semaphore_mem>>
      %dma_start3A_377 = arith.constant 0 : i32
      %dma_start3A_378 = tpu.memref_slice %arg9[%run_scoped3A_119, %dma_start3A_377] : memref<40x128xi32, #tpu.memory_space<vmem>> -> memref<1x128xi32, #tpu.memory_space<vmem>>
      %dma_start3A_379 = tpu.memref_squeeze %dma_start3A_378 : memref<1x128xi32, #tpu.memory_space<vmem>> -> memref<128xi32, #tpu.memory_space<vmem>>
      %dma_start3A_380 = arith.constant 0 : i32
      %dma_start3A_381 = arith.constant 0 : i32
      %dma_start3A_382 = tpu.memref_slice %arg7[%dma_start3A_380, %dma_start3A_381] : memref<10112x128xf32, #tpu.memory_space<vmem_shared>> -> memref<10112x128xf32, #tpu.memory_space<vmem_shared>>
      tpu.enqueue_indirect_dma source(%arg10 : memref<128x128xf32, #tpu.memory_space<vmem>>) target(%dma_start3A_382 : memref<10112x128xf32, #tpu.memory_space<vmem_shared>>) offsets(%dma_start3A_379 : memref<128xi32, #tpu.memory_space<vmem>>) semaphore(%run_scoped3A_376 : memref<!tpu.dma_semaphore, #tpu.memory_space<semaphore_mem>>) {add = true}
      %dma_wait3A_383 = arith.constant 0 : i32
      %dma_wait3A_384 = tpu.memref_slice %arg9[%run_scoped3A_119, %dma_wait3A_383] : memref<40x128xi32, #tpu.memory_space<vmem>> -> memref<1x128xi32, #tpu.memory_space<vmem>>
      %dma_wait3A_385 = tpu.memref_squeeze %dma_wait3A_384 : memref<1x128xi32, #tpu.memory_space<vmem>> -> memref<128xi32, #tpu.memory_space<vmem>>
      %dma_wait3A_386 = arith.constant 0 : i32
      %dma_wait3A_387 = arith.constant 0 : i32
      %dma_wait3A_388 = tpu.memref_slice %arg7[%dma_wait3A_386, %dma_wait3A_387] : memref<10112x128xf32, #tpu.memory_space<vmem_shared>> -> memref<10112x128xf32, #tpu.memory_space<vmem_shared>>
      tpu.wait_indirect_dma semaphore(%run_scoped3A_376 : memref<!tpu.dma_semaphore, #tpu.memory_space<semaphore_mem>>) src(%arg10 : memref<128x128xf32, #tpu.memory_space<vmem>>) dst(%dma_wait3A_388 : memref<10112x128xf32, #tpu.memory_space<vmem_shared>>)
      tpu.yield
    }) : () -> ()
    %dma_wait3A_120 = arith.constant 39 : i32
    %dma_wait3A_121 = arith.constant 0 : i32
    %dma_wait3A_122 = tpu.memref_slice %arg8[%dma_wait3A_120, %dma_wait3A_121] : memref<40x128xi32, #tpu.memory_space<vmem>> -> memref<1x128xi32, #tpu.memory_space<vmem>>
    %dma_wait3A_123 = tpu.memref_squeeze %dma_wait3A_122 : memref<1x128xi32, #tpu.memory_space<vmem>> -> memref<128xi32, #tpu.memory_space<vmem>>
    %dma_wait3A_124 = arith.constant 0 : i32
    %dma_wait3A_125 = arith.constant 0 : i32
    %dma_wait3A_126 = tpu.memref_slice %arg2[%dma_wait3A_124, %dma_wait3A_125] : memref<80000x128xf32, #tpu.memory_space<hbm>> -> memref<80000x128xf32, #tpu.memory_space<hbm>>
    tpu.wait_indirect_dma semaphore(%arg13 : memref<!tpu.dma_semaphore, #tpu.memory_space<semaphore_mem>>) src(%dma_wait3A_126 : memref<80000x128xf32, #tpu.memory_space<hbm>>) dst(%arg11 : memref<128x128xf32, #tpu.memory_space<vmem>>)
    %run_scoped3A_127 = arith.constant 39 : i32
    "tpu.region"() ({
      %run_scoped3A_376 = tpu.sem_alloc : memref<!tpu.dma_semaphore, #tpu.memory_space<semaphore_mem>>
      %dma_start3A_377 = arith.constant 0 : i32
      %dma_start3A_378 = tpu.memref_slice %arg9[%run_scoped3A_127, %dma_start3A_377] : memref<40x128xi32, #tpu.memory_space<vmem>> -> memref<1x128xi32, #tpu.memory_space<vmem>>
      %dma_start3A_379 = tpu.memref_squeeze %dma_start3A_378 : memref<1x128xi32, #tpu.memory_space<vmem>> -> memref<128xi32, #tpu.memory_space<vmem>>
      %dma_start3A_380 = arith.constant 0 : i32
      %dma_start3A_381 = arith.constant 0 : i32
      %dma_start3A_382 = tpu.memref_slice %arg7[%dma_start3A_380, %dma_start3A_381] : memref<10112x128xf32, #tpu.memory_space<vmem_shared>> -> memref<10112x128xf32, #tpu.memory_space<vmem_shared>>
      tpu.enqueue_indirect_dma source(%arg11 : memref<128x128xf32, #tpu.memory_space<vmem>>) target(%dma_start3A_382 : memref<10112x128xf32, #tpu.memory_space<vmem_shared>>) offsets(%dma_start3A_379 : memref<128xi32, #tpu.memory_space<vmem>>) semaphore(%run_scoped3A_376 : memref<!tpu.dma_semaphore, #tpu.memory_space<semaphore_mem>>) {add = true}
      %dma_wait3A_383 = arith.constant 0 : i32
      %dma_wait3A_384 = tpu.memref_slice %arg9[%run_scoped3A_127, %dma_wait3A_383] : memref<40x128xi32, #tpu.memory_space<vmem>> -> memref<1x128xi32, #tpu.memory_space<vmem>>
      %dma_wait3A_385 = tpu.memref_squeeze %dma_wait3A_384 : memref<1x128xi32, #tpu.memory_space<vmem>> -> memref<128xi32, #tpu.memory_space<vmem>>
      %dma_wait3A_386 = arith.constant 0 : i32
      %dma_wait3A_387 = arith.constant 0 : i32
      %dma_wait3A_388 = tpu.memref_slice %arg7[%dma_wait3A_386, %dma_wait3A_387] : memref<10112x128xf32, #tpu.memory_space<vmem_shared>> -> memref<10112x128xf32, #tpu.memory_space<vmem_shared>>
      tpu.wait_indirect_dma semaphore(%run_scoped3A_376 : memref<!tpu.dma_semaphore, #tpu.memory_space<semaphore_mem>>) src(%arg11 : memref<128x128xf32, #tpu.memory_space<vmem>>) dst(%dma_wait3A_388 : memref<10112x128xf32, #tpu.memory_space<vmem_shared>>)
      tpu.yield
    }) : () -> ()
    %run_scoped3A_128 = arith.constant 1 : i32
    %run_scoped3A_129 = arith.constant 1 : i32
    "tpu.region"() ({
      %run_scoped3A_376 = tpu.sem_alloc : memref<!tpu.dma_semaphore, #tpu.memory_space<semaphore_mem>>
      %dma_start3A_377 = arith.constant 0 : i32
      %dma_start3A_378 = arith.constant 0 : i32
      %dma_start3A_379 = tpu.memref_slice %arg3[%run_scoped3A_128, %arg0, %arg1, %run_scoped3A_129, %dma_start3A_377, %dma_start3A_378] : memref<4x2x16x2x40x128xi32, #tpu.memory_space<hbm>> -> memref<1x1x1x1x40x128xi32, #tpu.memory_space<hbm>>
      %dma_start3A_380 = tpu.memref_squeeze %dma_start3A_379 : memref<1x1x1x1x40x128xi32, #tpu.memory_space<hbm>> -> memref<40x128xi32, #tpu.memory_space<hbm>>
      %dma_start3A_381 = arith.constant 0 : i32
      %dma_start3A_382 = arith.constant 0 : i32
      %dma_start3A_383 = tpu.memref_slice %arg3[%run_scoped3A_128, %arg0, %arg1, %run_scoped3A_129, %dma_start3A_381, %dma_start3A_382] : memref<4x2x16x2x40x128xi32, #tpu.memory_space<hbm>> -> memref<1x1x1x1x40x128xi32, #tpu.memory_space<hbm>>
      %dma_start3A_384 = tpu.memref_squeeze %dma_start3A_383 : memref<1x1x1x1x40x128xi32, #tpu.memory_space<hbm>> -> memref<40x128xi32, #tpu.memory_space<hbm>>
      tpu.enqueue_dma source(%dma_start3A_384 : memref<40x128xi32, #tpu.memory_space<hbm>>) target(%arg8 : memref<40x128xi32, #tpu.memory_space<vmem>>) target_semaphore(%run_scoped3A_376 : memref<!tpu.dma_semaphore, #tpu.memory_space<semaphore_mem>>)
      %dma_wait3A_385 = arith.constant 0 : i32
      %dma_wait3A_386 = arith.constant 0 : i32
      %dma_wait3A_387 = tpu.memref_slice %arg3[%run_scoped3A_128, %arg0, %arg1, %run_scoped3A_129, %dma_wait3A_385, %dma_wait3A_386] : memref<4x2x16x2x40x128xi32, #tpu.memory_space<hbm>> -> memref<1x1x1x1x40x128xi32, #tpu.memory_space<hbm>>
      %dma_wait3A_388 = tpu.memref_squeeze %dma_wait3A_387 : memref<1x1x1x1x40x128xi32, #tpu.memory_space<hbm>> -> memref<40x128xi32, #tpu.memory_space<hbm>>
      %dma_wait3A_389 = arith.constant 0 : i32
      %dma_wait3A_390 = arith.constant 0 : i32
      %dma_wait3A_391 = tpu.memref_slice %arg3[%run_scoped3A_128, %arg0, %arg1, %run_scoped3A_129, %dma_wait3A_389, %dma_wait3A_390] : memref<4x2x16x2x40x128xi32, #tpu.memory_space<hbm>> -> memref<1x1x1x1x40x128xi32, #tpu.memory_space<hbm>>
      %dma_wait3A_392 = tpu.memref_squeeze %dma_wait3A_391 : memref<1x1x1x1x40x128xi32, #tpu.memory_space<hbm>> -> memref<40x128xi32, #tpu.memory_space<hbm>>
      tpu.wait_dma2 semaphore(%run_scoped3A_376 : memref<!tpu.dma_semaphore, #tpu.memory_space<semaphore_mem>>) src(%dma_wait3A_392 : memref<40x128xi32, #tpu.memory_space<hbm>>) dst(%arg8 : memref<40x128xi32, #tpu.memory_space<vmem>>)
      tpu.yield
    }) : () -> ()
    %run_scoped3A_130 = arith.constant 1 : i32
    "tpu.region"() ({
      %run_scoped3A_376 = tpu.sem_alloc : memref<!tpu.dma_semaphore, #tpu.memory_space<semaphore_mem>>
      %dma_start3A_377 = arith.constant 0 : i32
      %dma_start3A_378 = arith.constant 0 : i32
      %dma_start3A_379 = tpu.memref_slice %arg4[%arg1, %run_scoped3A_130, %dma_start3A_377, %dma_start3A_378] : memref<16x2x40x128xi32, #tpu.memory_space<hbm>> -> memref<1x1x40x128xi32, #tpu.memory_space<hbm>>
      %dma_start3A_380 = tpu.memref_squeeze %dma_start3A_379 : memref<1x1x40x128xi32, #tpu.memory_space<hbm>> -> memref<40x128xi32, #tpu.memory_space<hbm>>
      %dma_start3A_381 = arith.constant 0 : i32
      %dma_start3A_382 = arith.constant 0 : i32
      %dma_start3A_383 = tpu.memref_slice %arg4[%arg1, %run_scoped3A_130, %dma_start3A_381, %dma_start3A_382] : memref<16x2x40x128xi32, #tpu.memory_space<hbm>> -> memref<1x1x40x128xi32, #tpu.memory_space<hbm>>
      %dma_start3A_384 = tpu.memref_squeeze %dma_start3A_383 : memref<1x1x40x128xi32, #tpu.memory_space<hbm>> -> memref<40x128xi32, #tpu.memory_space<hbm>>
      tpu.enqueue_dma source(%dma_start3A_384 : memref<40x128xi32, #tpu.memory_space<hbm>>) target(%arg9 : memref<40x128xi32, #tpu.memory_space<vmem>>) target_semaphore(%run_scoped3A_376 : memref<!tpu.dma_semaphore, #tpu.memory_space<semaphore_mem>>)
      %dma_wait3A_385 = arith.constant 0 : i32
      %dma_wait3A_386 = arith.constant 0 : i32
      %dma_wait3A_387 = tpu.memref_slice %arg4[%arg1, %run_scoped3A_130, %dma_wait3A_385, %dma_wait3A_386] : memref<16x2x40x128xi32, #tpu.memory_space<hbm>> -> memref<1x1x40x128xi32, #tpu.memory_space<hbm>>
      %dma_wait3A_388 = tpu.memref_squeeze %dma_wait3A_387 : memref<1x1x40x128xi32, #tpu.memory_space<hbm>> -> memref<40x128xi32, #tpu.memory_space<hbm>>
      %dma_wait3A_389 = arith.constant 0 : i32
      %dma_wait3A_390 = arith.constant 0 : i32
      %dma_wait3A_391 = tpu.memref_slice %arg4[%arg1, %run_scoped3A_130, %dma_wait3A_389, %dma_wait3A_390] : memref<16x2x40x128xi32, #tpu.memory_space<hbm>> -> memref<1x1x40x128xi32, #tpu.memory_space<hbm>>
      %dma_wait3A_392 = tpu.memref_squeeze %dma_wait3A_391 : memref<1x1x40x128xi32, #tpu.memory_space<hbm>> -> memref<40x128xi32, #tpu.memory_space<hbm>>
      tpu.wait_dma2 semaphore(%run_scoped3A_376 : memref<!tpu.dma_semaphore, #tpu.memory_space<semaphore_mem>>) src(%dma_wait3A_392 : memref<40x128xi32, #tpu.memory_space<hbm>>) dst(%arg9 : memref<40x128xi32, #tpu.memory_space<vmem>>)
      tpu.yield
    }) : () -> ()
    %dma_start3A_131 = arith.constant 0 : i32
    %dma_start3A_132 = arith.constant 0 : i32
    %dma_start3A_133 = tpu.memref_slice %arg8[%dma_start3A_131, %dma_start3A_132] : memref<40x128xi32, #tpu.memory_space<vmem>> -> memref<1x128xi32, #tpu.memory_space<vmem>>
    %dma_start3A_134 = tpu.memref_squeeze %dma_start3A_133 : memref<1x128xi32, #tpu.memory_space<vmem>> -> memref<128xi32, #tpu.memory_space<vmem>>
    %dma_start3A_135 = arith.constant 0 : i32
    %dma_start3A_136 = arith.constant 0 : i32
    %dma_start3A_137 = tpu.memref_slice %arg2[%dma_start3A_135, %dma_start3A_136] : memref<80000x128xf32, #tpu.memory_space<hbm>> -> memref<80000x128xf32, #tpu.memory_space<hbm>>
    tpu.enqueue_indirect_dma source(%dma_start3A_137 : memref<80000x128xf32, #tpu.memory_space<hbm>>) target(%arg10 : memref<128x128xf32, #tpu.memory_space<vmem>>) offsets(%dma_start3A_134 : memref<128xi32, #tpu.memory_space<vmem>>) semaphore(%arg12 : memref<!tpu.dma_semaphore, #tpu.memory_space<semaphore_mem>>)
    %scan3A_138 = arith.constant 0 : i32
    %scan3A_139 = arith.constant 0 : i32
    %scan3A_140 = arith.constant 19 : i32
    %scan3A_141 = arith.addi %scan3A_139, %scan3A_140 : i32
    %scan3A_142 = arith.constant 1 : i32
    scf.for %scan3A_376 = %scan3A_139 to %scan3A_141 step %scan3A_142  : i32 {
      %mul3A_377 = arith.constant 2 : i32
      %mul3A_378 = arith.muli %mul3A_377, %scan3A_376 : i32
      %add3A_379 = arith.constant 1 : i32
      %add3A_380 = arith.addi %mul3A_378, %add3A_379 : i32
      %dma_start3A_381 = arith.constant 0 : i32
      %dma_start3A_382 = tpu.memref_slice %arg8[%add3A_380, %dma_start3A_381] : memref<40x128xi32, #tpu.memory_space<vmem>> -> memref<1x128xi32, #tpu.memory_space<vmem>>
      %dma_start3A_383 = tpu.memref_squeeze %dma_start3A_382 : memref<1x128xi32, #tpu.memory_space<vmem>> -> memref<128xi32, #tpu.memory_space<vmem>>
      %dma_start3A_384 = arith.constant 0 : i32
      %dma_start3A_385 = arith.constant 0 : i32
      %dma_start3A_386 = tpu.memref_slice %arg2[%dma_start3A_384, %dma_start3A_385] : memref<80000x128xf32, #tpu.memory_space<hbm>> -> memref<80000x128xf32, #tpu.memory_space<hbm>>
      tpu.enqueue_indirect_dma source(%dma_start3A_386 : memref<80000x128xf32, #tpu.memory_space<hbm>>) target(%arg11 : memref<128x128xf32, #tpu.memory_space<vmem>>) offsets(%dma_start3A_383 : memref<128xi32, #tpu.memory_space<vmem>>) semaphore(%arg13 : memref<!tpu.dma_semaphore, #tpu.memory_space<semaphore_mem>>)
      %dma_wait3A_387 = arith.constant 0 : i32
      %dma_wait3A_388 = tpu.memref_slice %arg8[%mul3A_378, %dma_wait3A_387] : memref<40x128xi32, #tpu.memory_space<vmem>> -> memref<1x128xi32, #tpu.memory_space<vmem>>
      %dma_wait3A_389 = tpu.memref_squeeze %dma_wait3A_388 : memref<1x128xi32, #tpu.memory_space<vmem>> -> memref<128xi32, #tpu.memory_space<vmem>>
      %dma_wait3A_390 = arith.constant 0 : i32
      %dma_wait3A_391 = arith.constant 0 : i32
      %dma_wait3A_392 = tpu.memref_slice %arg2[%dma_wait3A_390, %dma_wait3A_391] : memref<80000x128xf32, #tpu.memory_space<hbm>> -> memref<80000x128xf32, #tpu.memory_space<hbm>>
      tpu.wait_indirect_dma semaphore(%arg12 : memref<!tpu.dma_semaphore, #tpu.memory_space<semaphore_mem>>) src(%dma_wait3A_392 : memref<80000x128xf32, #tpu.memory_space<hbm>>) dst(%arg10 : memref<128x128xf32, #tpu.memory_space<vmem>>)
      "tpu.region"() ({
        %run_scoped3A_411 = tpu.sem_alloc : memref<!tpu.dma_semaphore, #tpu.memory_space<semaphore_mem>>
        %dma_start3A_412 = arith.constant 0 : i32
        %dma_start3A_413 = tpu.memref_slice %arg9[%mul3A_378, %dma_start3A_412] : memref<40x128xi32, #tpu.memory_space<vmem>> -> memref<1x128xi32, #tpu.memory_space<vmem>>
        %dma_start3A_414 = tpu.memref_squeeze %dma_start3A_413 : memref<1x128xi32, #tpu.memory_space<vmem>> -> memref<128xi32, #tpu.memory_space<vmem>>
        %dma_start3A_415 = arith.constant 0 : i32
        %dma_start3A_416 = arith.constant 0 : i32
        %dma_start3A_417 = tpu.memref_slice %arg7[%dma_start3A_415, %dma_start3A_416] : memref<10112x128xf32, #tpu.memory_space<vmem_shared>> -> memref<10112x128xf32, #tpu.memory_space<vmem_shared>>
        tpu.enqueue_indirect_dma source(%arg10 : memref<128x128xf32, #tpu.memory_space<vmem>>) target(%dma_start3A_417 : memref<10112x128xf32, #tpu.memory_space<vmem_shared>>) offsets(%dma_start3A_414 : memref<128xi32, #tpu.memory_space<vmem>>) semaphore(%run_scoped3A_411 : memref<!tpu.dma_semaphore, #tpu.memory_space<semaphore_mem>>) {add = true}
        %dma_wait3A_418 = arith.constant 0 : i32
        %dma_wait3A_419 = tpu.memref_slice %arg9[%mul3A_378, %dma_wait3A_418] : memref<40x128xi32, #tpu.memory_space<vmem>> -> memref<1x128xi32, #tpu.memory_space<vmem>>
        %dma_wait3A_420 = tpu.memref_squeeze %dma_wait3A_419 : memref<1x128xi32, #tpu.memory_space<vmem>> -> memref<128xi32, #tpu.memory_space<vmem>>
        %dma_wait3A_421 = arith.constant 0 : i32
        %dma_wait3A_422 = arith.constant 0 : i32
        %dma_wait3A_423 = tpu.memref_slice %arg7[%dma_wait3A_421, %dma_wait3A_422] : memref<10112x128xf32, #tpu.memory_space<vmem_shared>> -> memref<10112x128xf32, #tpu.memory_space<vmem_shared>>
        tpu.wait_indirect_dma semaphore(%run_scoped3A_411 : memref<!tpu.dma_semaphore, #tpu.memory_space<semaphore_mem>>) src(%arg10 : memref<128x128xf32, #tpu.memory_space<vmem>>) dst(%dma_wait3A_423 : memref<10112x128xf32, #tpu.memory_space<vmem_shared>>)
        tpu.yield
      }) : () -> ()
      %add3A_393 = arith.constant 2 : i32
      %add3A_394 = arith.addi %mul3A_378, %add3A_393 : i32
      %dma_start3A_395 = arith.constant 0 : i32
      %dma_start3A_396 = tpu.memref_slice %arg8[%add3A_394, %dma_start3A_395] : memref<40x128xi32, #tpu.memory_space<vmem>> -> memref<1x128xi32, #tpu.memory_space<vmem>>
      %dma_start3A_397 = tpu.memref_squeeze %dma_start3A_396 : memref<1x128xi32, #tpu.memory_space<vmem>> -> memref<128xi32, #tpu.memory_space<vmem>>
      %dma_start3A_398 = arith.constant 0 : i32
      %dma_start3A_399 = arith.constant 0 : i32
      %dma_start3A_400 = tpu.memref_slice %arg2[%dma_start3A_398, %dma_start3A_399] : memref<80000x128xf32, #tpu.memory_space<hbm>> -> memref<80000x128xf32, #tpu.memory_space<hbm>>
      tpu.enqueue_indirect_dma source(%dma_start3A_400 : memref<80000x128xf32, #tpu.memory_space<hbm>>) target(%arg10 : memref<128x128xf32, #tpu.memory_space<vmem>>) offsets(%dma_start3A_397 : memref<128xi32, #tpu.memory_space<vmem>>) semaphore(%arg12 : memref<!tpu.dma_semaphore, #tpu.memory_space<semaphore_mem>>)
      %add3A_401 = arith.constant 1 : i32
      %add3A_402 = arith.addi %mul3A_378, %add3A_401 : i32
      %dma_wait3A_403 = arith.constant 0 : i32
      %dma_wait3A_404 = tpu.memref_slice %arg8[%add3A_402, %dma_wait3A_403] : memref<40x128xi32, #tpu.memory_space<vmem>> -> memref<1x128xi32, #tpu.memory_space<vmem>>
      %dma_wait3A_405 = tpu.memref_squeeze %dma_wait3A_404 : memref<1x128xi32, #tpu.memory_space<vmem>> -> memref<128xi32, #tpu.memory_space<vmem>>
      %dma_wait3A_406 = arith.constant 0 : i32
      %dma_wait3A_407 = arith.constant 0 : i32
      %dma_wait3A_408 = tpu.memref_slice %arg2[%dma_wait3A_406, %dma_wait3A_407] : memref<80000x128xf32, #tpu.memory_space<hbm>> -> memref<80000x128xf32, #tpu.memory_space<hbm>>
      tpu.wait_indirect_dma semaphore(%arg13 : memref<!tpu.dma_semaphore, #tpu.memory_space<semaphore_mem>>) src(%dma_wait3A_408 : memref<80000x128xf32, #tpu.memory_space<hbm>>) dst(%arg11 : memref<128x128xf32, #tpu.memory_space<vmem>>)
      %add3A_409 = arith.constant 1 : i32
      %add3A_410 = arith.addi %mul3A_378, %add3A_409 : i32
      "tpu.region"() ({
        %run_scoped3A_411 = tpu.sem_alloc : memref<!tpu.dma_semaphore, #tpu.memory_space<semaphore_mem>>
        %dma_start3A_412 = arith.constant 0 : i32
        %dma_start3A_413 = tpu.memref_slice %arg9[%add3A_410, %dma_start3A_412] : memref<40x128xi32, #tpu.memory_space<vmem>> -> memref<1x128xi32, #tpu.memory_space<vmem>>
        %dma_start3A_414 = tpu.memref_squeeze %dma_start3A_413 : memref<1x128xi32, #tpu.memory_space<vmem>> -> memref<128xi32, #tpu.memory_space<vmem>>
        %dma_start3A_415 = arith.constant 0 : i32
        %dma_start3A_416 = arith.constant 0 : i32
        %dma_start3A_417 = tpu.memref_slice %arg7[%dma_start3A_415, %dma_start3A_416] : memref<10112x128xf32, #tpu.memory_space<vmem_shared>> -> memref<10112x128xf32, #tpu.memory_space<vmem_shared>>
        tpu.enqueue_indirect_dma source(%arg11 : memref<128x128xf32, #tpu.memory_space<vmem>>) target(%dma_start3A_417 : memref<10112x128xf32, #tpu.memory_space<vmem_shared>>) offsets(%dma_start3A_414 : memref<128xi32, #tpu.memory_space<vmem>>) semaphore(%run_scoped3A_411 : memref<!tpu.dma_semaphore, #tpu.memory_space<semaphore_mem>>) {add = true}
        %dma_wait3A_418 = arith.constant 0 : i32
        %dma_wait3A_419 = tpu.memref_slice %arg9[%add3A_410, %dma_wait3A_418] : memref<40x128xi32, #tpu.memory_space<vmem>> -> memref<1x128xi32, #tpu.memory_space<vmem>>
        %dma_wait3A_420 = tpu.memref_squeeze %dma_wait3A_419 : memref<1x128xi32, #tpu.memory_space<vmem>> -> memref<128xi32, #tpu.memory_space<vmem>>
        %dma_wait3A_421 = arith.constant 0 : i32
        %dma_wait3A_422 = arith.constant 0 : i32
        %dma_wait3A_423 = tpu.memref_slice %arg7[%dma_wait3A_421, %dma_wait3A_422] : memref<10112x128xf32, #tpu.memory_space<vmem_shared>> -> memref<10112x128xf32, #tpu.memory_space<vmem_shared>>
        tpu.wait_indirect_dma semaphore(%run_scoped3A_411 : memref<!tpu.dma_semaphore, #tpu.memory_space<semaphore_mem>>) src(%arg11 : memref<128x128xf32, #tpu.memory_space<vmem>>) dst(%dma_wait3A_423 : memref<10112x128xf32, #tpu.memory_space<vmem_shared>>)
        tpu.yield
      }) : () -> ()
    }
    %scan3A_143 = arith.constant 19 : i32
    %dma_start3A_144 = arith.constant 39 : i32
    %dma_start3A_145 = arith.constant 0 : i32
    %dma_start3A_146 = tpu.memref_slice %arg8[%dma_start3A_144, %dma_start3A_145] : memref<40x128xi32, #tpu.memory_space<vmem>> -> memref<1x128xi32, #tpu.memory_space<vmem>>
    %dma_start3A_147 = tpu.memref_squeeze %dma_start3A_146 : memref<1x128xi32, #tpu.memory_space<vmem>> -> memref<128xi32, #tpu.memory_space<vmem>>
    %dma_start3A_148 = arith.constant 0 : i32
    %dma_start3A_149 = arith.constant 0 : i32
    %dma_start3A_150 = tpu.memref_slice %arg2[%dma_start3A_148, %dma_start3A_149] : memref<80000x128xf32, #tpu.memory_space<hbm>> -> memref<80000x128xf32, #tpu.memory_space<hbm>>
    tpu.enqueue_indirect_dma source(%dma_start3A_150 : memref<80000x128xf32, #tpu.memory_space<hbm>>) target(%arg11 : memref<128x128xf32, #tpu.memory_space<vmem>>) offsets(%dma_start3A_147 : memref<128xi32, #tpu.memory_space<vmem>>) semaphore(%arg13 : memref<!tpu.dma_semaphore, #tpu.memory_space<semaphore_mem>>)
    %dma_wait3A_151 = arith.constant 38 : i32
    %dma_wait3A_152 = arith.constant 0 : i32
    %dma_wait3A_153 = tpu.memref_slice %arg8[%dma_wait3A_151, %dma_wait3A_152] : memref<40x128xi32, #tpu.memory_space<vmem>> -> memref<1x128xi32, #tpu.memory_space<vmem>>
    %dma_wait3A_154 = tpu.memref_squeeze %dma_wait3A_153 : memref<1x128xi32, #tpu.memory_space<vmem>> -> memref<128xi32, #tpu.memory_space<vmem>>
    %dma_wait3A_155 = arith.constant 0 : i32
    %dma_wait3A_156 = arith.constant 0 : i32
    %dma_wait3A_157 = tpu.memref_slice %arg2[%dma_wait3A_155, %dma_wait3A_156] : memref<80000x128xf32, #tpu.memory_space<hbm>> -> memref<80000x128xf32, #tpu.memory_space<hbm>>
    tpu.wait_indirect_dma semaphore(%arg12 : memref<!tpu.dma_semaphore, #tpu.memory_space<semaphore_mem>>) src(%dma_wait3A_157 : memref<80000x128xf32, #tpu.memory_space<hbm>>) dst(%arg10 : memref<128x128xf32, #tpu.memory_space<vmem>>)
    %run_scoped3A_158 = arith.constant 38 : i32
    "tpu.region"() ({
      %run_scoped3A_376 = tpu.sem_alloc : memref<!tpu.dma_semaphore, #tpu.memory_space<semaphore_mem>>
      %dma_start3A_377 = arith.constant 0 : i32
      %dma_start3A_378 = tpu.memref_slice %arg9[%run_scoped3A_158, %dma_start3A_377] : memref<40x128xi32, #tpu.memory_space<vmem>> -> memref<1x128xi32, #tpu.memory_space<vmem>>
      %dma_start3A_379 = tpu.memref_squeeze %dma_start3A_378 : memref<1x128xi32, #tpu.memory_space<vmem>> -> memref<128xi32, #tpu.memory_space<vmem>>
      %dma_start3A_380 = arith.constant 0 : i32
      %dma_start3A_381 = arith.constant 0 : i32
      %dma_start3A_382 = tpu.memref_slice %arg7[%dma_start3A_380, %dma_start3A_381] : memref<10112x128xf32, #tpu.memory_space<vmem_shared>> -> memref<10112x128xf32, #tpu.memory_space<vmem_shared>>
      tpu.enqueue_indirect_dma source(%arg10 : memref<128x128xf32, #tpu.memory_space<vmem>>) target(%dma_start3A_382 : memref<10112x128xf32, #tpu.memory_space<vmem_shared>>) offsets(%dma_start3A_379 : memref<128xi32, #tpu.memory_space<vmem>>) semaphore(%run_scoped3A_376 : memref<!tpu.dma_semaphore, #tpu.memory_space<semaphore_mem>>) {add = true}
      %dma_wait3A_383 = arith.constant 0 : i32
      %dma_wait3A_384 = tpu.memref_slice %arg9[%run_scoped3A_158, %dma_wait3A_383] : memref<40x128xi32, #tpu.memory_space<vmem>> -> memref<1x128xi32, #tpu.memory_space<vmem>>
      %dma_wait3A_385 = tpu.memref_squeeze %dma_wait3A_384 : memref<1x128xi32, #tpu.memory_space<vmem>> -> memref<128xi32, #tpu.memory_space<vmem>>
      %dma_wait3A_386 = arith.constant 0 : i32
      %dma_wait3A_387 = arith.constant 0 : i32
      %dma_wait3A_388 = tpu.memref_slice %arg7[%dma_wait3A_386, %dma_wait3A_387] : memref<10112x128xf32, #tpu.memory_space<vmem_shared>> -> memref<10112x128xf32, #tpu.memory_space<vmem_shared>>
      tpu.wait_indirect_dma semaphore(%run_scoped3A_376 : memref<!tpu.dma_semaphore, #tpu.memory_space<semaphore_mem>>) src(%arg10 : memref<128x128xf32, #tpu.memory_space<vmem>>) dst(%dma_wait3A_388 : memref<10112x128xf32, #tpu.memory_space<vmem_shared>>)
      tpu.yield
    }) : () -> ()
    %dma_wait3A_159 = arith.constant 39 : i32
    %dma_wait3A_160 = arith.constant 0 : i32
    %dma_wait3A_161 = tpu.memref_slice %arg8[%dma_wait3A_159, %dma_wait3A_160] : memref<40x128xi32, #tpu.memory_space<vmem>> -> memref<1x128xi32, #tpu.memory_space<vmem>>
    %dma_wait3A_162 = tpu.memref_squeeze %dma_wait3A_161 : memref<1x128xi32, #tpu.memory_space<vmem>> -> memref<128xi32, #tpu.memory_space<vmem>>
    %dma_wait3A_163 = arith.constant 0 : i32
    %dma_wait3A_164 = arith.constant 0 : i32
    %dma_wait3A_165 = tpu.memref_slice %arg2[%dma_wait3A_163, %dma_wait3A_164] : memref<80000x128xf32, #tpu.memory_space<hbm>> -> memref<80000x128xf32, #tpu.memory_space<hbm>>
    tpu.wait_indirect_dma semaphore(%arg13 : memref<!tpu.dma_semaphore, #tpu.memory_space<semaphore_mem>>) src(%dma_wait3A_165 : memref<80000x128xf32, #tpu.memory_space<hbm>>) dst(%arg11 : memref<128x128xf32, #tpu.memory_space<vmem>>)
    %run_scoped3A_166 = arith.constant 39 : i32
    "tpu.region"() ({
      %run_scoped3A_376 = tpu.sem_alloc : memref<!tpu.dma_semaphore, #tpu.memory_space<semaphore_mem>>
      %dma_start3A_377 = arith.constant 0 : i32
      %dma_start3A_378 = tpu.memref_slice %arg9[%run_scoped3A_166, %dma_start3A_377] : memref<40x128xi32, #tpu.memory_space<vmem>> -> memref<1x128xi32, #tpu.memory_space<vmem>>
      %dma_start3A_379 = tpu.memref_squeeze %dma_start3A_378 : memref<1x128xi32, #tpu.memory_space<vmem>> -> memref<128xi32, #tpu.memory_space<vmem>>
      %dma_start3A_380 = arith.constant 0 : i32
      %dma_start3A_381 = arith.constant 0 : i32
      %dma_start3A_382 = tpu.memref_slice %arg7[%dma_start3A_380, %dma_start3A_381] : memref<10112x128xf32, #tpu.memory_space<vmem_shared>> -> memref<10112x128xf32, #tpu.memory_space<vmem_shared>>
      tpu.enqueue_indirect_dma source(%arg11 : memref<128x128xf32, #tpu.memory_space<vmem>>) target(%dma_start3A_382 : memref<10112x128xf32, #tpu.memory_space<vmem_shared>>) offsets(%dma_start3A_379 : memref<128xi32, #tpu.memory_space<vmem>>) semaphore(%run_scoped3A_376 : memref<!tpu.dma_semaphore, #tpu.memory_space<semaphore_mem>>) {add = true}
      %dma_wait3A_383 = arith.constant 0 : i32
      %dma_wait3A_384 = tpu.memref_slice %arg9[%run_scoped3A_166, %dma_wait3A_383] : memref<40x128xi32, #tpu.memory_space<vmem>> -> memref<1x128xi32, #tpu.memory_space<vmem>>
      %dma_wait3A_385 = tpu.memref_squeeze %dma_wait3A_384 : memref<1x128xi32, #tpu.memory_space<vmem>> -> memref<128xi32, #tpu.memory_space<vmem>>
      %dma_wait3A_386 = arith.constant 0 : i32
      %dma_wait3A_387 = arith.constant 0 : i32
      %dma_wait3A_388 = tpu.memref_slice %arg7[%dma_wait3A_386, %dma_wait3A_387] : memref<10112x128xf32, #tpu.memory_space<vmem_shared>> -> memref<10112x128xf32, #tpu.memory_space<vmem_shared>>
      tpu.wait_indirect_dma semaphore(%run_scoped3A_376 : memref<!tpu.dma_semaphore, #tpu.memory_space<semaphore_mem>>) src(%arg11 : memref<128x128xf32, #tpu.memory_space<vmem>>) dst(%dma_wait3A_388 : memref<10112x128xf32, #tpu.memory_space<vmem_shared>>)
      tpu.yield
    }) : () -> ()
    %barrier3A_167 = arith.constant 0 : index
    tpu.barrier barrier_id(%barrier3A_167)
    %add3A_168 = arith.constant 2 : i32
    %add3A_169 = arith.addi %add3A_168, %arg0 : i32
    %mul3A_170 = arith.constant 10000 : i32
    %mul3A_171 = arith.muli %add3A_169, %mul3A_170 : i32
    %lt3A_172 = arith.constant 15 : i32
    %lt3A_173 = arith.cmpi slt, %arg1, %lt3A_172 : i32
    %convert_element_type3A_174 = arith.extui %lt3A_173 : i1 to i32
    %cond3A_175 = arith.constant 0 : i32
    %cond3A_176 = arith.cmpi ne, %convert_element_type3A_174, %cond3A_175 : i32
    scf.if %cond3A_176 {
      %mul3A_376 = arith.constant 624 : i32
      %mul3A_377 = arith.muli %arg1, %mul3A_376 : i32
      %mul3A_378 = arith.constant 624 : i32
      %mul3A_379 = arith.muli %arg1, %mul3A_378 : i32
      %add3A_380 = arith.addi %mul3A_171, %mul3A_379 : i32
      "tpu.region"() ({
        %run_scoped3A_381 = tpu.sem_alloc : memref<!tpu.dma_semaphore, #tpu.memory_space<semaphore_mem>>
        %dma_start3A_382 = arith.constant 0 : i32
        %dma_start3A_383 = tpu.memref_slice %arg6[%add3A_380, %dma_start3A_382] : memref<80000x128xf32, #tpu.memory_space<hbm>> -> memref<624x128xf32, #tpu.memory_space<hbm>>
        %dma_start3A_384 = arith.constant 0 : i32
        %dma_start3A_385 = tpu.memref_slice %arg7[%mul3A_377, %dma_start3A_384] : memref<10112x128xf32, #tpu.memory_space<vmem_shared>> -> memref<624x128xf32, #tpu.memory_space<vmem_shared>>
        tpu.enqueue_dma source(%dma_start3A_385 : memref<624x128xf32, #tpu.memory_space<vmem_shared>>) target(%dma_start3A_383 : memref<624x128xf32, #tpu.memory_space<hbm>>) target_semaphore(%run_scoped3A_381 : memref<!tpu.dma_semaphore, #tpu.memory_space<semaphore_mem>>)
        %dma_wait3A_386 = arith.constant 0 : i32
        %dma_wait3A_387 = tpu.memref_slice %arg6[%add3A_380, %dma_wait3A_386] : memref<80000x128xf32, #tpu.memory_space<hbm>> -> memref<624x128xf32, #tpu.memory_space<hbm>>
        %dma_wait3A_388 = arith.constant 0 : i32
        %dma_wait3A_389 = tpu.memref_slice %arg7[%mul3A_377, %dma_wait3A_388] : memref<10112x128xf32, #tpu.memory_space<vmem_shared>> -> memref<624x128xf32, #tpu.memory_space<vmem_shared>>
        tpu.wait_dma2 semaphore(%run_scoped3A_381 : memref<!tpu.dma_semaphore, #tpu.memory_space<semaphore_mem>>) src(%dma_wait3A_389 : memref<624x128xf32, #tpu.memory_space<vmem_shared>>) dst(%dma_wait3A_387 : memref<624x128xf32, #tpu.memory_space<hbm>>)
        tpu.yield
      }) : () -> ()
    } else {
    }
    %eq3A_177 = arith.constant 15 : i32
    %eq3A_178 = arith.cmpi eq, %arg1, %eq3A_177 : i32
    %convert_element_type3A_179 = arith.extui %eq3A_178 : i1 to i32
    %cond3A_180 = arith.constant 0 : i32
    %cond3A_181 = arith.cmpi ne, %convert_element_type3A_179, %cond3A_180 : i32
    scf.if %cond3A_181 {
      %add3A_376 = arith.constant 9360 : i32
      %add3A_377 = arith.addi %mul3A_171, %add3A_376 : i32
      "tpu.region"() ({
        %run_scoped3A_378 = tpu.sem_alloc : memref<!tpu.dma_semaphore, #tpu.memory_space<semaphore_mem>>
        %dma_start3A_379 = arith.constant 0 : i32
        %dma_start3A_380 = tpu.memref_slice %arg6[%add3A_377, %dma_start3A_379] : memref<80000x128xf32, #tpu.memory_space<hbm>> -> memref<640x128xf32, #tpu.memory_space<hbm>>
        %dma_start3A_381 = arith.constant 9360 : i32
        %dma_start3A_382 = arith.constant 0 : i32
        %dma_start3A_383 = tpu.memref_slice %arg7[%dma_start3A_381, %dma_start3A_382] : memref<10112x128xf32, #tpu.memory_space<vmem_shared>> -> memref<640x128xf32, #tpu.memory_space<vmem_shared>>
        tpu.enqueue_dma source(%dma_start3A_383 : memref<640x128xf32, #tpu.memory_space<vmem_shared>>) target(%dma_start3A_380 : memref<640x128xf32, #tpu.memory_space<hbm>>) target_semaphore(%run_scoped3A_378 : memref<!tpu.dma_semaphore, #tpu.memory_space<semaphore_mem>>)
        %dma_wait3A_384 = arith.constant 0 : i32
        %dma_wait3A_385 = tpu.memref_slice %arg6[%add3A_377, %dma_wait3A_384] : memref<80000x128xf32, #tpu.memory_space<hbm>> -> memref<640x128xf32, #tpu.memory_space<hbm>>
        %dma_wait3A_386 = arith.constant 9360 : i32
        %dma_wait3A_387 = arith.constant 0 : i32
        %dma_wait3A_388 = tpu.memref_slice %arg7[%dma_wait3A_386, %dma_wait3A_387] : memref<10112x128xf32, #tpu.memory_space<vmem_shared>> -> memref<640x128xf32, #tpu.memory_space<vmem_shared>>
        tpu.wait_dma2 semaphore(%run_scoped3A_378 : memref<!tpu.dma_semaphore, #tpu.memory_space<semaphore_mem>>) src(%dma_wait3A_388 : memref<640x128xf32, #tpu.memory_space<vmem_shared>>) dst(%dma_wait3A_385 : memref<640x128xf32, #tpu.memory_space<hbm>>)
        tpu.yield
      }) : () -> ()
    } else {
    }
    %barrier3A_182 = arith.constant 0 : index
    tpu.barrier barrier_id(%barrier3A_182)
    %mul3A_183 = arith.constant 632 : i32
    %mul3A_184 = arith.muli %arg1, %mul3A_183 : i32
    "tpu.region"() ({
      %run_scoped3A_376 = tpu.sem_alloc : memref<!tpu.dma_semaphore, #tpu.memory_space<semaphore_mem>>
      %dma_start3A_377 = arith.constant 0 : i32
      %dma_start3A_378 = tpu.memref_slice %arg7[%mul3A_184, %dma_start3A_377] : memref<10112x128xf32, #tpu.memory_space<vmem_shared>> -> memref<632x128xf32, #tpu.memory_space<vmem_shared>>
      tpu.enqueue_dma source(%arg5 : memref<632x128xf32, #tpu.memory_space<hbm>>) target(%dma_start3A_378 : memref<632x128xf32, #tpu.memory_space<vmem_shared>>) target_semaphore(%run_scoped3A_376 : memref<!tpu.dma_semaphore, #tpu.memory_space<semaphore_mem>>)
      %dma_wait3A_379 = arith.constant 0 : i32
      %dma_wait3A_380 = tpu.memref_slice %arg7[%mul3A_184, %dma_wait3A_379] : memref<10112x128xf32, #tpu.memory_space<vmem_shared>> -> memref<632x128xf32, #tpu.memory_space<vmem_shared>>
      tpu.wait_dma2 semaphore(%run_scoped3A_376 : memref<!tpu.dma_semaphore, #tpu.memory_space<semaphore_mem>>) src(%arg5 : memref<632x128xf32, #tpu.memory_space<hbm>>) dst(%dma_wait3A_380 : memref<632x128xf32, #tpu.memory_space<vmem_shared>>)
      tpu.yield
    }) : () -> ()
    %barrier3A_185 = arith.constant 0 : index
    tpu.barrier barrier_id(%barrier3A_185)
    %run_scoped3A_186 = arith.constant 2 : i32
    %run_scoped3A_187 = arith.constant 0 : i32
    "tpu.region"() ({
      %run_scoped3A_376 = tpu.sem_alloc : memref<!tpu.dma_semaphore, #tpu.memory_space<semaphore_mem>>
      %dma_start3A_377 = arith.constant 0 : i32
      %dma_start3A_378 = arith.constant 0 : i32
      %dma_start3A_379 = tpu.memref_slice %arg3[%run_scoped3A_186, %arg0, %arg1, %run_scoped3A_187, %dma_start3A_377, %dma_start3A_378] : memref<4x2x16x2x40x128xi32, #tpu.memory_space<hbm>> -> memref<1x1x1x1x40x128xi32, #tpu.memory_space<hbm>>
      %dma_start3A_380 = tpu.memref_squeeze %dma_start3A_379 : memref<1x1x1x1x40x128xi32, #tpu.memory_space<hbm>> -> memref<40x128xi32, #tpu.memory_space<hbm>>
      %dma_start3A_381 = arith.constant 0 : i32
      %dma_start3A_382 = arith.constant 0 : i32
      %dma_start3A_383 = tpu.memref_slice %arg3[%run_scoped3A_186, %arg0, %arg1, %run_scoped3A_187, %dma_start3A_381, %dma_start3A_382] : memref<4x2x16x2x40x128xi32, #tpu.memory_space<hbm>> -> memref<1x1x1x1x40x128xi32, #tpu.memory_space<hbm>>
      %dma_start3A_384 = tpu.memref_squeeze %dma_start3A_383 : memref<1x1x1x1x40x128xi32, #tpu.memory_space<hbm>> -> memref<40x128xi32, #tpu.memory_space<hbm>>
      tpu.enqueue_dma source(%dma_start3A_384 : memref<40x128xi32, #tpu.memory_space<hbm>>) target(%arg8 : memref<40x128xi32, #tpu.memory_space<vmem>>) target_semaphore(%run_scoped3A_376 : memref<!tpu.dma_semaphore, #tpu.memory_space<semaphore_mem>>)
      %dma_wait3A_385 = arith.constant 0 : i32
      %dma_wait3A_386 = arith.constant 0 : i32
      %dma_wait3A_387 = tpu.memref_slice %arg3[%run_scoped3A_186, %arg0, %arg1, %run_scoped3A_187, %dma_wait3A_385, %dma_wait3A_386] : memref<4x2x16x2x40x128xi32, #tpu.memory_space<hbm>> -> memref<1x1x1x1x40x128xi32, #tpu.memory_space<hbm>>
      %dma_wait3A_388 = tpu.memref_squeeze %dma_wait3A_387 : memref<1x1x1x1x40x128xi32, #tpu.memory_space<hbm>> -> memref<40x128xi32, #tpu.memory_space<hbm>>
      %dma_wait3A_389 = arith.constant 0 : i32
      %dma_wait3A_390 = arith.constant 0 : i32
      %dma_wait3A_391 = tpu.memref_slice %arg3[%run_scoped3A_186, %arg0, %arg1, %run_scoped3A_187, %dma_wait3A_389, %dma_wait3A_390] : memref<4x2x16x2x40x128xi32, #tpu.memory_space<hbm>> -> memref<1x1x1x1x40x128xi32, #tpu.memory_space<hbm>>
      %dma_wait3A_392 = tpu.memref_squeeze %dma_wait3A_391 : memref<1x1x1x1x40x128xi32, #tpu.memory_space<hbm>> -> memref<40x128xi32, #tpu.memory_space<hbm>>
      tpu.wait_dma2 semaphore(%run_scoped3A_376 : memref<!tpu.dma_semaphore, #tpu.memory_space<semaphore_mem>>) src(%dma_wait3A_392 : memref<40x128xi32, #tpu.memory_space<hbm>>) dst(%arg8 : memref<40x128xi32, #tpu.memory_space<vmem>>)
      tpu.yield
    }) : () -> ()
    %run_scoped3A_188 = arith.constant 0 : i32
    "tpu.region"() ({
      %run_scoped3A_376 = tpu.sem_alloc : memref<!tpu.dma_semaphore, #tpu.memory_space<semaphore_mem>>
      %dma_start3A_377 = arith.constant 0 : i32
      %dma_start3A_378 = arith.constant 0 : i32
      %dma_start3A_379 = tpu.memref_slice %arg4[%arg1, %run_scoped3A_188, %dma_start3A_377, %dma_start3A_378] : memref<16x2x40x128xi32, #tpu.memory_space<hbm>> -> memref<1x1x40x128xi32, #tpu.memory_space<hbm>>
      %dma_start3A_380 = tpu.memref_squeeze %dma_start3A_379 : memref<1x1x40x128xi32, #tpu.memory_space<hbm>> -> memref<40x128xi32, #tpu.memory_space<hbm>>
      %dma_start3A_381 = arith.constant 0 : i32
      %dma_start3A_382 = arith.constant 0 : i32
      %dma_start3A_383 = tpu.memref_slice %arg4[%arg1, %run_scoped3A_188, %dma_start3A_381, %dma_start3A_382] : memref<16x2x40x128xi32, #tpu.memory_space<hbm>> -> memref<1x1x40x128xi32, #tpu.memory_space<hbm>>
      %dma_start3A_384 = tpu.memref_squeeze %dma_start3A_383 : memref<1x1x40x128xi32, #tpu.memory_space<hbm>> -> memref<40x128xi32, #tpu.memory_space<hbm>>
      tpu.enqueue_dma source(%dma_start3A_384 : memref<40x128xi32, #tpu.memory_space<hbm>>) target(%arg9 : memref<40x128xi32, #tpu.memory_space<vmem>>) target_semaphore(%run_scoped3A_376 : memref<!tpu.dma_semaphore, #tpu.memory_space<semaphore_mem>>)
      %dma_wait3A_385 = arith.constant 0 : i32
      %dma_wait3A_386 = arith.constant 0 : i32
      %dma_wait3A_387 = tpu.memref_slice %arg4[%arg1, %run_scoped3A_188, %dma_wait3A_385, %dma_wait3A_386] : memref<16x2x40x128xi32, #tpu.memory_space<hbm>> -> memref<1x1x40x128xi32, #tpu.memory_space<hbm>>
      %dma_wait3A_388 = tpu.memref_squeeze %dma_wait3A_387 : memref<1x1x40x128xi32, #tpu.memory_space<hbm>> -> memref<40x128xi32, #tpu.memory_space<hbm>>
      %dma_wait3A_389 = arith.constant 0 : i32
      %dma_wait3A_390 = arith.constant 0 : i32
      %dma_wait3A_391 = tpu.memref_slice %arg4[%arg1, %run_scoped3A_188, %dma_wait3A_389, %dma_wait3A_390] : memref<16x2x40x128xi32, #tpu.memory_space<hbm>> -> memref<1x1x40x128xi32, #tpu.memory_space<hbm>>
      %dma_wait3A_392 = tpu.memref_squeeze %dma_wait3A_391 : memref<1x1x40x128xi32, #tpu.memory_space<hbm>> -> memref<40x128xi32, #tpu.memory_space<hbm>>
      tpu.wait_dma2 semaphore(%run_scoped3A_376 : memref<!tpu.dma_semaphore, #tpu.memory_space<semaphore_mem>>) src(%dma_wait3A_392 : memref<40x128xi32, #tpu.memory_space<hbm>>) dst(%arg9 : memref<40x128xi32, #tpu.memory_space<vmem>>)
      tpu.yield
    }) : () -> ()
    %dma_start3A_189 = arith.constant 0 : i32
    %dma_start3A_190 = arith.constant 0 : i32
    %dma_start3A_191 = tpu.memref_slice %arg8[%dma_start3A_189, %dma_start3A_190] : memref<40x128xi32, #tpu.memory_space<vmem>> -> memref<1x128xi32, #tpu.memory_space<vmem>>
    %dma_start3A_192 = tpu.memref_squeeze %dma_start3A_191 : memref<1x128xi32, #tpu.memory_space<vmem>> -> memref<128xi32, #tpu.memory_space<vmem>>
    %dma_start3A_193 = arith.constant 0 : i32
    %dma_start3A_194 = arith.constant 0 : i32
    %dma_start3A_195 = tpu.memref_slice %arg2[%dma_start3A_193, %dma_start3A_194] : memref<80000x128xf32, #tpu.memory_space<hbm>> -> memref<80000x128xf32, #tpu.memory_space<hbm>>
    tpu.enqueue_indirect_dma source(%dma_start3A_195 : memref<80000x128xf32, #tpu.memory_space<hbm>>) target(%arg10 : memref<128x128xf32, #tpu.memory_space<vmem>>) offsets(%dma_start3A_192 : memref<128xi32, #tpu.memory_space<vmem>>) semaphore(%arg12 : memref<!tpu.dma_semaphore, #tpu.memory_space<semaphore_mem>>)
    %scan3A_196 = arith.constant 0 : i32
    %scan3A_197 = arith.constant 0 : i32
    %scan3A_198 = arith.constant 19 : i32
    %scan3A_199 = arith.addi %scan3A_197, %scan3A_198 : i32
    %scan3A_200 = arith.constant 1 : i32
    scf.for %scan3A_376 = %scan3A_197 to %scan3A_199 step %scan3A_200  : i32 {
      %mul3A_377 = arith.constant 2 : i32
      %mul3A_378 = arith.muli %mul3A_377, %scan3A_376 : i32
      %add3A_379 = arith.constant 1 : i32
      %add3A_380 = arith.addi %mul3A_378, %add3A_379 : i32
      %dma_start3A_381 = arith.constant 0 : i32
      %dma_start3A_382 = tpu.memref_slice %arg8[%add3A_380, %dma_start3A_381] : memref<40x128xi32, #tpu.memory_space<vmem>> -> memref<1x128xi32, #tpu.memory_space<vmem>>
      %dma_start3A_383 = tpu.memref_squeeze %dma_start3A_382 : memref<1x128xi32, #tpu.memory_space<vmem>> -> memref<128xi32, #tpu.memory_space<vmem>>
      %dma_start3A_384 = arith.constant 0 : i32
      %dma_start3A_385 = arith.constant 0 : i32
      %dma_start3A_386 = tpu.memref_slice %arg2[%dma_start3A_384, %dma_start3A_385] : memref<80000x128xf32, #tpu.memory_space<hbm>> -> memref<80000x128xf32, #tpu.memory_space<hbm>>
      tpu.enqueue_indirect_dma source(%dma_start3A_386 : memref<80000x128xf32, #tpu.memory_space<hbm>>) target(%arg11 : memref<128x128xf32, #tpu.memory_space<vmem>>) offsets(%dma_start3A_383 : memref<128xi32, #tpu.memory_space<vmem>>) semaphore(%arg13 : memref<!tpu.dma_semaphore, #tpu.memory_space<semaphore_mem>>)
      %dma_wait3A_387 = arith.constant 0 : i32
      %dma_wait3A_388 = tpu.memref_slice %arg8[%mul3A_378, %dma_wait3A_387] : memref<40x128xi32, #tpu.memory_space<vmem>> -> memref<1x128xi32, #tpu.memory_space<vmem>>
      %dma_wait3A_389 = tpu.memref_squeeze %dma_wait3A_388 : memref<1x128xi32, #tpu.memory_space<vmem>> -> memref<128xi32, #tpu.memory_space<vmem>>
      %dma_wait3A_390 = arith.constant 0 : i32
      %dma_wait3A_391 = arith.constant 0 : i32
      %dma_wait3A_392 = tpu.memref_slice %arg2[%dma_wait3A_390, %dma_wait3A_391] : memref<80000x128xf32, #tpu.memory_space<hbm>> -> memref<80000x128xf32, #tpu.memory_space<hbm>>
      tpu.wait_indirect_dma semaphore(%arg12 : memref<!tpu.dma_semaphore, #tpu.memory_space<semaphore_mem>>) src(%dma_wait3A_392 : memref<80000x128xf32, #tpu.memory_space<hbm>>) dst(%arg10 : memref<128x128xf32, #tpu.memory_space<vmem>>)
      "tpu.region"() ({
        %run_scoped3A_411 = tpu.sem_alloc : memref<!tpu.dma_semaphore, #tpu.memory_space<semaphore_mem>>
        %dma_start3A_412 = arith.constant 0 : i32
        %dma_start3A_413 = tpu.memref_slice %arg9[%mul3A_378, %dma_start3A_412] : memref<40x128xi32, #tpu.memory_space<vmem>> -> memref<1x128xi32, #tpu.memory_space<vmem>>
        %dma_start3A_414 = tpu.memref_squeeze %dma_start3A_413 : memref<1x128xi32, #tpu.memory_space<vmem>> -> memref<128xi32, #tpu.memory_space<vmem>>
        %dma_start3A_415 = arith.constant 0 : i32
        %dma_start3A_416 = arith.constant 0 : i32
        %dma_start3A_417 = tpu.memref_slice %arg7[%dma_start3A_415, %dma_start3A_416] : memref<10112x128xf32, #tpu.memory_space<vmem_shared>> -> memref<10112x128xf32, #tpu.memory_space<vmem_shared>>
        tpu.enqueue_indirect_dma source(%arg10 : memref<128x128xf32, #tpu.memory_space<vmem>>) target(%dma_start3A_417 : memref<10112x128xf32, #tpu.memory_space<vmem_shared>>) offsets(%dma_start3A_414 : memref<128xi32, #tpu.memory_space<vmem>>) semaphore(%run_scoped3A_411 : memref<!tpu.dma_semaphore, #tpu.memory_space<semaphore_mem>>) {add = true}
        %dma_wait3A_418 = arith.constant 0 : i32
        %dma_wait3A_419 = tpu.memref_slice %arg9[%mul3A_378, %dma_wait3A_418] : memref<40x128xi32, #tpu.memory_space<vmem>> -> memref<1x128xi32, #tpu.memory_space<vmem>>
        %dma_wait3A_420 = tpu.memref_squeeze %dma_wait3A_419 : memref<1x128xi32, #tpu.memory_space<vmem>> -> memref<128xi32, #tpu.memory_space<vmem>>
        %dma_wait3A_421 = arith.constant 0 : i32
        %dma_wait3A_422 = arith.constant 0 : i32
        %dma_wait3A_423 = tpu.memref_slice %arg7[%dma_wait3A_421, %dma_wait3A_422] : memref<10112x128xf32, #tpu.memory_space<vmem_shared>> -> memref<10112x128xf32, #tpu.memory_space<vmem_shared>>
        tpu.wait_indirect_dma semaphore(%run_scoped3A_411 : memref<!tpu.dma_semaphore, #tpu.memory_space<semaphore_mem>>) src(%arg10 : memref<128x128xf32, #tpu.memory_space<vmem>>) dst(%dma_wait3A_423 : memref<10112x128xf32, #tpu.memory_space<vmem_shared>>)
        tpu.yield
      }) : () -> ()
      %add3A_393 = arith.constant 2 : i32
      %add3A_394 = arith.addi %mul3A_378, %add3A_393 : i32
      %dma_start3A_395 = arith.constant 0 : i32
      %dma_start3A_396 = tpu.memref_slice %arg8[%add3A_394, %dma_start3A_395] : memref<40x128xi32, #tpu.memory_space<vmem>> -> memref<1x128xi32, #tpu.memory_space<vmem>>
      %dma_start3A_397 = tpu.memref_squeeze %dma_start3A_396 : memref<1x128xi32, #tpu.memory_space<vmem>> -> memref<128xi32, #tpu.memory_space<vmem>>
      %dma_start3A_398 = arith.constant 0 : i32
      %dma_start3A_399 = arith.constant 0 : i32
      %dma_start3A_400 = tpu.memref_slice %arg2[%dma_start3A_398, %dma_start3A_399] : memref<80000x128xf32, #tpu.memory_space<hbm>> -> memref<80000x128xf32, #tpu.memory_space<hbm>>
      tpu.enqueue_indirect_dma source(%dma_start3A_400 : memref<80000x128xf32, #tpu.memory_space<hbm>>) target(%arg10 : memref<128x128xf32, #tpu.memory_space<vmem>>) offsets(%dma_start3A_397 : memref<128xi32, #tpu.memory_space<vmem>>) semaphore(%arg12 : memref<!tpu.dma_semaphore, #tpu.memory_space<semaphore_mem>>)
      %add3A_401 = arith.constant 1 : i32
      %add3A_402 = arith.addi %mul3A_378, %add3A_401 : i32
      %dma_wait3A_403 = arith.constant 0 : i32
      %dma_wait3A_404 = tpu.memref_slice %arg8[%add3A_402, %dma_wait3A_403] : memref<40x128xi32, #tpu.memory_space<vmem>> -> memref<1x128xi32, #tpu.memory_space<vmem>>
      %dma_wait3A_405 = tpu.memref_squeeze %dma_wait3A_404 : memref<1x128xi32, #tpu.memory_space<vmem>> -> memref<128xi32, #tpu.memory_space<vmem>>
      %dma_wait3A_406 = arith.constant 0 : i32
      %dma_wait3A_407 = arith.constant 0 : i32
      %dma_wait3A_408 = tpu.memref_slice %arg2[%dma_wait3A_406, %dma_wait3A_407] : memref<80000x128xf32, #tpu.memory_space<hbm>> -> memref<80000x128xf32, #tpu.memory_space<hbm>>
      tpu.wait_indirect_dma semaphore(%arg13 : memref<!tpu.dma_semaphore, #tpu.memory_space<semaphore_mem>>) src(%dma_wait3A_408 : memref<80000x128xf32, #tpu.memory_space<hbm>>) dst(%arg11 : memref<128x128xf32, #tpu.memory_space<vmem>>)
      %add3A_409 = arith.constant 1 : i32
      %add3A_410 = arith.addi %mul3A_378, %add3A_409 : i32
      "tpu.region"() ({
        %run_scoped3A_411 = tpu.sem_alloc : memref<!tpu.dma_semaphore, #tpu.memory_space<semaphore_mem>>
        %dma_start3A_412 = arith.constant 0 : i32
        %dma_start3A_413 = tpu.memref_slice %arg9[%add3A_410, %dma_start3A_412] : memref<40x128xi32, #tpu.memory_space<vmem>> -> memref<1x128xi32, #tpu.memory_space<vmem>>
        %dma_start3A_414 = tpu.memref_squeeze %dma_start3A_413 : memref<1x128xi32, #tpu.memory_space<vmem>> -> memref<128xi32, #tpu.memory_space<vmem>>
        %dma_start3A_415 = arith.constant 0 : i32
        %dma_start3A_416 = arith.constant 0 : i32
        %dma_start3A_417 = tpu.memref_slice %arg7[%dma_start3A_415, %dma_start3A_416] : memref<10112x128xf32, #tpu.memory_space<vmem_shared>> -> memref<10112x128xf32, #tpu.memory_space<vmem_shared>>
        tpu.enqueue_indirect_dma source(%arg11 : memref<128x128xf32, #tpu.memory_space<vmem>>) target(%dma_start3A_417 : memref<10112x128xf32, #tpu.memory_space<vmem_shared>>) offsets(%dma_start3A_414 : memref<128xi32, #tpu.memory_space<vmem>>) semaphore(%run_scoped3A_411 : memref<!tpu.dma_semaphore, #tpu.memory_space<semaphore_mem>>) {add = true}
        %dma_wait3A_418 = arith.constant 0 : i32
        %dma_wait3A_419 = tpu.memref_slice %arg9[%add3A_410, %dma_wait3A_418] : memref<40x128xi32, #tpu.memory_space<vmem>> -> memref<1x128xi32, #tpu.memory_space<vmem>>
        %dma_wait3A_420 = tpu.memref_squeeze %dma_wait3A_419 : memref<1x128xi32, #tpu.memory_space<vmem>> -> memref<128xi32, #tpu.memory_space<vmem>>
        %dma_wait3A_421 = arith.constant 0 : i32
        %dma_wait3A_422 = arith.constant 0 : i32
        %dma_wait3A_423 = tpu.memref_slice %arg7[%dma_wait3A_421, %dma_wait3A_422] : memref<10112x128xf32, #tpu.memory_space<vmem_shared>> -> memref<10112x128xf32, #tpu.memory_space<vmem_shared>>
        tpu.wait_indirect_dma semaphore(%run_scoped3A_411 : memref<!tpu.dma_semaphore, #tpu.memory_space<semaphore_mem>>) src(%arg11 : memref<128x128xf32, #tpu.memory_space<vmem>>) dst(%dma_wait3A_423 : memref<10112x128xf32, #tpu.memory_space<vmem_shared>>)
        tpu.yield
      }) : () -> ()
    }
    %scan3A_201 = arith.constant 19 : i32
    %dma_start3A_202 = arith.constant 39 : i32
    %dma_start3A_203 = arith.constant 0 : i32
    %dma_start3A_204 = tpu.memref_slice %arg8[%dma_start3A_202, %dma_start3A_203] : memref<40x128xi32, #tpu.memory_space<vmem>> -> memref<1x128xi32, #tpu.memory_space<vmem>>
    %dma_start3A_205 = tpu.memref_squeeze %dma_start3A_204 : memref<1x128xi32, #tpu.memory_space<vmem>> -> memref<128xi32, #tpu.memory_space<vmem>>
    %dma_start3A_206 = arith.constant 0 : i32
    %dma_start3A_207 = arith.constant 0 : i32
    %dma_start3A_208 = tpu.memref_slice %arg2[%dma_start3A_206, %dma_start3A_207] : memref<80000x128xf32, #tpu.memory_space<hbm>> -> memref<80000x128xf32, #tpu.memory_space<hbm>>
    tpu.enqueue_indirect_dma source(%dma_start3A_208 : memref<80000x128xf32, #tpu.memory_space<hbm>>) target(%arg11 : memref<128x128xf32, #tpu.memory_space<vmem>>) offsets(%dma_start3A_205 : memref<128xi32, #tpu.memory_space<vmem>>) semaphore(%arg13 : memref<!tpu.dma_semaphore, #tpu.memory_space<semaphore_mem>>)
    %dma_wait3A_209 = arith.constant 38 : i32
    %dma_wait3A_210 = arith.constant 0 : i32
    %dma_wait3A_211 = tpu.memref_slice %arg8[%dma_wait3A_209, %dma_wait3A_210] : memref<40x128xi32, #tpu.memory_space<vmem>> -> memref<1x128xi32, #tpu.memory_space<vmem>>
    %dma_wait3A_212 = tpu.memref_squeeze %dma_wait3A_211 : memref<1x128xi32, #tpu.memory_space<vmem>> -> memref<128xi32, #tpu.memory_space<vmem>>
    %dma_wait3A_213 = arith.constant 0 : i32
    %dma_wait3A_214 = arith.constant 0 : i32
    %dma_wait3A_215 = tpu.memref_slice %arg2[%dma_wait3A_213, %dma_wait3A_214] : memref<80000x128xf32, #tpu.memory_space<hbm>> -> memref<80000x128xf32, #tpu.memory_space<hbm>>
    tpu.wait_indirect_dma semaphore(%arg12 : memref<!tpu.dma_semaphore, #tpu.memory_space<semaphore_mem>>) src(%dma_wait3A_215 : memref<80000x128xf32, #tpu.memory_space<hbm>>) dst(%arg10 : memref<128x128xf32, #tpu.memory_space<vmem>>)
    %run_scoped3A_216 = arith.constant 38 : i32
    "tpu.region"() ({
      %run_scoped3A_376 = tpu.sem_alloc : memref<!tpu.dma_semaphore, #tpu.memory_space<semaphore_mem>>
      %dma_start3A_377 = arith.constant 0 : i32
      %dma_start3A_378 = tpu.memref_slice %arg9[%run_scoped3A_216, %dma_start3A_377] : memref<40x128xi32, #tpu.memory_space<vmem>> -> memref<1x128xi32, #tpu.memory_space<vmem>>
      %dma_start3A_379 = tpu.memref_squeeze %dma_start3A_378 : memref<1x128xi32, #tpu.memory_space<vmem>> -> memref<128xi32, #tpu.memory_space<vmem>>
      %dma_start3A_380 = arith.constant 0 : i32
      %dma_start3A_381 = arith.constant 0 : i32
      %dma_start3A_382 = tpu.memref_slice %arg7[%dma_start3A_380, %dma_start3A_381] : memref<10112x128xf32, #tpu.memory_space<vmem_shared>> -> memref<10112x128xf32, #tpu.memory_space<vmem_shared>>
      tpu.enqueue_indirect_dma source(%arg10 : memref<128x128xf32, #tpu.memory_space<vmem>>) target(%dma_start3A_382 : memref<10112x128xf32, #tpu.memory_space<vmem_shared>>) offsets(%dma_start3A_379 : memref<128xi32, #tpu.memory_space<vmem>>) semaphore(%run_scoped3A_376 : memref<!tpu.dma_semaphore, #tpu.memory_space<semaphore_mem>>) {add = true}
      %dma_wait3A_383 = arith.constant 0 : i32
      %dma_wait3A_384 = tpu.memref_slice %arg9[%run_scoped3A_216, %dma_wait3A_383] : memref<40x128xi32, #tpu.memory_space<vmem>> -> memref<1x128xi32, #tpu.memory_space<vmem>>
      %dma_wait3A_385 = tpu.memref_squeeze %dma_wait3A_384 : memref<1x128xi32, #tpu.memory_space<vmem>> -> memref<128xi32, #tpu.memory_space<vmem>>
      %dma_wait3A_386 = arith.constant 0 : i32
      %dma_wait3A_387 = arith.constant 0 : i32
      %dma_wait3A_388 = tpu.memref_slice %arg7[%dma_wait3A_386, %dma_wait3A_387] : memref<10112x128xf32, #tpu.memory_space<vmem_shared>> -> memref<10112x128xf32, #tpu.memory_space<vmem_shared>>
      tpu.wait_indirect_dma semaphore(%run_scoped3A_376 : memref<!tpu.dma_semaphore, #tpu.memory_space<semaphore_mem>>) src(%arg10 : memref<128x128xf32, #tpu.memory_space<vmem>>) dst(%dma_wait3A_388 : memref<10112x128xf32, #tpu.memory_space<vmem_shared>>)
      tpu.yield
    }) : () -> ()
    %dma_wait3A_217 = arith.constant 39 : i32
    %dma_wait3A_218 = arith.constant 0 : i32
    %dma_wait3A_219 = tpu.memref_slice %arg8[%dma_wait3A_217, %dma_wait3A_218] : memref<40x128xi32, #tpu.memory_space<vmem>> -> memref<1x128xi32, #tpu.memory_space<vmem>>
    %dma_wait3A_220 = tpu.memref_squeeze %dma_wait3A_219 : memref<1x128xi32, #tpu.memory_space<vmem>> -> memref<128xi32, #tpu.memory_space<vmem>>
    %dma_wait3A_221 = arith.constant 0 : i32
    %dma_wait3A_222 = arith.constant 0 : i32
    %dma_wait3A_223 = tpu.memref_slice %arg2[%dma_wait3A_221, %dma_wait3A_222] : memref<80000x128xf32, #tpu.memory_space<hbm>> -> memref<80000x128xf32, #tpu.memory_space<hbm>>
    tpu.wait_indirect_dma semaphore(%arg13 : memref<!tpu.dma_semaphore, #tpu.memory_space<semaphore_mem>>) src(%dma_wait3A_223 : memref<80000x128xf32, #tpu.memory_space<hbm>>) dst(%arg11 : memref<128x128xf32, #tpu.memory_space<vmem>>)
    %run_scoped3A_224 = arith.constant 39 : i32
    "tpu.region"() ({
      %run_scoped3A_376 = tpu.sem_alloc : memref<!tpu.dma_semaphore, #tpu.memory_space<semaphore_mem>>
      %dma_start3A_377 = arith.constant 0 : i32
      %dma_start3A_378 = tpu.memref_slice %arg9[%run_scoped3A_224, %dma_start3A_377] : memref<40x128xi32, #tpu.memory_space<vmem>> -> memref<1x128xi32, #tpu.memory_space<vmem>>
      %dma_start3A_379 = tpu.memref_squeeze %dma_start3A_378 : memref<1x128xi32, #tpu.memory_space<vmem>> -> memref<128xi32, #tpu.memory_space<vmem>>
      %dma_start3A_380 = arith.constant 0 : i32
      %dma_start3A_381 = arith.constant 0 : i32
      %dma_start3A_382 = tpu.memref_slice %arg7[%dma_start3A_380, %dma_start3A_381] : memref<10112x128xf32, #tpu.memory_space<vmem_shared>> -> memref<10112x128xf32, #tpu.memory_space<vmem_shared>>
      tpu.enqueue_indirect_dma source(%arg11 : memref<128x128xf32, #tpu.memory_space<vmem>>) target(%dma_start3A_382 : memref<10112x128xf32, #tpu.memory_space<vmem_shared>>) offsets(%dma_start3A_379 : memref<128xi32, #tpu.memory_space<vmem>>) semaphore(%run_scoped3A_376 : memref<!tpu.dma_semaphore, #tpu.memory_space<semaphore_mem>>) {add = true}
      %dma_wait3A_383 = arith.constant 0 : i32
      %dma_wait3A_384 = tpu.memref_slice %arg9[%run_scoped3A_224, %dma_wait3A_383] : memref<40x128xi32, #tpu.memory_space<vmem>> -> memref<1x128xi32, #tpu.memory_space<vmem>>
      %dma_wait3A_385 = tpu.memref_squeeze %dma_wait3A_384 : memref<1x128xi32, #tpu.memory_space<vmem>> -> memref<128xi32, #tpu.memory_space<vmem>>
      %dma_wait3A_386 = arith.constant 0 : i32
      %dma_wait3A_387 = arith.constant 0 : i32
      %dma_wait3A_388 = tpu.memref_slice %arg7[%dma_wait3A_386, %dma_wait3A_387] : memref<10112x128xf32, #tpu.memory_space<vmem_shared>> -> memref<10112x128xf32, #tpu.memory_space<vmem_shared>>
      tpu.wait_indirect_dma semaphore(%run_scoped3A_376 : memref<!tpu.dma_semaphore, #tpu.memory_space<semaphore_mem>>) src(%arg11 : memref<128x128xf32, #tpu.memory_space<vmem>>) dst(%dma_wait3A_388 : memref<10112x128xf32, #tpu.memory_space<vmem_shared>>)
      tpu.yield
    }) : () -> ()
    %run_scoped3A_225 = arith.constant 2 : i32
    %run_scoped3A_226 = arith.constant 1 : i32
    "tpu.region"() ({
      %run_scoped3A_376 = tpu.sem_alloc : memref<!tpu.dma_semaphore, #tpu.memory_space<semaphore_mem>>
      %dma_start3A_377 = arith.constant 0 : i32
      %dma_start3A_378 = arith.constant 0 : i32
      %dma_start3A_379 = tpu.memref_slice %arg3[%run_scoped3A_225, %arg0, %arg1, %run_scoped3A_226, %dma_start3A_377, %dma_start3A_378] : memref<4x2x16x2x40x128xi32, #tpu.memory_space<hbm>> -> memref<1x1x1x1x40x128xi32, #tpu.memory_space<hbm>>
      %dma_start3A_380 = tpu.memref_squeeze %dma_start3A_379 : memref<1x1x1x1x40x128xi32, #tpu.memory_space<hbm>> -> memref<40x128xi32, #tpu.memory_space<hbm>>
      %dma_start3A_381 = arith.constant 0 : i32
      %dma_start3A_382 = arith.constant 0 : i32
      %dma_start3A_383 = tpu.memref_slice %arg3[%run_scoped3A_225, %arg0, %arg1, %run_scoped3A_226, %dma_start3A_381, %dma_start3A_382] : memref<4x2x16x2x40x128xi32, #tpu.memory_space<hbm>> -> memref<1x1x1x1x40x128xi32, #tpu.memory_space<hbm>>
      %dma_start3A_384 = tpu.memref_squeeze %dma_start3A_383 : memref<1x1x1x1x40x128xi32, #tpu.memory_space<hbm>> -> memref<40x128xi32, #tpu.memory_space<hbm>>
      tpu.enqueue_dma source(%dma_start3A_384 : memref<40x128xi32, #tpu.memory_space<hbm>>) target(%arg8 : memref<40x128xi32, #tpu.memory_space<vmem>>) target_semaphore(%run_scoped3A_376 : memref<!tpu.dma_semaphore, #tpu.memory_space<semaphore_mem>>)
      %dma_wait3A_385 = arith.constant 0 : i32
      %dma_wait3A_386 = arith.constant 0 : i32
      %dma_wait3A_387 = tpu.memref_slice %arg3[%run_scoped3A_225, %arg0, %arg1, %run_scoped3A_226, %dma_wait3A_385, %dma_wait3A_386] : memref<4x2x16x2x40x128xi32, #tpu.memory_space<hbm>> -> memref<1x1x1x1x40x128xi32, #tpu.memory_space<hbm>>
      %dma_wait3A_388 = tpu.memref_squeeze %dma_wait3A_387 : memref<1x1x1x1x40x128xi32, #tpu.memory_space<hbm>> -> memref<40x128xi32, #tpu.memory_space<hbm>>
      %dma_wait3A_389 = arith.constant 0 : i32
      %dma_wait3A_390 = arith.constant 0 : i32
      %dma_wait3A_391 = tpu.memref_slice %arg3[%run_scoped3A_225, %arg0, %arg1, %run_scoped3A_226, %dma_wait3A_389, %dma_wait3A_390] : memref<4x2x16x2x40x128xi32, #tpu.memory_space<hbm>> -> memref<1x1x1x1x40x128xi32, #tpu.memory_space<hbm>>
      %dma_wait3A_392 = tpu.memref_squeeze %dma_wait3A_391 : memref<1x1x1x1x40x128xi32, #tpu.memory_space<hbm>> -> memref<40x128xi32, #tpu.memory_space<hbm>>
      tpu.wait_dma2 semaphore(%run_scoped3A_376 : memref<!tpu.dma_semaphore, #tpu.memory_space<semaphore_mem>>) src(%dma_wait3A_392 : memref<40x128xi32, #tpu.memory_space<hbm>>) dst(%arg8 : memref<40x128xi32, #tpu.memory_space<vmem>>)
      tpu.yield
    }) : () -> ()
    %run_scoped3A_227 = arith.constant 1 : i32
    "tpu.region"() ({
      %run_scoped3A_376 = tpu.sem_alloc : memref<!tpu.dma_semaphore, #tpu.memory_space<semaphore_mem>>
      %dma_start3A_377 = arith.constant 0 : i32
      %dma_start3A_378 = arith.constant 0 : i32
      %dma_start3A_379 = tpu.memref_slice %arg4[%arg1, %run_scoped3A_227, %dma_start3A_377, %dma_start3A_378] : memref<16x2x40x128xi32, #tpu.memory_space<hbm>> -> memref<1x1x40x128xi32, #tpu.memory_space<hbm>>
      %dma_start3A_380 = tpu.memref_squeeze %dma_start3A_379 : memref<1x1x40x128xi32, #tpu.memory_space<hbm>> -> memref<40x128xi32, #tpu.memory_space<hbm>>
      %dma_start3A_381 = arith.constant 0 : i32
      %dma_start3A_382 = arith.constant 0 : i32
      %dma_start3A_383 = tpu.memref_slice %arg4[%arg1, %run_scoped3A_227, %dma_start3A_381, %dma_start3A_382] : memref<16x2x40x128xi32, #tpu.memory_space<hbm>> -> memref<1x1x40x128xi32, #tpu.memory_space<hbm>>
      %dma_start3A_384 = tpu.memref_squeeze %dma_start3A_383 : memref<1x1x40x128xi32, #tpu.memory_space<hbm>> -> memref<40x128xi32, #tpu.memory_space<hbm>>
      tpu.enqueue_dma source(%dma_start3A_384 : memref<40x128xi32, #tpu.memory_space<hbm>>) target(%arg9 : memref<40x128xi32, #tpu.memory_space<vmem>>) target_semaphore(%run_scoped3A_376 : memref<!tpu.dma_semaphore, #tpu.memory_space<semaphore_mem>>)
      %dma_wait3A_385 = arith.constant 0 : i32
      %dma_wait3A_386 = arith.constant 0 : i32
      %dma_wait3A_387 = tpu.memref_slice %arg4[%arg1, %run_scoped3A_227, %dma_wait3A_385, %dma_wait3A_386] : memref<16x2x40x128xi32, #tpu.memory_space<hbm>> -> memref<1x1x40x128xi32, #tpu.memory_space<hbm>>
      %dma_wait3A_388 = tpu.memref_squeeze %dma_wait3A_387 : memref<1x1x40x128xi32, #tpu.memory_space<hbm>> -> memref<40x128xi32, #tpu.memory_space<hbm>>
      %dma_wait3A_389 = arith.constant 0 : i32
      %dma_wait3A_390 = arith.constant 0 : i32
      %dma_wait3A_391 = tpu.memref_slice %arg4[%arg1, %run_scoped3A_227, %dma_wait3A_389, %dma_wait3A_390] : memref<16x2x40x128xi32, #tpu.memory_space<hbm>> -> memref<1x1x40x128xi32, #tpu.memory_space<hbm>>
      %dma_wait3A_392 = tpu.memref_squeeze %dma_wait3A_391 : memref<1x1x40x128xi32, #tpu.memory_space<hbm>> -> memref<40x128xi32, #tpu.memory_space<hbm>>
      tpu.wait_dma2 semaphore(%run_scoped3A_376 : memref<!tpu.dma_semaphore, #tpu.memory_space<semaphore_mem>>) src(%dma_wait3A_392 : memref<40x128xi32, #tpu.memory_space<hbm>>) dst(%arg9 : memref<40x128xi32, #tpu.memory_space<vmem>>)
      tpu.yield
    }) : () -> ()
    %dma_start3A_228 = arith.constant 0 : i32
    %dma_start3A_229 = arith.constant 0 : i32
    %dma_start3A_230 = tpu.memref_slice %arg8[%dma_start3A_228, %dma_start3A_229] : memref<40x128xi32, #tpu.memory_space<vmem>> -> memref<1x128xi32, #tpu.memory_space<vmem>>
    %dma_start3A_231 = tpu.memref_squeeze %dma_start3A_230 : memref<1x128xi32, #tpu.memory_space<vmem>> -> memref<128xi32, #tpu.memory_space<vmem>>
    %dma_start3A_232 = arith.constant 0 : i32
    %dma_start3A_233 = arith.constant 0 : i32
    %dma_start3A_234 = tpu.memref_slice %arg2[%dma_start3A_232, %dma_start3A_233] : memref<80000x128xf32, #tpu.memory_space<hbm>> -> memref<80000x128xf32, #tpu.memory_space<hbm>>
    tpu.enqueue_indirect_dma source(%dma_start3A_234 : memref<80000x128xf32, #tpu.memory_space<hbm>>) target(%arg10 : memref<128x128xf32, #tpu.memory_space<vmem>>) offsets(%dma_start3A_231 : memref<128xi32, #tpu.memory_space<vmem>>) semaphore(%arg12 : memref<!tpu.dma_semaphore, #tpu.memory_space<semaphore_mem>>)
    %scan3A_235 = arith.constant 0 : i32
    %scan3A_236 = arith.constant 0 : i32
    %scan3A_237 = arith.constant 19 : i32
    %scan3A_238 = arith.addi %scan3A_236, %scan3A_237 : i32
    %scan3A_239 = arith.constant 1 : i32
    scf.for %scan3A_376 = %scan3A_236 to %scan3A_238 step %scan3A_239  : i32 {
      %mul3A_377 = arith.constant 2 : i32
      %mul3A_378 = arith.muli %mul3A_377, %scan3A_376 : i32
      %add3A_379 = arith.constant 1 : i32
      %add3A_380 = arith.addi %mul3A_378, %add3A_379 : i32
      %dma_start3A_381 = arith.constant 0 : i32
      %dma_start3A_382 = tpu.memref_slice %arg8[%add3A_380, %dma_start3A_381] : memref<40x128xi32, #tpu.memory_space<vmem>> -> memref<1x128xi32, #tpu.memory_space<vmem>>
      %dma_start3A_383 = tpu.memref_squeeze %dma_start3A_382 : memref<1x128xi32, #tpu.memory_space<vmem>> -> memref<128xi32, #tpu.memory_space<vmem>>
      %dma_start3A_384 = arith.constant 0 : i32
      %dma_start3A_385 = arith.constant 0 : i32
      %dma_start3A_386 = tpu.memref_slice %arg2[%dma_start3A_384, %dma_start3A_385] : memref<80000x128xf32, #tpu.memory_space<hbm>> -> memref<80000x128xf32, #tpu.memory_space<hbm>>
      tpu.enqueue_indirect_dma source(%dma_start3A_386 : memref<80000x128xf32, #tpu.memory_space<hbm>>) target(%arg11 : memref<128x128xf32, #tpu.memory_space<vmem>>) offsets(%dma_start3A_383 : memref<128xi32, #tpu.memory_space<vmem>>) semaphore(%arg13 : memref<!tpu.dma_semaphore, #tpu.memory_space<semaphore_mem>>)
      %dma_wait3A_387 = arith.constant 0 : i32
      %dma_wait3A_388 = tpu.memref_slice %arg8[%mul3A_378, %dma_wait3A_387] : memref<40x128xi32, #tpu.memory_space<vmem>> -> memref<1x128xi32, #tpu.memory_space<vmem>>
      %dma_wait3A_389 = tpu.memref_squeeze %dma_wait3A_388 : memref<1x128xi32, #tpu.memory_space<vmem>> -> memref<128xi32, #tpu.memory_space<vmem>>
      %dma_wait3A_390 = arith.constant 0 : i32
      %dma_wait3A_391 = arith.constant 0 : i32
      %dma_wait3A_392 = tpu.memref_slice %arg2[%dma_wait3A_390, %dma_wait3A_391] : memref<80000x128xf32, #tpu.memory_space<hbm>> -> memref<80000x128xf32, #tpu.memory_space<hbm>>
      tpu.wait_indirect_dma semaphore(%arg12 : memref<!tpu.dma_semaphore, #tpu.memory_space<semaphore_mem>>) src(%dma_wait3A_392 : memref<80000x128xf32, #tpu.memory_space<hbm>>) dst(%arg10 : memref<128x128xf32, #tpu.memory_space<vmem>>)
      "tpu.region"() ({
        %run_scoped3A_411 = tpu.sem_alloc : memref<!tpu.dma_semaphore, #tpu.memory_space<semaphore_mem>>
        %dma_start3A_412 = arith.constant 0 : i32
        %dma_start3A_413 = tpu.memref_slice %arg9[%mul3A_378, %dma_start3A_412] : memref<40x128xi32, #tpu.memory_space<vmem>> -> memref<1x128xi32, #tpu.memory_space<vmem>>
        %dma_start3A_414 = tpu.memref_squeeze %dma_start3A_413 : memref<1x128xi32, #tpu.memory_space<vmem>> -> memref<128xi32, #tpu.memory_space<vmem>>
        %dma_start3A_415 = arith.constant 0 : i32
        %dma_start3A_416 = arith.constant 0 : i32
        %dma_start3A_417 = tpu.memref_slice %arg7[%dma_start3A_415, %dma_start3A_416] : memref<10112x128xf32, #tpu.memory_space<vmem_shared>> -> memref<10112x128xf32, #tpu.memory_space<vmem_shared>>
        tpu.enqueue_indirect_dma source(%arg10 : memref<128x128xf32, #tpu.memory_space<vmem>>) target(%dma_start3A_417 : memref<10112x128xf32, #tpu.memory_space<vmem_shared>>) offsets(%dma_start3A_414 : memref<128xi32, #tpu.memory_space<vmem>>) semaphore(%run_scoped3A_411 : memref<!tpu.dma_semaphore, #tpu.memory_space<semaphore_mem>>) {add = true}
        %dma_wait3A_418 = arith.constant 0 : i32
        %dma_wait3A_419 = tpu.memref_slice %arg9[%mul3A_378, %dma_wait3A_418] : memref<40x128xi32, #tpu.memory_space<vmem>> -> memref<1x128xi32, #tpu.memory_space<vmem>>
        %dma_wait3A_420 = tpu.memref_squeeze %dma_wait3A_419 : memref<1x128xi32, #tpu.memory_space<vmem>> -> memref<128xi32, #tpu.memory_space<vmem>>
        %dma_wait3A_421 = arith.constant 0 : i32
        %dma_wait3A_422 = arith.constant 0 : i32
        %dma_wait3A_423 = tpu.memref_slice %arg7[%dma_wait3A_421, %dma_wait3A_422] : memref<10112x128xf32, #tpu.memory_space<vmem_shared>> -> memref<10112x128xf32, #tpu.memory_space<vmem_shared>>
        tpu.wait_indirect_dma semaphore(%run_scoped3A_411 : memref<!tpu.dma_semaphore, #tpu.memory_space<semaphore_mem>>) src(%arg10 : memref<128x128xf32, #tpu.memory_space<vmem>>) dst(%dma_wait3A_423 : memref<10112x128xf32, #tpu.memory_space<vmem_shared>>)
        tpu.yield
      }) : () -> ()
      %add3A_393 = arith.constant 2 : i32
      %add3A_394 = arith.addi %mul3A_378, %add3A_393 : i32
      %dma_start3A_395 = arith.constant 0 : i32
      %dma_start3A_396 = tpu.memref_slice %arg8[%add3A_394, %dma_start3A_395] : memref<40x128xi32, #tpu.memory_space<vmem>> -> memref<1x128xi32, #tpu.memory_space<vmem>>
      %dma_start3A_397 = tpu.memref_squeeze %dma_start3A_396 : memref<1x128xi32, #tpu.memory_space<vmem>> -> memref<128xi32, #tpu.memory_space<vmem>>
      %dma_start3A_398 = arith.constant 0 : i32
      %dma_start3A_399 = arith.constant 0 : i32
      %dma_start3A_400 = tpu.memref_slice %arg2[%dma_start3A_398, %dma_start3A_399] : memref<80000x128xf32, #tpu.memory_space<hbm>> -> memref<80000x128xf32, #tpu.memory_space<hbm>>
      tpu.enqueue_indirect_dma source(%dma_start3A_400 : memref<80000x128xf32, #tpu.memory_space<hbm>>) target(%arg10 : memref<128x128xf32, #tpu.memory_space<vmem>>) offsets(%dma_start3A_397 : memref<128xi32, #tpu.memory_space<vmem>>) semaphore(%arg12 : memref<!tpu.dma_semaphore, #tpu.memory_space<semaphore_mem>>)
      %add3A_401 = arith.constant 1 : i32
      %add3A_402 = arith.addi %mul3A_378, %add3A_401 : i32
      %dma_wait3A_403 = arith.constant 0 : i32
      %dma_wait3A_404 = tpu.memref_slice %arg8[%add3A_402, %dma_wait3A_403] : memref<40x128xi32, #tpu.memory_space<vmem>> -> memref<1x128xi32, #tpu.memory_space<vmem>>
      %dma_wait3A_405 = tpu.memref_squeeze %dma_wait3A_404 : memref<1x128xi32, #tpu.memory_space<vmem>> -> memref<128xi32, #tpu.memory_space<vmem>>
      %dma_wait3A_406 = arith.constant 0 : i32
      %dma_wait3A_407 = arith.constant 0 : i32
      %dma_wait3A_408 = tpu.memref_slice %arg2[%dma_wait3A_406, %dma_wait3A_407] : memref<80000x128xf32, #tpu.memory_space<hbm>> -> memref<80000x128xf32, #tpu.memory_space<hbm>>
      tpu.wait_indirect_dma semaphore(%arg13 : memref<!tpu.dma_semaphore, #tpu.memory_space<semaphore_mem>>) src(%dma_wait3A_408 : memref<80000x128xf32, #tpu.memory_space<hbm>>) dst(%arg11 : memref<128x128xf32, #tpu.memory_space<vmem>>)
      %add3A_409 = arith.constant 1 : i32
      %add3A_410 = arith.addi %mul3A_378, %add3A_409 : i32
      "tpu.region"() ({
        %run_scoped3A_411 = tpu.sem_alloc : memref<!tpu.dma_semaphore, #tpu.memory_space<semaphore_mem>>
        %dma_start3A_412 = arith.constant 0 : i32
        %dma_start3A_413 = tpu.memref_slice %arg9[%add3A_410, %dma_start3A_412] : memref<40x128xi32, #tpu.memory_space<vmem>> -> memref<1x128xi32, #tpu.memory_space<vmem>>
        %dma_start3A_414 = tpu.memref_squeeze %dma_start3A_413 : memref<1x128xi32, #tpu.memory_space<vmem>> -> memref<128xi32, #tpu.memory_space<vmem>>
        %dma_start3A_415 = arith.constant 0 : i32
        %dma_start3A_416 = arith.constant 0 : i32
        %dma_start3A_417 = tpu.memref_slice %arg7[%dma_start3A_415, %dma_start3A_416] : memref<10112x128xf32, #tpu.memory_space<vmem_shared>> -> memref<10112x128xf32, #tpu.memory_space<vmem_shared>>
        tpu.enqueue_indirect_dma source(%arg11 : memref<128x128xf32, #tpu.memory_space<vmem>>) target(%dma_start3A_417 : memref<10112x128xf32, #tpu.memory_space<vmem_shared>>) offsets(%dma_start3A_414 : memref<128xi32, #tpu.memory_space<vmem>>) semaphore(%run_scoped3A_411 : memref<!tpu.dma_semaphore, #tpu.memory_space<semaphore_mem>>) {add = true}
        %dma_wait3A_418 = arith.constant 0 : i32
        %dma_wait3A_419 = tpu.memref_slice %arg9[%add3A_410, %dma_wait3A_418] : memref<40x128xi32, #tpu.memory_space<vmem>> -> memref<1x128xi32, #tpu.memory_space<vmem>>
        %dma_wait3A_420 = tpu.memref_squeeze %dma_wait3A_419 : memref<1x128xi32, #tpu.memory_space<vmem>> -> memref<128xi32, #tpu.memory_space<vmem>>
        %dma_wait3A_421 = arith.constant 0 : i32
        %dma_wait3A_422 = arith.constant 0 : i32
        %dma_wait3A_423 = tpu.memref_slice %arg7[%dma_wait3A_421, %dma_wait3A_422] : memref<10112x128xf32, #tpu.memory_space<vmem_shared>> -> memref<10112x128xf32, #tpu.memory_space<vmem_shared>>
        tpu.wait_indirect_dma semaphore(%run_scoped3A_411 : memref<!tpu.dma_semaphore, #tpu.memory_space<semaphore_mem>>) src(%arg11 : memref<128x128xf32, #tpu.memory_space<vmem>>) dst(%dma_wait3A_423 : memref<10112x128xf32, #tpu.memory_space<vmem_shared>>)
        tpu.yield
      }) : () -> ()
    }
    %scan3A_240 = arith.constant 19 : i32
    %dma_start3A_241 = arith.constant 39 : i32
    %dma_start3A_242 = arith.constant 0 : i32
    %dma_start3A_243 = tpu.memref_slice %arg8[%dma_start3A_241, %dma_start3A_242] : memref<40x128xi32, #tpu.memory_space<vmem>> -> memref<1x128xi32, #tpu.memory_space<vmem>>
    %dma_start3A_244 = tpu.memref_squeeze %dma_start3A_243 : memref<1x128xi32, #tpu.memory_space<vmem>> -> memref<128xi32, #tpu.memory_space<vmem>>
    %dma_start3A_245 = arith.constant 0 : i32
    %dma_start3A_246 = arith.constant 0 : i32
    %dma_start3A_247 = tpu.memref_slice %arg2[%dma_start3A_245, %dma_start3A_246] : memref<80000x128xf32, #tpu.memory_space<hbm>> -> memref<80000x128xf32, #tpu.memory_space<hbm>>
    tpu.enqueue_indirect_dma source(%dma_start3A_247 : memref<80000x128xf32, #tpu.memory_space<hbm>>) target(%arg11 : memref<128x128xf32, #tpu.memory_space<vmem>>) offsets(%dma_start3A_244 : memref<128xi32, #tpu.memory_space<vmem>>) semaphore(%arg13 : memref<!tpu.dma_semaphore, #tpu.memory_space<semaphore_mem>>)
    %dma_wait3A_248 = arith.constant 38 : i32
    %dma_wait3A_249 = arith.constant 0 : i32
    %dma_wait3A_250 = tpu.memref_slice %arg8[%dma_wait3A_248, %dma_wait3A_249] : memref<40x128xi32, #tpu.memory_space<vmem>> -> memref<1x128xi32, #tpu.memory_space<vmem>>
    %dma_wait3A_251 = tpu.memref_squeeze %dma_wait3A_250 : memref<1x128xi32, #tpu.memory_space<vmem>> -> memref<128xi32, #tpu.memory_space<vmem>>
    %dma_wait3A_252 = arith.constant 0 : i32
    %dma_wait3A_253 = arith.constant 0 : i32
    %dma_wait3A_254 = tpu.memref_slice %arg2[%dma_wait3A_252, %dma_wait3A_253] : memref<80000x128xf32, #tpu.memory_space<hbm>> -> memref<80000x128xf32, #tpu.memory_space<hbm>>
    tpu.wait_indirect_dma semaphore(%arg12 : memref<!tpu.dma_semaphore, #tpu.memory_space<semaphore_mem>>) src(%dma_wait3A_254 : memref<80000x128xf32, #tpu.memory_space<hbm>>) dst(%arg10 : memref<128x128xf32, #tpu.memory_space<vmem>>)
    %run_scoped3A_255 = arith.constant 38 : i32
    "tpu.region"() ({
      %run_scoped3A_376 = tpu.sem_alloc : memref<!tpu.dma_semaphore, #tpu.memory_space<semaphore_mem>>
      %dma_start3A_377 = arith.constant 0 : i32
      %dma_start3A_378 = tpu.memref_slice %arg9[%run_scoped3A_255, %dma_start3A_377] : memref<40x128xi32, #tpu.memory_space<vmem>> -> memref<1x128xi32, #tpu.memory_space<vmem>>
      %dma_start3A_379 = tpu.memref_squeeze %dma_start3A_378 : memref<1x128xi32, #tpu.memory_space<vmem>> -> memref<128xi32, #tpu.memory_space<vmem>>
      %dma_start3A_380 = arith.constant 0 : i32
      %dma_start3A_381 = arith.constant 0 : i32
      %dma_start3A_382 = tpu.memref_slice %arg7[%dma_start3A_380, %dma_start3A_381] : memref<10112x128xf32, #tpu.memory_space<vmem_shared>> -> memref<10112x128xf32, #tpu.memory_space<vmem_shared>>
      tpu.enqueue_indirect_dma source(%arg10 : memref<128x128xf32, #tpu.memory_space<vmem>>) target(%dma_start3A_382 : memref<10112x128xf32, #tpu.memory_space<vmem_shared>>) offsets(%dma_start3A_379 : memref<128xi32, #tpu.memory_space<vmem>>) semaphore(%run_scoped3A_376 : memref<!tpu.dma_semaphore, #tpu.memory_space<semaphore_mem>>) {add = true}
      %dma_wait3A_383 = arith.constant 0 : i32
      %dma_wait3A_384 = tpu.memref_slice %arg9[%run_scoped3A_255, %dma_wait3A_383] : memref<40x128xi32, #tpu.memory_space<vmem>> -> memref<1x128xi32, #tpu.memory_space<vmem>>
      %dma_wait3A_385 = tpu.memref_squeeze %dma_wait3A_384 : memref<1x128xi32, #tpu.memory_space<vmem>> -> memref<128xi32, #tpu.memory_space<vmem>>
      %dma_wait3A_386 = arith.constant 0 : i32
      %dma_wait3A_387 = arith.constant 0 : i32
      %dma_wait3A_388 = tpu.memref_slice %arg7[%dma_wait3A_386, %dma_wait3A_387] : memref<10112x128xf32, #tpu.memory_space<vmem_shared>> -> memref<10112x128xf32, #tpu.memory_space<vmem_shared>>
      tpu.wait_indirect_dma semaphore(%run_scoped3A_376 : memref<!tpu.dma_semaphore, #tpu.memory_space<semaphore_mem>>) src(%arg10 : memref<128x128xf32, #tpu.memory_space<vmem>>) dst(%dma_wait3A_388 : memref<10112x128xf32, #tpu.memory_space<vmem_shared>>)
      tpu.yield
    }) : () -> ()
    %dma_wait3A_256 = arith.constant 39 : i32
    %dma_wait3A_257 = arith.constant 0 : i32
    %dma_wait3A_258 = tpu.memref_slice %arg8[%dma_wait3A_256, %dma_wait3A_257] : memref<40x128xi32, #tpu.memory_space<vmem>> -> memref<1x128xi32, #tpu.memory_space<vmem>>
    %dma_wait3A_259 = tpu.memref_squeeze %dma_wait3A_258 : memref<1x128xi32, #tpu.memory_space<vmem>> -> memref<128xi32, #tpu.memory_space<vmem>>
    %dma_wait3A_260 = arith.constant 0 : i32
    %dma_wait3A_261 = arith.constant 0 : i32
    %dma_wait3A_262 = tpu.memref_slice %arg2[%dma_wait3A_260, %dma_wait3A_261] : memref<80000x128xf32, #tpu.memory_space<hbm>> -> memref<80000x128xf32, #tpu.memory_space<hbm>>
    tpu.wait_indirect_dma semaphore(%arg13 : memref<!tpu.dma_semaphore, #tpu.memory_space<semaphore_mem>>) src(%dma_wait3A_262 : memref<80000x128xf32, #tpu.memory_space<hbm>>) dst(%arg11 : memref<128x128xf32, #tpu.memory_space<vmem>>)
    %run_scoped3A_263 = arith.constant 39 : i32
    "tpu.region"() ({
      %run_scoped3A_376 = tpu.sem_alloc : memref<!tpu.dma_semaphore, #tpu.memory_space<semaphore_mem>>
      %dma_start3A_377 = arith.constant 0 : i32
      %dma_start3A_378 = tpu.memref_slice %arg9[%run_scoped3A_263, %dma_start3A_377] : memref<40x128xi32, #tpu.memory_space<vmem>> -> memref<1x128xi32, #tpu.memory_space<vmem>>
      %dma_start3A_379 = tpu.memref_squeeze %dma_start3A_378 : memref<1x128xi32, #tpu.memory_space<vmem>> -> memref<128xi32, #tpu.memory_space<vmem>>
      %dma_start3A_380 = arith.constant 0 : i32
      %dma_start3A_381 = arith.constant 0 : i32
      %dma_start3A_382 = tpu.memref_slice %arg7[%dma_start3A_380, %dma_start3A_381] : memref<10112x128xf32, #tpu.memory_space<vmem_shared>> -> memref<10112x128xf32, #tpu.memory_space<vmem_shared>>
      tpu.enqueue_indirect_dma source(%arg11 : memref<128x128xf32, #tpu.memory_space<vmem>>) target(%dma_start3A_382 : memref<10112x128xf32, #tpu.memory_space<vmem_shared>>) offsets(%dma_start3A_379 : memref<128xi32, #tpu.memory_space<vmem>>) semaphore(%run_scoped3A_376 : memref<!tpu.dma_semaphore, #tpu.memory_space<semaphore_mem>>) {add = true}
      %dma_wait3A_383 = arith.constant 0 : i32
      %dma_wait3A_384 = tpu.memref_slice %arg9[%run_scoped3A_263, %dma_wait3A_383] : memref<40x128xi32, #tpu.memory_space<vmem>> -> memref<1x128xi32, #tpu.memory_space<vmem>>
      %dma_wait3A_385 = tpu.memref_squeeze %dma_wait3A_384 : memref<1x128xi32, #tpu.memory_space<vmem>> -> memref<128xi32, #tpu.memory_space<vmem>>
      %dma_wait3A_386 = arith.constant 0 : i32
      %dma_wait3A_387 = arith.constant 0 : i32
      %dma_wait3A_388 = tpu.memref_slice %arg7[%dma_wait3A_386, %dma_wait3A_387] : memref<10112x128xf32, #tpu.memory_space<vmem_shared>> -> memref<10112x128xf32, #tpu.memory_space<vmem_shared>>
      tpu.wait_indirect_dma semaphore(%run_scoped3A_376 : memref<!tpu.dma_semaphore, #tpu.memory_space<semaphore_mem>>) src(%arg11 : memref<128x128xf32, #tpu.memory_space<vmem>>) dst(%dma_wait3A_388 : memref<10112x128xf32, #tpu.memory_space<vmem_shared>>)
      tpu.yield
    }) : () -> ()
    %barrier3A_264 = arith.constant 0 : index
    tpu.barrier barrier_id(%barrier3A_264)
    %add3A_265 = arith.constant 4 : i32
    %add3A_266 = arith.addi %add3A_265, %arg0 : i32
    %mul3A_267 = arith.constant 10000 : i32
    %mul3A_268 = arith.muli %add3A_266, %mul3A_267 : i32
    %lt3A_269 = arith.constant 15 : i32
    %lt3A_270 = arith.cmpi slt, %arg1, %lt3A_269 : i32
    %convert_element_type3A_271 = arith.extui %lt3A_270 : i1 to i32
    %cond3A_272 = arith.constant 0 : i32
    %cond3A_273 = arith.cmpi ne, %convert_element_type3A_271, %cond3A_272 : i32
    scf.if %cond3A_273 {
      %mul3A_376 = arith.constant 624 : i32
      %mul3A_377 = arith.muli %arg1, %mul3A_376 : i32
      %mul3A_378 = arith.constant 624 : i32
      %mul3A_379 = arith.muli %arg1, %mul3A_378 : i32
      %add3A_380 = arith.addi %mul3A_268, %mul3A_379 : i32
      "tpu.region"() ({
        %run_scoped3A_381 = tpu.sem_alloc : memref<!tpu.dma_semaphore, #tpu.memory_space<semaphore_mem>>
        %dma_start3A_382 = arith.constant 0 : i32
        %dma_start3A_383 = tpu.memref_slice %arg6[%add3A_380, %dma_start3A_382] : memref<80000x128xf32, #tpu.memory_space<hbm>> -> memref<624x128xf32, #tpu.memory_space<hbm>>
        %dma_start3A_384 = arith.constant 0 : i32
        %dma_start3A_385 = tpu.memref_slice %arg7[%mul3A_377, %dma_start3A_384] : memref<10112x128xf32, #tpu.memory_space<vmem_shared>> -> memref<624x128xf32, #tpu.memory_space<vmem_shared>>
        tpu.enqueue_dma source(%dma_start3A_385 : memref<624x128xf32, #tpu.memory_space<vmem_shared>>) target(%dma_start3A_383 : memref<624x128xf32, #tpu.memory_space<hbm>>) target_semaphore(%run_scoped3A_381 : memref<!tpu.dma_semaphore, #tpu.memory_space<semaphore_mem>>)
        %dma_wait3A_386 = arith.constant 0 : i32
        %dma_wait3A_387 = tpu.memref_slice %arg6[%add3A_380, %dma_wait3A_386] : memref<80000x128xf32, #tpu.memory_space<hbm>> -> memref<624x128xf32, #tpu.memory_space<hbm>>
        %dma_wait3A_388 = arith.constant 0 : i32
        %dma_wait3A_389 = tpu.memref_slice %arg7[%mul3A_377, %dma_wait3A_388] : memref<10112x128xf32, #tpu.memory_space<vmem_shared>> -> memref<624x128xf32, #tpu.memory_space<vmem_shared>>
        tpu.wait_dma2 semaphore(%run_scoped3A_381 : memref<!tpu.dma_semaphore, #tpu.memory_space<semaphore_mem>>) src(%dma_wait3A_389 : memref<624x128xf32, #tpu.memory_space<vmem_shared>>) dst(%dma_wait3A_387 : memref<624x128xf32, #tpu.memory_space<hbm>>)
        tpu.yield
      }) : () -> ()
    } else {
    }
    %eq3A_274 = arith.constant 15 : i32
    %eq3A_275 = arith.cmpi eq, %arg1, %eq3A_274 : i32
    %convert_element_type3A_276 = arith.extui %eq3A_275 : i1 to i32
    %cond3A_277 = arith.constant 0 : i32
    %cond3A_278 = arith.cmpi ne, %convert_element_type3A_276, %cond3A_277 : i32
    scf.if %cond3A_278 {
      %add3A_376 = arith.constant 9360 : i32
      %add3A_377 = arith.addi %mul3A_268, %add3A_376 : i32
      "tpu.region"() ({
        %run_scoped3A_378 = tpu.sem_alloc : memref<!tpu.dma_semaphore, #tpu.memory_space<semaphore_mem>>
        %dma_start3A_379 = arith.constant 0 : i32
        %dma_start3A_380 = tpu.memref_slice %arg6[%add3A_377, %dma_start3A_379] : memref<80000x128xf32, #tpu.memory_space<hbm>> -> memref<640x128xf32, #tpu.memory_space<hbm>>
        %dma_start3A_381 = arith.constant 9360 : i32
        %dma_start3A_382 = arith.constant 0 : i32
        %dma_start3A_383 = tpu.memref_slice %arg7[%dma_start3A_381, %dma_start3A_382] : memref<10112x128xf32, #tpu.memory_space<vmem_shared>> -> memref<640x128xf32, #tpu.memory_space<vmem_shared>>
        tpu.enqueue_dma source(%dma_start3A_383 : memref<640x128xf32, #tpu.memory_space<vmem_shared>>) target(%dma_start3A_380 : memref<640x128xf32, #tpu.memory_space<hbm>>) target_semaphore(%run_scoped3A_378 : memref<!tpu.dma_semaphore, #tpu.memory_space<semaphore_mem>>)
        %dma_wait3A_384 = arith.constant 0 : i32
        %dma_wait3A_385 = tpu.memref_slice %arg6[%add3A_377, %dma_wait3A_384] : memref<80000x128xf32, #tpu.memory_space<hbm>> -> memref<640x128xf32, #tpu.memory_space<hbm>>
        %dma_wait3A_386 = arith.constant 9360 : i32
        %dma_wait3A_387 = arith.constant 0 : i32
        %dma_wait3A_388 = tpu.memref_slice %arg7[%dma_wait3A_386, %dma_wait3A_387] : memref<10112x128xf32, #tpu.memory_space<vmem_shared>> -> memref<640x128xf32, #tpu.memory_space<vmem_shared>>
        tpu.wait_dma2 semaphore(%run_scoped3A_378 : memref<!tpu.dma_semaphore, #tpu.memory_space<semaphore_mem>>) src(%dma_wait3A_388 : memref<640x128xf32, #tpu.memory_space<vmem_shared>>) dst(%dma_wait3A_385 : memref<640x128xf32, #tpu.memory_space<hbm>>)
        tpu.yield
      }) : () -> ()
    } else {
    }
    %barrier3A_279 = arith.constant 0 : index
    tpu.barrier barrier_id(%barrier3A_279)
    %mul3A_280 = arith.constant 632 : i32
    %mul3A_281 = arith.muli %arg1, %mul3A_280 : i32
    "tpu.region"() ({
      %run_scoped3A_376 = tpu.sem_alloc : memref<!tpu.dma_semaphore, #tpu.memory_space<semaphore_mem>>
      %dma_start3A_377 = arith.constant 0 : i32
      %dma_start3A_378 = tpu.memref_slice %arg7[%mul3A_281, %dma_start3A_377] : memref<10112x128xf32, #tpu.memory_space<vmem_shared>> -> memref<632x128xf32, #tpu.memory_space<vmem_shared>>
      tpu.enqueue_dma source(%arg5 : memref<632x128xf32, #tpu.memory_space<hbm>>) target(%dma_start3A_378 : memref<632x128xf32, #tpu.memory_space<vmem_shared>>) target_semaphore(%run_scoped3A_376 : memref<!tpu.dma_semaphore, #tpu.memory_space<semaphore_mem>>)
      %dma_wait3A_379 = arith.constant 0 : i32
      %dma_wait3A_380 = tpu.memref_slice %arg7[%mul3A_281, %dma_wait3A_379] : memref<10112x128xf32, #tpu.memory_space<vmem_shared>> -> memref<632x128xf32, #tpu.memory_space<vmem_shared>>
      tpu.wait_dma2 semaphore(%run_scoped3A_376 : memref<!tpu.dma_semaphore, #tpu.memory_space<semaphore_mem>>) src(%arg5 : memref<632x128xf32, #tpu.memory_space<hbm>>) dst(%dma_wait3A_380 : memref<632x128xf32, #tpu.memory_space<vmem_shared>>)
      tpu.yield
    }) : () -> ()
    %barrier3A_282 = arith.constant 0 : index
    tpu.barrier barrier_id(%barrier3A_282)
    %run_scoped3A_283 = arith.constant 3 : i32
    %run_scoped3A_284 = arith.constant 0 : i32
    "tpu.region"() ({
      %run_scoped3A_376 = tpu.sem_alloc : memref<!tpu.dma_semaphore, #tpu.memory_space<semaphore_mem>>
      %dma_start3A_377 = arith.constant 0 : i32
      %dma_start3A_378 = arith.constant 0 : i32
      %dma_start3A_379 = tpu.memref_slice %arg3[%run_scoped3A_283, %arg0, %arg1, %run_scoped3A_284, %dma_start3A_377, %dma_start3A_378] : memref<4x2x16x2x40x128xi32, #tpu.memory_space<hbm>> -> memref<1x1x1x1x40x128xi32, #tpu.memory_space<hbm>>
      %dma_start3A_380 = tpu.memref_squeeze %dma_start3A_379 : memref<1x1x1x1x40x128xi32, #tpu.memory_space<hbm>> -> memref<40x128xi32, #tpu.memory_space<hbm>>
      %dma_start3A_381 = arith.constant 0 : i32
      %dma_start3A_382 = arith.constant 0 : i32
      %dma_start3A_383 = tpu.memref_slice %arg3[%run_scoped3A_283, %arg0, %arg1, %run_scoped3A_284, %dma_start3A_381, %dma_start3A_382] : memref<4x2x16x2x40x128xi32, #tpu.memory_space<hbm>> -> memref<1x1x1x1x40x128xi32, #tpu.memory_space<hbm>>
      %dma_start3A_384 = tpu.memref_squeeze %dma_start3A_383 : memref<1x1x1x1x40x128xi32, #tpu.memory_space<hbm>> -> memref<40x128xi32, #tpu.memory_space<hbm>>
      tpu.enqueue_dma source(%dma_start3A_384 : memref<40x128xi32, #tpu.memory_space<hbm>>) target(%arg8 : memref<40x128xi32, #tpu.memory_space<vmem>>) target_semaphore(%run_scoped3A_376 : memref<!tpu.dma_semaphore, #tpu.memory_space<semaphore_mem>>)
      %dma_wait3A_385 = arith.constant 0 : i32
      %dma_wait3A_386 = arith.constant 0 : i32
      %dma_wait3A_387 = tpu.memref_slice %arg3[%run_scoped3A_283, %arg0, %arg1, %run_scoped3A_284, %dma_wait3A_385, %dma_wait3A_386] : memref<4x2x16x2x40x128xi32, #tpu.memory_space<hbm>> -> memref<1x1x1x1x40x128xi32, #tpu.memory_space<hbm>>
      %dma_wait3A_388 = tpu.memref_squeeze %dma_wait3A_387 : memref<1x1x1x1x40x128xi32, #tpu.memory_space<hbm>> -> memref<40x128xi32, #tpu.memory_space<hbm>>
      %dma_wait3A_389 = arith.constant 0 : i32
      %dma_wait3A_390 = arith.constant 0 : i32
      %dma_wait3A_391 = tpu.memref_slice %arg3[%run_scoped3A_283, %arg0, %arg1, %run_scoped3A_284, %dma_wait3A_389, %dma_wait3A_390] : memref<4x2x16x2x40x128xi32, #tpu.memory_space<hbm>> -> memref<1x1x1x1x40x128xi32, #tpu.memory_space<hbm>>
      %dma_wait3A_392 = tpu.memref_squeeze %dma_wait3A_391 : memref<1x1x1x1x40x128xi32, #tpu.memory_space<hbm>> -> memref<40x128xi32, #tpu.memory_space<hbm>>
      tpu.wait_dma2 semaphore(%run_scoped3A_376 : memref<!tpu.dma_semaphore, #tpu.memory_space<semaphore_mem>>) src(%dma_wait3A_392 : memref<40x128xi32, #tpu.memory_space<hbm>>) dst(%arg8 : memref<40x128xi32, #tpu.memory_space<vmem>>)
      tpu.yield
    }) : () -> ()
    %run_scoped3A_285 = arith.constant 0 : i32
    "tpu.region"() ({
      %run_scoped3A_376 = tpu.sem_alloc : memref<!tpu.dma_semaphore, #tpu.memory_space<semaphore_mem>>
      %dma_start3A_377 = arith.constant 0 : i32
      %dma_start3A_378 = arith.constant 0 : i32
      %dma_start3A_379 = tpu.memref_slice %arg4[%arg1, %run_scoped3A_285, %dma_start3A_377, %dma_start3A_378] : memref<16x2x40x128xi32, #tpu.memory_space<hbm>> -> memref<1x1x40x128xi32, #tpu.memory_space<hbm>>
      %dma_start3A_380 = tpu.memref_squeeze %dma_start3A_379 : memref<1x1x40x128xi32, #tpu.memory_space<hbm>> -> memref<40x128xi32, #tpu.memory_space<hbm>>
      %dma_start3A_381 = arith.constant 0 : i32
      %dma_start3A_382 = arith.constant 0 : i32
      %dma_start3A_383 = tpu.memref_slice %arg4[%arg1, %run_scoped3A_285, %dma_start3A_381, %dma_start3A_382] : memref<16x2x40x128xi32, #tpu.memory_space<hbm>> -> memref<1x1x40x128xi32, #tpu.memory_space<hbm>>
      %dma_start3A_384 = tpu.memref_squeeze %dma_start3A_383 : memref<1x1x40x128xi32, #tpu.memory_space<hbm>> -> memref<40x128xi32, #tpu.memory_space<hbm>>
      tpu.enqueue_dma source(%dma_start3A_384 : memref<40x128xi32, #tpu.memory_space<hbm>>) target(%arg9 : memref<40x128xi32, #tpu.memory_space<vmem>>) target_semaphore(%run_scoped3A_376 : memref<!tpu.dma_semaphore, #tpu.memory_space<semaphore_mem>>)
      %dma_wait3A_385 = arith.constant 0 : i32
      %dma_wait3A_386 = arith.constant 0 : i32
      %dma_wait3A_387 = tpu.memref_slice %arg4[%arg1, %run_scoped3A_285, %dma_wait3A_385, %dma_wait3A_386] : memref<16x2x40x128xi32, #tpu.memory_space<hbm>> -> memref<1x1x40x128xi32, #tpu.memory_space<hbm>>
      %dma_wait3A_388 = tpu.memref_squeeze %dma_wait3A_387 : memref<1x1x40x128xi32, #tpu.memory_space<hbm>> -> memref<40x128xi32, #tpu.memory_space<hbm>>
      %dma_wait3A_389 = arith.constant 0 : i32
      %dma_wait3A_390 = arith.constant 0 : i32
      %dma_wait3A_391 = tpu.memref_slice %arg4[%arg1, %run_scoped3A_285, %dma_wait3A_389, %dma_wait3A_390] : memref<16x2x40x128xi32, #tpu.memory_space<hbm>> -> memref<1x1x40x128xi32, #tpu.memory_space<hbm>>
      %dma_wait3A_392 = tpu.memref_squeeze %dma_wait3A_391 : memref<1x1x40x128xi32, #tpu.memory_space<hbm>> -> memref<40x128xi32, #tpu.memory_space<hbm>>
      tpu.wait_dma2 semaphore(%run_scoped3A_376 : memref<!tpu.dma_semaphore, #tpu.memory_space<semaphore_mem>>) src(%dma_wait3A_392 : memref<40x128xi32, #tpu.memory_space<hbm>>) dst(%arg9 : memref<40x128xi32, #tpu.memory_space<vmem>>)
      tpu.yield
    }) : () -> ()
    %dma_start3A_286 = arith.constant 0 : i32
    %dma_start3A_287 = arith.constant 0 : i32
    %dma_start3A_288 = tpu.memref_slice %arg8[%dma_start3A_286, %dma_start3A_287] : memref<40x128xi32, #tpu.memory_space<vmem>> -> memref<1x128xi32, #tpu.memory_space<vmem>>
    %dma_start3A_289 = tpu.memref_squeeze %dma_start3A_288 : memref<1x128xi32, #tpu.memory_space<vmem>> -> memref<128xi32, #tpu.memory_space<vmem>>
    %dma_start3A_290 = arith.constant 0 : i32
    %dma_start3A_291 = arith.constant 0 : i32
    %dma_start3A_292 = tpu.memref_slice %arg2[%dma_start3A_290, %dma_start3A_291] : memref<80000x128xf32, #tpu.memory_space<hbm>> -> memref<80000x128xf32, #tpu.memory_space<hbm>>
    tpu.enqueue_indirect_dma source(%dma_start3A_292 : memref<80000x128xf32, #tpu.memory_space<hbm>>) target(%arg10 : memref<128x128xf32, #tpu.memory_space<vmem>>) offsets(%dma_start3A_289 : memref<128xi32, #tpu.memory_space<vmem>>) semaphore(%arg12 : memref<!tpu.dma_semaphore, #tpu.memory_space<semaphore_mem>>)
    %scan3A_293 = arith.constant 0 : i32
    %scan3A_294 = arith.constant 0 : i32
    %scan3A_295 = arith.constant 19 : i32
    %scan3A_296 = arith.addi %scan3A_294, %scan3A_295 : i32
    %scan3A_297 = arith.constant 1 : i32
    scf.for %scan3A_376 = %scan3A_294 to %scan3A_296 step %scan3A_297  : i32 {
      %mul3A_377 = arith.constant 2 : i32
      %mul3A_378 = arith.muli %mul3A_377, %scan3A_376 : i32
      %add3A_379 = arith.constant 1 : i32
      %add3A_380 = arith.addi %mul3A_378, %add3A_379 : i32
      %dma_start3A_381 = arith.constant 0 : i32
      %dma_start3A_382 = tpu.memref_slice %arg8[%add3A_380, %dma_start3A_381] : memref<40x128xi32, #tpu.memory_space<vmem>> -> memref<1x128xi32, #tpu.memory_space<vmem>>
      %dma_start3A_383 = tpu.memref_squeeze %dma_start3A_382 : memref<1x128xi32, #tpu.memory_space<vmem>> -> memref<128xi32, #tpu.memory_space<vmem>>
      %dma_start3A_384 = arith.constant 0 : i32
      %dma_start3A_385 = arith.constant 0 : i32
      %dma_start3A_386 = tpu.memref_slice %arg2[%dma_start3A_384, %dma_start3A_385] : memref<80000x128xf32, #tpu.memory_space<hbm>> -> memref<80000x128xf32, #tpu.memory_space<hbm>>
      tpu.enqueue_indirect_dma source(%dma_start3A_386 : memref<80000x128xf32, #tpu.memory_space<hbm>>) target(%arg11 : memref<128x128xf32, #tpu.memory_space<vmem>>) offsets(%dma_start3A_383 : memref<128xi32, #tpu.memory_space<vmem>>) semaphore(%arg13 : memref<!tpu.dma_semaphore, #tpu.memory_space<semaphore_mem>>)
      %dma_wait3A_387 = arith.constant 0 : i32
      %dma_wait3A_388 = tpu.memref_slice %arg8[%mul3A_378, %dma_wait3A_387] : memref<40x128xi32, #tpu.memory_space<vmem>> -> memref<1x128xi32, #tpu.memory_space<vmem>>
      %dma_wait3A_389 = tpu.memref_squeeze %dma_wait3A_388 : memref<1x128xi32, #tpu.memory_space<vmem>> -> memref<128xi32, #tpu.memory_space<vmem>>
      %dma_wait3A_390 = arith.constant 0 : i32
      %dma_wait3A_391 = arith.constant 0 : i32
      %dma_wait3A_392 = tpu.memref_slice %arg2[%dma_wait3A_390, %dma_wait3A_391] : memref<80000x128xf32, #tpu.memory_space<hbm>> -> memref<80000x128xf32, #tpu.memory_space<hbm>>
      tpu.wait_indirect_dma semaphore(%arg12 : memref<!tpu.dma_semaphore, #tpu.memory_space<semaphore_mem>>) src(%dma_wait3A_392 : memref<80000x128xf32, #tpu.memory_space<hbm>>) dst(%arg10 : memref<128x128xf32, #tpu.memory_space<vmem>>)
      "tpu.region"() ({
        %run_scoped3A_411 = tpu.sem_alloc : memref<!tpu.dma_semaphore, #tpu.memory_space<semaphore_mem>>
        %dma_start3A_412 = arith.constant 0 : i32
        %dma_start3A_413 = tpu.memref_slice %arg9[%mul3A_378, %dma_start3A_412] : memref<40x128xi32, #tpu.memory_space<vmem>> -> memref<1x128xi32, #tpu.memory_space<vmem>>
        %dma_start3A_414 = tpu.memref_squeeze %dma_start3A_413 : memref<1x128xi32, #tpu.memory_space<vmem>> -> memref<128xi32, #tpu.memory_space<vmem>>
        %dma_start3A_415 = arith.constant 0 : i32
        %dma_start3A_416 = arith.constant 0 : i32
        %dma_start3A_417 = tpu.memref_slice %arg7[%dma_start3A_415, %dma_start3A_416] : memref<10112x128xf32, #tpu.memory_space<vmem_shared>> -> memref<10112x128xf32, #tpu.memory_space<vmem_shared>>
        tpu.enqueue_indirect_dma source(%arg10 : memref<128x128xf32, #tpu.memory_space<vmem>>) target(%dma_start3A_417 : memref<10112x128xf32, #tpu.memory_space<vmem_shared>>) offsets(%dma_start3A_414 : memref<128xi32, #tpu.memory_space<vmem>>) semaphore(%run_scoped3A_411 : memref<!tpu.dma_semaphore, #tpu.memory_space<semaphore_mem>>) {add = true}
        %dma_wait3A_418 = arith.constant 0 : i32
        %dma_wait3A_419 = tpu.memref_slice %arg9[%mul3A_378, %dma_wait3A_418] : memref<40x128xi32, #tpu.memory_space<vmem>> -> memref<1x128xi32, #tpu.memory_space<vmem>>
        %dma_wait3A_420 = tpu.memref_squeeze %dma_wait3A_419 : memref<1x128xi32, #tpu.memory_space<vmem>> -> memref<128xi32, #tpu.memory_space<vmem>>
        %dma_wait3A_421 = arith.constant 0 : i32
        %dma_wait3A_422 = arith.constant 0 : i32
        %dma_wait3A_423 = tpu.memref_slice %arg7[%dma_wait3A_421, %dma_wait3A_422] : memref<10112x128xf32, #tpu.memory_space<vmem_shared>> -> memref<10112x128xf32, #tpu.memory_space<vmem_shared>>
        tpu.wait_indirect_dma semaphore(%run_scoped3A_411 : memref<!tpu.dma_semaphore, #tpu.memory_space<semaphore_mem>>) src(%arg10 : memref<128x128xf32, #tpu.memory_space<vmem>>) dst(%dma_wait3A_423 : memref<10112x128xf32, #tpu.memory_space<vmem_shared>>)
        tpu.yield
      }) : () -> ()
      %add3A_393 = arith.constant 2 : i32
      %add3A_394 = arith.addi %mul3A_378, %add3A_393 : i32
      %dma_start3A_395 = arith.constant 0 : i32
      %dma_start3A_396 = tpu.memref_slice %arg8[%add3A_394, %dma_start3A_395] : memref<40x128xi32, #tpu.memory_space<vmem>> -> memref<1x128xi32, #tpu.memory_space<vmem>>
      %dma_start3A_397 = tpu.memref_squeeze %dma_start3A_396 : memref<1x128xi32, #tpu.memory_space<vmem>> -> memref<128xi32, #tpu.memory_space<vmem>>
      %dma_start3A_398 = arith.constant 0 : i32
      %dma_start3A_399 = arith.constant 0 : i32
      %dma_start3A_400 = tpu.memref_slice %arg2[%dma_start3A_398, %dma_start3A_399] : memref<80000x128xf32, #tpu.memory_space<hbm>> -> memref<80000x128xf32, #tpu.memory_space<hbm>>
      tpu.enqueue_indirect_dma source(%dma_start3A_400 : memref<80000x128xf32, #tpu.memory_space<hbm>>) target(%arg10 : memref<128x128xf32, #tpu.memory_space<vmem>>) offsets(%dma_start3A_397 : memref<128xi32, #tpu.memory_space<vmem>>) semaphore(%arg12 : memref<!tpu.dma_semaphore, #tpu.memory_space<semaphore_mem>>)
      %add3A_401 = arith.constant 1 : i32
      %add3A_402 = arith.addi %mul3A_378, %add3A_401 : i32
      %dma_wait3A_403 = arith.constant 0 : i32
      %dma_wait3A_404 = tpu.memref_slice %arg8[%add3A_402, %dma_wait3A_403] : memref<40x128xi32, #tpu.memory_space<vmem>> -> memref<1x128xi32, #tpu.memory_space<vmem>>
      %dma_wait3A_405 = tpu.memref_squeeze %dma_wait3A_404 : memref<1x128xi32, #tpu.memory_space<vmem>> -> memref<128xi32, #tpu.memory_space<vmem>>
      %dma_wait3A_406 = arith.constant 0 : i32
      %dma_wait3A_407 = arith.constant 0 : i32
      %dma_wait3A_408 = tpu.memref_slice %arg2[%dma_wait3A_406, %dma_wait3A_407] : memref<80000x128xf32, #tpu.memory_space<hbm>> -> memref<80000x128xf32, #tpu.memory_space<hbm>>
      tpu.wait_indirect_dma semaphore(%arg13 : memref<!tpu.dma_semaphore, #tpu.memory_space<semaphore_mem>>) src(%dma_wait3A_408 : memref<80000x128xf32, #tpu.memory_space<hbm>>) dst(%arg11 : memref<128x128xf32, #tpu.memory_space<vmem>>)
      %add3A_409 = arith.constant 1 : i32
      %add3A_410 = arith.addi %mul3A_378, %add3A_409 : i32
      "tpu.region"() ({
        %run_scoped3A_411 = tpu.sem_alloc : memref<!tpu.dma_semaphore, #tpu.memory_space<semaphore_mem>>
        %dma_start3A_412 = arith.constant 0 : i32
        %dma_start3A_413 = tpu.memref_slice %arg9[%add3A_410, %dma_start3A_412] : memref<40x128xi32, #tpu.memory_space<vmem>> -> memref<1x128xi32, #tpu.memory_space<vmem>>
        %dma_start3A_414 = tpu.memref_squeeze %dma_start3A_413 : memref<1x128xi32, #tpu.memory_space<vmem>> -> memref<128xi32, #tpu.memory_space<vmem>>
        %dma_start3A_415 = arith.constant 0 : i32
        %dma_start3A_416 = arith.constant 0 : i32
        %dma_start3A_417 = tpu.memref_slice %arg7[%dma_start3A_415, %dma_start3A_416] : memref<10112x128xf32, #tpu.memory_space<vmem_shared>> -> memref<10112x128xf32, #tpu.memory_space<vmem_shared>>
        tpu.enqueue_indirect_dma source(%arg11 : memref<128x128xf32, #tpu.memory_space<vmem>>) target(%dma_start3A_417 : memref<10112x128xf32, #tpu.memory_space<vmem_shared>>) offsets(%dma_start3A_414 : memref<128xi32, #tpu.memory_space<vmem>>) semaphore(%run_scoped3A_411 : memref<!tpu.dma_semaphore, #tpu.memory_space<semaphore_mem>>) {add = true}
        %dma_wait3A_418 = arith.constant 0 : i32
        %dma_wait3A_419 = tpu.memref_slice %arg9[%add3A_410, %dma_wait3A_418] : memref<40x128xi32, #tpu.memory_space<vmem>> -> memref<1x128xi32, #tpu.memory_space<vmem>>
        %dma_wait3A_420 = tpu.memref_squeeze %dma_wait3A_419 : memref<1x128xi32, #tpu.memory_space<vmem>> -> memref<128xi32, #tpu.memory_space<vmem>>
        %dma_wait3A_421 = arith.constant 0 : i32
        %dma_wait3A_422 = arith.constant 0 : i32
        %dma_wait3A_423 = tpu.memref_slice %arg7[%dma_wait3A_421, %dma_wait3A_422] : memref<10112x128xf32, #tpu.memory_space<vmem_shared>> -> memref<10112x128xf32, #tpu.memory_space<vmem_shared>>
        tpu.wait_indirect_dma semaphore(%run_scoped3A_411 : memref<!tpu.dma_semaphore, #tpu.memory_space<semaphore_mem>>) src(%arg11 : memref<128x128xf32, #tpu.memory_space<vmem>>) dst(%dma_wait3A_423 : memref<10112x128xf32, #tpu.memory_space<vmem_shared>>)
        tpu.yield
      }) : () -> ()
    }
    %scan3A_298 = arith.constant 19 : i32
    %dma_start3A_299 = arith.constant 39 : i32
    %dma_start3A_300 = arith.constant 0 : i32
    %dma_start3A_301 = tpu.memref_slice %arg8[%dma_start3A_299, %dma_start3A_300] : memref<40x128xi32, #tpu.memory_space<vmem>> -> memref<1x128xi32, #tpu.memory_space<vmem>>
    %dma_start3A_302 = tpu.memref_squeeze %dma_start3A_301 : memref<1x128xi32, #tpu.memory_space<vmem>> -> memref<128xi32, #tpu.memory_space<vmem>>
    %dma_start3A_303 = arith.constant 0 : i32
    %dma_start3A_304 = arith.constant 0 : i32
    %dma_start3A_305 = tpu.memref_slice %arg2[%dma_start3A_303, %dma_start3A_304] : memref<80000x128xf32, #tpu.memory_space<hbm>> -> memref<80000x128xf32, #tpu.memory_space<hbm>>
    tpu.enqueue_indirect_dma source(%dma_start3A_305 : memref<80000x128xf32, #tpu.memory_space<hbm>>) target(%arg11 : memref<128x128xf32, #tpu.memory_space<vmem>>) offsets(%dma_start3A_302 : memref<128xi32, #tpu.memory_space<vmem>>) semaphore(%arg13 : memref<!tpu.dma_semaphore, #tpu.memory_space<semaphore_mem>>)
    %dma_wait3A_306 = arith.constant 38 : i32
    %dma_wait3A_307 = arith.constant 0 : i32
    %dma_wait3A_308 = tpu.memref_slice %arg8[%dma_wait3A_306, %dma_wait3A_307] : memref<40x128xi32, #tpu.memory_space<vmem>> -> memref<1x128xi32, #tpu.memory_space<vmem>>
    %dma_wait3A_309 = tpu.memref_squeeze %dma_wait3A_308 : memref<1x128xi32, #tpu.memory_space<vmem>> -> memref<128xi32, #tpu.memory_space<vmem>>
    %dma_wait3A_310 = arith.constant 0 : i32
    %dma_wait3A_311 = arith.constant 0 : i32
    %dma_wait3A_312 = tpu.memref_slice %arg2[%dma_wait3A_310, %dma_wait3A_311] : memref<80000x128xf32, #tpu.memory_space<hbm>> -> memref<80000x128xf32, #tpu.memory_space<hbm>>
    tpu.wait_indirect_dma semaphore(%arg12 : memref<!tpu.dma_semaphore, #tpu.memory_space<semaphore_mem>>) src(%dma_wait3A_312 : memref<80000x128xf32, #tpu.memory_space<hbm>>) dst(%arg10 : memref<128x128xf32, #tpu.memory_space<vmem>>)
    %run_scoped3A_313 = arith.constant 38 : i32
    "tpu.region"() ({
      %run_scoped3A_376 = tpu.sem_alloc : memref<!tpu.dma_semaphore, #tpu.memory_space<semaphore_mem>>
      %dma_start3A_377 = arith.constant 0 : i32
      %dma_start3A_378 = tpu.memref_slice %arg9[%run_scoped3A_313, %dma_start3A_377] : memref<40x128xi32, #tpu.memory_space<vmem>> -> memref<1x128xi32, #tpu.memory_space<vmem>>
      %dma_start3A_379 = tpu.memref_squeeze %dma_start3A_378 : memref<1x128xi32, #tpu.memory_space<vmem>> -> memref<128xi32, #tpu.memory_space<vmem>>
      %dma_start3A_380 = arith.constant 0 : i32
      %dma_start3A_381 = arith.constant 0 : i32
      %dma_start3A_382 = tpu.memref_slice %arg7[%dma_start3A_380, %dma_start3A_381] : memref<10112x128xf32, #tpu.memory_space<vmem_shared>> -> memref<10112x128xf32, #tpu.memory_space<vmem_shared>>
      tpu.enqueue_indirect_dma source(%arg10 : memref<128x128xf32, #tpu.memory_space<vmem>>) target(%dma_start3A_382 : memref<10112x128xf32, #tpu.memory_space<vmem_shared>>) offsets(%dma_start3A_379 : memref<128xi32, #tpu.memory_space<vmem>>) semaphore(%run_scoped3A_376 : memref<!tpu.dma_semaphore, #tpu.memory_space<semaphore_mem>>) {add = true}
      %dma_wait3A_383 = arith.constant 0 : i32
      %dma_wait3A_384 = tpu.memref_slice %arg9[%run_scoped3A_313, %dma_wait3A_383] : memref<40x128xi32, #tpu.memory_space<vmem>> -> memref<1x128xi32, #tpu.memory_space<vmem>>
      %dma_wait3A_385 = tpu.memref_squeeze %dma_wait3A_384 : memref<1x128xi32, #tpu.memory_space<vmem>> -> memref<128xi32, #tpu.memory_space<vmem>>
      %dma_wait3A_386 = arith.constant 0 : i32
      %dma_wait3A_387 = arith.constant 0 : i32
      %dma_wait3A_388 = tpu.memref_slice %arg7[%dma_wait3A_386, %dma_wait3A_387] : memref<10112x128xf32, #tpu.memory_space<vmem_shared>> -> memref<10112x128xf32, #tpu.memory_space<vmem_shared>>
      tpu.wait_indirect_dma semaphore(%run_scoped3A_376 : memref<!tpu.dma_semaphore, #tpu.memory_space<semaphore_mem>>) src(%arg10 : memref<128x128xf32, #tpu.memory_space<vmem>>) dst(%dma_wait3A_388 : memref<10112x128xf32, #tpu.memory_space<vmem_shared>>)
      tpu.yield
    }) : () -> ()
    %dma_wait3A_314 = arith.constant 39 : i32
    %dma_wait3A_315 = arith.constant 0 : i32
    %dma_wait3A_316 = tpu.memref_slice %arg8[%dma_wait3A_314, %dma_wait3A_315] : memref<40x128xi32, #tpu.memory_space<vmem>> -> memref<1x128xi32, #tpu.memory_space<vmem>>
    %dma_wait3A_317 = tpu.memref_squeeze %dma_wait3A_316 : memref<1x128xi32, #tpu.memory_space<vmem>> -> memref<128xi32, #tpu.memory_space<vmem>>
    %dma_wait3A_318 = arith.constant 0 : i32
    %dma_wait3A_319 = arith.constant 0 : i32
    %dma_wait3A_320 = tpu.memref_slice %arg2[%dma_wait3A_318, %dma_wait3A_319] : memref<80000x128xf32, #tpu.memory_space<hbm>> -> memref<80000x128xf32, #tpu.memory_space<hbm>>
    tpu.wait_indirect_dma semaphore(%arg13 : memref<!tpu.dma_semaphore, #tpu.memory_space<semaphore_mem>>) src(%dma_wait3A_320 : memref<80000x128xf32, #tpu.memory_space<hbm>>) dst(%arg11 : memref<128x128xf32, #tpu.memory_space<vmem>>)
    %run_scoped3A_321 = arith.constant 39 : i32
    "tpu.region"() ({
      %run_scoped3A_376 = tpu.sem_alloc : memref<!tpu.dma_semaphore, #tpu.memory_space<semaphore_mem>>
      %dma_start3A_377 = arith.constant 0 : i32
      %dma_start3A_378 = tpu.memref_slice %arg9[%run_scoped3A_321, %dma_start3A_377] : memref<40x128xi32, #tpu.memory_space<vmem>> -> memref<1x128xi32, #tpu.memory_space<vmem>>
      %dma_start3A_379 = tpu.memref_squeeze %dma_start3A_378 : memref<1x128xi32, #tpu.memory_space<vmem>> -> memref<128xi32, #tpu.memory_space<vmem>>
      %dma_start3A_380 = arith.constant 0 : i32
      %dma_start3A_381 = arith.constant 0 : i32
      %dma_start3A_382 = tpu.memref_slice %arg7[%dma_start3A_380, %dma_start3A_381] : memref<10112x128xf32, #tpu.memory_space<vmem_shared>> -> memref<10112x128xf32, #tpu.memory_space<vmem_shared>>
      tpu.enqueue_indirect_dma source(%arg11 : memref<128x128xf32, #tpu.memory_space<vmem>>) target(%dma_start3A_382 : memref<10112x128xf32, #tpu.memory_space<vmem_shared>>) offsets(%dma_start3A_379 : memref<128xi32, #tpu.memory_space<vmem>>) semaphore(%run_scoped3A_376 : memref<!tpu.dma_semaphore, #tpu.memory_space<semaphore_mem>>) {add = true}
      %dma_wait3A_383 = arith.constant 0 : i32
      %dma_wait3A_384 = tpu.memref_slice %arg9[%run_scoped3A_321, %dma_wait3A_383] : memref<40x128xi32, #tpu.memory_space<vmem>> -> memref<1x128xi32, #tpu.memory_space<vmem>>
      %dma_wait3A_385 = tpu.memref_squeeze %dma_wait3A_384 : memref<1x128xi32, #tpu.memory_space<vmem>> -> memref<128xi32, #tpu.memory_space<vmem>>
      %dma_wait3A_386 = arith.constant 0 : i32
      %dma_wait3A_387 = arith.constant 0 : i32
      %dma_wait3A_388 = tpu.memref_slice %arg7[%dma_wait3A_386, %dma_wait3A_387] : memref<10112x128xf32, #tpu.memory_space<vmem_shared>> -> memref<10112x128xf32, #tpu.memory_space<vmem_shared>>
      tpu.wait_indirect_dma semaphore(%run_scoped3A_376 : memref<!tpu.dma_semaphore, #tpu.memory_space<semaphore_mem>>) src(%arg11 : memref<128x128xf32, #tpu.memory_space<vmem>>) dst(%dma_wait3A_388 : memref<10112x128xf32, #tpu.memory_space<vmem_shared>>)
      tpu.yield
    }) : () -> ()
    %run_scoped3A_322 = arith.constant 3 : i32
    %run_scoped3A_323 = arith.constant 1 : i32
    "tpu.region"() ({
      %run_scoped3A_376 = tpu.sem_alloc : memref<!tpu.dma_semaphore, #tpu.memory_space<semaphore_mem>>
      %dma_start3A_377 = arith.constant 0 : i32
      %dma_start3A_378 = arith.constant 0 : i32
      %dma_start3A_379 = tpu.memref_slice %arg3[%run_scoped3A_322, %arg0, %arg1, %run_scoped3A_323, %dma_start3A_377, %dma_start3A_378] : memref<4x2x16x2x40x128xi32, #tpu.memory_space<hbm>> -> memref<1x1x1x1x40x128xi32, #tpu.memory_space<hbm>>
      %dma_start3A_380 = tpu.memref_squeeze %dma_start3A_379 : memref<1x1x1x1x40x128xi32, #tpu.memory_space<hbm>> -> memref<40x128xi32, #tpu.memory_space<hbm>>
      %dma_start3A_381 = arith.constant 0 : i32
      %dma_start3A_382 = arith.constant 0 : i32
      %dma_start3A_383 = tpu.memref_slice %arg3[%run_scoped3A_322, %arg0, %arg1, %run_scoped3A_323, %dma_start3A_381, %dma_start3A_382] : memref<4x2x16x2x40x128xi32, #tpu.memory_space<hbm>> -> memref<1x1x1x1x40x128xi32, #tpu.memory_space<hbm>>
      %dma_start3A_384 = tpu.memref_squeeze %dma_start3A_383 : memref<1x1x1x1x40x128xi32, #tpu.memory_space<hbm>> -> memref<40x128xi32, #tpu.memory_space<hbm>>
      tpu.enqueue_dma source(%dma_start3A_384 : memref<40x128xi32, #tpu.memory_space<hbm>>) target(%arg8 : memref<40x128xi32, #tpu.memory_space<vmem>>) target_semaphore(%run_scoped3A_376 : memref<!tpu.dma_semaphore, #tpu.memory_space<semaphore_mem>>)
      %dma_wait3A_385 = arith.constant 0 : i32
      %dma_wait3A_386 = arith.constant 0 : i32
      %dma_wait3A_387 = tpu.memref_slice %arg3[%run_scoped3A_322, %arg0, %arg1, %run_scoped3A_323, %dma_wait3A_385, %dma_wait3A_386] : memref<4x2x16x2x40x128xi32, #tpu.memory_space<hbm>> -> memref<1x1x1x1x40x128xi32, #tpu.memory_space<hbm>>
      %dma_wait3A_388 = tpu.memref_squeeze %dma_wait3A_387 : memref<1x1x1x1x40x128xi32, #tpu.memory_space<hbm>> -> memref<40x128xi32, #tpu.memory_space<hbm>>
      %dma_wait3A_389 = arith.constant 0 : i32
      %dma_wait3A_390 = arith.constant 0 : i32
      %dma_wait3A_391 = tpu.memref_slice %arg3[%run_scoped3A_322, %arg0, %arg1, %run_scoped3A_323, %dma_wait3A_389, %dma_wait3A_390] : memref<4x2x16x2x40x128xi32, #tpu.memory_space<hbm>> -> memref<1x1x1x1x40x128xi32, #tpu.memory_space<hbm>>
      %dma_wait3A_392 = tpu.memref_squeeze %dma_wait3A_391 : memref<1x1x1x1x40x128xi32, #tpu.memory_space<hbm>> -> memref<40x128xi32, #tpu.memory_space<hbm>>
      tpu.wait_dma2 semaphore(%run_scoped3A_376 : memref<!tpu.dma_semaphore, #tpu.memory_space<semaphore_mem>>) src(%dma_wait3A_392 : memref<40x128xi32, #tpu.memory_space<hbm>>) dst(%arg8 : memref<40x128xi32, #tpu.memory_space<vmem>>)
      tpu.yield
    }) : () -> ()
    %run_scoped3A_324 = arith.constant 1 : i32
    "tpu.region"() ({
      %run_scoped3A_376 = tpu.sem_alloc : memref<!tpu.dma_semaphore, #tpu.memory_space<semaphore_mem>>
      %dma_start3A_377 = arith.constant 0 : i32
      %dma_start3A_378 = arith.constant 0 : i32
      %dma_start3A_379 = tpu.memref_slice %arg4[%arg1, %run_scoped3A_324, %dma_start3A_377, %dma_start3A_378] : memref<16x2x40x128xi32, #tpu.memory_space<hbm>> -> memref<1x1x40x128xi32, #tpu.memory_space<hbm>>
      %dma_start3A_380 = tpu.memref_squeeze %dma_start3A_379 : memref<1x1x40x128xi32, #tpu.memory_space<hbm>> -> memref<40x128xi32, #tpu.memory_space<hbm>>
      %dma_start3A_381 = arith.constant 0 : i32
      %dma_start3A_382 = arith.constant 0 : i32
      %dma_start3A_383 = tpu.memref_slice %arg4[%arg1, %run_scoped3A_324, %dma_start3A_381, %dma_start3A_382] : memref<16x2x40x128xi32, #tpu.memory_space<hbm>> -> memref<1x1x40x128xi32, #tpu.memory_space<hbm>>
      %dma_start3A_384 = tpu.memref_squeeze %dma_start3A_383 : memref<1x1x40x128xi32, #tpu.memory_space<hbm>> -> memref<40x128xi32, #tpu.memory_space<hbm>>
      tpu.enqueue_dma source(%dma_start3A_384 : memref<40x128xi32, #tpu.memory_space<hbm>>) target(%arg9 : memref<40x128xi32, #tpu.memory_space<vmem>>) target_semaphore(%run_scoped3A_376 : memref<!tpu.dma_semaphore, #tpu.memory_space<semaphore_mem>>)
      %dma_wait3A_385 = arith.constant 0 : i32
      %dma_wait3A_386 = arith.constant 0 : i32
      %dma_wait3A_387 = tpu.memref_slice %arg4[%arg1, %run_scoped3A_324, %dma_wait3A_385, %dma_wait3A_386] : memref<16x2x40x128xi32, #tpu.memory_space<hbm>> -> memref<1x1x40x128xi32, #tpu.memory_space<hbm>>
      %dma_wait3A_388 = tpu.memref_squeeze %dma_wait3A_387 : memref<1x1x40x128xi32, #tpu.memory_space<hbm>> -> memref<40x128xi32, #tpu.memory_space<hbm>>
      %dma_wait3A_389 = arith.constant 0 : i32
      %dma_wait3A_390 = arith.constant 0 : i32
      %dma_wait3A_391 = tpu.memref_slice %arg4[%arg1, %run_scoped3A_324, %dma_wait3A_389, %dma_wait3A_390] : memref<16x2x40x128xi32, #tpu.memory_space<hbm>> -> memref<1x1x40x128xi32, #tpu.memory_space<hbm>>
      %dma_wait3A_392 = tpu.memref_squeeze %dma_wait3A_391 : memref<1x1x40x128xi32, #tpu.memory_space<hbm>> -> memref<40x128xi32, #tpu.memory_space<hbm>>
      tpu.wait_dma2 semaphore(%run_scoped3A_376 : memref<!tpu.dma_semaphore, #tpu.memory_space<semaphore_mem>>) src(%dma_wait3A_392 : memref<40x128xi32, #tpu.memory_space<hbm>>) dst(%arg9 : memref<40x128xi32, #tpu.memory_space<vmem>>)
      tpu.yield
    }) : () -> ()
    %dma_start3A_325 = arith.constant 0 : i32
    %dma_start3A_326 = arith.constant 0 : i32
    %dma_start3A_327 = tpu.memref_slice %arg8[%dma_start3A_325, %dma_start3A_326] : memref<40x128xi32, #tpu.memory_space<vmem>> -> memref<1x128xi32, #tpu.memory_space<vmem>>
    %dma_start3A_328 = tpu.memref_squeeze %dma_start3A_327 : memref<1x128xi32, #tpu.memory_space<vmem>> -> memref<128xi32, #tpu.memory_space<vmem>>
    %dma_start3A_329 = arith.constant 0 : i32
    %dma_start3A_330 = arith.constant 0 : i32
    %dma_start3A_331 = tpu.memref_slice %arg2[%dma_start3A_329, %dma_start3A_330] : memref<80000x128xf32, #tpu.memory_space<hbm>> -> memref<80000x128xf32, #tpu.memory_space<hbm>>
    tpu.enqueue_indirect_dma source(%dma_start3A_331 : memref<80000x128xf32, #tpu.memory_space<hbm>>) target(%arg10 : memref<128x128xf32, #tpu.memory_space<vmem>>) offsets(%dma_start3A_328 : memref<128xi32, #tpu.memory_space<vmem>>) semaphore(%arg12 : memref<!tpu.dma_semaphore, #tpu.memory_space<semaphore_mem>>)
    %scan3A_332 = arith.constant 0 : i32
    %scan3A_333 = arith.constant 0 : i32
    %scan3A_334 = arith.constant 19 : i32
    %scan3A_335 = arith.addi %scan3A_333, %scan3A_334 : i32
    %scan3A_336 = arith.constant 1 : i32
    scf.for %scan3A_376 = %scan3A_333 to %scan3A_335 step %scan3A_336  : i32 {
      %mul3A_377 = arith.constant 2 : i32
      %mul3A_378 = arith.muli %mul3A_377, %scan3A_376 : i32
      %add3A_379 = arith.constant 1 : i32
      %add3A_380 = arith.addi %mul3A_378, %add3A_379 : i32
      %dma_start3A_381 = arith.constant 0 : i32
      %dma_start3A_382 = tpu.memref_slice %arg8[%add3A_380, %dma_start3A_381] : memref<40x128xi32, #tpu.memory_space<vmem>> -> memref<1x128xi32, #tpu.memory_space<vmem>>
      %dma_start3A_383 = tpu.memref_squeeze %dma_start3A_382 : memref<1x128xi32, #tpu.memory_space<vmem>> -> memref<128xi32, #tpu.memory_space<vmem>>
      %dma_start3A_384 = arith.constant 0 : i32
      %dma_start3A_385 = arith.constant 0 : i32
      %dma_start3A_386 = tpu.memref_slice %arg2[%dma_start3A_384, %dma_start3A_385] : memref<80000x128xf32, #tpu.memory_space<hbm>> -> memref<80000x128xf32, #tpu.memory_space<hbm>>
      tpu.enqueue_indirect_dma source(%dma_start3A_386 : memref<80000x128xf32, #tpu.memory_space<hbm>>) target(%arg11 : memref<128x128xf32, #tpu.memory_space<vmem>>) offsets(%dma_start3A_383 : memref<128xi32, #tpu.memory_space<vmem>>) semaphore(%arg13 : memref<!tpu.dma_semaphore, #tpu.memory_space<semaphore_mem>>)
      %dma_wait3A_387 = arith.constant 0 : i32
      %dma_wait3A_388 = tpu.memref_slice %arg8[%mul3A_378, %dma_wait3A_387] : memref<40x128xi32, #tpu.memory_space<vmem>> -> memref<1x128xi32, #tpu.memory_space<vmem>>
      %dma_wait3A_389 = tpu.memref_squeeze %dma_wait3A_388 : memref<1x128xi32, #tpu.memory_space<vmem>> -> memref<128xi32, #tpu.memory_space<vmem>>
      %dma_wait3A_390 = arith.constant 0 : i32
      %dma_wait3A_391 = arith.constant 0 : i32
      %dma_wait3A_392 = tpu.memref_slice %arg2[%dma_wait3A_390, %dma_wait3A_391] : memref<80000x128xf32, #tpu.memory_space<hbm>> -> memref<80000x128xf32, #tpu.memory_space<hbm>>
      tpu.wait_indirect_dma semaphore(%arg12 : memref<!tpu.dma_semaphore, #tpu.memory_space<semaphore_mem>>) src(%dma_wait3A_392 : memref<80000x128xf32, #tpu.memory_space<hbm>>) dst(%arg10 : memref<128x128xf32, #tpu.memory_space<vmem>>)
      "tpu.region"() ({
        %run_scoped3A_411 = tpu.sem_alloc : memref<!tpu.dma_semaphore, #tpu.memory_space<semaphore_mem>>
        %dma_start3A_412 = arith.constant 0 : i32
        %dma_start3A_413 = tpu.memref_slice %arg9[%mul3A_378, %dma_start3A_412] : memref<40x128xi32, #tpu.memory_space<vmem>> -> memref<1x128xi32, #tpu.memory_space<vmem>>
        %dma_start3A_414 = tpu.memref_squeeze %dma_start3A_413 : memref<1x128xi32, #tpu.memory_space<vmem>> -> memref<128xi32, #tpu.memory_space<vmem>>
        %dma_start3A_415 = arith.constant 0 : i32
        %dma_start3A_416 = arith.constant 0 : i32
        %dma_start3A_417 = tpu.memref_slice %arg7[%dma_start3A_415, %dma_start3A_416] : memref<10112x128xf32, #tpu.memory_space<vmem_shared>> -> memref<10112x128xf32, #tpu.memory_space<vmem_shared>>
        tpu.enqueue_indirect_dma source(%arg10 : memref<128x128xf32, #tpu.memory_space<vmem>>) target(%dma_start3A_417 : memref<10112x128xf32, #tpu.memory_space<vmem_shared>>) offsets(%dma_start3A_414 : memref<128xi32, #tpu.memory_space<vmem>>) semaphore(%run_scoped3A_411 : memref<!tpu.dma_semaphore, #tpu.memory_space<semaphore_mem>>) {add = true}
        %dma_wait3A_418 = arith.constant 0 : i32
        %dma_wait3A_419 = tpu.memref_slice %arg9[%mul3A_378, %dma_wait3A_418] : memref<40x128xi32, #tpu.memory_space<vmem>> -> memref<1x128xi32, #tpu.memory_space<vmem>>
        %dma_wait3A_420 = tpu.memref_squeeze %dma_wait3A_419 : memref<1x128xi32, #tpu.memory_space<vmem>> -> memref<128xi32, #tpu.memory_space<vmem>>
        %dma_wait3A_421 = arith.constant 0 : i32
        %dma_wait3A_422 = arith.constant 0 : i32
        %dma_wait3A_423 = tpu.memref_slice %arg7[%dma_wait3A_421, %dma_wait3A_422] : memref<10112x128xf32, #tpu.memory_space<vmem_shared>> -> memref<10112x128xf32, #tpu.memory_space<vmem_shared>>
        tpu.wait_indirect_dma semaphore(%run_scoped3A_411 : memref<!tpu.dma_semaphore, #tpu.memory_space<semaphore_mem>>) src(%arg10 : memref<128x128xf32, #tpu.memory_space<vmem>>) dst(%dma_wait3A_423 : memref<10112x128xf32, #tpu.memory_space<vmem_shared>>)
        tpu.yield
      }) : () -> ()
      %add3A_393 = arith.constant 2 : i32
      %add3A_394 = arith.addi %mul3A_378, %add3A_393 : i32
      %dma_start3A_395 = arith.constant 0 : i32
      %dma_start3A_396 = tpu.memref_slice %arg8[%add3A_394, %dma_start3A_395] : memref<40x128xi32, #tpu.memory_space<vmem>> -> memref<1x128xi32, #tpu.memory_space<vmem>>
      %dma_start3A_397 = tpu.memref_squeeze %dma_start3A_396 : memref<1x128xi32, #tpu.memory_space<vmem>> -> memref<128xi32, #tpu.memory_space<vmem>>
      %dma_start3A_398 = arith.constant 0 : i32
      %dma_start3A_399 = arith.constant 0 : i32
      %dma_start3A_400 = tpu.memref_slice %arg2[%dma_start3A_398, %dma_start3A_399] : memref<80000x128xf32, #tpu.memory_space<hbm>> -> memref<80000x128xf32, #tpu.memory_space<hbm>>
      tpu.enqueue_indirect_dma source(%dma_start3A_400 : memref<80000x128xf32, #tpu.memory_space<hbm>>) target(%arg10 : memref<128x128xf32, #tpu.memory_space<vmem>>) offsets(%dma_start3A_397 : memref<128xi32, #tpu.memory_space<vmem>>) semaphore(%arg12 : memref<!tpu.dma_semaphore, #tpu.memory_space<semaphore_mem>>)
      %add3A_401 = arith.constant 1 : i32
      %add3A_402 = arith.addi %mul3A_378, %add3A_401 : i32
      %dma_wait3A_403 = arith.constant 0 : i32
      %dma_wait3A_404 = tpu.memref_slice %arg8[%add3A_402, %dma_wait3A_403] : memref<40x128xi32, #tpu.memory_space<vmem>> -> memref<1x128xi32, #tpu.memory_space<vmem>>
      %dma_wait3A_405 = tpu.memref_squeeze %dma_wait3A_404 : memref<1x128xi32, #tpu.memory_space<vmem>> -> memref<128xi32, #tpu.memory_space<vmem>>
      %dma_wait3A_406 = arith.constant 0 : i32
      %dma_wait3A_407 = arith.constant 0 : i32
      %dma_wait3A_408 = tpu.memref_slice %arg2[%dma_wait3A_406, %dma_wait3A_407] : memref<80000x128xf32, #tpu.memory_space<hbm>> -> memref<80000x128xf32, #tpu.memory_space<hbm>>
      tpu.wait_indirect_dma semaphore(%arg13 : memref<!tpu.dma_semaphore, #tpu.memory_space<semaphore_mem>>) src(%dma_wait3A_408 : memref<80000x128xf32, #tpu.memory_space<hbm>>) dst(%arg11 : memref<128x128xf32, #tpu.memory_space<vmem>>)
      %add3A_409 = arith.constant 1 : i32
      %add3A_410 = arith.addi %mul3A_378, %add3A_409 : i32
      "tpu.region"() ({
        %run_scoped3A_411 = tpu.sem_alloc : memref<!tpu.dma_semaphore, #tpu.memory_space<semaphore_mem>>
        %dma_start3A_412 = arith.constant 0 : i32
        %dma_start3A_413 = tpu.memref_slice %arg9[%add3A_410, %dma_start3A_412] : memref<40x128xi32, #tpu.memory_space<vmem>> -> memref<1x128xi32, #tpu.memory_space<vmem>>
        %dma_start3A_414 = tpu.memref_squeeze %dma_start3A_413 : memref<1x128xi32, #tpu.memory_space<vmem>> -> memref<128xi32, #tpu.memory_space<vmem>>
        %dma_start3A_415 = arith.constant 0 : i32
        %dma_start3A_416 = arith.constant 0 : i32
        %dma_start3A_417 = tpu.memref_slice %arg7[%dma_start3A_415, %dma_start3A_416] : memref<10112x128xf32, #tpu.memory_space<vmem_shared>> -> memref<10112x128xf32, #tpu.memory_space<vmem_shared>>
        tpu.enqueue_indirect_dma source(%arg11 : memref<128x128xf32, #tpu.memory_space<vmem>>) target(%dma_start3A_417 : memref<10112x128xf32, #tpu.memory_space<vmem_shared>>) offsets(%dma_start3A_414 : memref<128xi32, #tpu.memory_space<vmem>>) semaphore(%run_scoped3A_411 : memref<!tpu.dma_semaphore, #tpu.memory_space<semaphore_mem>>) {add = true}
        %dma_wait3A_418 = arith.constant 0 : i32
        %dma_wait3A_419 = tpu.memref_slice %arg9[%add3A_410, %dma_wait3A_418] : memref<40x128xi32, #tpu.memory_space<vmem>> -> memref<1x128xi32, #tpu.memory_space<vmem>>
        %dma_wait3A_420 = tpu.memref_squeeze %dma_wait3A_419 : memref<1x128xi32, #tpu.memory_space<vmem>> -> memref<128xi32, #tpu.memory_space<vmem>>
        %dma_wait3A_421 = arith.constant 0 : i32
        %dma_wait3A_422 = arith.constant 0 : i32
        %dma_wait3A_423 = tpu.memref_slice %arg7[%dma_wait3A_421, %dma_wait3A_422] : memref<10112x128xf32, #tpu.memory_space<vmem_shared>> -> memref<10112x128xf32, #tpu.memory_space<vmem_shared>>
        tpu.wait_indirect_dma semaphore(%run_scoped3A_411 : memref<!tpu.dma_semaphore, #tpu.memory_space<semaphore_mem>>) src(%arg11 : memref<128x128xf32, #tpu.memory_space<vmem>>) dst(%dma_wait3A_423 : memref<10112x128xf32, #tpu.memory_space<vmem_shared>>)
        tpu.yield
      }) : () -> ()
    }
    %scan3A_337 = arith.constant 19 : i32
    %dma_start3A_338 = arith.constant 39 : i32
    %dma_start3A_339 = arith.constant 0 : i32
    %dma_start3A_340 = tpu.memref_slice %arg8[%dma_start3A_338, %dma_start3A_339] : memref<40x128xi32, #tpu.memory_space<vmem>> -> memref<1x128xi32, #tpu.memory_space<vmem>>
    %dma_start3A_341 = tpu.memref_squeeze %dma_start3A_340 : memref<1x128xi32, #tpu.memory_space<vmem>> -> memref<128xi32, #tpu.memory_space<vmem>>
    %dma_start3A_342 = arith.constant 0 : i32
    %dma_start3A_343 = arith.constant 0 : i32
    %dma_start3A_344 = tpu.memref_slice %arg2[%dma_start3A_342, %dma_start3A_343] : memref<80000x128xf32, #tpu.memory_space<hbm>> -> memref<80000x128xf32, #tpu.memory_space<hbm>>
    tpu.enqueue_indirect_dma source(%dma_start3A_344 : memref<80000x128xf32, #tpu.memory_space<hbm>>) target(%arg11 : memref<128x128xf32, #tpu.memory_space<vmem>>) offsets(%dma_start3A_341 : memref<128xi32, #tpu.memory_space<vmem>>) semaphore(%arg13 : memref<!tpu.dma_semaphore, #tpu.memory_space<semaphore_mem>>)
    %dma_wait3A_345 = arith.constant 38 : i32
    %dma_wait3A_346 = arith.constant 0 : i32
    %dma_wait3A_347 = tpu.memref_slice %arg8[%dma_wait3A_345, %dma_wait3A_346] : memref<40x128xi32, #tpu.memory_space<vmem>> -> memref<1x128xi32, #tpu.memory_space<vmem>>
    %dma_wait3A_348 = tpu.memref_squeeze %dma_wait3A_347 : memref<1x128xi32, #tpu.memory_space<vmem>> -> memref<128xi32, #tpu.memory_space<vmem>>
    %dma_wait3A_349 = arith.constant 0 : i32
    %dma_wait3A_350 = arith.constant 0 : i32
    %dma_wait3A_351 = tpu.memref_slice %arg2[%dma_wait3A_349, %dma_wait3A_350] : memref<80000x128xf32, #tpu.memory_space<hbm>> -> memref<80000x128xf32, #tpu.memory_space<hbm>>
    tpu.wait_indirect_dma semaphore(%arg12 : memref<!tpu.dma_semaphore, #tpu.memory_space<semaphore_mem>>) src(%dma_wait3A_351 : memref<80000x128xf32, #tpu.memory_space<hbm>>) dst(%arg10 : memref<128x128xf32, #tpu.memory_space<vmem>>)
    %run_scoped3A_352 = arith.constant 38 : i32
    "tpu.region"() ({
      %run_scoped3A_376 = tpu.sem_alloc : memref<!tpu.dma_semaphore, #tpu.memory_space<semaphore_mem>>
      %dma_start3A_377 = arith.constant 0 : i32
      %dma_start3A_378 = tpu.memref_slice %arg9[%run_scoped3A_352, %dma_start3A_377] : memref<40x128xi32, #tpu.memory_space<vmem>> -> memref<1x128xi32, #tpu.memory_space<vmem>>
      %dma_start3A_379 = tpu.memref_squeeze %dma_start3A_378 : memref<1x128xi32, #tpu.memory_space<vmem>> -> memref<128xi32, #tpu.memory_space<vmem>>
      %dma_start3A_380 = arith.constant 0 : i32
      %dma_start3A_381 = arith.constant 0 : i32
      %dma_start3A_382 = tpu.memref_slice %arg7[%dma_start3A_380, %dma_start3A_381] : memref<10112x128xf32, #tpu.memory_space<vmem_shared>> -> memref<10112x128xf32, #tpu.memory_space<vmem_shared>>
      tpu.enqueue_indirect_dma source(%arg10 : memref<128x128xf32, #tpu.memory_space<vmem>>) target(%dma_start3A_382 : memref<10112x128xf32, #tpu.memory_space<vmem_shared>>) offsets(%dma_start3A_379 : memref<128xi32, #tpu.memory_space<vmem>>) semaphore(%run_scoped3A_376 : memref<!tpu.dma_semaphore, #tpu.memory_space<semaphore_mem>>) {add = true}
      %dma_wait3A_383 = arith.constant 0 : i32
      %dma_wait3A_384 = tpu.memref_slice %arg9[%run_scoped3A_352, %dma_wait3A_383] : memref<40x128xi32, #tpu.memory_space<vmem>> -> memref<1x128xi32, #tpu.memory_space<vmem>>
      %dma_wait3A_385 = tpu.memref_squeeze %dma_wait3A_384 : memref<1x128xi32, #tpu.memory_space<vmem>> -> memref<128xi32, #tpu.memory_space<vmem>>
      %dma_wait3A_386 = arith.constant 0 : i32
      %dma_wait3A_387 = arith.constant 0 : i32
      %dma_wait3A_388 = tpu.memref_slice %arg7[%dma_wait3A_386, %dma_wait3A_387] : memref<10112x128xf32, #tpu.memory_space<vmem_shared>> -> memref<10112x128xf32, #tpu.memory_space<vmem_shared>>
      tpu.wait_indirect_dma semaphore(%run_scoped3A_376 : memref<!tpu.dma_semaphore, #tpu.memory_space<semaphore_mem>>) src(%arg10 : memref<128x128xf32, #tpu.memory_space<vmem>>) dst(%dma_wait3A_388 : memref<10112x128xf32, #tpu.memory_space<vmem_shared>>)
      tpu.yield
    }) : () -> ()
    %dma_wait3A_353 = arith.constant 39 : i32
    %dma_wait3A_354 = arith.constant 0 : i32
    %dma_wait3A_355 = tpu.memref_slice %arg8[%dma_wait3A_353, %dma_wait3A_354] : memref<40x128xi32, #tpu.memory_space<vmem>> -> memref<1x128xi32, #tpu.memory_space<vmem>>
    %dma_wait3A_356 = tpu.memref_squeeze %dma_wait3A_355 : memref<1x128xi32, #tpu.memory_space<vmem>> -> memref<128xi32, #tpu.memory_space<vmem>>
    %dma_wait3A_357 = arith.constant 0 : i32
    %dma_wait3A_358 = arith.constant 0 : i32
    %dma_wait3A_359 = tpu.memref_slice %arg2[%dma_wait3A_357, %dma_wait3A_358] : memref<80000x128xf32, #tpu.memory_space<hbm>> -> memref<80000x128xf32, #tpu.memory_space<hbm>>
    tpu.wait_indirect_dma semaphore(%arg13 : memref<!tpu.dma_semaphore, #tpu.memory_space<semaphore_mem>>) src(%dma_wait3A_359 : memref<80000x128xf32, #tpu.memory_space<hbm>>) dst(%arg11 : memref<128x128xf32, #tpu.memory_space<vmem>>)
    %run_scoped3A_360 = arith.constant 39 : i32
    "tpu.region"() ({
      %run_scoped3A_376 = tpu.sem_alloc : memref<!tpu.dma_semaphore, #tpu.memory_space<semaphore_mem>>
      %dma_start3A_377 = arith.constant 0 : i32
      %dma_start3A_378 = tpu.memref_slice %arg9[%run_scoped3A_360, %dma_start3A_377] : memref<40x128xi32, #tpu.memory_space<vmem>> -> memref<1x128xi32, #tpu.memory_space<vmem>>
      %dma_start3A_379 = tpu.memref_squeeze %dma_start3A_378 : memref<1x128xi32, #tpu.memory_space<vmem>> -> memref<128xi32, #tpu.memory_space<vmem>>
      %dma_start3A_380 = arith.constant 0 : i32
      %dma_start3A_381 = arith.constant 0 : i32
      %dma_start3A_382 = tpu.memref_slice %arg7[%dma_start3A_380, %dma_start3A_381] : memref<10112x128xf32, #tpu.memory_space<vmem_shared>> -> memref<10112x128xf32, #tpu.memory_space<vmem_shared>>
      tpu.enqueue_indirect_dma source(%arg11 : memref<128x128xf32, #tpu.memory_space<vmem>>) target(%dma_start3A_382 : memref<10112x128xf32, #tpu.memory_space<vmem_shared>>) offsets(%dma_start3A_379 : memref<128xi32, #tpu.memory_space<vmem>>) semaphore(%run_scoped3A_376 : memref<!tpu.dma_semaphore, #tpu.memory_space<semaphore_mem>>) {add = true}
      %dma_wait3A_383 = arith.constant 0 : i32
      %dma_wait3A_384 = tpu.memref_slice %arg9[%run_scoped3A_360, %dma_wait3A_383] : memref<40x128xi32, #tpu.memory_space<vmem>> -> memref<1x128xi32, #tpu.memory_space<vmem>>
      %dma_wait3A_385 = tpu.memref_squeeze %dma_wait3A_384 : memref<1x128xi32, #tpu.memory_space<vmem>> -> memref<128xi32, #tpu.memory_space<vmem>>
      %dma_wait3A_386 = arith.constant 0 : i32
      %dma_wait3A_387 = arith.constant 0 : i32
      %dma_wait3A_388 = tpu.memref_slice %arg7[%dma_wait3A_386, %dma_wait3A_387] : memref<10112x128xf32, #tpu.memory_space<vmem_shared>> -> memref<10112x128xf32, #tpu.memory_space<vmem_shared>>
      tpu.wait_indirect_dma semaphore(%run_scoped3A_376 : memref<!tpu.dma_semaphore, #tpu.memory_space<semaphore_mem>>) src(%arg11 : memref<128x128xf32, #tpu.memory_space<vmem>>) dst(%dma_wait3A_388 : memref<10112x128xf32, #tpu.memory_space<vmem_shared>>)
      tpu.yield
    }) : () -> ()
    %barrier3A_361 = arith.constant 0 : index
    tpu.barrier barrier_id(%barrier3A_361)
    %add3A_362 = arith.constant 6 : i32
    %add3A_363 = arith.addi %add3A_362, %arg0 : i32
    %mul3A_364 = arith.constant 10000 : i32
    %mul3A_365 = arith.muli %add3A_363, %mul3A_364 : i32
    %lt3A_366 = arith.constant 15 : i32
    %lt3A_367 = arith.cmpi slt, %arg1, %lt3A_366 : i32
    %convert_element_type3A_368 = arith.extui %lt3A_367 : i1 to i32
    %cond3A_369 = arith.constant 0 : i32
    %cond3A_370 = arith.cmpi ne, %convert_element_type3A_368, %cond3A_369 : i32
    scf.if %cond3A_370 {
      %mul3A_376 = arith.constant 624 : i32
      %mul3A_377 = arith.muli %arg1, %mul3A_376 : i32
      %mul3A_378 = arith.constant 624 : i32
      %mul3A_379 = arith.muli %arg1, %mul3A_378 : i32
      %add3A_380 = arith.addi %mul3A_365, %mul3A_379 : i32
      "tpu.region"() ({
        %run_scoped3A_381 = tpu.sem_alloc : memref<!tpu.dma_semaphore, #tpu.memory_space<semaphore_mem>>
        %dma_start3A_382 = arith.constant 0 : i32
        %dma_start3A_383 = tpu.memref_slice %arg6[%add3A_380, %dma_start3A_382] : memref<80000x128xf32, #tpu.memory_space<hbm>> -> memref<624x128xf32, #tpu.memory_space<hbm>>
        %dma_start3A_384 = arith.constant 0 : i32
        %dma_start3A_385 = tpu.memref_slice %arg7[%mul3A_377, %dma_start3A_384] : memref<10112x128xf32, #tpu.memory_space<vmem_shared>> -> memref<624x128xf32, #tpu.memory_space<vmem_shared>>
        tpu.enqueue_dma source(%dma_start3A_385 : memref<624x128xf32, #tpu.memory_space<vmem_shared>>) target(%dma_start3A_383 : memref<624x128xf32, #tpu.memory_space<hbm>>) target_semaphore(%run_scoped3A_381 : memref<!tpu.dma_semaphore, #tpu.memory_space<semaphore_mem>>)
        %dma_wait3A_386 = arith.constant 0 : i32
        %dma_wait3A_387 = tpu.memref_slice %arg6[%add3A_380, %dma_wait3A_386] : memref<80000x128xf32, #tpu.memory_space<hbm>> -> memref<624x128xf32, #tpu.memory_space<hbm>>
        %dma_wait3A_388 = arith.constant 0 : i32
        %dma_wait3A_389 = tpu.memref_slice %arg7[%mul3A_377, %dma_wait3A_388] : memref<10112x128xf32, #tpu.memory_space<vmem_shared>> -> memref<624x128xf32, #tpu.memory_space<vmem_shared>>
        tpu.wait_dma2 semaphore(%run_scoped3A_381 : memref<!tpu.dma_semaphore, #tpu.memory_space<semaphore_mem>>) src(%dma_wait3A_389 : memref<624x128xf32, #tpu.memory_space<vmem_shared>>) dst(%dma_wait3A_387 : memref<624x128xf32, #tpu.memory_space<hbm>>)
        tpu.yield
      }) : () -> ()
    } else {
    }
    %eq3A_371 = arith.constant 15 : i32
    %eq3A_372 = arith.cmpi eq, %arg1, %eq3A_371 : i32
    %convert_element_type3A_373 = arith.extui %eq3A_372 : i1 to i32
    %cond3A_374 = arith.constant 0 : i32
    %cond3A_375 = arith.cmpi ne, %convert_element_type3A_373, %cond3A_374 : i32
    scf.if %cond3A_375 {
      %add3A_376 = arith.constant 9360 : i32
      %add3A_377 = arith.addi %mul3A_365, %add3A_376 : i32
      "tpu.region"() ({
        %run_scoped3A_378 = tpu.sem_alloc : memref<!tpu.dma_semaphore, #tpu.memory_space<semaphore_mem>>
        %dma_start3A_379 = arith.constant 0 : i32
        %dma_start3A_380 = tpu.memref_slice %arg6[%add3A_377, %dma_start3A_379] : memref<80000x128xf32, #tpu.memory_space<hbm>> -> memref<640x128xf32, #tpu.memory_space<hbm>>
        %dma_start3A_381 = arith.constant 9360 : i32
        %dma_start3A_382 = arith.constant 0 : i32
        %dma_start3A_383 = tpu.memref_slice %arg7[%dma_start3A_381, %dma_start3A_382] : memref<10112x128xf32, #tpu.memory_space<vmem_shared>> -> memref<640x128xf32, #tpu.memory_space<vmem_shared>>
        tpu.enqueue_dma source(%dma_start3A_383 : memref<640x128xf32, #tpu.memory_space<vmem_shared>>) target(%dma_start3A_380 : memref<640x128xf32, #tpu.memory_space<hbm>>) target_semaphore(%run_scoped3A_378 : memref<!tpu.dma_semaphore, #tpu.memory_space<semaphore_mem>>)
        %dma_wait3A_384 = arith.constant 0 : i32
        %dma_wait3A_385 = tpu.memref_slice %arg6[%add3A_377, %dma_wait3A_384] : memref<80000x128xf32, #tpu.memory_space<hbm>> -> memref<640x128xf32, #tpu.memory_space<hbm>>
        %dma_wait3A_386 = arith.constant 9360 : i32
        %dma_wait3A_387 = arith.constant 0 : i32
        %dma_wait3A_388 = tpu.memref_slice %arg7[%dma_wait3A_386, %dma_wait3A_387] : memref<10112x128xf32, #tpu.memory_space<vmem_shared>> -> memref<640x128xf32, #tpu.memory_space<vmem_shared>>
        tpu.wait_dma2 semaphore(%run_scoped3A_378 : memref<!tpu.dma_semaphore, #tpu.memory_space<semaphore_mem>>) src(%dma_wait3A_388 : memref<640x128xf32, #tpu.memory_space<vmem_shared>>) dst(%dma_wait3A_385 : memref<640x128xf32, #tpu.memory_space<hbm>>)
        tpu.yield
      }) : () -> ()
    } else {
    }
    return
  }
}

module attributes {stable_mosaic.version = 14 : i64} {
  func.func @_mm_body(%arg0: i32, %arg1: i32, %arg2: memref<1x1000x128xf32, #tpu.memory_space<vmem>>, %arg3: memref<1x128x1024xf32, #tpu.memory_space<vmem>>, %arg4: memref<8x1x128xf32, #tpu.memory_space<vmem>>, %arg5: memref<8x1000x128xf32, #tpu.memory_space<vmem>>) attributes {dimension_semantics = [#tpu.dimension_semantics<arbitrary>, #tpu.dimension_semantics<arbitrary>], iteration_bounds = array<i64: 10, 2>, scalar_prefetch = 0 : i64, scratch_operands = 0 : i64, tpu.core_type = #tpu.core_type<tc>, window_params = [{transform_indices = @transform_0, window_bounds = array<i64: 1, 1000, 128>}, {transform_indices = @transform_1, window_bounds = array<i64: 1, 128, 1024>}, {pipeline_mode = #tpu.pipeline_mode<synchronous>, transform_indices = @transform_2, window_bounds = array<i64: 8, 1, 128>}, {transform_indices = @transform_3, window_bounds = array<i64: 8, 1000, 128>}]} {
    %eq3A = arith.constant 0 : i32
    %eq3A_0 = arith.cmpi eq, %arg1, %eq3A : i32
    %convert_element_type3A = arith.extui %eq3A_0 : i1 to i32
    %cond3A = arith.constant 0 : i32
    %cond3A_1 = arith.cmpi ne, %convert_element_type3A, %cond3A : i32
    scf.if %cond3A_1 {
      %get3A_120 = arith.constant 0 : index
      %get3A_121 = arith.constant 0 : index
      %get3A_122 = arith.constant 0 : index
      %get3A_123 = vector.load %arg4[%get3A_120, %get3A_121, %get3A_122] : memref<8x1x128xf32, #tpu.memory_space<vmem>>, vector<1x1x128xf32>
      %get3A_124 = vector.shape_cast %get3A_123 : vector<1x1x128xf32> to vector<1x128xf32>
      %broadcast_in_dim3A = vector.shape_cast %get3A_124 : vector<1x128xf32> to vector<1x128xf32>
      %broadcast_in_dim3A_125 = vector.broadcast %broadcast_in_dim3A : vector<1x128xf32> to vector<1000x128xf32>
      %swap3A_126 = arith.constant 0 : index
      %swap3A_127 = arith.constant 0 : index
      %swap3A_128 = arith.constant 0 : index
      %swap3A_129 = vector.load %arg5[%swap3A_126, %swap3A_127, %swap3A_128] : memref<8x1000x128xf32, #tpu.memory_space<vmem>>, vector<1x1000x128xf32>
      %swap3A_130 = vector.shape_cast %swap3A_129 : vector<1x1000x128xf32> to vector<1000x128xf32>
      %swap3A_131 = vector.shape_cast %broadcast_in_dim3A_125 : vector<1000x128xf32> to vector<1x1000x128xf32>
      tpu.vector_store %arg5[%swap3A_126, %swap3A_127, %swap3A_128], %swap3A_131 {strides = array<i32>} : memref<8x1000x128xf32, #tpu.memory_space<vmem>>, vector<1x1000x128xf32>,
      %get3A_132 = arith.constant 1 : index
      %get3A_133 = arith.constant 0 : index
      %get3A_134 = arith.constant 0 : index
      %get3A_135 = vector.load %arg4[%get3A_132, %get3A_133, %get3A_134] : memref<8x1x128xf32, #tpu.memory_space<vmem>>, vector<1x1x128xf32>
      %get3A_136 = vector.shape_cast %get3A_135 : vector<1x1x128xf32> to vector<1x128xf32>
      %broadcast_in_dim3A_137 = vector.shape_cast %get3A_136 : vector<1x128xf32> to vector<1x128xf32>
      %broadcast_in_dim3A_138 = vector.broadcast %broadcast_in_dim3A_137 : vector<1x128xf32> to vector<1000x128xf32>
      %swap3A_139 = arith.constant 1 : index
      %swap3A_140 = arith.constant 0 : index
      %swap3A_141 = arith.constant 0 : index
      %swap3A_142 = vector.load %arg5[%swap3A_139, %swap3A_140, %swap3A_141] : memref<8x1000x128xf32, #tpu.memory_space<vmem>>, vector<1x1000x128xf32>
      %swap3A_143 = vector.shape_cast %swap3A_142 : vector<1x1000x128xf32> to vector<1000x128xf32>
      %swap3A_144 = vector.shape_cast %broadcast_in_dim3A_138 : vector<1000x128xf32> to vector<1x1000x128xf32>
      tpu.vector_store %arg5[%swap3A_139, %swap3A_140, %swap3A_141], %swap3A_144 {strides = array<i32>} : memref<8x1000x128xf32, #tpu.memory_space<vmem>>, vector<1x1000x128xf32>,
      %get3A_145 = arith.constant 2 : index
      %get3A_146 = arith.constant 0 : index
      %get3A_147 = arith.constant 0 : index
      %get3A_148 = vector.load %arg4[%get3A_145, %get3A_146, %get3A_147] : memref<8x1x128xf32, #tpu.memory_space<vmem>>, vector<1x1x128xf32>
      %get3A_149 = vector.shape_cast %get3A_148 : vector<1x1x128xf32> to vector<1x128xf32>
      %broadcast_in_dim3A_150 = vector.shape_cast %get3A_149 : vector<1x128xf32> to vector<1x128xf32>
      %broadcast_in_dim3A_151 = vector.broadcast %broadcast_in_dim3A_150 : vector<1x128xf32> to vector<1000x128xf32>
      %swap3A_152 = arith.constant 2 : index
      %swap3A_153 = arith.constant 0 : index
      %swap3A_154 = arith.constant 0 : index
      %swap3A_155 = vector.load %arg5[%swap3A_152, %swap3A_153, %swap3A_154] : memref<8x1000x128xf32, #tpu.memory_space<vmem>>, vector<1x1000x128xf32>
      %swap3A_156 = vector.shape_cast %swap3A_155 : vector<1x1000x128xf32> to vector<1000x128xf32>
      %swap3A_157 = vector.shape_cast %broadcast_in_dim3A_151 : vector<1000x128xf32> to vector<1x1000x128xf32>
      tpu.vector_store %arg5[%swap3A_152, %swap3A_153, %swap3A_154], %swap3A_157 {strides = array<i32>} : memref<8x1000x128xf32, #tpu.memory_space<vmem>>, vector<1x1000x128xf32>,
      %get3A_158 = arith.constant 3 : index
      %get3A_159 = arith.constant 0 : index
      %get3A_160 = arith.constant 0 : index
      %get3A_161 = vector.load %arg4[%get3A_158, %get3A_159, %get3A_160] : memref<8x1x128xf32, #tpu.memory_space<vmem>>, vector<1x1x128xf32>
      %get3A_162 = vector.shape_cast %get3A_161 : vector<1x1x128xf32> to vector<1x128xf32>
      %broadcast_in_dim3A_163 = vector.shape_cast %get3A_162 : vector<1x128xf32> to vector<1x128xf32>
      %broadcast_in_dim3A_164 = vector.broadcast %broadcast_in_dim3A_163 : vector<1x128xf32> to vector<1000x128xf32>
      %swap3A_165 = arith.constant 3 : index
      %swap3A_166 = arith.constant 0 : index
      %swap3A_167 = arith.constant 0 : index
      %swap3A_168 = vector.load %arg5[%swap3A_165, %swap3A_166, %swap3A_167] : memref<8x1000x128xf32, #tpu.memory_space<vmem>>, vector<1x1000x128xf32>
      %swap3A_169 = vector.shape_cast %swap3A_168 : vector<1x1000x128xf32> to vector<1000x128xf32>
      %swap3A_170 = vector.shape_cast %broadcast_in_dim3A_164 : vector<1000x128xf32> to vector<1x1000x128xf32>
      tpu.vector_store %arg5[%swap3A_165, %swap3A_166, %swap3A_167], %swap3A_170 {strides = array<i32>} : memref<8x1000x128xf32, #tpu.memory_space<vmem>>, vector<1x1000x128xf32>,
      %get3A_171 = arith.constant 4 : index
      %get3A_172 = arith.constant 0 : index
      %get3A_173 = arith.constant 0 : index
      %get3A_174 = vector.load %arg4[%get3A_171, %get3A_172, %get3A_173] : memref<8x1x128xf32, #tpu.memory_space<vmem>>, vector<1x1x128xf32>
      %get3A_175 = vector.shape_cast %get3A_174 : vector<1x1x128xf32> to vector<1x128xf32>
      %broadcast_in_dim3A_176 = vector.shape_cast %get3A_175 : vector<1x128xf32> to vector<1x128xf32>
      %broadcast_in_dim3A_177 = vector.broadcast %broadcast_in_dim3A_176 : vector<1x128xf32> to vector<1000x128xf32>
      %swap3A_178 = arith.constant 4 : index
      %swap3A_179 = arith.constant 0 : index
      %swap3A_180 = arith.constant 0 : index
      %swap3A_181 = vector.load %arg5[%swap3A_178, %swap3A_179, %swap3A_180] : memref<8x1000x128xf32, #tpu.memory_space<vmem>>, vector<1x1000x128xf32>
      %swap3A_182 = vector.shape_cast %swap3A_181 : vector<1x1000x128xf32> to vector<1000x128xf32>
      %swap3A_183 = vector.shape_cast %broadcast_in_dim3A_177 : vector<1000x128xf32> to vector<1x1000x128xf32>
      tpu.vector_store %arg5[%swap3A_178, %swap3A_179, %swap3A_180], %swap3A_183 {strides = array<i32>} : memref<8x1000x128xf32, #tpu.memory_space<vmem>>, vector<1x1000x128xf32>,
      %get3A_184 = arith.constant 5 : index
      %get3A_185 = arith.constant 0 : index
      %get3A_186 = arith.constant 0 : index
      %get3A_187 = vector.load %arg4[%get3A_184, %get3A_185, %get3A_186] : memref<8x1x128xf32, #tpu.memory_space<vmem>>, vector<1x1x128xf32>
      %get3A_188 = vector.shape_cast %get3A_187 : vector<1x1x128xf32> to vector<1x128xf32>
      %broadcast_in_dim3A_189 = vector.shape_cast %get3A_188 : vector<1x128xf32> to vector<1x128xf32>
      %broadcast_in_dim3A_190 = vector.broadcast %broadcast_in_dim3A_189 : vector<1x128xf32> to vector<1000x128xf32>
      %swap3A_191 = arith.constant 5 : index
      %swap3A_192 = arith.constant 0 : index
      %swap3A_193 = arith.constant 0 : index
      %swap3A_194 = vector.load %arg5[%swap3A_191, %swap3A_192, %swap3A_193] : memref<8x1000x128xf32, #tpu.memory_space<vmem>>, vector<1x1000x128xf32>
      %swap3A_195 = vector.shape_cast %swap3A_194 : vector<1x1000x128xf32> to vector<1000x128xf32>
      %swap3A_196 = vector.shape_cast %broadcast_in_dim3A_190 : vector<1000x128xf32> to vector<1x1000x128xf32>
      tpu.vector_store %arg5[%swap3A_191, %swap3A_192, %swap3A_193], %swap3A_196 {strides = array<i32>} : memref<8x1000x128xf32, #tpu.memory_space<vmem>>, vector<1x1000x128xf32>,
      %get3A_197 = arith.constant 6 : index
      %get3A_198 = arith.constant 0 : index
      %get3A_199 = arith.constant 0 : index
      %get3A_200 = vector.load %arg4[%get3A_197, %get3A_198, %get3A_199] : memref<8x1x128xf32, #tpu.memory_space<vmem>>, vector<1x1x128xf32>
      %get3A_201 = vector.shape_cast %get3A_200 : vector<1x1x128xf32> to vector<1x128xf32>
      %broadcast_in_dim3A_202 = vector.shape_cast %get3A_201 : vector<1x128xf32> to vector<1x128xf32>
      %broadcast_in_dim3A_203 = vector.broadcast %broadcast_in_dim3A_202 : vector<1x128xf32> to vector<1000x128xf32>
      %swap3A_204 = arith.constant 6 : index
      %swap3A_205 = arith.constant 0 : index
      %swap3A_206 = arith.constant 0 : index
      %swap3A_207 = vector.load %arg5[%swap3A_204, %swap3A_205, %swap3A_206] : memref<8x1000x128xf32, #tpu.memory_space<vmem>>, vector<1x1000x128xf32>
      %swap3A_208 = vector.shape_cast %swap3A_207 : vector<1x1000x128xf32> to vector<1000x128xf32>
      %swap3A_209 = vector.shape_cast %broadcast_in_dim3A_203 : vector<1000x128xf32> to vector<1x1000x128xf32>
      tpu.vector_store %arg5[%swap3A_204, %swap3A_205, %swap3A_206], %swap3A_209 {strides = array<i32>} : memref<8x1000x128xf32, #tpu.memory_space<vmem>>, vector<1x1000x128xf32>,
      %get3A_210 = arith.constant 7 : index
      %get3A_211 = arith.constant 0 : index
      %get3A_212 = arith.constant 0 : index
      %get3A_213 = vector.load %arg4[%get3A_210, %get3A_211, %get3A_212] : memref<8x1x128xf32, #tpu.memory_space<vmem>>, vector<1x1x128xf32>
      %get3A_214 = vector.shape_cast %get3A_213 : vector<1x1x128xf32> to vector<1x128xf32>
      %broadcast_in_dim3A_215 = vector.shape_cast %get3A_214 : vector<1x128xf32> to vector<1x128xf32>
      %broadcast_in_dim3A_216 = vector.broadcast %broadcast_in_dim3A_215 : vector<1x128xf32> to vector<1000x128xf32>
      %swap3A_217 = arith.constant 7 : index
      %swap3A_218 = arith.constant 0 : index
      %swap3A_219 = arith.constant 0 : index
      %swap3A_220 = vector.load %arg5[%swap3A_217, %swap3A_218, %swap3A_219] : memref<8x1000x128xf32, #tpu.memory_space<vmem>>, vector<1x1000x128xf32>
      %swap3A_221 = vector.shape_cast %swap3A_220 : vector<1x1000x128xf32> to vector<1000x128xf32>
      %swap3A_222 = vector.shape_cast %broadcast_in_dim3A_216 : vector<1000x128xf32> to vector<1x1000x128xf32>
      tpu.vector_store %arg5[%swap3A_217, %swap3A_218, %swap3A_219], %swap3A_222 {strides = array<i32>} : memref<8x1000x128xf32, #tpu.memory_space<vmem>>, vector<1x1000x128xf32>,
    } else {
    }
    %get3A = arith.constant 0 : index
    %get3A_2 = arith.constant 0 : index
    %get3A_3 = arith.constant 0 : index
    %get3A_4 = vector.load %arg2[%get3A, %get3A_2, %get3A_3] : memref<1x1000x128xf32, #tpu.memory_space<vmem>>, vector<1x1000x128xf32>
    %get3A_5 = vector.shape_cast %get3A_4 : vector<1x1000x128xf32> to vector<1000x128xf32>
    %convert_element_type3A_6 = arith.truncf %get3A_5 : vector<1000x128xf32> to vector<1000x128xbf16>
    %get3A_7 = arith.constant 0 : index
    %get3A_8 = arith.constant 0 : index
    %get3A_9 = arith.constant 0 : index
    %get3A_10 = vector.load %arg3[%get3A_7, %get3A_8, %get3A_9] : memref<1x128x1024xf32, #tpu.memory_space<vmem>>, vector<1x128x1024xf32>
    %get3A_11 = vector.shape_cast %get3A_10 : vector<1x128x1024xf32> to vector<128x1024xf32>
    %convert_element_type3A_12 = arith.truncf %get3A_11 : vector<128x1024xf32> to vector<128x1024xbf16>
    %dot_general3A = arith.constant dense<0.000000e+00> : vector<1000x1024xf32>
    %dot_general3A_13 = tpu.matmul %convert_element_type3A_6, %convert_element_type3A_12, %dot_general3A {dimension_numbers = #tpu.dot_dimension_numbers<[1], [0], [0], [1], [0, 0, 1, 1], [], []>, transpose_lhs_hint = false} : vector<1000x128xbf16>, vector<128x1024xbf16>, vector<1000x1024xf32> -> vector<1000x1024xf32>
    %get3A_14 = arith.constant 0 : index
    %get3A_15 = arith.constant 0 : index
    %get3A_16 = arith.constant 0 : index
    %get3A_17 = vector.load %arg5[%get3A_14, %get3A_15, %get3A_16] : memref<8x1000x128xf32, #tpu.memory_space<vmem>>, vector<1x1000x128xf32>
    %get3A_18 = vector.shape_cast %get3A_17 : vector<1x1000x128xf32> to vector<1000x128xf32>
    %slice3A = vector.extract_strided_slice %dot_general3A_13 {offsets = [0, 0], sizes = [1000, 128], strides = [1, 1]} : vector<1000x1024xf32> to vector<1000x128xf32>
    %add3A = arith.addf %get3A_18, %slice3A : vector<1000x128xf32>
    %swap3A = arith.constant 0 : index
    %swap3A_19 = arith.constant 0 : index
    %swap3A_20 = arith.constant 0 : index
    %swap3A_21 = vector.load %arg5[%swap3A, %swap3A_19, %swap3A_20] : memref<8x1000x128xf32, #tpu.memory_space<vmem>>, vector<1x1000x128xf32>
    %swap3A_22 = vector.shape_cast %swap3A_21 : vector<1x1000x128xf32> to vector<1000x128xf32>
    %swap3A_23 = vector.shape_cast %add3A : vector<1000x128xf32> to vector<1x1000x128xf32>
    tpu.vector_store %arg5[%swap3A, %swap3A_19, %swap3A_20], %swap3A_23 {strides = array<i32>} : memref<8x1000x128xf32, #tpu.memory_space<vmem>>, vector<1x1000x128xf32>,
    %get3A_24 = arith.constant 1 : index
    %get3A_25 = arith.constant 0 : index
    %get3A_26 = arith.constant 0 : index
    %get3A_27 = vector.load %arg5[%get3A_24, %get3A_25, %get3A_26] : memref<8x1000x128xf32, #tpu.memory_space<vmem>>, vector<1x1000x128xf32>
    %get3A_28 = vector.shape_cast %get3A_27 : vector<1x1000x128xf32> to vector<1000x128xf32>
    %slice3A_29 = vector.extract_strided_slice %dot_general3A_13 {offsets = [0, 128], sizes = [1000, 128], strides = [1, 1]} : vector<1000x1024xf32> to vector<1000x128xf32>
    %add3A_30 = arith.addf %get3A_28, %slice3A_29 : vector<1000x128xf32>
    %swap3A_31 = arith.constant 1 : index
    %swap3A_32 = arith.constant 0 : index
    %swap3A_33 = arith.constant 0 : index
    %swap3A_34 = vector.load %arg5[%swap3A_31, %swap3A_32, %swap3A_33] : memref<8x1000x128xf32, #tpu.memory_space<vmem>>, vector<1x1000x128xf32>
    %swap3A_35 = vector.shape_cast %swap3A_34 : vector<1x1000x128xf32> to vector<1000x128xf32>
    %swap3A_36 = vector.shape_cast %add3A_30 : vector<1000x128xf32> to vector<1x1000x128xf32>
    tpu.vector_store %arg5[%swap3A_31, %swap3A_32, %swap3A_33], %swap3A_36 {strides = array<i32>} : memref<8x1000x128xf32, #tpu.memory_space<vmem>>, vector<1x1000x128xf32>,
    %get3A_37 = arith.constant 2 : index
    %get3A_38 = arith.constant 0 : index
    %get3A_39 = arith.constant 0 : index
    %get3A_40 = vector.load %arg5[%get3A_37, %get3A_38, %get3A_39] : memref<8x1000x128xf32, #tpu.memory_space<vmem>>, vector<1x1000x128xf32>
    %get3A_41 = vector.shape_cast %get3A_40 : vector<1x1000x128xf32> to vector<1000x128xf32>
    %slice3A_42 = vector.extract_strided_slice %dot_general3A_13 {offsets = [0, 256], sizes = [1000, 128], strides = [1, 1]} : vector<1000x1024xf32> to vector<1000x128xf32>
    %add3A_43 = arith.addf %get3A_41, %slice3A_42 : vector<1000x128xf32>
    %swap3A_44 = arith.constant 2 : index
    %swap3A_45 = arith.constant 0 : index
    %swap3A_46 = arith.constant 0 : index
    %swap3A_47 = vector.load %arg5[%swap3A_44, %swap3A_45, %swap3A_46] : memref<8x1000x128xf32, #tpu.memory_space<vmem>>, vector<1x1000x128xf32>
    %swap3A_48 = vector.shape_cast %swap3A_47 : vector<1x1000x128xf32> to vector<1000x128xf32>
    %swap3A_49 = vector.shape_cast %add3A_43 : vector<1000x128xf32> to vector<1x1000x128xf32>
    tpu.vector_store %arg5[%swap3A_44, %swap3A_45, %swap3A_46], %swap3A_49 {strides = array<i32>} : memref<8x1000x128xf32, #tpu.memory_space<vmem>>, vector<1x1000x128xf32>,
    %get3A_50 = arith.constant 3 : index
    %get3A_51 = arith.constant 0 : index
    %get3A_52 = arith.constant 0 : index
    %get3A_53 = vector.load %arg5[%get3A_50, %get3A_51, %get3A_52] : memref<8x1000x128xf32, #tpu.memory_space<vmem>>, vector<1x1000x128xf32>
    %get3A_54 = vector.shape_cast %get3A_53 : vector<1x1000x128xf32> to vector<1000x128xf32>
    %slice3A_55 = vector.extract_strided_slice %dot_general3A_13 {offsets = [0, 384], sizes = [1000, 128], strides = [1, 1]} : vector<1000x1024xf32> to vector<1000x128xf32>
    %add3A_56 = arith.addf %get3A_54, %slice3A_55 : vector<1000x128xf32>
    %swap3A_57 = arith.constant 3 : index
    %swap3A_58 = arith.constant 0 : index
    %swap3A_59 = arith.constant 0 : index
    %swap3A_60 = vector.load %arg5[%swap3A_57, %swap3A_58, %swap3A_59] : memref<8x1000x128xf32, #tpu.memory_space<vmem>>, vector<1x1000x128xf32>
    %swap3A_61 = vector.shape_cast %swap3A_60 : vector<1x1000x128xf32> to vector<1000x128xf32>
    %swap3A_62 = vector.shape_cast %add3A_56 : vector<1000x128xf32> to vector<1x1000x128xf32>
    tpu.vector_store %arg5[%swap3A_57, %swap3A_58, %swap3A_59], %swap3A_62 {strides = array<i32>} : memref<8x1000x128xf32, #tpu.memory_space<vmem>>, vector<1x1000x128xf32>,
    %get3A_63 = arith.constant 4 : index
    %get3A_64 = arith.constant 0 : index
    %get3A_65 = arith.constant 0 : index
    %get3A_66 = vector.load %arg5[%get3A_63, %get3A_64, %get3A_65] : memref<8x1000x128xf32, #tpu.memory_space<vmem>>, vector<1x1000x128xf32>
    %get3A_67 = vector.shape_cast %get3A_66 : vector<1x1000x128xf32> to vector<1000x128xf32>
    %slice3A_68 = vector.extract_strided_slice %dot_general3A_13 {offsets = [0, 512], sizes = [1000, 128], strides = [1, 1]} : vector<1000x1024xf32> to vector<1000x128xf32>
    %add3A_69 = arith.addf %get3A_67, %slice3A_68 : vector<1000x128xf32>
    %swap3A_70 = arith.constant 4 : index
    %swap3A_71 = arith.constant 0 : index
    %swap3A_72 = arith.constant 0 : index
    %swap3A_73 = vector.load %arg5[%swap3A_70, %swap3A_71, %swap3A_72] : memref<8x1000x128xf32, #tpu.memory_space<vmem>>, vector<1x1000x128xf32>
    %swap3A_74 = vector.shape_cast %swap3A_73 : vector<1x1000x128xf32> to vector<1000x128xf32>
    %swap3A_75 = vector.shape_cast %add3A_69 : vector<1000x128xf32> to vector<1x1000x128xf32>
    tpu.vector_store %arg5[%swap3A_70, %swap3A_71, %swap3A_72], %swap3A_75 {strides = array<i32>} : memref<8x1000x128xf32, #tpu.memory_space<vmem>>, vector<1x1000x128xf32>,
    %get3A_76 = arith.constant 5 : index
    %get3A_77 = arith.constant 0 : index
    %get3A_78 = arith.constant 0 : index
    %get3A_79 = vector.load %arg5[%get3A_76, %get3A_77, %get3A_78] : memref<8x1000x128xf32, #tpu.memory_space<vmem>>, vector<1x1000x128xf32>
    %get3A_80 = vector.shape_cast %get3A_79 : vector<1x1000x128xf32> to vector<1000x128xf32>
    %slice3A_81 = vector.extract_strided_slice %dot_general3A_13 {offsets = [0, 640], sizes = [1000, 128], strides = [1, 1]} : vector<1000x1024xf32> to vector<1000x128xf32>
    %add3A_82 = arith.addf %get3A_80, %slice3A_81 : vector<1000x128xf32>
    %swap3A_83 = arith.constant 5 : index
    %swap3A_84 = arith.constant 0 : index
    %swap3A_85 = arith.constant 0 : index
    %swap3A_86 = vector.load %arg5[%swap3A_83, %swap3A_84, %swap3A_85] : memref<8x1000x128xf32, #tpu.memory_space<vmem>>, vector<1x1000x128xf32>
    %swap3A_87 = vector.shape_cast %swap3A_86 : vector<1x1000x128xf32> to vector<1000x128xf32>
    %swap3A_88 = vector.shape_cast %add3A_82 : vector<1000x128xf32> to vector<1x1000x128xf32>
    tpu.vector_store %arg5[%swap3A_83, %swap3A_84, %swap3A_85], %swap3A_88 {strides = array<i32>} : memref<8x1000x128xf32, #tpu.memory_space<vmem>>, vector<1x1000x128xf32>,
    %get3A_89 = arith.constant 6 : index
    %get3A_90 = arith.constant 0 : index
    %get3A_91 = arith.constant 0 : index
    %get3A_92 = vector.load %arg5[%get3A_89, %get3A_90, %get3A_91] : memref<8x1000x128xf32, #tpu.memory_space<vmem>>, vector<1x1000x128xf32>
    %get3A_93 = vector.shape_cast %get3A_92 : vector<1x1000x128xf32> to vector<1000x128xf32>
    %slice3A_94 = vector.extract_strided_slice %dot_general3A_13 {offsets = [0, 768], sizes = [1000, 128], strides = [1, 1]} : vector<1000x1024xf32> to vector<1000x128xf32>
    %add3A_95 = arith.addf %get3A_93, %slice3A_94 : vector<1000x128xf32>
    %swap3A_96 = arith.constant 6 : index
    %swap3A_97 = arith.constant 0 : index
    %swap3A_98 = arith.constant 0 : index
    %swap3A_99 = vector.load %arg5[%swap3A_96, %swap3A_97, %swap3A_98] : memref<8x1000x128xf32, #tpu.memory_space<vmem>>, vector<1x1000x128xf32>
    %swap3A_100 = vector.shape_cast %swap3A_99 : vector<1x1000x128xf32> to vector<1000x128xf32>
    %swap3A_101 = vector.shape_cast %add3A_95 : vector<1000x128xf32> to vector<1x1000x128xf32>
    tpu.vector_store %arg5[%swap3A_96, %swap3A_97, %swap3A_98], %swap3A_101 {strides = array<i32>} : memref<8x1000x128xf32, #tpu.memory_space<vmem>>, vector<1x1000x128xf32>,
    %get3A_102 = arith.constant 7 : index
    %get3A_103 = arith.constant 0 : index
    %get3A_104 = arith.constant 0 : index
    %get3A_105 = vector.load %arg5[%get3A_102, %get3A_103, %get3A_104] : memref<8x1000x128xf32, #tpu.memory_space<vmem>>, vector<1x1000x128xf32>
    %get3A_106 = vector.shape_cast %get3A_105 : vector<1x1000x128xf32> to vector<1000x128xf32>
    %slice3A_107 = vector.extract_strided_slice %dot_general3A_13 {offsets = [0, 896], sizes = [1000, 128], strides = [1, 1]} : vector<1000x1024xf32> to vector<1000x128xf32>
    %add3A_108 = arith.addf %get3A_106, %slice3A_107 : vector<1000x128xf32>
    %swap3A_109 = arith.constant 7 : index
    %swap3A_110 = arith.constant 0 : index
    %swap3A_111 = arith.constant 0 : index
    %swap3A_112 = vector.load %arg5[%swap3A_109, %swap3A_110, %swap3A_111] : memref<8x1000x128xf32, #tpu.memory_space<vmem>>, vector<1x1000x128xf32>
    %swap3A_113 = vector.shape_cast %swap3A_112 : vector<1x1000x128xf32> to vector<1000x128xf32>
    %swap3A_114 = vector.shape_cast %add3A_108 : vector<1000x128xf32> to vector<1x1000x128xf32>
    tpu.vector_store %arg5[%swap3A_109, %swap3A_110, %swap3A_111], %swap3A_114 {strides = array<i32>} : memref<8x1000x128xf32, #tpu.memory_space<vmem>>, vector<1x1000x128xf32>,
    %eq3A_115 = arith.constant 1 : i32
    %eq3A_116 = arith.cmpi eq, %arg1, %eq3A_115 : i32
    %convert_element_type3A_117 = arith.extui %eq3A_116 : i1 to i32
    %cond3A_118 = arith.constant 0 : i32
    %cond3A_119 = arith.cmpi ne, %convert_element_type3A_117, %cond3A_118 : i32
    scf.if %cond3A_119 {
      %get3A_120 = arith.constant 0 : index
      %get3A_121 = arith.constant 0 : index
      %get3A_122 = arith.constant 0 : index
      %get3A_123 = vector.load %arg5[%get3A_120, %get3A_121, %get3A_122] : memref<8x1000x128xf32, #tpu.memory_space<vmem>>, vector<1x1000x128xf32>
      %get3A_124 = vector.shape_cast %get3A_123 : vector<1x1000x128xf32> to vector<1000x128xf32>
      %max3A = arith.constant 0.000000e+00 : f32
      %max3A_125 = vector.broadcast %max3A : f32 to vector<1000x128xf32>
      %max3A_126 = arith.maximumf %get3A_124, %max3A_125 : vector<1000x128xf32>
      %swap3A_127 = arith.constant 0 : index
      %swap3A_128 = arith.constant 0 : index
      %swap3A_129 = arith.constant 0 : index
      %swap3A_130 = vector.load %arg5[%swap3A_127, %swap3A_128, %swap3A_129] : memref<8x1000x128xf32, #tpu.memory_space<vmem>>, vector<1x1000x128xf32>
      %swap3A_131 = vector.shape_cast %swap3A_130 : vector<1x1000x128xf32> to vector<1000x128xf32>
      %swap3A_132 = vector.shape_cast %max3A_126 : vector<1000x128xf32> to vector<1x1000x128xf32>
      tpu.vector_store %arg5[%swap3A_127, %swap3A_128, %swap3A_129], %swap3A_132 {strides = array<i32>} : memref<8x1000x128xf32, #tpu.memory_space<vmem>>, vector<1x1000x128xf32>,
      %get3A_133 = arith.constant 1 : index
      %get3A_134 = arith.constant 0 : index
      %get3A_135 = arith.constant 0 : index
      %get3A_136 = vector.load %arg5[%get3A_133, %get3A_134, %get3A_135] : memref<8x1000x128xf32, #tpu.memory_space<vmem>>, vector<1x1000x128xf32>
      %get3A_137 = vector.shape_cast %get3A_136 : vector<1x1000x128xf32> to vector<1000x128xf32>
      %max3A_138 = arith.constant 0.000000e+00 : f32
      %max3A_139 = vector.broadcast %max3A_138 : f32 to vector<1000x128xf32>
      %max3A_140 = arith.maximumf %get3A_137, %max3A_139 : vector<1000x128xf32>
      %swap3A_141 = arith.constant 1 : index
      %swap3A_142 = arith.constant 0 : index
      %swap3A_143 = arith.constant 0 : index
      %swap3A_144 = vector.load %arg5[%swap3A_141, %swap3A_142, %swap3A_143] : memref<8x1000x128xf32, #tpu.memory_space<vmem>>, vector<1x1000x128xf32>
      %swap3A_145 = vector.shape_cast %swap3A_144 : vector<1x1000x128xf32> to vector<1000x128xf32>
      %swap3A_146 = vector.shape_cast %max3A_140 : vector<1000x128xf32> to vector<1x1000x128xf32>
      tpu.vector_store %arg5[%swap3A_141, %swap3A_142, %swap3A_143], %swap3A_146 {strides = array<i32>} : memref<8x1000x128xf32, #tpu.memory_space<vmem>>, vector<1x1000x128xf32>,
      %get3A_147 = arith.constant 2 : index
      %get3A_148 = arith.constant 0 : index
      %get3A_149 = arith.constant 0 : index
      %get3A_150 = vector.load %arg5[%get3A_147, %get3A_148, %get3A_149] : memref<8x1000x128xf32, #tpu.memory_space<vmem>>, vector<1x1000x128xf32>
      %get3A_151 = vector.shape_cast %get3A_150 : vector<1x1000x128xf32> to vector<1000x128xf32>
      %max3A_152 = arith.constant 0.000000e+00 : f32
      %max3A_153 = vector.broadcast %max3A_152 : f32 to vector<1000x128xf32>
      %max3A_154 = arith.maximumf %get3A_151, %max3A_153 : vector<1000x128xf32>
      %swap3A_155 = arith.constant 2 : index
      %swap3A_156 = arith.constant 0 : index
      %swap3A_157 = arith.constant 0 : index
      %swap3A_158 = vector.load %arg5[%swap3A_155, %swap3A_156, %swap3A_157] : memref<8x1000x128xf32, #tpu.memory_space<vmem>>, vector<1x1000x128xf32>
      %swap3A_159 = vector.shape_cast %swap3A_158 : vector<1x1000x128xf32> to vector<1000x128xf32>
      %swap3A_160 = vector.shape_cast %max3A_154 : vector<1000x128xf32> to vector<1x1000x128xf32>
      tpu.vector_store %arg5[%swap3A_155, %swap3A_156, %swap3A_157], %swap3A_160 {strides = array<i32>} : memref<8x1000x128xf32, #tpu.memory_space<vmem>>, vector<1x1000x128xf32>,
      %get3A_161 = arith.constant 3 : index
      %get3A_162 = arith.constant 0 : index
      %get3A_163 = arith.constant 0 : index
      %get3A_164 = vector.load %arg5[%get3A_161, %get3A_162, %get3A_163] : memref<8x1000x128xf32, #tpu.memory_space<vmem>>, vector<1x1000x128xf32>
      %get3A_165 = vector.shape_cast %get3A_164 : vector<1x1000x128xf32> to vector<1000x128xf32>
      %max3A_166 = arith.constant 0.000000e+00 : f32
      %max3A_167 = vector.broadcast %max3A_166 : f32 to vector<1000x128xf32>
      %max3A_168 = arith.maximumf %get3A_165, %max3A_167 : vector<1000x128xf32>
      %swap3A_169 = arith.constant 3 : index
      %swap3A_170 = arith.constant 0 : index
      %swap3A_171 = arith.constant 0 : index
      %swap3A_172 = vector.load %arg5[%swap3A_169, %swap3A_170, %swap3A_171] : memref<8x1000x128xf32, #tpu.memory_space<vmem>>, vector<1x1000x128xf32>
      %swap3A_173 = vector.shape_cast %swap3A_172 : vector<1x1000x128xf32> to vector<1000x128xf32>
      %swap3A_174 = vector.shape_cast %max3A_168 : vector<1000x128xf32> to vector<1x1000x128xf32>
      tpu.vector_store %arg5[%swap3A_169, %swap3A_170, %swap3A_171], %swap3A_174 {strides = array<i32>} : memref<8x1000x128xf32, #tpu.memory_space<vmem>>, vector<1x1000x128xf32>,
      %get3A_175 = arith.constant 4 : index
      %get3A_176 = arith.constant 0 : index
      %get3A_177 = arith.constant 0 : index
      %get3A_178 = vector.load %arg5[%get3A_175, %get3A_176, %get3A_177] : memref<8x1000x128xf32, #tpu.memory_space<vmem>>, vector<1x1000x128xf32>
      %get3A_179 = vector.shape_cast %get3A_178 : vector<1x1000x128xf32> to vector<1000x128xf32>
      %max3A_180 = arith.constant 0.000000e+00 : f32
      %max3A_181 = vector.broadcast %max3A_180 : f32 to vector<1000x128xf32>
      %max3A_182 = arith.maximumf %get3A_179, %max3A_181 : vector<1000x128xf32>
      %swap3A_183 = arith.constant 4 : index
      %swap3A_184 = arith.constant 0 : index
      %swap3A_185 = arith.constant 0 : index
      %swap3A_186 = vector.load %arg5[%swap3A_183, %swap3A_184, %swap3A_185] : memref<8x1000x128xf32, #tpu.memory_space<vmem>>, vector<1x1000x128xf32>
      %swap3A_187 = vector.shape_cast %swap3A_186 : vector<1x1000x128xf32> to vector<1000x128xf32>
      %swap3A_188 = vector.shape_cast %max3A_182 : vector<1000x128xf32> to vector<1x1000x128xf32>
      tpu.vector_store %arg5[%swap3A_183, %swap3A_184, %swap3A_185], %swap3A_188 {strides = array<i32>} : memref<8x1000x128xf32, #tpu.memory_space<vmem>>, vector<1x1000x128xf32>,
      %get3A_189 = arith.constant 5 : index
      %get3A_190 = arith.constant 0 : index
      %get3A_191 = arith.constant 0 : index
      %get3A_192 = vector.load %arg5[%get3A_189, %get3A_190, %get3A_191] : memref<8x1000x128xf32, #tpu.memory_space<vmem>>, vector<1x1000x128xf32>
      %get3A_193 = vector.shape_cast %get3A_192 : vector<1x1000x128xf32> to vector<1000x128xf32>
      %max3A_194 = arith.constant 0.000000e+00 : f32
      %max3A_195 = vector.broadcast %max3A_194 : f32 to vector<1000x128xf32>
      %max3A_196 = arith.maximumf %get3A_193, %max3A_195 : vector<1000x128xf32>
      %swap3A_197 = arith.constant 5 : index
      %swap3A_198 = arith.constant 0 : index
      %swap3A_199 = arith.constant 0 : index
      %swap3A_200 = vector.load %arg5[%swap3A_197, %swap3A_198, %swap3A_199] : memref<8x1000x128xf32, #tpu.memory_space<vmem>>, vector<1x1000x128xf32>
      %swap3A_201 = vector.shape_cast %swap3A_200 : vector<1x1000x128xf32> to vector<1000x128xf32>
      %swap3A_202 = vector.shape_cast %max3A_196 : vector<1000x128xf32> to vector<1x1000x128xf32>
      tpu.vector_store %arg5[%swap3A_197, %swap3A_198, %swap3A_199], %swap3A_202 {strides = array<i32>} : memref<8x1000x128xf32, #tpu.memory_space<vmem>>, vector<1x1000x128xf32>,
      %get3A_203 = arith.constant 6 : index
      %get3A_204 = arith.constant 0 : index
      %get3A_205 = arith.constant 0 : index
      %get3A_206 = vector.load %arg5[%get3A_203, %get3A_204, %get3A_205] : memref<8x1000x128xf32, #tpu.memory_space<vmem>>, vector<1x1000x128xf32>
      %get3A_207 = vector.shape_cast %get3A_206 : vector<1x1000x128xf32> to vector<1000x128xf32>
      %max3A_208 = arith.constant 0.000000e+00 : f32
      %max3A_209 = vector.broadcast %max3A_208 : f32 to vector<1000x128xf32>
      %max3A_210 = arith.maximumf %get3A_207, %max3A_209 : vector<1000x128xf32>
      %swap3A_211 = arith.constant 6 : index
      %swap3A_212 = arith.constant 0 : index
      %swap3A_213 = arith.constant 0 : index
      %swap3A_214 = vector.load %arg5[%swap3A_211, %swap3A_212, %swap3A_213] : memref<8x1000x128xf32, #tpu.memory_space<vmem>>, vector<1x1000x128xf32>
      %swap3A_215 = vector.shape_cast %swap3A_214 : vector<1x1000x128xf32> to vector<1000x128xf32>
      %swap3A_216 = vector.shape_cast %max3A_210 : vector<1000x128xf32> to vector<1x1000x128xf32>
      tpu.vector_store %arg5[%swap3A_211, %swap3A_212, %swap3A_213], %swap3A_216 {strides = array<i32>} : memref<8x1000x128xf32, #tpu.memory_space<vmem>>, vector<1x1000x128xf32>,
      %get3A_217 = arith.constant 7 : index
      %get3A_218 = arith.constant 0 : index
      %get3A_219 = arith.constant 0 : index
      %get3A_220 = vector.load %arg5[%get3A_217, %get3A_218, %get3A_219] : memref<8x1000x128xf32, #tpu.memory_space<vmem>>, vector<1x1000x128xf32>
      %get3A_221 = vector.shape_cast %get3A_220 : vector<1x1000x128xf32> to vector<1000x128xf32>
      %max3A_222 = arith.constant 0.000000e+00 : f32
      %max3A_223 = vector.broadcast %max3A_222 : f32 to vector<1000x128xf32>
      %max3A_224 = arith.maximumf %get3A_221, %max3A_223 : vector<1000x128xf32>
      %swap3A_225 = arith.constant 7 : index
      %swap3A_226 = arith.constant 0 : index
      %swap3A_227 = arith.constant 0 : index
      %swap3A_228 = vector.load %arg5[%swap3A_225, %swap3A_226, %swap3A_227] : memref<8x1000x128xf32, #tpu.memory_space<vmem>>, vector<1x1000x128xf32>
      %swap3A_229 = vector.shape_cast %swap3A_228 : vector<1x1000x128xf32> to vector<1000x128xf32>
      %swap3A_230 = vector.shape_cast %max3A_224 : vector<1000x128xf32> to vector<1x1000x128xf32>
      tpu.vector_store %arg5[%swap3A_225, %swap3A_226, %swap3A_227], %swap3A_230 {strides = array<i32>} : memref<8x1000x128xf32, #tpu.memory_space<vmem>>, vector<1x1000x128xf32>,
    } else {
    }
    return
  }
  func.func @transform_0(%arg0: i32, %arg1: i32) -> (i32, i32, i32) {
    %c0_i32 = arith.constant 0 : i32
    %c0_i32_0 = arith.constant 0 : i32
    return %arg1, %arg0, %c0_i32 : i32, i32, i32
  }
  func.func @transform_1(%arg0: i32, %arg1: i32) -> (i32, i32, i32) {
    %c0_i32 = arith.constant 0 : i32
    %c0_i32_0 = arith.constant 0 : i32
    %c0_i32_1 = arith.constant 0 : i32
    return %arg1, %c0_i32, %c0_i32_0 : i32, i32, i32
  }
  func.func @transform_2(%arg0: i32, %arg1: i32) -> (i32, i32, i32) {
    %c0_i32 = arith.constant 0 : i32
    %c0_i32_0 = arith.constant 0 : i32
    %c0_i32_1 = arith.constant 0 : i32
    %c0_i32_2 = arith.constant 0 : i32
    return %c0_i32, %c0_i32_0, %c0_i32_1 : i32, i32, i32
  }
  func.func @transform_3(%arg0: i32, %arg1: i32) -> (i32, i32, i32) {
    %c0_i32 = arith.constant 0 : i32
    %c0_i32_0 = arith.constant 0 : i32
    %c0_i32_1 = arith.constant 0 : i32
    return %c0_i32, %arg0, %c0_i32_0 : i32, i32, i32
  }
}

module attributes {stable_mosaic.version = 14 : i64} {
  func.func @_mm_body(%arg0: i32, %arg1: i32, %arg2: memref<1x1000x128xf32, #tpu.memory_space<vmem>>, %arg3: memref<1x128x1024xf32, #tpu.memory_space<vmem>>, %arg4: memref<8x1x128xf32, #tpu.memory_space<vmem>>, %arg5: memref<8x1000x128xf32, #tpu.memory_space<vmem>>) attributes {dimension_semantics = [#tpu.dimension_semantics<arbitrary>, #tpu.dimension_semantics<arbitrary>], iteration_bounds = array<i64: 10, 8>, scalar_prefetch = 0 : i64, scratch_operands = 0 : i64, tpu.core_type = #tpu.core_type<tc>, window_params = [{transform_indices = @transform_0, window_bounds = array<i64: 1, 1000, 128>}, {transform_indices = @transform_1, window_bounds = array<i64: 1, 128, 1024>}, {pipeline_mode = #tpu.pipeline_mode<synchronous>, transform_indices = @transform_2, window_bounds = array<i64: 8, 1, 128>}, {transform_indices = @transform_3, window_bounds = array<i64: 8, 1000, 128>}]} {
    %eq3A = arith.constant 0 : i32
    %eq3A_0 = arith.cmpi eq, %arg1, %eq3A : i32
    %convert_element_type3A = arith.extui %eq3A_0 : i1 to i32
    %cond3A = arith.constant 0 : i32
    %cond3A_1 = arith.cmpi ne, %convert_element_type3A, %cond3A : i32
    scf.if %cond3A_1 {
      %get3A_120 = arith.constant 0 : index
      %get3A_121 = arith.constant 0 : index
      %get3A_122 = arith.constant 0 : index
      %get3A_123 = vector.load %arg4[%get3A_120, %get3A_121, %get3A_122] : memref<8x1x128xf32, #tpu.memory_space<vmem>>, vector<1x1x128xf32>
      %get3A_124 = vector.shape_cast %get3A_123 : vector<1x1x128xf32> to vector<1x128xf32>
      %broadcast_in_dim3A = vector.shape_cast %get3A_124 : vector<1x128xf32> to vector<1x128xf32>
      %broadcast_in_dim3A_125 = vector.broadcast %broadcast_in_dim3A : vector<1x128xf32> to vector<1000x128xf32>
      %swap3A_126 = arith.constant 0 : index
      %swap3A_127 = arith.constant 0 : index
      %swap3A_128 = arith.constant 0 : index
      %swap3A_129 = vector.load %arg5[%swap3A_126, %swap3A_127, %swap3A_128] : memref<8x1000x128xf32, #tpu.memory_space<vmem>>, vector<1x1000x128xf32>
      %swap3A_130 = vector.shape_cast %swap3A_129 : vector<1x1000x128xf32> to vector<1000x128xf32>
      %swap3A_131 = vector.shape_cast %broadcast_in_dim3A_125 : vector<1000x128xf32> to vector<1x1000x128xf32>
      tpu.vector_store %arg5[%swap3A_126, %swap3A_127, %swap3A_128], %swap3A_131 {strides = array<i32>} : memref<8x1000x128xf32, #tpu.memory_space<vmem>>, vector<1x1000x128xf32>,
      %get3A_132 = arith.constant 1 : index
      %get3A_133 = arith.constant 0 : index
      %get3A_134 = arith.constant 0 : index
      %get3A_135 = vector.load %arg4[%get3A_132, %get3A_133, %get3A_134] : memref<8x1x128xf32, #tpu.memory_space<vmem>>, vector<1x1x128xf32>
      %get3A_136 = vector.shape_cast %get3A_135 : vector<1x1x128xf32> to vector<1x128xf32>
      %broadcast_in_dim3A_137 = vector.shape_cast %get3A_136 : vector<1x128xf32> to vector<1x128xf32>
      %broadcast_in_dim3A_138 = vector.broadcast %broadcast_in_dim3A_137 : vector<1x128xf32> to vector<1000x128xf32>
      %swap3A_139 = arith.constant 1 : index
      %swap3A_140 = arith.constant 0 : index
      %swap3A_141 = arith.constant 0 : index
      %swap3A_142 = vector.load %arg5[%swap3A_139, %swap3A_140, %swap3A_141] : memref<8x1000x128xf32, #tpu.memory_space<vmem>>, vector<1x1000x128xf32>
      %swap3A_143 = vector.shape_cast %swap3A_142 : vector<1x1000x128xf32> to vector<1000x128xf32>
      %swap3A_144 = vector.shape_cast %broadcast_in_dim3A_138 : vector<1000x128xf32> to vector<1x1000x128xf32>
      tpu.vector_store %arg5[%swap3A_139, %swap3A_140, %swap3A_141], %swap3A_144 {strides = array<i32>} : memref<8x1000x128xf32, #tpu.memory_space<vmem>>, vector<1x1000x128xf32>,
      %get3A_145 = arith.constant 2 : index
      %get3A_146 = arith.constant 0 : index
      %get3A_147 = arith.constant 0 : index
      %get3A_148 = vector.load %arg4[%get3A_145, %get3A_146, %get3A_147] : memref<8x1x128xf32, #tpu.memory_space<vmem>>, vector<1x1x128xf32>
      %get3A_149 = vector.shape_cast %get3A_148 : vector<1x1x128xf32> to vector<1x128xf32>
      %broadcast_in_dim3A_150 = vector.shape_cast %get3A_149 : vector<1x128xf32> to vector<1x128xf32>
      %broadcast_in_dim3A_151 = vector.broadcast %broadcast_in_dim3A_150 : vector<1x128xf32> to vector<1000x128xf32>
      %swap3A_152 = arith.constant 2 : index
      %swap3A_153 = arith.constant 0 : index
      %swap3A_154 = arith.constant 0 : index
      %swap3A_155 = vector.load %arg5[%swap3A_152, %swap3A_153, %swap3A_154] : memref<8x1000x128xf32, #tpu.memory_space<vmem>>, vector<1x1000x128xf32>
      %swap3A_156 = vector.shape_cast %swap3A_155 : vector<1x1000x128xf32> to vector<1000x128xf32>
      %swap3A_157 = vector.shape_cast %broadcast_in_dim3A_151 : vector<1000x128xf32> to vector<1x1000x128xf32>
      tpu.vector_store %arg5[%swap3A_152, %swap3A_153, %swap3A_154], %swap3A_157 {strides = array<i32>} : memref<8x1000x128xf32, #tpu.memory_space<vmem>>, vector<1x1000x128xf32>,
      %get3A_158 = arith.constant 3 : index
      %get3A_159 = arith.constant 0 : index
      %get3A_160 = arith.constant 0 : index
      %get3A_161 = vector.load %arg4[%get3A_158, %get3A_159, %get3A_160] : memref<8x1x128xf32, #tpu.memory_space<vmem>>, vector<1x1x128xf32>
      %get3A_162 = vector.shape_cast %get3A_161 : vector<1x1x128xf32> to vector<1x128xf32>
      %broadcast_in_dim3A_163 = vector.shape_cast %get3A_162 : vector<1x128xf32> to vector<1x128xf32>
      %broadcast_in_dim3A_164 = vector.broadcast %broadcast_in_dim3A_163 : vector<1x128xf32> to vector<1000x128xf32>
      %swap3A_165 = arith.constant 3 : index
      %swap3A_166 = arith.constant 0 : index
      %swap3A_167 = arith.constant 0 : index
      %swap3A_168 = vector.load %arg5[%swap3A_165, %swap3A_166, %swap3A_167] : memref<8x1000x128xf32, #tpu.memory_space<vmem>>, vector<1x1000x128xf32>
      %swap3A_169 = vector.shape_cast %swap3A_168 : vector<1x1000x128xf32> to vector<1000x128xf32>
      %swap3A_170 = vector.shape_cast %broadcast_in_dim3A_164 : vector<1000x128xf32> to vector<1x1000x128xf32>
      tpu.vector_store %arg5[%swap3A_165, %swap3A_166, %swap3A_167], %swap3A_170 {strides = array<i32>} : memref<8x1000x128xf32, #tpu.memory_space<vmem>>, vector<1x1000x128xf32>,
      %get3A_171 = arith.constant 4 : index
      %get3A_172 = arith.constant 0 : index
      %get3A_173 = arith.constant 0 : index
      %get3A_174 = vector.load %arg4[%get3A_171, %get3A_172, %get3A_173] : memref<8x1x128xf32, #tpu.memory_space<vmem>>, vector<1x1x128xf32>
      %get3A_175 = vector.shape_cast %get3A_174 : vector<1x1x128xf32> to vector<1x128xf32>
      %broadcast_in_dim3A_176 = vector.shape_cast %get3A_175 : vector<1x128xf32> to vector<1x128xf32>
      %broadcast_in_dim3A_177 = vector.broadcast %broadcast_in_dim3A_176 : vector<1x128xf32> to vector<1000x128xf32>
      %swap3A_178 = arith.constant 4 : index
      %swap3A_179 = arith.constant 0 : index
      %swap3A_180 = arith.constant 0 : index
      %swap3A_181 = vector.load %arg5[%swap3A_178, %swap3A_179, %swap3A_180] : memref<8x1000x128xf32, #tpu.memory_space<vmem>>, vector<1x1000x128xf32>
      %swap3A_182 = vector.shape_cast %swap3A_181 : vector<1x1000x128xf32> to vector<1000x128xf32>
      %swap3A_183 = vector.shape_cast %broadcast_in_dim3A_177 : vector<1000x128xf32> to vector<1x1000x128xf32>
      tpu.vector_store %arg5[%swap3A_178, %swap3A_179, %swap3A_180], %swap3A_183 {strides = array<i32>} : memref<8x1000x128xf32, #tpu.memory_space<vmem>>, vector<1x1000x128xf32>,
      %get3A_184 = arith.constant 5 : index
      %get3A_185 = arith.constant 0 : index
      %get3A_186 = arith.constant 0 : index
      %get3A_187 = vector.load %arg4[%get3A_184, %get3A_185, %get3A_186] : memref<8x1x128xf32, #tpu.memory_space<vmem>>, vector<1x1x128xf32>
      %get3A_188 = vector.shape_cast %get3A_187 : vector<1x1x128xf32> to vector<1x128xf32>
      %broadcast_in_dim3A_189 = vector.shape_cast %get3A_188 : vector<1x128xf32> to vector<1x128xf32>
      %broadcast_in_dim3A_190 = vector.broadcast %broadcast_in_dim3A_189 : vector<1x128xf32> to vector<1000x128xf32>
      %swap3A_191 = arith.constant 5 : index
      %swap3A_192 = arith.constant 0 : index
      %swap3A_193 = arith.constant 0 : index
      %swap3A_194 = vector.load %arg5[%swap3A_191, %swap3A_192, %swap3A_193] : memref<8x1000x128xf32, #tpu.memory_space<vmem>>, vector<1x1000x128xf32>
      %swap3A_195 = vector.shape_cast %swap3A_194 : vector<1x1000x128xf32> to vector<1000x128xf32>
      %swap3A_196 = vector.shape_cast %broadcast_in_dim3A_190 : vector<1000x128xf32> to vector<1x1000x128xf32>
      tpu.vector_store %arg5[%swap3A_191, %swap3A_192, %swap3A_193], %swap3A_196 {strides = array<i32>} : memref<8x1000x128xf32, #tpu.memory_space<vmem>>, vector<1x1000x128xf32>,
      %get3A_197 = arith.constant 6 : index
      %get3A_198 = arith.constant 0 : index
      %get3A_199 = arith.constant 0 : index
      %get3A_200 = vector.load %arg4[%get3A_197, %get3A_198, %get3A_199] : memref<8x1x128xf32, #tpu.memory_space<vmem>>, vector<1x1x128xf32>
      %get3A_201 = vector.shape_cast %get3A_200 : vector<1x1x128xf32> to vector<1x128xf32>
      %broadcast_in_dim3A_202 = vector.shape_cast %get3A_201 : vector<1x128xf32> to vector<1x128xf32>
      %broadcast_in_dim3A_203 = vector.broadcast %broadcast_in_dim3A_202 : vector<1x128xf32> to vector<1000x128xf32>
      %swap3A_204 = arith.constant 6 : index
      %swap3A_205 = arith.constant 0 : index
      %swap3A_206 = arith.constant 0 : index
      %swap3A_207 = vector.load %arg5[%swap3A_204, %swap3A_205, %swap3A_206] : memref<8x1000x128xf32, #tpu.memory_space<vmem>>, vector<1x1000x128xf32>
      %swap3A_208 = vector.shape_cast %swap3A_207 : vector<1x1000x128xf32> to vector<1000x128xf32>
      %swap3A_209 = vector.shape_cast %broadcast_in_dim3A_203 : vector<1000x128xf32> to vector<1x1000x128xf32>
      tpu.vector_store %arg5[%swap3A_204, %swap3A_205, %swap3A_206], %swap3A_209 {strides = array<i32>} : memref<8x1000x128xf32, #tpu.memory_space<vmem>>, vector<1x1000x128xf32>,
      %get3A_210 = arith.constant 7 : index
      %get3A_211 = arith.constant 0 : index
      %get3A_212 = arith.constant 0 : index
      %get3A_213 = vector.load %arg4[%get3A_210, %get3A_211, %get3A_212] : memref<8x1x128xf32, #tpu.memory_space<vmem>>, vector<1x1x128xf32>
      %get3A_214 = vector.shape_cast %get3A_213 : vector<1x1x128xf32> to vector<1x128xf32>
      %broadcast_in_dim3A_215 = vector.shape_cast %get3A_214 : vector<1x128xf32> to vector<1x128xf32>
      %broadcast_in_dim3A_216 = vector.broadcast %broadcast_in_dim3A_215 : vector<1x128xf32> to vector<1000x128xf32>
      %swap3A_217 = arith.constant 7 : index
      %swap3A_218 = arith.constant 0 : index
      %swap3A_219 = arith.constant 0 : index
      %swap3A_220 = vector.load %arg5[%swap3A_217, %swap3A_218, %swap3A_219] : memref<8x1000x128xf32, #tpu.memory_space<vmem>>, vector<1x1000x128xf32>
      %swap3A_221 = vector.shape_cast %swap3A_220 : vector<1x1000x128xf32> to vector<1000x128xf32>
      %swap3A_222 = vector.shape_cast %broadcast_in_dim3A_216 : vector<1000x128xf32> to vector<1x1000x128xf32>
      tpu.vector_store %arg5[%swap3A_217, %swap3A_218, %swap3A_219], %swap3A_222 {strides = array<i32>} : memref<8x1000x128xf32, #tpu.memory_space<vmem>>, vector<1x1000x128xf32>,
    } else {
    }
    %get3A = arith.constant 0 : index
    %get3A_2 = arith.constant 0 : index
    %get3A_3 = arith.constant 0 : index
    %get3A_4 = vector.load %arg2[%get3A, %get3A_2, %get3A_3] : memref<1x1000x128xf32, #tpu.memory_space<vmem>>, vector<1x1000x128xf32>
    %get3A_5 = vector.shape_cast %get3A_4 : vector<1x1000x128xf32> to vector<1000x128xf32>
    %convert_element_type3A_6 = arith.truncf %get3A_5 : vector<1000x128xf32> to vector<1000x128xbf16>
    %get3A_7 = arith.constant 0 : index
    %get3A_8 = arith.constant 0 : index
    %get3A_9 = arith.constant 0 : index
    %get3A_10 = vector.load %arg3[%get3A_7, %get3A_8, %get3A_9] : memref<1x128x1024xf32, #tpu.memory_space<vmem>>, vector<1x128x1024xf32>
    %get3A_11 = vector.shape_cast %get3A_10 : vector<1x128x1024xf32> to vector<128x1024xf32>
    %convert_element_type3A_12 = arith.truncf %get3A_11 : vector<128x1024xf32> to vector<128x1024xbf16>
    %dot_general3A = arith.constant dense<0.000000e+00> : vector<1000x1024xf32>
    %dot_general3A_13 = tpu.matmul %convert_element_type3A_6, %convert_element_type3A_12, %dot_general3A {dimension_numbers = #tpu.dot_dimension_numbers<[1], [0], [0], [1], [0, 0, 1, 1], [], []>, transpose_lhs_hint = false} : vector<1000x128xbf16>, vector<128x1024xbf16>, vector<1000x1024xf32> -> vector<1000x1024xf32>
    %get3A_14 = arith.constant 0 : index
    %get3A_15 = arith.constant 0 : index
    %get3A_16 = arith.constant 0 : index
    %get3A_17 = vector.load %arg5[%get3A_14, %get3A_15, %get3A_16] : memref<8x1000x128xf32, #tpu.memory_space<vmem>>, vector<1x1000x128xf32>
    %get3A_18 = vector.shape_cast %get3A_17 : vector<1x1000x128xf32> to vector<1000x128xf32>
    %slice3A = vector.extract_strided_slice %dot_general3A_13 {offsets = [0, 0], sizes = [1000, 128], strides = [1, 1]} : vector<1000x1024xf32> to vector<1000x128xf32>
    %add3A = arith.addf %get3A_18, %slice3A : vector<1000x128xf32>
    %swap3A = arith.constant 0 : index
    %swap3A_19 = arith.constant 0 : index
    %swap3A_20 = arith.constant 0 : index
    %swap3A_21 = vector.load %arg5[%swap3A, %swap3A_19, %swap3A_20] : memref<8x1000x128xf32, #tpu.memory_space<vmem>>, vector<1x1000x128xf32>
    %swap3A_22 = vector.shape_cast %swap3A_21 : vector<1x1000x128xf32> to vector<1000x128xf32>
    %swap3A_23 = vector.shape_cast %add3A : vector<1000x128xf32> to vector<1x1000x128xf32>
    tpu.vector_store %arg5[%swap3A, %swap3A_19, %swap3A_20], %swap3A_23 {strides = array<i32>} : memref<8x1000x128xf32, #tpu.memory_space<vmem>>, vector<1x1000x128xf32>,
    %get3A_24 = arith.constant 1 : index
    %get3A_25 = arith.constant 0 : index
    %get3A_26 = arith.constant 0 : index
    %get3A_27 = vector.load %arg5[%get3A_24, %get3A_25, %get3A_26] : memref<8x1000x128xf32, #tpu.memory_space<vmem>>, vector<1x1000x128xf32>
    %get3A_28 = vector.shape_cast %get3A_27 : vector<1x1000x128xf32> to vector<1000x128xf32>
    %slice3A_29 = vector.extract_strided_slice %dot_general3A_13 {offsets = [0, 128], sizes = [1000, 128], strides = [1, 1]} : vector<1000x1024xf32> to vector<1000x128xf32>
    %add3A_30 = arith.addf %get3A_28, %slice3A_29 : vector<1000x128xf32>
    %swap3A_31 = arith.constant 1 : index
    %swap3A_32 = arith.constant 0 : index
    %swap3A_33 = arith.constant 0 : index
    %swap3A_34 = vector.load %arg5[%swap3A_31, %swap3A_32, %swap3A_33] : memref<8x1000x128xf32, #tpu.memory_space<vmem>>, vector<1x1000x128xf32>
    %swap3A_35 = vector.shape_cast %swap3A_34 : vector<1x1000x128xf32> to vector<1000x128xf32>
    %swap3A_36 = vector.shape_cast %add3A_30 : vector<1000x128xf32> to vector<1x1000x128xf32>
    tpu.vector_store %arg5[%swap3A_31, %swap3A_32, %swap3A_33], %swap3A_36 {strides = array<i32>} : memref<8x1000x128xf32, #tpu.memory_space<vmem>>, vector<1x1000x128xf32>,
    %get3A_37 = arith.constant 2 : index
    %get3A_38 = arith.constant 0 : index
    %get3A_39 = arith.constant 0 : index
    %get3A_40 = vector.load %arg5[%get3A_37, %get3A_38, %get3A_39] : memref<8x1000x128xf32, #tpu.memory_space<vmem>>, vector<1x1000x128xf32>
    %get3A_41 = vector.shape_cast %get3A_40 : vector<1x1000x128xf32> to vector<1000x128xf32>
    %slice3A_42 = vector.extract_strided_slice %dot_general3A_13 {offsets = [0, 256], sizes = [1000, 128], strides = [1, 1]} : vector<1000x1024xf32> to vector<1000x128xf32>
    %add3A_43 = arith.addf %get3A_41, %slice3A_42 : vector<1000x128xf32>
    %swap3A_44 = arith.constant 2 : index
    %swap3A_45 = arith.constant 0 : index
    %swap3A_46 = arith.constant 0 : index
    %swap3A_47 = vector.load %arg5[%swap3A_44, %swap3A_45, %swap3A_46] : memref<8x1000x128xf32, #tpu.memory_space<vmem>>, vector<1x1000x128xf32>
    %swap3A_48 = vector.shape_cast %swap3A_47 : vector<1x1000x128xf32> to vector<1000x128xf32>
    %swap3A_49 = vector.shape_cast %add3A_43 : vector<1000x128xf32> to vector<1x1000x128xf32>
    tpu.vector_store %arg5[%swap3A_44, %swap3A_45, %swap3A_46], %swap3A_49 {strides = array<i32>} : memref<8x1000x128xf32, #tpu.memory_space<vmem>>, vector<1x1000x128xf32>,
    %get3A_50 = arith.constant 3 : index
    %get3A_51 = arith.constant 0 : index
    %get3A_52 = arith.constant 0 : index
    %get3A_53 = vector.load %arg5[%get3A_50, %get3A_51, %get3A_52] : memref<8x1000x128xf32, #tpu.memory_space<vmem>>, vector<1x1000x128xf32>
    %get3A_54 = vector.shape_cast %get3A_53 : vector<1x1000x128xf32> to vector<1000x128xf32>
    %slice3A_55 = vector.extract_strided_slice %dot_general3A_13 {offsets = [0, 384], sizes = [1000, 128], strides = [1, 1]} : vector<1000x1024xf32> to vector<1000x128xf32>
    %add3A_56 = arith.addf %get3A_54, %slice3A_55 : vector<1000x128xf32>
    %swap3A_57 = arith.constant 3 : index
    %swap3A_58 = arith.constant 0 : index
    %swap3A_59 = arith.constant 0 : index
    %swap3A_60 = vector.load %arg5[%swap3A_57, %swap3A_58, %swap3A_59] : memref<8x1000x128xf32, #tpu.memory_space<vmem>>, vector<1x1000x128xf32>
    %swap3A_61 = vector.shape_cast %swap3A_60 : vector<1x1000x128xf32> to vector<1000x128xf32>
    %swap3A_62 = vector.shape_cast %add3A_56 : vector<1000x128xf32> to vector<1x1000x128xf32>
    tpu.vector_store %arg5[%swap3A_57, %swap3A_58, %swap3A_59], %swap3A_62 {strides = array<i32>} : memref<8x1000x128xf32, #tpu.memory_space<vmem>>, vector<1x1000x128xf32>,
    %get3A_63 = arith.constant 4 : index
    %get3A_64 = arith.constant 0 : index
    %get3A_65 = arith.constant 0 : index
    %get3A_66 = vector.load %arg5[%get3A_63, %get3A_64, %get3A_65] : memref<8x1000x128xf32, #tpu.memory_space<vmem>>, vector<1x1000x128xf32>
    %get3A_67 = vector.shape_cast %get3A_66 : vector<1x1000x128xf32> to vector<1000x128xf32>
    %slice3A_68 = vector.extract_strided_slice %dot_general3A_13 {offsets = [0, 512], sizes = [1000, 128], strides = [1, 1]} : vector<1000x1024xf32> to vector<1000x128xf32>
    %add3A_69 = arith.addf %get3A_67, %slice3A_68 : vector<1000x128xf32>
    %swap3A_70 = arith.constant 4 : index
    %swap3A_71 = arith.constant 0 : index
    %swap3A_72 = arith.constant 0 : index
    %swap3A_73 = vector.load %arg5[%swap3A_70, %swap3A_71, %swap3A_72] : memref<8x1000x128xf32, #tpu.memory_space<vmem>>, vector<1x1000x128xf32>
    %swap3A_74 = vector.shape_cast %swap3A_73 : vector<1x1000x128xf32> to vector<1000x128xf32>
    %swap3A_75 = vector.shape_cast %add3A_69 : vector<1000x128xf32> to vector<1x1000x128xf32>
    tpu.vector_store %arg5[%swap3A_70, %swap3A_71, %swap3A_72], %swap3A_75 {strides = array<i32>} : memref<8x1000x128xf32, #tpu.memory_space<vmem>>, vector<1x1000x128xf32>,
    %get3A_76 = arith.constant 5 : index
    %get3A_77 = arith.constant 0 : index
    %get3A_78 = arith.constant 0 : index
    %get3A_79 = vector.load %arg5[%get3A_76, %get3A_77, %get3A_78] : memref<8x1000x128xf32, #tpu.memory_space<vmem>>, vector<1x1000x128xf32>
    %get3A_80 = vector.shape_cast %get3A_79 : vector<1x1000x128xf32> to vector<1000x128xf32>
    %slice3A_81 = vector.extract_strided_slice %dot_general3A_13 {offsets = [0, 640], sizes = [1000, 128], strides = [1, 1]} : vector<1000x1024xf32> to vector<1000x128xf32>
    %add3A_82 = arith.addf %get3A_80, %slice3A_81 : vector<1000x128xf32>
    %swap3A_83 = arith.constant 5 : index
    %swap3A_84 = arith.constant 0 : index
    %swap3A_85 = arith.constant 0 : index
    %swap3A_86 = vector.load %arg5[%swap3A_83, %swap3A_84, %swap3A_85] : memref<8x1000x128xf32, #tpu.memory_space<vmem>>, vector<1x1000x128xf32>
    %swap3A_87 = vector.shape_cast %swap3A_86 : vector<1x1000x128xf32> to vector<1000x128xf32>
    %swap3A_88 = vector.shape_cast %add3A_82 : vector<1000x128xf32> to vector<1x1000x128xf32>
    tpu.vector_store %arg5[%swap3A_83, %swap3A_84, %swap3A_85], %swap3A_88 {strides = array<i32>} : memref<8x1000x128xf32, #tpu.memory_space<vmem>>, vector<1x1000x128xf32>,
    %get3A_89 = arith.constant 6 : index
    %get3A_90 = arith.constant 0 : index
    %get3A_91 = arith.constant 0 : index
    %get3A_92 = vector.load %arg5[%get3A_89, %get3A_90, %get3A_91] : memref<8x1000x128xf32, #tpu.memory_space<vmem>>, vector<1x1000x128xf32>
    %get3A_93 = vector.shape_cast %get3A_92 : vector<1x1000x128xf32> to vector<1000x128xf32>
    %slice3A_94 = vector.extract_strided_slice %dot_general3A_13 {offsets = [0, 768], sizes = [1000, 128], strides = [1, 1]} : vector<1000x1024xf32> to vector<1000x128xf32>
    %add3A_95 = arith.addf %get3A_93, %slice3A_94 : vector<1000x128xf32>
    %swap3A_96 = arith.constant 6 : index
    %swap3A_97 = arith.constant 0 : index
    %swap3A_98 = arith.constant 0 : index
    %swap3A_99 = vector.load %arg5[%swap3A_96, %swap3A_97, %swap3A_98] : memref<8x1000x128xf32, #tpu.memory_space<vmem>>, vector<1x1000x128xf32>
    %swap3A_100 = vector.shape_cast %swap3A_99 : vector<1x1000x128xf32> to vector<1000x128xf32>
    %swap3A_101 = vector.shape_cast %add3A_95 : vector<1000x128xf32> to vector<1x1000x128xf32>
    tpu.vector_store %arg5[%swap3A_96, %swap3A_97, %swap3A_98], %swap3A_101 {strides = array<i32>} : memref<8x1000x128xf32, #tpu.memory_space<vmem>>, vector<1x1000x128xf32>,
    %get3A_102 = arith.constant 7 : index
    %get3A_103 = arith.constant 0 : index
    %get3A_104 = arith.constant 0 : index
    %get3A_105 = vector.load %arg5[%get3A_102, %get3A_103, %get3A_104] : memref<8x1000x128xf32, #tpu.memory_space<vmem>>, vector<1x1000x128xf32>
    %get3A_106 = vector.shape_cast %get3A_105 : vector<1x1000x128xf32> to vector<1000x128xf32>
    %slice3A_107 = vector.extract_strided_slice %dot_general3A_13 {offsets = [0, 896], sizes = [1000, 128], strides = [1, 1]} : vector<1000x1024xf32> to vector<1000x128xf32>
    %add3A_108 = arith.addf %get3A_106, %slice3A_107 : vector<1000x128xf32>
    %swap3A_109 = arith.constant 7 : index
    %swap3A_110 = arith.constant 0 : index
    %swap3A_111 = arith.constant 0 : index
    %swap3A_112 = vector.load %arg5[%swap3A_109, %swap3A_110, %swap3A_111] : memref<8x1000x128xf32, #tpu.memory_space<vmem>>, vector<1x1000x128xf32>
    %swap3A_113 = vector.shape_cast %swap3A_112 : vector<1x1000x128xf32> to vector<1000x128xf32>
    %swap3A_114 = vector.shape_cast %add3A_108 : vector<1000x128xf32> to vector<1x1000x128xf32>
    tpu.vector_store %arg5[%swap3A_109, %swap3A_110, %swap3A_111], %swap3A_114 {strides = array<i32>} : memref<8x1000x128xf32, #tpu.memory_space<vmem>>, vector<1x1000x128xf32>,
    %eq3A_115 = arith.constant 7 : i32
    %eq3A_116 = arith.cmpi eq, %arg1, %eq3A_115 : i32
    %convert_element_type3A_117 = arith.extui %eq3A_116 : i1 to i32
    %cond3A_118 = arith.constant 0 : i32
    %cond3A_119 = arith.cmpi ne, %convert_element_type3A_117, %cond3A_118 : i32
    scf.if %cond3A_119 {
      %get3A_120 = arith.constant 0 : index
      %get3A_121 = arith.constant 0 : index
      %get3A_122 = arith.constant 0 : index
      %get3A_123 = vector.load %arg5[%get3A_120, %get3A_121, %get3A_122] : memref<8x1000x128xf32, #tpu.memory_space<vmem>>, vector<1x1000x128xf32>
      %get3A_124 = vector.shape_cast %get3A_123 : vector<1x1000x128xf32> to vector<1000x128xf32>
      %max3A = arith.constant 0.000000e+00 : f32
      %max3A_125 = vector.broadcast %max3A : f32 to vector<1000x128xf32>
      %max3A_126 = arith.maximumf %get3A_124, %max3A_125 : vector<1000x128xf32>
      %swap3A_127 = arith.constant 0 : index
      %swap3A_128 = arith.constant 0 : index
      %swap3A_129 = arith.constant 0 : index
      %swap3A_130 = vector.load %arg5[%swap3A_127, %swap3A_128, %swap3A_129] : memref<8x1000x128xf32, #tpu.memory_space<vmem>>, vector<1x1000x128xf32>
      %swap3A_131 = vector.shape_cast %swap3A_130 : vector<1x1000x128xf32> to vector<1000x128xf32>
      %swap3A_132 = vector.shape_cast %max3A_126 : vector<1000x128xf32> to vector<1x1000x128xf32>
      tpu.vector_store %arg5[%swap3A_127, %swap3A_128, %swap3A_129], %swap3A_132 {strides = array<i32>} : memref<8x1000x128xf32, #tpu.memory_space<vmem>>, vector<1x1000x128xf32>,
      %get3A_133 = arith.constant 1 : index
      %get3A_134 = arith.constant 0 : index
      %get3A_135 = arith.constant 0 : index
      %get3A_136 = vector.load %arg5[%get3A_133, %get3A_134, %get3A_135] : memref<8x1000x128xf32, #tpu.memory_space<vmem>>, vector<1x1000x128xf32>
      %get3A_137 = vector.shape_cast %get3A_136 : vector<1x1000x128xf32> to vector<1000x128xf32>
      %max3A_138 = arith.constant 0.000000e+00 : f32
      %max3A_139 = vector.broadcast %max3A_138 : f32 to vector<1000x128xf32>
      %max3A_140 = arith.maximumf %get3A_137, %max3A_139 : vector<1000x128xf32>
      %swap3A_141 = arith.constant 1 : index
      %swap3A_142 = arith.constant 0 : index
      %swap3A_143 = arith.constant 0 : index
      %swap3A_144 = vector.load %arg5[%swap3A_141, %swap3A_142, %swap3A_143] : memref<8x1000x128xf32, #tpu.memory_space<vmem>>, vector<1x1000x128xf32>
      %swap3A_145 = vector.shape_cast %swap3A_144 : vector<1x1000x128xf32> to vector<1000x128xf32>
      %swap3A_146 = vector.shape_cast %max3A_140 : vector<1000x128xf32> to vector<1x1000x128xf32>
      tpu.vector_store %arg5[%swap3A_141, %swap3A_142, %swap3A_143], %swap3A_146 {strides = array<i32>} : memref<8x1000x128xf32, #tpu.memory_space<vmem>>, vector<1x1000x128xf32>,
      %get3A_147 = arith.constant 2 : index
      %get3A_148 = arith.constant 0 : index
      %get3A_149 = arith.constant 0 : index
      %get3A_150 = vector.load %arg5[%get3A_147, %get3A_148, %get3A_149] : memref<8x1000x128xf32, #tpu.memory_space<vmem>>, vector<1x1000x128xf32>
      %get3A_151 = vector.shape_cast %get3A_150 : vector<1x1000x128xf32> to vector<1000x128xf32>
      %max3A_152 = arith.constant 0.000000e+00 : f32
      %max3A_153 = vector.broadcast %max3A_152 : f32 to vector<1000x128xf32>
      %max3A_154 = arith.maximumf %get3A_151, %max3A_153 : vector<1000x128xf32>
      %swap3A_155 = arith.constant 2 : index
      %swap3A_156 = arith.constant 0 : index
      %swap3A_157 = arith.constant 0 : index
      %swap3A_158 = vector.load %arg5[%swap3A_155, %swap3A_156, %swap3A_157] : memref<8x1000x128xf32, #tpu.memory_space<vmem>>, vector<1x1000x128xf32>
      %swap3A_159 = vector.shape_cast %swap3A_158 : vector<1x1000x128xf32> to vector<1000x128xf32>
      %swap3A_160 = vector.shape_cast %max3A_154 : vector<1000x128xf32> to vector<1x1000x128xf32>
      tpu.vector_store %arg5[%swap3A_155, %swap3A_156, %swap3A_157], %swap3A_160 {strides = array<i32>} : memref<8x1000x128xf32, #tpu.memory_space<vmem>>, vector<1x1000x128xf32>,
      %get3A_161 = arith.constant 3 : index
      %get3A_162 = arith.constant 0 : index
      %get3A_163 = arith.constant 0 : index
      %get3A_164 = vector.load %arg5[%get3A_161, %get3A_162, %get3A_163] : memref<8x1000x128xf32, #tpu.memory_space<vmem>>, vector<1x1000x128xf32>
      %get3A_165 = vector.shape_cast %get3A_164 : vector<1x1000x128xf32> to vector<1000x128xf32>
      %max3A_166 = arith.constant 0.000000e+00 : f32
      %max3A_167 = vector.broadcast %max3A_166 : f32 to vector<1000x128xf32>
      %max3A_168 = arith.maximumf %get3A_165, %max3A_167 : vector<1000x128xf32>
      %swap3A_169 = arith.constant 3 : index
      %swap3A_170 = arith.constant 0 : index
      %swap3A_171 = arith.constant 0 : index
      %swap3A_172 = vector.load %arg5[%swap3A_169, %swap3A_170, %swap3A_171] : memref<8x1000x128xf32, #tpu.memory_space<vmem>>, vector<1x1000x128xf32>
      %swap3A_173 = vector.shape_cast %swap3A_172 : vector<1x1000x128xf32> to vector<1000x128xf32>
      %swap3A_174 = vector.shape_cast %max3A_168 : vector<1000x128xf32> to vector<1x1000x128xf32>
      tpu.vector_store %arg5[%swap3A_169, %swap3A_170, %swap3A_171], %swap3A_174 {strides = array<i32>} : memref<8x1000x128xf32, #tpu.memory_space<vmem>>, vector<1x1000x128xf32>,
      %get3A_175 = arith.constant 4 : index
      %get3A_176 = arith.constant 0 : index
      %get3A_177 = arith.constant 0 : index
      %get3A_178 = vector.load %arg5[%get3A_175, %get3A_176, %get3A_177] : memref<8x1000x128xf32, #tpu.memory_space<vmem>>, vector<1x1000x128xf32>
      %get3A_179 = vector.shape_cast %get3A_178 : vector<1x1000x128xf32> to vector<1000x128xf32>
      %max3A_180 = arith.constant 0.000000e+00 : f32
      %max3A_181 = vector.broadcast %max3A_180 : f32 to vector<1000x128xf32>
      %max3A_182 = arith.maximumf %get3A_179, %max3A_181 : vector<1000x128xf32>
      %swap3A_183 = arith.constant 4 : index
      %swap3A_184 = arith.constant 0 : index
      %swap3A_185 = arith.constant 0 : index
      %swap3A_186 = vector.load %arg5[%swap3A_183, %swap3A_184, %swap3A_185] : memref<8x1000x128xf32, #tpu.memory_space<vmem>>, vector<1x1000x128xf32>
      %swap3A_187 = vector.shape_cast %swap3A_186 : vector<1x1000x128xf32> to vector<1000x128xf32>
      %swap3A_188 = vector.shape_cast %max3A_182 : vector<1000x128xf32> to vector<1x1000x128xf32>
      tpu.vector_store %arg5[%swap3A_183, %swap3A_184, %swap3A_185], %swap3A_188 {strides = array<i32>} : memref<8x1000x128xf32, #tpu.memory_space<vmem>>, vector<1x1000x128xf32>,
      %get3A_189 = arith.constant 5 : index
      %get3A_190 = arith.constant 0 : index
      %get3A_191 = arith.constant 0 : index
      %get3A_192 = vector.load %arg5[%get3A_189, %get3A_190, %get3A_191] : memref<8x1000x128xf32, #tpu.memory_space<vmem>>, vector<1x1000x128xf32>
      %get3A_193 = vector.shape_cast %get3A_192 : vector<1x1000x128xf32> to vector<1000x128xf32>
      %max3A_194 = arith.constant 0.000000e+00 : f32
      %max3A_195 = vector.broadcast %max3A_194 : f32 to vector<1000x128xf32>
      %max3A_196 = arith.maximumf %get3A_193, %max3A_195 : vector<1000x128xf32>
      %swap3A_197 = arith.constant 5 : index
      %swap3A_198 = arith.constant 0 : index
      %swap3A_199 = arith.constant 0 : index
      %swap3A_200 = vector.load %arg5[%swap3A_197, %swap3A_198, %swap3A_199] : memref<8x1000x128xf32, #tpu.memory_space<vmem>>, vector<1x1000x128xf32>
      %swap3A_201 = vector.shape_cast %swap3A_200 : vector<1x1000x128xf32> to vector<1000x128xf32>
      %swap3A_202 = vector.shape_cast %max3A_196 : vector<1000x128xf32> to vector<1x1000x128xf32>
      tpu.vector_store %arg5[%swap3A_197, %swap3A_198, %swap3A_199], %swap3A_202 {strides = array<i32>} : memref<8x1000x128xf32, #tpu.memory_space<vmem>>, vector<1x1000x128xf32>,
      %get3A_203 = arith.constant 6 : index
      %get3A_204 = arith.constant 0 : index
      %get3A_205 = arith.constant 0 : index
      %get3A_206 = vector.load %arg5[%get3A_203, %get3A_204, %get3A_205] : memref<8x1000x128xf32, #tpu.memory_space<vmem>>, vector<1x1000x128xf32>
      %get3A_207 = vector.shape_cast %get3A_206 : vector<1x1000x128xf32> to vector<1000x128xf32>
      %max3A_208 = arith.constant 0.000000e+00 : f32
      %max3A_209 = vector.broadcast %max3A_208 : f32 to vector<1000x128xf32>
      %max3A_210 = arith.maximumf %get3A_207, %max3A_209 : vector<1000x128xf32>
      %swap3A_211 = arith.constant 6 : index
      %swap3A_212 = arith.constant 0 : index
      %swap3A_213 = arith.constant 0 : index
      %swap3A_214 = vector.load %arg5[%swap3A_211, %swap3A_212, %swap3A_213] : memref<8x1000x128xf32, #tpu.memory_space<vmem>>, vector<1x1000x128xf32>
      %swap3A_215 = vector.shape_cast %swap3A_214 : vector<1x1000x128xf32> to vector<1000x128xf32>
      %swap3A_216 = vector.shape_cast %max3A_210 : vector<1000x128xf32> to vector<1x1000x128xf32>
      tpu.vector_store %arg5[%swap3A_211, %swap3A_212, %swap3A_213], %swap3A_216 {strides = array<i32>} : memref<8x1000x128xf32, #tpu.memory_space<vmem>>, vector<1x1000x128xf32>,
      %get3A_217 = arith.constant 7 : index
      %get3A_218 = arith.constant 0 : index
      %get3A_219 = arith.constant 0 : index
      %get3A_220 = vector.load %arg5[%get3A_217, %get3A_218, %get3A_219] : memref<8x1000x128xf32, #tpu.memory_space<vmem>>, vector<1x1000x128xf32>
      %get3A_221 = vector.shape_cast %get3A_220 : vector<1x1000x128xf32> to vector<1000x128xf32>
      %max3A_222 = arith.constant 0.000000e+00 : f32
      %max3A_223 = vector.broadcast %max3A_222 : f32 to vector<1000x128xf32>
      %max3A_224 = arith.maximumf %get3A_221, %max3A_223 : vector<1000x128xf32>
      %swap3A_225 = arith.constant 7 : index
      %swap3A_226 = arith.constant 0 : index
      %swap3A_227 = arith.constant 0 : index
      %swap3A_228 = vector.load %arg5[%swap3A_225, %swap3A_226, %swap3A_227] : memref<8x1000x128xf32, #tpu.memory_space<vmem>>, vector<1x1000x128xf32>
      %swap3A_229 = vector.shape_cast %swap3A_228 : vector<1x1000x128xf32> to vector<1000x128xf32>
      %swap3A_230 = vector.shape_cast %max3A_224 : vector<1000x128xf32> to vector<1x1000x128xf32>
      tpu.vector_store %arg5[%swap3A_225, %swap3A_226, %swap3A_227], %swap3A_230 {strides = array<i32>} : memref<8x1000x128xf32, #tpu.memory_space<vmem>>, vector<1x1000x128xf32>,
    } else {
    }
    return
  }
  func.func @transform_0(%arg0: i32, %arg1: i32) -> (i32, i32, i32) {
    %c0_i32 = arith.constant 0 : i32
    %c0_i32_0 = arith.constant 0 : i32
    return %arg1, %arg0, %c0_i32 : i32, i32, i32
  }
  func.func @transform_1(%arg0: i32, %arg1: i32) -> (i32, i32, i32) {
    %c0_i32 = arith.constant 0 : i32
    %c0_i32_0 = arith.constant 0 : i32
    %c0_i32_1 = arith.constant 0 : i32
    return %arg1, %c0_i32, %c0_i32_0 : i32, i32, i32
  }
  func.func @transform_2(%arg0: i32, %arg1: i32) -> (i32, i32, i32) {
    %c0_i32 = arith.constant 0 : i32
    %c0_i32_0 = arith.constant 0 : i32
    %c0_i32_1 = arith.constant 0 : i32
    %c0_i32_2 = arith.constant 0 : i32
    return %c0_i32, %c0_i32_0, %c0_i32_1 : i32, i32, i32
  }
  func.func @transform_3(%arg0: i32, %arg1: i32) -> (i32, i32, i32) {
    %c0_i32 = arith.constant 0 : i32
    %c0_i32_0 = arith.constant 0 : i32
    %c0_i32_1 = arith.constant 0 : i32
    return %c0_i32, %arg0, %c0_i32_0 : i32, i32, i32
  }
}

module attributes {stable_mosaic.version = 14 : i64} {
  func.func @_mm_body(%arg0: i32, %arg1: i32, %arg2: memref<1x1000x128xf32, #tpu.memory_space<vmem>>, %arg3: memref<1x128x128xf32, #tpu.memory_space<vmem>>, %arg4: memref<1x1x128xf32, #tpu.memory_space<vmem>>, %arg5: memref<1x1000x128xf32, #tpu.memory_space<vmem>>) attributes {dimension_semantics = [#tpu.dimension_semantics<arbitrary>, #tpu.dimension_semantics<arbitrary>], iteration_bounds = array<i64: 10, 8>, scalar_prefetch = 0 : i64, scratch_operands = 0 : i64, tpu.core_type = #tpu.core_type<tc>, window_params = [{transform_indices = @transform_0, window_bounds = array<i64: 1, 1000, 128>}, {transform_indices = @transform_1, window_bounds = array<i64: 1, 128, 128>}, {pipeline_mode = #tpu.pipeline_mode<synchronous>, transform_indices = @transform_2, window_bounds = array<i64: 1, 1, 128>}, {transform_indices = @transform_3, window_bounds = array<i64: 1, 1000, 128>}]} {
    %eq3A = arith.constant 0 : i32
    %eq3A_0 = arith.cmpi eq, %arg1, %eq3A : i32
    %convert_element_type3A = arith.extui %eq3A_0 : i1 to i32
    %cond3A = arith.constant 0 : i32
    %cond3A_1 = arith.cmpi ne, %convert_element_type3A, %cond3A : i32
    scf.if %cond3A_1 {
      %get3A_24 = arith.constant 0 : index
      %get3A_25 = arith.constant 0 : index
      %get3A_26 = arith.constant 0 : index
      %get3A_27 = vector.load %arg4[%get3A_24, %get3A_25, %get3A_26] : memref<1x1x128xf32, #tpu.memory_space<vmem>>, vector<1x1x128xf32>
      %get3A_28 = vector.shape_cast %get3A_27 : vector<1x1x128xf32> to vector<1x128xf32>
      %broadcast_in_dim3A = vector.shape_cast %get3A_28 : vector<1x128xf32> to vector<1x128xf32>
      %broadcast_in_dim3A_29 = vector.broadcast %broadcast_in_dim3A : vector<1x128xf32> to vector<1000x128xf32>
      %swap3A_30 = arith.constant 0 : index
      %swap3A_31 = arith.constant 0 : index
      %swap3A_32 = arith.constant 0 : index
      %swap3A_33 = vector.load %arg5[%swap3A_30, %swap3A_31, %swap3A_32] : memref<1x1000x128xf32, #tpu.memory_space<vmem>>, vector<1x1000x128xf32>
      %swap3A_34 = vector.shape_cast %swap3A_33 : vector<1x1000x128xf32> to vector<1000x128xf32>
      %swap3A_35 = vector.shape_cast %broadcast_in_dim3A_29 : vector<1000x128xf32> to vector<1x1000x128xf32>
      tpu.vector_store %arg5[%swap3A_30, %swap3A_31, %swap3A_32], %swap3A_35 {strides = array<i32>} : memref<1x1000x128xf32, #tpu.memory_space<vmem>>, vector<1x1000x128xf32>,
    } else {
    }
    %get3A = arith.constant 0 : index
    %get3A_2 = arith.constant 0 : index
    %get3A_3 = arith.constant 0 : index
    %get3A_4 = vector.load %arg2[%get3A, %get3A_2, %get3A_3] : memref<1x1000x128xf32, #tpu.memory_space<vmem>>, vector<1x1000x128xf32>
    %get3A_5 = vector.shape_cast %get3A_4 : vector<1x1000x128xf32> to vector<1000x128xf32>
    %convert_element_type3A_6 = arith.truncf %get3A_5 : vector<1000x128xf32> to vector<1000x128xbf16>
    %get3A_7 = arith.constant 0 : index
    %get3A_8 = arith.constant 0 : index
    %get3A_9 = arith.constant 0 : index
    %get3A_10 = vector.load %arg3[%get3A_7, %get3A_8, %get3A_9] : memref<1x128x128xf32, #tpu.memory_space<vmem>>, vector<1x128x128xf32>
    %get3A_11 = vector.shape_cast %get3A_10 : vector<1x128x128xf32> to vector<128x128xf32>
    %convert_element_type3A_12 = arith.truncf %get3A_11 : vector<128x128xf32> to vector<128x128xbf16>
    %dot_general3A = arith.constant dense<0.000000e+00> : vector<1000x128xf32>
    %dot_general3A_13 = tpu.matmul %convert_element_type3A_6, %convert_element_type3A_12, %dot_general3A {dimension_numbers = #tpu.dot_dimension_numbers<[1], [0], [0], [1], [0, 0, 1, 1], [], []>, transpose_lhs_hint = false} : vector<1000x128xbf16>, vector<128x128xbf16>, vector<1000x128xf32> -> vector<1000x128xf32>
    %get3A_14 = arith.constant 0 : index
    %get3A_15 = arith.constant 0 : index
    %get3A_16 = arith.constant 0 : index
    %get3A_17 = vector.load %arg5[%get3A_14, %get3A_15, %get3A_16] : memref<1x1000x128xf32, #tpu.memory_space<vmem>>, vector<1x1000x128xf32>
    %get3A_18 = vector.shape_cast %get3A_17 : vector<1x1000x128xf32> to vector<1000x128xf32>
    %add3A = arith.addf %get3A_18, %dot_general3A_13 : vector<1000x128xf32>
    %swap3A = arith.constant 0 : index
    %swap3A_19 = arith.constant 0 : index
    %swap3A_20 = arith.constant 0 : index
    %swap3A_21 = vector.load %arg5[%swap3A, %swap3A_19, %swap3A_20] : memref<1x1000x128xf32, #tpu.memory_space<vmem>>, vector<1x1000x128xf32>
    %swap3A_22 = vector.shape_cast %swap3A_21 : vector<1x1000x128xf32> to vector<1000x128xf32>
    %swap3A_23 = vector.shape_cast %add3A : vector<1000x128xf32> to vector<1x1000x128xf32>
    tpu.vector_store %arg5[%swap3A, %swap3A_19, %swap3A_20], %swap3A_23 {strides = array<i32>} : memref<1x1000x128xf32, #tpu.memory_space<vmem>>, vector<1x1000x128xf32>,
    return
  }
  func.func @transform_0(%arg0: i32, %arg1: i32) -> (i32, i32, i32) {
    %c0_i32 = arith.constant 0 : i32
    %c0_i32_0 = arith.constant 0 : i32
    return %arg1, %arg0, %c0_i32 : i32, i32, i32
  }
  func.func @transform_1(%arg0: i32, %arg1: i32) -> (i32, i32, i32) {
    %c0_i32 = arith.constant 0 : i32
    %c0_i32_0 = arith.constant 0 : i32
    %c0_i32_1 = arith.constant 0 : i32
    return %arg1, %c0_i32, %c0_i32_0 : i32, i32, i32
  }
  func.func @transform_2(%arg0: i32, %arg1: i32) -> (i32, i32, i32) {
    %c0_i32 = arith.constant 0 : i32
    %c0_i32_0 = arith.constant 0 : i32
    %c0_i32_1 = arith.constant 0 : i32
    %c0_i32_2 = arith.constant 0 : i32
    return %c0_i32, %c0_i32_0, %c0_i32_1 : i32, i32, i32
  }
  func.func @transform_3(%arg0: i32, %arg1: i32) -> (i32, i32, i32) {
    %c0_i32 = arith.constant 0 : i32
    %c0_i32_0 = arith.constant 0 : i32
    %c0_i32_1 = arith.constant 0 : i32
    return %c0_i32, %arg0, %c0_i32_0 : i32, i32, i32
  }
}

module attributes {stable_mosaic.version = 14 : i64} {
  func.func @_add_body(%arg0: i32, %arg1: memref<1000x128xf32, #tpu.memory_space<vmem>>, %arg2: memref<1000x128xf32, #tpu.memory_space<vmem>>, %arg3: memref<1000x128xf32, #tpu.memory_space<vmem>>) attributes {dimension_semantics = [#tpu.dimension_semantics<arbitrary>], iteration_bounds = array<i64: 10>, scalar_prefetch = 0 : i64, scratch_operands = 0 : i64, tpu.core_type = #tpu.core_type<tc>, window_params = [{transform_indices = @transform_0, window_bounds = array<i64: 1000, 128>}, {transform_indices = @transform_1, window_bounds = array<i64: 1000, 128>}, {transform_indices = @transform_2, window_bounds = array<i64: 1000, 128>}]} {
    %get3A = arith.constant 0 : index
    %get3A_0 = arith.constant 0 : index
    %get3A_1 = vector.load %arg1[%get3A, %get3A_0] : memref<1000x128xf32, #tpu.memory_space<vmem>>, vector<1000x128xf32>
    %get3A_2 = arith.constant 0 : index
    %get3A_3 = arith.constant 0 : index
    %get3A_4 = vector.load %arg2[%get3A_2, %get3A_3] : memref<1000x128xf32, #tpu.memory_space<vmem>>, vector<1000x128xf32>
    %add3A = arith.addf %get3A_1, %get3A_4 : vector<1000x128xf32>
    %swap3A = arith.constant 0 : index
    %swap3A_5 = arith.constant 0 : index
    %swap3A_6 = vector.load %arg3[%swap3A, %swap3A_5] : memref<1000x128xf32, #tpu.memory_space<vmem>>, vector<1000x128xf32>
    tpu.vector_store %arg3[%swap3A, %swap3A_5], %add3A {strides = array<i32>} : memref<1000x128xf32, #tpu.memory_space<vmem>>, vector<1000x128xf32>,
    return
  }
  func.func @transform_0(%arg0: i32) -> (i32, i32) {
    %c0_i32 = arith.constant 0 : i32
    %c0_i32_0 = arith.constant 0 : i32
    return %arg0, %c0_i32 : i32, i32
  }
  func.func @transform_1(%arg0: i32) -> (i32, i32) {
    %c0_i32 = arith.constant 0 : i32
    %c0_i32_0 = arith.constant 0 : i32
    return %arg0, %c0_i32 : i32, i32
  }
  func.func @transform_2(%arg0: i32) -> (i32, i32) {
    %c0_i32 = arith.constant 0 : i32
    %c0_i32_0 = arith.constant 0 : i32
    return %arg0, %c0_i32 : i32, i32
  }
}

</mosaic_0001>

<sc_bundles>
// kernel: kernel.12.cloned.1.call-start
scs
__scs_entry_jumppad:
0x0: {  	(pc) =	sbr.rel $0x88, $3  }
0x1: {  	(tag) =	ssettag $0x0;
	lr =	simm.s32 $0x1  }
0x2: {  	[smem:$0x3F99] =	sst lr;
	_ =	strace $0xD0000000  }
0x3: {  	_ = 	snop  }
0x4: {  	_ = 	snop  }
0x5: {  	_ = 	snop  }
0x6: {  	_ = 	snop  }
0x7: {  	_ = 	snop  }
__scs_overlays_trampoline_lowered:
0x8: {  	[smem:$0x3FA8] =	sst s0  }
0x9: {  	[smem:$0x3FA9] =	sst s1  }
0xa: {  	[smem:$0x3FAA] =	sst s2  }
0xb: {  	[smem:$0x3FAB] =	sst s3  }
0xc: {  	[smem:$0x3FAC] =	sst s4  }
0xd: {  	[smem:$0x3FAD] =	sst s5  }
0xe: {  	[smem:$0x3FAE] =	sst s6  }
0xf: {  	[smem:$0x3FAF] =	sst s7  }
0x10: {  	[smem:$0x3FB0] =	sst s8  }
0x11: {  	[smem:$0x3FB1] =	sst s9;
	s0 =	simm.s32 @!p0 $0x0  }
0x12: {  	s1 =	sld [smem:$0x3F97];
	s0 =	simm.s32 @p0 $0x1  }
0x13: {  	[smem:$0x3FB2] =	sst s0;
	s0 =	simm.s32 @!p1 $0x0  }
0x14: {  	s2 =	sld [smem:$0x3F96];
	s0 =	simm.s32 @p1 $0x1  }
0x15: {  	[smem:$0x3FB3] =	sst s0;
	s0 =	simm.s32 @!p2 $0x0  }
0x16: {  	s3 =	sld [smem:$0x3FDB];
	s0 =	simm.s32 @p2 $0x1  }
0x17: {  	s4 =	simm.s32 $0x1BF5;
	[smem:$0x3FB5] =	sst s0  }
0x18: {  	s0 =	sld [smem:$0x3F98];
	_ =	swait.ge [sflag:s4], $0x0  }
0x19: {  	s7 =	sld [smem:$0x3F99]  }
0x1a: {  	s8 =	sadd.s32 $0xFFFFE003, lr  }
0x1b: {  	s9 =	sadd.s32 $0xFFFFFEF7, lr;
	s5 =	simm.s32 $0xFFFFFFFF;
	p2 =	slt.u32 s8, $0xFFFFF086  }
0x1c: {  	p1 =	slt.u32 s9, $0xF7A;
	s5 =	simm.s32 @!p2 $0x0  }
0x1d: {  	s5 =	simm.s32 @p1 $0x1;
	p0 =	seq.s32 s7, s2  }
0x1e: {  	s7 =	smul.u32 @!p0 $0xF7A, s2;
	p2 =	seq.s32 @!p0 s5, $0x0  }
0x1f: {  	s9 =	smul.u32 $0xF7A, s1;
	s8 =	simm.s32 @!p0 $0x1BF5;
	p2 =	por !p2, p0  }
0x20: {  	[sflag:s8] =	ssyncset.s32 @!p0 $0xFFFFF086;
	s6 =	sadd.s32 @!p0 s3, s7;
	s7 =	simm.s32 @!p0 $0x108  }
0x21: {  	s3 =	sadd.s32 s3, s9;
	s6 =	sadd.s32 @!p0 $0x88, s6;
	s7 =	simm.s32 @p2 $0x1082  }
0x22: {  	[simem:s7], [sflag:s8] =	dma.local @!p0 [hbm:s6], $0xF7A  }
0x23: {  	s9 =	sor.u32 $0xD0000000, s2;
	s6 =	simm.s32 $0x108;
	_ =	swait.ge @!p0 [sflag:s8], $0x0  }
0x24: {  	s3 =	sadd.s32 $0x88, s3;
	s6 =	simm.s32 @!p1 $0x1082;
	[sflag:s4] =	ssyncset.s32 $0xFFFFF086  }
0x25: {  	[simem:s6], [sflag:s4] =	dma.local [hbm:s3], $0xF7A  }
0x26: {  	[smem:$0x3F99] =	sst s1;
	(tag) =	ssettag s2;
	_ =	strace s9  }
0x27: {  	s1 =	sld [smem:$0x3FA9]  }
0x28: {  	s2 =	sld [smem:$0x3FAA]  }
0x29: {  	s4 =	sld [smem:$0x3FAC]  }
0x2a: {  	p0 =	seq.s32 s5, $0x0;
	s5 =	sld [smem:$0x3FAD]  }
0x2b: {  	s6 =	sld [smem:$0x3FAE]  }
0x2c: {  	s7 =	sld [smem:$0x3FAF]  }
0x2d: {  	s3 =	simm.s32 $0x108;
	s8 =	sld [smem:$0x3FB0]  }
0x2e: {  	s3 =	simm.s32 @!p0 $0x1082;
	s9 =	sld [smem:$0x3FB1]  }
0x2f: {  	lr =	sadd.s32 s0, s3;
	s0 =	sld [smem:$0x3FA8]  }
0x30: {  	s3 =	sld [smem:$0x3FAB]  }
0x31: {  	[smem:$0x3FB4] =	sst s10  }
0x32: {  	s10 =	sld [smem:$0x3FB2];
	_ =	sdelay $0x3  }
0x33: {  	p0 =	seq.s32 s10, $0x1;
	s10 =	sld [smem:$0x3FB4];
	_ =	sdelay $0x3  }
0x34: {  	[smem:$0x3FB4] =	sst s10  }
0x35: {  	s10 =	sld [smem:$0x3FB3];
	_ =	sdelay $0x3  }
0x36: {  	p1 =	seq.s32 s10, $0x1;
	s10 =	sld [smem:$0x3FB4];
	_ =	sdelay $0x3  }
0x37: {  	[smem:$0x3FB4] =	sst s10  }
0x38: {  	s10 =	sld [smem:$0x3FB5]  }
0x39: {  	_ = 	snop;
	(pc) =	sbr.ind lr, $3  }
0x3a: {  	_ = 	snop  }
0x3b: {  	_ = 	snop  }
0x3c: {  	p2 =	seq.s32 s10, $0x1;
	s10 =	sld [smem:$0x3FB4]  }
0x3d: {  	_ =	shalt  }
0x3e: {  	_ =	shalt  }
0x3f: {  	_ =	shalt  }
0x40: {  	_ =	shalt  }
0x41: {  	_ =	shalt  }
0x42: {  	_ =	shalt  }
0x43: {  	_ =	shalt  }
0x44: {  	_ =	shalt  }
0x45: {  	_ =	shalt  }
0x46: {  	_ =	shalt  }
0x47: {  	_ =	shalt  }
0x48: {  	_ =	shalt  }
0x49: {  	_ =	shalt  }
0x4a: {  	_ =	shalt  }
0x4b: {  	_ =	shalt  }
0x4c: {  	_ =	shalt  }
0x4d: {  	_ =	shalt  }
0x4e: {  	_ =	shalt  }
0x4f: {  	_ =	shalt  }
0x50: {  	_ =	shalt  }
0x51: {  	_ =	shalt  }
0x52: {  	_ =	shalt  }
0x53: {  	_ =	shalt  }
0x54: {  	_ =	shalt  }
0x55: {  	_ =	shalt  }
0x56: {  	_ =	shalt  }
0x57: {  	_ =	shalt  }
0x58: {  	_ =	shalt  }
0x59: {  	_ =	shalt  }
0x5a: {  	_ =	shalt  }
0x5b: {  	_ =	shalt  }
0x5c: {  	_ =	shalt  }
0x5d: {  	_ =	shalt  }
0x5e: {  	_ =	shalt  }
0x5f: {  	_ =	shalt  }
0x60: {  	_ =	shalt  }
0x61: {  	_ =	shalt  }
0x62: {  	_ =	shalt  }
0x63: {  	_ =	shalt  }
0x64: {  	_ =	shalt  }
0x65: {  	_ =	shalt  }
0x66: {  	_ =	shalt  }
0x67: {  	_ =	shalt  }
0x68: {  	_ =	shalt  }
0x69: {  	_ =	shalt  }
0x6a: {  	_ =	shalt  }
0x6b: {  	_ =	shalt  }
0x6c: {  	_ =	shalt  }
0x6d: {  	_ =	shalt  }
0x6e: {  	_ =	shalt  }
0x6f: {  	_ =	shalt  }
0x70: {  	_ =	shalt  }
0x71: {  	_ =	shalt  }
0x72: {  	_ =	shalt  }
0x73: {  	_ =	shalt  }
0x74: {  	_ =	shalt  }
0x75: {  	_ =	shalt  }
0x76: {  	_ =	shalt  }
0x77: {  	_ =	shalt  }
0x78: {  	_ =	shalt  }
0x79: {  	_ =	shalt  }
0x7a: {  	_ =	shalt  }
0x7b: {  	_ =	shalt  }
0x7c: {  	_ =	shalt  }
0x7d: {  	_ =	shalt  }
0x7e: {  	_ =	shalt  }
0x7f: {  	_ =	shalt  }
0x80: {  	_ =	shalt  }
0x81: {  	_ =	shalt  }
0x82: {  	_ =	shalt  }
0x83: {  	_ =	shalt  }
0x84: {  	_ =	shalt  }
0x85: {  	_ =	shalt  }
0x86: {  	_ =	shalt  }
0x87: {  	_ =	shalt  }
.Lfunc_end0:
.L_simem_size_0:
called_computation.1_lowered:
.L_overlay_start_0:
0x88: {  	s2 =	sld [smem:$0x3FD9]  }
0x89: {  	s3 =	sld [smem:$0x3FFE];
	_ =	sdelay $0x1  }
0x8a: {  	s1 =	srdreg.scid  }
0x8b: {  	s0 =	sand.u32 $0x1, s1  }
0x8c: {  	s16 =	sshll.u32 s0, $0xA;
	s2 =	sadd.s32 s3, s2  }
0x8d: {  	s2 =	sadd.s32 s2, s16  }
0x8e: {  	[smem:$0x3FC0] =	sst s2  }
0x8f: {  	_ = 	snop  }
0x90: {  	(tm) =	ssettm $0x1  }
0x91: {  	s17 =	sld [smem:$0x3FFB];
	_ =	sdelay $0x3  }
0x92: {  	_ =	strace s17  }
0x93: {  	s2 =	sld [smem:$0x3FFC];
	_ =	sdelay $0x3  }
0x94: {  	_ =	strace s2  }
0x95: {  	s2 =	sld [smem:$0x3FFD];
	_ =	sdelay $0x3  }
0x96: {  	_ =	strace s2  }
0x97: {  	_ =	strace $0x8FFFFFFF  }
0x98: {  	s18 =	sld [smem:$0x3FDB];
	_ =	sdelay $0x1  }
0x99: {  	s19 =	simm.s32 $_scs_section_size  }
0x9a: {  	s4 =	simm.s32 $_size__tile_overlayer_lowered;
	s5 =	simm.s32 $_tile_overlayer_lowered  }
0x9b: {  	s22 =	simm.s32 $0x1BFF;
	s21 =	sshll.u32 s5, $0x1;
	s2 =	sadd.s32 s19, s18  }
0x9c: {  	s6 =	simm.s32 $0x0;
	s20 =	sshll.u32 s4, $0x1;
	s4 =	sadd.s32 s21, s2  }
0x9d: {  	[timem:s6], [sflag:s22] =	dma.local [hbm:s4], s20  }
0x9e: {  	_ =	swait.ge [sflag:s22], s20  }
0x9f: {  	s3 =	ssub.s32 $0x0, s20;
	[sflag:s22] =	ssyncset.done $0x0  }
0xa0: {  	[sflag:s22] =	ssyncadd.s32 s3;
	_ =	sdelay $0x1  }
0xa1: {  	s23 =	simm.s32 $0x1B8B  }
0xa2: {  	_ =	swait.ge [sflag:s23], $0x1  }
0xa3: {  	[sflag:s23] =	ssyncset.done $0x0  }
0xa4: {  	s25 =	simm.s32 $0x1B8E;
	s24 =	sld [smem:$0x3FFE];
	[sflag:s23] =	ssyncadd.s32 $0xFFFFFFFF  }
0xa5: {  	s26 =	simm.s32 $execute0_lowered;
	[smem:$0x3FD2] =	sst s25  }
0xa6: {  	s4 =	sshll.u32 s26, $0x1;
	_ =	strace $0x80000049;
	[dreg:$0x1] =	wrdreg $0xFFFFFFFF  }
0xa7: {  	s28 =	simm.s32 $_size_execute0_lowered;
	s2 =	sadd.s32 s2, s4;
	[dreg:$0x0] =	wrdreg $0x0  }
0xa8: {  	s4 =	sshll.u32 s28, $0x1;
	[dreg:$0x2] =	wrdreg s2  }
0xa9: {  	[dreg:$0x3] =	wrdreg s4  }
0xaa: {  	[dreg:$0x4] =	wrdreg $0xC0  }
0xab: {  	_ =	task [dreg:s6], $0x5FFFF  }
0xac: {  	[dreg:$0x1] =	wrdreg $0xFFFFFFFF  }
0xad: {  	[dreg:$0x0] =	wrdreg $0x60  }
0xae: {  	[dreg:$0x2] =	wrdreg s24  }
0xaf: {  	[dreg:$0x3] =	wrdreg $0x0  }
0xb0: {  	[dreg:$0x4] =	wrdreg $0x9  }
0xb1: {  	_ =	task.clear_ibuf [dreg:s6], $0x5FFFF;
	_ =	strace $0x90000049  }
0xb2: {  	s29 =	simm.s32 $0x9;
	_ =	strace $0x8000004B  }
0xb3: {  	_ =	swait.ge [sflag:s29], $0x1  }
0xb4: {  	[sflag:s29] =	ssyncadd.s32 $0xFFFFFFFF  }
0xb5: {  	_ =	strace $0x9000004B  }
0xb6: {  	_ =	sfence  }
0xb7: {  	s30 =	sld [smem:$0x0];
	_ =	sdelay $0x2  }
0xb8: {  	s31 =	sshll.u32 s1, $0xD;
	s1 =	sshrl.u32 s1, $0x2  }
0xb9: {  	s3 =	sand.u32 $0x4000, s31;
	s1 =	sadd.s32 s1, s30  }
0xba: {  	s0 =	sor.u32 s3, s0;
	s1 =	sshll.u32 s1, $0x11  }
0xbb: {  	s0 =	sor.u32 s1, s0  }
0xbc: {  	s0 =	sadd.s32 $0x8F2B, s0  }
0xbd: {  	[sflag:s0] =	ssyncadd.remote.s32 $0x1  }
0xbe: {  	_ =	sfence.sel $0xFFFF  }
0xbf: {  	[dreg:$0x0] =	wrdreg $0xFFFFFFFF;
	(pc) =	sbr.abs _section_cstart, $3  }
0xc0: {  	[dreg:$0x1] =	wrdreg $0xFFFFFFFF  }
0xc1: {  	_ =	task.clear_ibuf [dreg:s6], $0x2FFFF;
	_ =	strace $0x9FFFFFFF  }
0xc2: {  	(tm) =	ssettm $0x7FFFFFFF  }
0xc3: {  	_ =	shalt  }
tec
execute0_lowered:
.L_overlay_start_1:
0x0: {  	(tag) =	ssettag $0x1  }
0x1: {  	s15 =	stileid.u32  }
0x2: {  	s0 =	srdreg.scid;
	s4 =	smul.u32 $0x2800, s15  }
0x3: {  	s1 =	rddreg [dreg:$0x0];
	s8 =	smul.u32 $0x4F000, s15  }
0x4: {  	s2 =	rddreg [dreg:$0x1];
	s10 =	smul.u32 $0x4E000, s15  }
0x5: {  	s5 =	simm.s32 $0x0;
	s30 =	simm.s32 $0x3;
	s14 =	smul.u32 $0x270, s15  }
0x6: {  	s31 =	simm.s32 $0x13C00;
	s0 =	sand.u32 $0x1, s0;
	s16 =	smul.u32 $0x2700, s15  }
0x7: {  	[smem:$0x7FF] =	sst s5;
	s5 =	sadd.s32 $0x59E00, s1;
	s3 =	smul.u32 $0x28000, s0  }
0x8: {  	s25 =	sshll.u32 s15, $0x6;
	p0 =	seq.s32 s15, $0xF;
	s24 =	smul.u32 $0x27100, s0  }
0x9: {  	s29 =	sadd.s32 $0x124800, s2;
	s15 =	simm.s32 $0x0;
	s13 =	smul.u32 $0x138800, s0  }
0xa: {  	_ =	strace $0x8000004A;
	s7 =	ssub.s32 $0x2, s0;
	s0 =	smul.u32 $0x2710, s0  }
0xb: {  	s22 =	sshrl.u32 s4, $0x3;
	s9 =	sshrl.u32 s7, $0x1;
	s23 =	sshrl.u32 s8, $0x2  }
0xc: {  	s10 =	sshrl.u32 s10, $0x2;
	s3 =	sadd.s32 s4, s3;
	s4 =	sadd.s32 $0xD2800, s1  }
0xd: {  	s6 =	sadd.s32 s22, s1;
	s12 =	ssub.s32 s7, s9;
	s7 =	sadd.s32 s23, s2  }
0xe: {  	s17 =	sshrl.u32 s13, $0x3;
	s0 =	sadd.s32 s14, s0;
	s3 =	sshrl.u32 s3, $0x3  }
0xf: {  	s8 =	sadd.s32 s16, s24;
	s13 =	simm.s32 $0x16300;
	s3 =	sadd.s32 s3, s1  }
0x10: {  	s14 =	simm.s32 $0x16380;
	[dreg:$0x3] =	wrdreg s7;
	s26 =	sadd.s32 $0xAA800, s3  }
0x11: {  	s1 =	sadd.s32 $0x20B000, s1;
	s11 =	sadd.s32 $0xAAA80, s3;
	[dreg:$0x4] =	wrdreg s26  }
0x12: {  	s7 =	sor.u32 $0x1C03, s25;
	s8 =	sadd.s32 s1, s8;
	[dreg:$0x5] =	wrdreg s11  }
0x13: {  	s9 =	sadd.s32 $0x54E00, s6;
	s19 =	sadd.s32 $0xB4800, s3;
	[dreg:$0x7] =	wrdreg s8  }
0x14: {  	s0 =	sshll.u32 s0, $0x4;
	s20 =	sadd.s32 $0xB4A80, s3;
	[dreg:$0x9] =	wrdreg s19  }
0x15: {  	s28 =	smax.u32 s12, $0x1;
	s22 =	sadd.s32 $0xBE800, s3;
	[dreg:$0xa] =	wrdreg s20  }
0x16: {  	s12 =	simm.s32 $0x14F80;
	s23 =	sadd.s32 $0xBEA80, s3;
	[dreg:$0xc] =	wrdreg s22  }
0x17: {  	s0 =	sadd.s32 s1, s0;
	s25 =	sadd.s32 $0xC8800, s3;
	[dreg:$0xd] =	wrdreg s23  }
0x18: {  	s11 =	sadd.s32 $0x55080, s6;
	s6 =	sadd.s32 s10, s2;
	[dreg:$0xf] =	wrdreg s25  }
0x19: {  	s21 =	sadd.s32 $0x4E200, s0;
	s24 =	sadd.s32 $0x9C400, s0;
	[dreg:$0x6] =	wrdreg s6  }
0x1a: {  	s26 =	sadd.s32 $0xC8A80, s3;
	s0 =	sadd.s32 $0xEA600, s0;
	[dreg:$0xb] =	wrdreg s21  }
0x1b: {  	s3 =	simm.s32 $0x16400;
	s8 =	simm.s32 $0x1;
	[dreg:$0xe] =	wrdreg s24  }
0x1c: {  	s10 =	simm.s32 $0x2;
	s6 =	sadd.s32 s1, s17;
	[dreg:$0x10] =	wrdreg s26  }
0x1d: {  	[dreg:$0x11] =	wrdreg s0;
	s1 =	simm.s32 $0x15000;
	s0 =	simm.s32 $0x80  }
0x1e: {  	s18 =	sadd.s32 $0x24900, s6;
	s24 =	sadd.s32 $0x72B00, s6;
	s25 =	sadd.s32 $0xC0D00, s6  }
0x1f: {  	s26 =	sadd.s32 $0x10EF00, s6;
	s6 =	simm.s32 $0x1A400;
	[dreg:$0x8] =	wrdreg s18  }
.LBB2_1:
0x20: {  	s16 =	rddreg [dreg:$0x3]  }
0x21: {  	s16 =	sshrl.u32 s16, $0x3  }
0x22: {  	[spmem:s16], [sflag:s7] =	dma.local [hbm:s5], $0x2780  }
0x23: {  	_ =	swait.ge [sflag:s30], $0x2780  }
0x24: {  	[sflag:s30] =	ssyncset.done $0x0  }
0x25: {  	[sflag:s30] =	ssyncadd.s32 $0xFFFFD880  }
0x26: {  	[bflag:$0x0] =	sbarrier.arrive $0xFFFF  }
0x27: {  	s17 =	simm.s32 $0x0;
	s18 =	rddreg [dreg:$0x4]  }
0x28: {  	[tilespmem:s31], [sflag:$0x3] =	stream.linear.gather [hbm4b:s18+s17], $0x1400, $0x38;
	[tilespmem:$0x1E400] =	vst v63  }
0x29: {  	_ =	swait.ge [sflag:s30], $0x1400  }
0x2a: {  	[sflag:s30] =	ssyncset.done $0x0  }
0x2b: {  	[sflag:s30] =	ssyncadd.s32 $0xFFFFEC00  }
0x2c: {  	[tilespmem:s1], [sflag:$0x3] =	stream.linear.gather [hbm4b:s9+s17], $0x1400, $0x38;
	[tilespmem:$0x1E400] =	vst v63  }
0x2d: {  	_ =	swait.ge [sflag:s30], $0x1400  }
0x2e: {  	[sflag:s30] =	ssyncset.done $0x0  }
0x2f: {  	[sflag:s30] =	ssyncadd.s32 $0xFFFFEC00  }
0x30: {  	[tilespmem:s3], [sflag:$0x1] =	stream.indirect.gather [hbm4b:s4+s0], $0x80, s31, s0, $0xb8;
	[tilespmem:$0x1E400] =	vst v63  }
0x31: {  	s20 =	simm.s32 $0x13C80  }
0x32: {  	[tilespmem:s6], [sflag:$0x2] =	stream.indirect.gather [hbm4b:s4+s0], $0x80, s20, s0, $0xb8;
	[tilespmem:$0x1E400] =	vst v63  }
0x33: {  	_ =	swait.ge [sflag:s8], $0x4000  }
0x34: {  	[sflag:s8] =	ssyncset.done $0x0  }
0x35: {  	s21 =	simm.s32 $0x15000;
	[sflag:s8] =	ssyncadd.s32 $0xFFFFC000  }
0x36: {  	[spmem:s2] =	stream.indirect.scatter.add.f32 [tilespmem:s3], [sflag:$0x3], $0x80, s21, s0, $0xb8;
	[tilespmem:$0x1E400] =	vst v63  }
0x37: {  	_ =	swait.ge [sflag:s30], $0x4000  }
0x38: {  	[sflag:s30] =	ssyncset.done $0x0  }
0x39: {  	s22 =	simm.s32 $0x13D00;
	[sflag:s30] =	ssyncadd.s32 $0xFFFFC000  }
0x3a: {  	[tilespmem:s3], [sflag:$0x1] =	stream.indirect.gather [hbm4b:s4+s0], $0x80, s22, s0, $0xb8;
	[tilespmem:$0x1E400] =	vst v63  }
0x3b: {  	_ =	swait.ge [sflag:s10], $0x4000  }
0x3c: {  	[sflag:s10] =	ssyncset.done $0x0  }
0x3d: {  	s23 =	simm.s32 $0x15080;
	[sflag:s10] =	ssyncadd.s32 $0xFFFFC000  }
0x3e: {  	[spmem:s2] =	stream.indirect.scatter.add.f32 [tilespmem:s6], [sflag:$0x3], $0x80, s23, s0, $0xb8;
	[tilespmem:$0x1E400] =	vst v63  }
0x3f: {  	_ =	swait.ge [sflag:s30], $0x4000  }
0x40: {  	s18 =	simm.s32 $0x800;
	s17 =	simm.s32 $0x100;
	[sflag:s30] =	ssyncset.done $0x0  }
.LBB2_2:
0x41: {  	s19 =	sadd.s32 $0x13C80, s17  }
0x42: {  	[sflag:s30] =	ssyncadd.s32 $0xFFFFC000;
	s20 =	smov.u32 s18;
	s21 =	sadd.s32 $0x400, s18  }
0x43: {  	[tilespmem:s6], [sflag:$0x2] =	stream.indirect.gather [hbm4b:s4+s0], $0x80, s19, s0, $0xb8;
	[tilespmem:$0x1E400] =	vst v63  }
0x44: {  	p1 =	sne.s32 s18, $0x4800;
	_ =	swait.ge [sflag:s8], $0x4000  }
0x45: {  	[sflag:s8] =	ssyncset.done $0x0  }
0x46: {  	s18 =	sadd.s32 $0x15000, s17;
	[sflag:s8] =	ssyncadd.s32 $0xFFFFC000  }
0x47: {  	[spmem:s2] =	stream.indirect.scatter.add.f32 [tilespmem:s3], [sflag:$0x3], $0x80, s18, s0, $0xb8;
	[tilespmem:$0x1E400] =	vst v63  }
0x48: {  	_ =	swait.ge [sflag:s30], $0x4000  }
0x49: {  	[sflag:s30] =	ssyncset.done $0x0  }
0x4a: {  	s18 =	sadd.s32 $0x13D00, s17;
	[sflag:s30] =	ssyncadd.s32 $0xFFFFC000  }
0x4b: {  	[tilespmem:s3], [sflag:$0x1] =	stream.indirect.gather [hbm4b:s4+s0], $0x80, s18, s0, $0xb8;
	[tilespmem:$0x1E400] =	vst v63  }
0x4c: {  	_ =	swait.ge [sflag:s10], $0x4000  }
.Ltmp0:
0x4d: {  	[sflag:s10] =	ssyncset.done $0x0;
	(pc) =	sbr.rel @p1 .LBB2_2-.Ltmp0, $4  }
0x4e: {  	s17 =	sadd.s32 $0x15080, s17;
	[sflag:s10] =	ssyncadd.s32 $0xFFFFC000  }
0x4f: {  	[spmem:s2] =	stream.indirect.scatter.add.f32 [tilespmem:s6], [sflag:$0x3], $0x80, s17, s0, $0xb8;
	[tilespmem:$0x1E400] =	vst v63  }
0x50: {  	_ =	swait.ge [sflag:s30], $0x4000  }
0x51: {  	s18 =	smov.u32 s21;
	s17 =	sshra.s32 s20, $0x2;
	[sflag:s30] =	ssyncset.done $0x0  }
0x52: {  	s18 =	sadd.s32 $0x13C80, s17;
	[sflag:s30] =	ssyncadd.s32 $0xFFFFC000  }
0x53: {  	[tilespmem:s6], [sflag:$0x2] =	stream.indirect.gather [hbm4b:s4+s0], $0x80, s18, s0, $0xb8;
	[tilespmem:$0x1E400] =	vst v63  }
0x54: {  	_ =	swait.ge [sflag:s8], $0x4000  }
0x55: {  	[sflag:s8] =	ssyncset.done $0x0  }
0x56: {  	s20 =	sadd.s32 $0x15000, s17;
	[sflag:s8] =	ssyncadd.s32 $0xFFFFC000  }
0x57: {  	[spmem:s2] =	stream.indirect.scatter.add.f32 [tilespmem:s3], [sflag:$0x3], $0x80, s20, s0, $0xb8;
	[tilespmem:$0x1E400] =	vst v63  }
0x58: {  	_ =	swait.ge [sflag:s30], $0x4000  }
0x59: {  	[sflag:s30] =	ssyncset.done $0x0  }
0x5a: {  	s21 =	sadd.s32 $0x13D00, s17;
	[sflag:s30] =	ssyncadd.s32 $0xFFFFC000  }
0x5b: {  	[tilespmem:s3], [sflag:$0x1] =	stream.indirect.gather [hbm4b:s4+s0], $0x80, s21, s0, $0xb8;
	[tilespmem:$0x1E400] =	vst v63  }
0x5c: {  	_ =	swait.ge [sflag:s10], $0x4000  }
0x5d: {  	[sflag:s10] =	ssyncset.done $0x0  }
0x5e: {  	s22 =	sadd.s32 $0x15080, s17;
	[sflag:s10] =	ssyncadd.s32 $0xFFFFC000  }
0x5f: {  	[spmem:s2] =	stream.indirect.scatter.add.f32 [tilespmem:s6], [sflag:$0x3], $0x80, s22, s0, $0xb8;
	[tilespmem:$0x1E400] =	vst v63  }
0x60: {  	_ =	swait.ge [sflag:s30], $0x4000  }
0x61: {  	[sflag:s30] =	ssyncset.done $0x0  }
0x62: {  	[sflag:s30] =	ssyncadd.s32 $0xFFFFC000  }
0x63: {  	[tilespmem:s6], [sflag:$0x2] =	stream.indirect.gather [hbm4b:s4+s0], $0x80, s12, s0, $0xb8;
	[tilespmem:$0x1E400] =	vst v63  }
0x64: {  	_ =	swait.ge [sflag:s8], $0x4000  }
0x65: {  	[sflag:s8] =	ssyncset.done $0x0  }
0x66: {  	[sflag:s8] =	ssyncadd.s32 $0xFFFFC000  }
0x67: {  	[spmem:s2] =	stream.indirect.scatter.add.f32 [tilespmem:s3], [sflag:$0x3], $0x80, s13, s0, $0xb8;
	[tilespmem:$0x1E400] =	vst v63  }
0x68: {  	_ =	swait.ge [sflag:s30], $0x4000  }
0x69: {  	[sflag:s30] =	ssyncset.done $0x0  }
0x6a: {  	[sflag:s30] =	ssyncadd.s32 $0xFFFFC000  }
0x6b: {  	_ =	swait.ge [sflag:s10], $0x4000  }
0x6c: {  	[sflag:s10] =	ssyncset.done $0x0  }
0x6d: {  	[sflag:s10] =	ssyncadd.s32 $0xFFFFC000  }
0x6e: {  	[spmem:s2] =	stream.indirect.scatter.add.f32 [tilespmem:s6], [sflag:$0x3], $0x80, s14, s0, $0xb8;
	[tilespmem:$0x1E400] =	vst v63  }
0x6f: {  	_ =	swait.ge [sflag:s30], $0x4000  }
0x70: {  	[sflag:s30] =	ssyncset.done $0x0  }
0x71: {  	s23 =	simm.s32 $0x0;
	s19 =	rddreg [dreg:$0x5];
	[sflag:s30] =	ssyncadd.s32 $0xFFFFC000  }
0x72: {  	[tilespmem:s31], [sflag:$0x3] =	stream.linear.gather [hbm4b:s19+s23], $0x1400, $0x38;
	[tilespmem:$0x1E400] =	vst v63  }
0x73: {  	_ =	swait.ge [sflag:s30], $0x1400  }
0x74: {  	[sflag:s30] =	ssyncset.done $0x0  }
0x75: {  	[sflag:s30] =	ssyncadd.s32 $0xFFFFEC00  }
0x76: {  	[tilespmem:s1], [sflag:$0x3] =	stream.linear.gather [hbm4b:s11+s23], $0x1400, $0x38;
	[tilespmem:$0x1E400] =	vst v63  }
0x77: {  	_ =	swait.ge [sflag:s30], $0x1400  }
0x78: {  	[sflag:s30] =	ssyncset.done $0x0  }
0x79: {  	[sflag:s30] =	ssyncadd.s32 $0xFFFFEC00  }
0x7a: {  	[tilespmem:s3], [sflag:$0x1] =	stream.indirect.gather [hbm4b:s4+s0], $0x80, s31, s0, $0xb8;
	[tilespmem:$0x1E400] =	vst v63  }
0x7b: {  	s20 =	simm.s32 $0x13C80  }
0x7c: {  	[tilespmem:s6], [sflag:$0x2] =	stream.indirect.gather [hbm4b:s4+s0], $0x80, s20, s0, $0xb8;
	[tilespmem:$0x1E400] =	vst v63  }
0x7d: {  	_ =	swait.ge [sflag:s8], $0x4000  }
0x7e: {  	[sflag:s8] =	ssyncset.done $0x0  }
0x7f: {  	s21 =	simm.s32 $0x15000;
	[sflag:s8] =	ssyncadd.s32 $0xFFFFC000  }
0x80: {  	[spmem:s2] =	stream.indirect.scatter.add.f32 [tilespmem:s3], [sflag:$0x3], $0x80, s21, s0, $0xb8;
	[tilespmem:$0x1E400] =	vst v63  }
0x81: {  	_ =	swait.ge [sflag:s30], $0x4000  }
0x82: {  	[sflag:s30] =	ssyncset.done $0x0  }
0x83: {  	s22 =	simm.s32 $0x13D00;
	[sflag:s30] =	ssyncadd.s32 $0xFFFFC000  }
0x84: {  	[tilespmem:s3], [sflag:$0x1] =	stream.indirect.gather [hbm4b:s4+s0], $0x80, s22, s0, $0xb8;
	[tilespmem:$0x1E400] =	vst v63  }
0x85: {  	_ =	swait.ge [sflag:s10], $0x4000  }
0x86: {  	[sflag:s10] =	ssyncset.done $0x0  }
0x87: {  	s23 =	simm.s32 $0x15080;
	[sflag:s10] =	ssyncadd.s32 $0xFFFFC000  }
0x88: {  	[spmem:s2] =	stream.indirect.scatter.add.f32 [tilespmem:s6], [sflag:$0x3], $0x80, s23, s0, $0xb8;
	[tilespmem:$0x1E400] =	vst v63  }
0x89: {  	_ =	swait.ge [sflag:s30], $0x4000  }
0x8a: {  	s17 =	simm.s32 $0x100;
	s18 =	simm.s32 $0x800;
	[sflag:s30] =	ssyncset.done $0x0  }
.LBB2_4:
0x8b: {  	s19 =	sadd.s32 $0x13C80, s17  }
0x8c: {  	[sflag:s30] =	ssyncadd.s32 $0xFFFFC000;
	s20 =	smov.u32 s18;
	s21 =	sadd.s32 $0x400, s18  }
0x8d: {  	[tilespmem:s6], [sflag:$0x2] =	stream.indirect.gather [hbm4b:s4+s0], $0x80, s19, s0, $0xb8;
	[tilespmem:$0x1E400] =	vst v63  }
0x8e: {  	p1 =	sne.s32 s18, $0x4800;
	_ =	swait.ge [sflag:s8], $0x4000  }
0x8f: {  	[sflag:s8] =	ssyncset.done $0x0  }
0x90: {  	s18 =	sadd.s32 $0x15000, s17;
	[sflag:s8] =	ssyncadd.s32 $0xFFFFC000  }
0x91: {  	[spmem:s2] =	stream.indirect.scatter.add.f32 [tilespmem:s3], [sflag:$0x3], $0x80, s18, s0, $0xb8;
	[tilespmem:$0x1E400] =	vst v63  }
0x92: {  	_ =	swait.ge [sflag:s30], $0x4000  }
0x93: {  	[sflag:s30] =	ssyncset.done $0x0  }
0x94: {  	s18 =	sadd.s32 $0x13D00, s17;
	[sflag:s30] =	ssyncadd.s32 $0xFFFFC000  }
0x95: {  	[tilespmem:s3], [sflag:$0x1] =	stream.indirect.gather [hbm4b:s4+s0], $0x80, s18, s0, $0xb8;
	[tilespmem:$0x1E400] =	vst v63  }
0x96: {  	_ =	swait.ge [sflag:s10], $0x4000  }
.Ltmp1:
0x97: {  	[sflag:s10] =	ssyncset.done $0x0;
	(pc) =	sbr.rel @p1 .LBB2_4-.Ltmp1, $4  }
0x98: {  	s17 =	sadd.s32 $0x15080, s17;
	[sflag:s10] =	ssyncadd.s32 $0xFFFFC000  }
0x99: {  	[spmem:s2] =	stream.indirect.scatter.add.f32 [tilespmem:s6], [sflag:$0x3], $0x80, s17, s0, $0xb8;
	[tilespmem:$0x1E400] =	vst v63  }
0x9a: {  	_ =	swait.ge [sflag:s30], $0x4000  }
0x9b: {  	s18 =	smov.u32 s21;
	s17 =	sshra.s32 s20, $0x2;
	[sflag:s30] =	ssyncset.done $0x0  }
0x9c: {  	s18 =	sadd.s32 $0x13C80, s17;
	[sflag:s30] =	ssyncadd.s32 $0xFFFFC000  }
0x9d: {  	[tilespmem:s6], [sflag:$0x2] =	stream.indirect.gather [hbm4b:s4+s0], $0x80, s18, s0, $0xb8;
	[tilespmem:$0x1E400] =	vst v63  }
0x9e: {  	_ =	swait.ge [sflag:s8], $0x4000  }
0x9f: {  	[sflag:s8] =	ssyncset.done $0x0  }
0xa0: {  	s20 =	sadd.s32 $0x15000, s17;
	[sflag:s8] =	ssyncadd.s32 $0xFFFFC000  }
0xa1: {  	[spmem:s2] =	stream.indirect.scatter.add.f32 [tilespmem:s3], [sflag:$0x3], $0x80, s20, s0, $0xb8;
	[tilespmem:$0x1E400] =	vst v63  }
0xa2: {  	_ =	swait.ge [sflag:s30], $0x4000  }
0xa3: {  	[sflag:s30] =	ssyncset.done $0x0  }
0xa4: {  	s21 =	sadd.s32 $0x13D00, s17;
	[sflag:s30] =	ssyncadd.s32 $0xFFFFC000  }
0xa5: {  	[tilespmem:s3], [sflag:$0x1] =	stream.indirect.gather [hbm4b:s4+s0], $0x80, s21, s0, $0xb8;
	[tilespmem:$0x1E400] =	vst v63  }
0xa6: {  	_ =	swait.ge [sflag:s10], $0x4000  }
0xa7: {  	[sflag:s10] =	ssyncset.done $0x0  }
0xa8: {  	s22 =	sadd.s32 $0x15080, s17;
	[sflag:s10] =	ssyncadd.s32 $0xFFFFC000  }
0xa9: {  	[spmem:s2] =	stream.indirect.scatter.add.f32 [tilespmem:s6], [sflag:$0x3], $0x80, s22, s0, $0xb8;
	[tilespmem:$0x1E400] =	vst v63  }
0xaa: {  	_ =	swait.ge [sflag:s30], $0x4000  }
0xab: {  	[sflag:s30] =	ssyncset.done $0x0  }
0xac: {  	[sflag:s30] =	ssyncadd.s32 $0xFFFFC000  }
0xad: {  	[tilespmem:s6], [sflag:$0x2] =	stream.indirect.gather [hbm4b:s4+s0], $0x80, s12, s0, $0xb8;
	[tilespmem:$0x1E400] =	vst v63  }
0xae: {  	_ =	swait.ge [sflag:s8], $0x4000  }
0xaf: {  	[sflag:s8] =	ssyncset.done $0x0  }
0xb0: {  	[sflag:s8] =	ssyncadd.s32 $0xFFFFC000  }
0xb1: {  	[spmem:s2] =	stream.indirect.scatter.add.f32 [tilespmem:s3], [sflag:$0x3], $0x80, s13, s0, $0xb8;
	[tilespmem:$0x1E400] =	vst v63  }
0xb2: {  	_ =	swait.ge [sflag:s30], $0x4000  }
0xb3: {  	[sflag:s30] =	ssyncset.done $0x0  }
0xb4: {  	[sflag:s30] =	ssyncadd.s32 $0xFFFFC000  }
0xb5: {  	_ =	swait.ge [sflag:s10], $0x4000  }
0xb6: {  	[sflag:s10] =	ssyncset.done $0x0  }
0xb7: {  	[sflag:s10] =	ssyncadd.s32 $0xFFFFC000  }
0xb8: {  	[spmem:s2] =	stream.indirect.scatter.add.f32 [tilespmem:s6], [sflag:$0x3], $0x80, s14, s0, $0xb8;
	[tilespmem:$0x1E400] =	vst v63  }
0xb9: {  	_ =	swait.ge [sflag:s30], $0x4000  }
0xba: {  	[sflag:s30] =	ssyncset.done $0x0  }
0xbb: {  	[sflag:s30] =	ssyncadd.s32 $0xFFFFC000  }
0xbc: {  	[bflag:$0x0] =	sbarrier.arrive $0xFFFF  }
0xbd: {  	s17 =	sshrl.u32 @p0 s29, $0x3;
	s18 =	rddreg [dreg:$0x8]  }
0xbe: {  	[hbm:s18], [sflag:s7] =	dma.local @p0 [spmem:s17], $0x2800  }
0xbf: {  	s18 =	simm.s32 @p0 $0x3  }
0xc0: {  	_ =	swait.ge @p0 [sflag:s18], $0x2800  }
0xc1: {  	[sflag:s18] =	ssyncset.done @p0 $0x0  }
0xc2: {  	[sflag:s18] =	ssyncadd.s32 @p0 $0xFFFFD800;
	s18 =	rddreg [dreg:$0x6]  }
0xc3: {  	s19 =	rddreg [dreg:$0x7];
	s18 =	sshrl.u32 @!p0 s18, $0x3  }
0xc4: {  	[hbm:s19], [sflag:s7] =	dma.local @!p0 [spmem:s18], $0x2700  }
0xc5: {  	s19 =	simm.s32 @!p0 $0x3  }
0xc6: {  	_ =	swait.ge @!p0 [sflag:s19], $0x2700  }
0xc7: {  	[sflag:s19] =	ssyncset.done @!p0 $0x0  }
0xc8: {  	[sflag:s19] =	ssyncadd.s32 @!p0 $0xFFFFD900  }
0xc9: {  	[bflag:$0x0] =	sbarrier.arrive $0xFFFF  }
0xca: {  	[spmem:s16], [sflag:s7] =	dma.local [hbm:s5], $0x2780  }
0xcb: {  	_ =	swait.ge [sflag:s30], $0x2780  }
0xcc: {  	[sflag:s30] =	ssyncset.done $0x0  }
0xcd: {  	[sflag:s30] =	ssyncadd.s32 $0xFFFFD880  }
0xce: {  	[bflag:$0x0] =	sbarrier.arrive $0xFFFF  }
0xcf: {  	s23 =	simm.s32 $0x0;
	s20 =	rddreg [dreg:$0x9]  }
0xd0: {  	[tilespmem:s31], [sflag:$0x3] =	stream.linear.gather [hbm4b:s20+s23], $0x1400, $0x38;
	[tilespmem:$0x1E400] =	vst v63  }
0xd1: {  	_ =	swait.ge [sflag:s30], $0x1400  }
0xd2: {  	[sflag:s30] =	ssyncset.done $0x0  }
0xd3: {  	[sflag:s30] =	ssyncadd.s32 $0xFFFFEC00  }
0xd4: {  	[tilespmem:s1], [sflag:$0x3] =	stream.linear.gather [hbm4b:s9+s23], $0x1400, $0x38;
	[tilespmem:$0x1E400] =	vst v63  }
0xd5: {  	_ =	swait.ge [sflag:s30], $0x1400  }
0xd6: {  	[sflag:s30] =	ssyncset.done $0x0  }
0xd7: {  	[sflag:s30] =	ssyncadd.s32 $0xFFFFEC00  }
0xd8: {  	[tilespmem:s3], [sflag:$0x1] =	stream.indirect.gather [hbm4b:s4+s0], $0x80, s31, s0, $0xb8;
	[tilespmem:$0x1E400] =	vst v63  }
0xd9: {  	s20 =	simm.s32 $0x13C80  }
0xda: {  	[tilespmem:s6], [sflag:$0x2] =	stream.indirect.gather [hbm4b:s4+s0], $0x80, s20, s0, $0xb8;
	[tilespmem:$0x1E400] =	vst v63  }
0xdb: {  	_ =	swait.ge [sflag:s8], $0x4000  }
0xdc: {  	[sflag:s8] =	ssyncset.done $0x0  }
0xdd: {  	s21 =	simm.s32 $0x15000;
	[sflag:s8] =	ssyncadd.s32 $0xFFFFC000  }
0xde: {  	[spmem:s2] =	stream.indirect.scatter.add.f32 [tilespmem:s3], [sflag:$0x3], $0x80, s21, s0, $0xb8;
	[tilespmem:$0x1E400] =	vst v63  }
0xdf: {  	_ =	swait.ge [sflag:s30], $0x4000  }
0xe0: {  	[sflag:s30] =	ssyncset.done $0x0  }
0xe1: {  	s22 =	simm.s32 $0x13D00;
	[sflag:s30] =	ssyncadd.s32 $0xFFFFC000  }
0xe2: {  	[tilespmem:s3], [sflag:$0x1] =	stream.indirect.gather [hbm4b:s4+s0], $0x80, s22, s0, $0xb8;
	[tilespmem:$0x1E400] =	vst v63  }
0xe3: {  	_ =	swait.ge [sflag:s10], $0x4000  }
0xe4: {  	[sflag:s10] =	ssyncset.done $0x0  }
0xe5: {  	s23 =	simm.s32 $0x15080;
	[sflag:s10] =	ssyncadd.s32 $0xFFFFC000  }
0xe6: {  	[spmem:s2] =	stream.indirect.scatter.add.f32 [tilespmem:s6], [sflag:$0x3], $0x80, s23, s0, $0xb8;
	[tilespmem:$0x1E400] =	vst v63  }
0xe7: {  	_ =	swait.ge [sflag:s30], $0x4000  }
0xe8: {  	s19 =	simm.s32 $0x100;
	s20 =	simm.s32 $0x800;
	[sflag:s30] =	ssyncset.done $0x0  }
.LBB2_6:
0xe9: {  	s21 =	sadd.s32 $0x13C80, s19  }
0xea: {  	[sflag:s30] =	ssyncadd.s32 $0xFFFFC000;
	s22 =	smov.u32 s20;
	s23 =	sadd.s32 $0x400, s20  }
0xeb: {  	[tilespmem:s6], [sflag:$0x2] =	stream.indirect.gather [hbm4b:s4+s0], $0x80, s21, s0, $0xb8;
	[tilespmem:$0x1E400] =	vst v63  }
0xec: {  	p1 =	sne.s32 s20, $0x4800;
	_ =	swait.ge [sflag:s8], $0x4000  }
0xed: {  	[sflag:s8] =	ssyncset.done $0x0  }
0xee: {  	s20 =	sadd.s32 $0x15000, s19;
	[sflag:s8] =	ssyncadd.s32 $0xFFFFC000  }
0xef: {  	[spmem:s2] =	stream.indirect.scatter.add.f32 [tilespmem:s3], [sflag:$0x3], $0x80, s20, s0, $0xb8;
	[tilespmem:$0x1E400] =	vst v63  }
0xf0: {  	_ =	swait.ge [sflag:s30], $0x4000  }
0xf1: {  	[sflag:s30] =	ssyncset.done $0x0  }
0xf2: {  	s20 =	sadd.s32 $0x13D00, s19;
	[sflag:s30] =	ssyncadd.s32 $0xFFFFC000  }
0xf3: {  	[tilespmem:s3], [sflag:$0x1] =	stream.indirect.gather [hbm4b:s4+s0], $0x80, s20, s0, $0xb8;
	[tilespmem:$0x1E400] =	vst v63  }
0xf4: {  	_ =	swait.ge [sflag:s10], $0x4000  }
.Ltmp2:
0xf5: {  	[sflag:s10] =	ssyncset.done $0x0;
	(pc) =	sbr.rel @p1 .LBB2_6-.Ltmp2, $4  }
0xf6: {  	s19 =	sadd.s32 $0x15080, s19;
	[sflag:s10] =	ssyncadd.s32 $0xFFFFC000  }
0xf7: {  	[spmem:s2] =	stream.indirect.scatter.add.f32 [tilespmem:s6], [sflag:$0x3], $0x80, s19, s0, $0xb8;
	[tilespmem:$0x1E400] =	vst v63  }
0xf8: {  	_ =	swait.ge [sflag:s30], $0x4000  }
0xf9: {  	s20 =	smov.u32 s23;
	s19 =	sshra.s32 s22, $0x2;
	[sflag:s30] =	ssyncset.done $0x0  }
0xfa: {  	s20 =	sadd.s32 $0x13C80, s19;
	[sflag:s30] =	ssyncadd.s32 $0xFFFFC000  }
0xfb: {  	[tilespmem:s6], [sflag:$0x2] =	stream.indirect.gather [hbm4b:s4+s0], $0x80, s20, s0, $0xb8;
	[tilespmem:$0x1E400] =	vst v63  }
0xfc: {  	_ =	swait.ge [sflag:s8], $0x4000  }
0xfd: {  	[sflag:s8] =	ssyncset.done $0x0  }
0xfe: {  	s22 =	sadd.s32 $0x15000, s19;
	[sflag:s8] =	ssyncadd.s32 $0xFFFFC000  }
0xff: {  	[spmem:s2] =	stream.indirect.scatter.add.f32 [tilespmem:s3], [sflag:$0x3], $0x80, s22, s0, $0xb8;
	[tilespmem:$0x1E400] =	vst v63  }
0x100: {  	_ =	swait.ge [sflag:s30], $0x4000  }
0x101: {  	[sflag:s30] =	ssyncset.done $0x0  }
0x102: {  	s23 =	sadd.s32 $0x13D00, s19;
	[sflag:s30] =	ssyncadd.s32 $0xFFFFC000  }
0x103: {  	[tilespmem:s3], [sflag:$0x1] =	stream.indirect.gather [hbm4b:s4+s0], $0x80, s23, s0, $0xb8;
	[tilespmem:$0x1E400] =	vst v63  }
0x104: {  	_ =	swait.ge [sflag:s10], $0x4000  }
0x105: {  	[sflag:s10] =	ssyncset.done $0x0  }
0x106: {  	s21 =	sadd.s32 $0x15080, s19;
	[sflag:s10] =	ssyncadd.s32 $0xFFFFC000  }
0x107: {  	[spmem:s2] =	stream.indirect.scatter.add.f32 [tilespmem:s6], [sflag:$0x3], $0x80, s21, s0, $0xb8;
	[tilespmem:$0x1E400] =	vst v63  }
0x108: {  	_ =	swait.ge [sflag:s30], $0x4000  }
0x109: {  	[sflag:s30] =	ssyncset.done $0x0  }
0x10a: {  	[sflag:s30] =	ssyncadd.s32 $0xFFFFC000  }
0x10b: {  	[tilespmem:s6], [sflag:$0x2] =	stream.indirect.gather [hbm4b:s4+s0], $0x80, s12, s0, $0xb8;
	[tilespmem:$0x1E400] =	vst v63  }
0x10c: {  	_ =	swait.ge [sflag:s8], $0x4000  }
0x10d: {  	[sflag:s8] =	ssyncset.done $0x0  }
0x10e: {  	[sflag:s8] =	ssyncadd.s32 $0xFFFFC000  }
0x10f: {  	[spmem:s2] =	stream.indirect.scatter.add.f32 [tilespmem:s3], [sflag:$0x3], $0x80, s13, s0, $0xb8;
	[tilespmem:$0x1E400] =	vst v63  }
0x110: {  	_ =	swait.ge [sflag:s30], $0x4000  }
0x111: {  	[sflag:s30] =	ssyncset.done $0x0  }
0x112: {  	[sflag:s30] =	ssyncadd.s32 $0xFFFFC000  }
0x113: {  	_ =	swait.ge [sflag:s10], $0x4000  }
0x114: {  	[sflag:s10] =	ssyncset.done $0x0  }
0x115: {  	[sflag:s10] =	ssyncadd.s32 $0xFFFFC000  }
0x116: {  	[spmem:s2] =	stream.indirect.scatter.add.f32 [tilespmem:s6], [sflag:$0x3], $0x80, s14, s0, $0xb8;
	[tilespmem:$0x1E400] =	vst v63  }
0x117: {  	_ =	swait.ge [sflag:s30], $0x4000  }
0x118: {  	[sflag:s30] =	ssyncset.done $0x0  }
0x119: {  	s22 =	simm.s32 $0x0;
	s23 =	rddreg [dreg:$0xa];
	[sflag:s30] =	ssyncadd.s32 $0xFFFFC000  }
0x11a: {  	[tilespmem:s31], [sflag:$0x3] =	stream.linear.gather [hbm4b:s23+s22], $0x1400, $0x38;
	[tilespmem:$0x1E400] =	vst v63  }
0x11b: {  	_ =	swait.ge [sflag:s30], $0x1400  }
0x11c: {  	[sflag:s30] =	ssyncset.done $0x0  }
0x11d: {  	[sflag:s30] =	ssyncadd.s32 $0xFFFFEC00  }
0x11e: {  	[tilespmem:s1], [sflag:$0x3] =	stream.linear.gather [hbm4b:s11+s22], $0x1400, $0x38;
	[tilespmem:$0x1E400] =	vst v63  }
0x11f: {  	_ =	swait.ge [sflag:s30], $0x1400  }
0x120: {  	[sflag:s30] =	ssyncset.done $0x0  }
0x121: {  	[sflag:s30] =	ssyncadd.s32 $0xFFFFEC00  }
0x122: {  	[tilespmem:s3], [sflag:$0x1] =	stream.indirect.gather [hbm4b:s4+s0], $0x80, s31, s0, $0xb8;
	[tilespmem:$0x1E400] =	vst v63  }
0x123: {  	s20 =	simm.s32 $0x13C80  }
0x124: {  	[tilespmem:s6], [sflag:$0x2] =	stream.indirect.gather [hbm4b:s4+s0], $0x80, s20, s0, $0xb8;
	[tilespmem:$0x1E400] =	vst v63  }
0x125: {  	_ =	swait.ge [sflag:s8], $0x4000  }
0x126: {  	[sflag:s8] =	ssyncset.done $0x0  }
0x127: {  	s21 =	simm.s32 $0x15000;
	[sflag:s8] =	ssyncadd.s32 $0xFFFFC000  }
0x128: {  	[spmem:s2] =	stream.indirect.scatter.add.f32 [tilespmem:s3], [sflag:$0x3], $0x80, s21, s0, $0xb8;
	[tilespmem:$0x1E400] =	vst v63  }
0x129: {  	_ =	swait.ge [sflag:s30], $0x4000  }
0x12a: {  	[sflag:s30] =	ssyncset.done $0x0  }
0x12b: {  	s22 =	simm.s32 $0x13D00;
	[sflag:s30] =	ssyncadd.s32 $0xFFFFC000  }
0x12c: {  	[tilespmem:s3], [sflag:$0x1] =	stream.indirect.gather [hbm4b:s4+s0], $0x80, s22, s0, $0xb8;
	[tilespmem:$0x1E400] =	vst v63  }
0x12d: {  	_ =	swait.ge [sflag:s10], $0x4000  }
0x12e: {  	[sflag:s10] =	ssyncset.done $0x0  }
0x12f: {  	s23 =	simm.s32 $0x15080;
	[sflag:s10] =	ssyncadd.s32 $0xFFFFC000  }
0x130: {  	[spmem:s2] =	stream.indirect.scatter.add.f32 [tilespmem:s6], [sflag:$0x3], $0x80, s23, s0, $0xb8;
	[tilespmem:$0x1E400] =	vst v63  }
0x131: {  	_ =	swait.ge [sflag:s30], $0x4000  }
0x132: {  	s19 =	simm.s32 $0x100;
	s20 =	simm.s32 $0x800;
	[sflag:s30] =	ssyncset.done $0x0  }
.LBB2_8:
0x133: {  	s21 =	sadd.s32 $0x13C80, s19  }
0x134: {  	[sflag:s30] =	ssyncadd.s32 $0xFFFFC000;
	s22 =	smov.u32 s20;
	s23 =	sadd.s32 $0x400, s20  }
0x135: {  	[tilespmem:s6], [sflag:$0x2] =	stream.indirect.gather [hbm4b:s4+s0], $0x80, s21, s0, $0xb8;
	[tilespmem:$0x1E400] =	vst v63  }
0x136: {  	p1 =	sne.s32 s20, $0x4800;
	_ =	swait.ge [sflag:s8], $0x4000  }
0x137: {  	[sflag:s8] =	ssyncset.done $0x0  }
0x138: {  	s20 =	sadd.s32 $0x15000, s19;
	[sflag:s8] =	ssyncadd.s32 $0xFFFFC000  }
0x139: {  	[spmem:s2] =	stream.indirect.scatter.add.f32 [tilespmem:s3], [sflag:$0x3], $0x80, s20, s0, $0xb8;
	[tilespmem:$0x1E400] =	vst v63  }
0x13a: {  	_ =	swait.ge [sflag:s30], $0x4000  }
0x13b: {  	[sflag:s30] =	ssyncset.done $0x0  }
0x13c: {  	s20 =	sadd.s32 $0x13D00, s19;
	[sflag:s30] =	ssyncadd.s32 $0xFFFFC000  }
0x13d: {  	[tilespmem:s3], [sflag:$0x1] =	stream.indirect.gather [hbm4b:s4+s0], $0x80, s20, s0, $0xb8;
	[tilespmem:$0x1E400] =	vst v63  }
0x13e: {  	_ =	swait.ge [sflag:s10], $0x4000  }
.Ltmp3:
0x13f: {  	[sflag:s10] =	ssyncset.done $0x0;
	(pc) =	sbr.rel @p1 .LBB2_8-.Ltmp3, $4  }
0x140: {  	s19 =	sadd.s32 $0x15080, s19;
	[sflag:s10] =	ssyncadd.s32 $0xFFFFC000  }
0x141: {  	[spmem:s2] =	stream.indirect.scatter.add.f32 [tilespmem:s6], [sflag:$0x3], $0x80, s19, s0, $0xb8;
	[tilespmem:$0x1E400] =	vst v63  }
0x142: {  	_ =	swait.ge [sflag:s30], $0x4000  }
0x143: {  	s20 =	smov.u32 s23;
	s19 =	sshra.s32 s22, $0x2;
	[sflag:s30] =	ssyncset.done $0x0  }
0x144: {  	s20 =	sadd.s32 $0x13C80, s19;
	[sflag:s30] =	ssyncadd.s32 $0xFFFFC000  }
0x145: {  	[tilespmem:s6], [sflag:$0x2] =	stream.indirect.gather [hbm4b:s4+s0], $0x80, s20, s0, $0xb8;
	[tilespmem:$0x1E400] =	vst v63  }
0x146: {  	_ =	swait.ge [sflag:s8], $0x4000  }
0x147: {  	[sflag:s8] =	ssyncset.done $0x0  }
0x148: {  	s22 =	sadd.s32 $0x15000, s19;
	[sflag:s8] =	ssyncadd.s32 $0xFFFFC000  }
0x149: {  	[spmem:s2] =	stream.indirect.scatter.add.f32 [tilespmem:s3], [sflag:$0x3], $0x80, s22, s0, $0xb8;
	[tilespmem:$0x1E400] =	vst v63  }
0x14a: {  	_ =	swait.ge [sflag:s30], $0x4000  }
0x14b: {  	[sflag:s30] =	ssyncset.done $0x0  }
0x14c: {  	s23 =	sadd.s32 $0x13D00, s19;
	[sflag:s30] =	ssyncadd.s32 $0xFFFFC000  }
0x14d: {  	[tilespmem:s3], [sflag:$0x1] =	stream.indirect.gather [hbm4b:s4+s0], $0x80, s23, s0, $0xb8;
	[tilespmem:$0x1E400] =	vst v63  }
0x14e: {  	_ =	swait.ge [sflag:s10], $0x4000  }
0x14f: {  	[sflag:s10] =	ssyncset.done $0x0  }
0x150: {  	s21 =	sadd.s32 $0x15080, s19;
	[sflag:s10] =	ssyncadd.s32 $0xFFFFC000  }
0x151: {  	[spmem:s2] =	stream.indirect.scatter.add.f32 [tilespmem:s6], [sflag:$0x3], $0x80, s21, s0, $0xb8;
	[tilespmem:$0x1E400] =	vst v63  }
0x152: {  	_ =	swait.ge [sflag:s30], $0x4000  }
0x153: {  	[sflag:s30] =	ssyncset.done $0x0  }
0x154: {  	[sflag:s30] =	ssyncadd.s32 $0xFFFFC000  }
0x155: {  	[tilespmem:s6], [sflag:$0x2] =	stream.indirect.gather [hbm4b:s4+s0], $0x80, s12, s0, $0xb8;
	[tilespmem:$0x1E400] =	vst v63  }
0x156: {  	_ =	swait.ge [sflag:s8], $0x4000  }
0x157: {  	[sflag:s8] =	ssyncset.done $0x0  }
0x158: {  	[sflag:s8] =	ssyncadd.s32 $0xFFFFC000  }
0x159: {  	[spmem:s2] =	stream.indirect.scatter.add.f32 [tilespmem:s3], [sflag:$0x3], $0x80, s13, s0, $0xb8;
	[tilespmem:$0x1E400] =	vst v63  }
0x15a: {  	_ =	swait.ge [sflag:s30], $0x4000  }
0x15b: {  	[sflag:s30] =	ssyncset.done $0x0  }
0x15c: {  	[sflag:s30] =	ssyncadd.s32 $0xFFFFC000  }
0x15d: {  	_ =	swait.ge [sflag:s10], $0x4000  }
0x15e: {  	[sflag:s10] =	ssyncset.done $0x0  }
0x15f: {  	[sflag:s10] =	ssyncadd.s32 $0xFFFFC000  }
0x160: {  	[spmem:s2] =	stream.indirect.scatter.add.f32 [tilespmem:s6], [sflag:$0x3], $0x80, s14, s0, $0xb8;
	[tilespmem:$0x1E400] =	vst v63  }
0x161: {  	_ =	swait.ge [sflag:s30], $0x4000  }
0x162: {  	[sflag:s30] =	ssyncset.done $0x0  }
0x163: {  	[sflag:s30] =	ssyncadd.s32 $0xFFFFC000  }
0x164: {  	s19 =	simm.s32 @p0 $0x3;
	[bflag:$0x0] =	sbarrier.arrive $0xFFFF  }
0x165: {  	[hbm:s24], [sflag:s7] =	dma.local @p0 [spmem:s17], $0x2800  }
0x166: {  	_ =	swait.ge @p0 [sflag:s19], $0x2800  }
0x167: {  	[sflag:s19] =	ssyncset.done @p0 $0x0  }
0x168: {  	[sflag:s19] =	ssyncadd.s32 @p0 $0xFFFFD800;
	s19 =	rddreg [dreg:$0xb]  }
0x169: {  	[hbm:s19], [sflag:s7] =	dma.local @!p0 [spmem:s18], $0x2700  }
0x16a: {  	s19 =	simm.s32 @!p0 $0x3  }
0x16b: {  	_ =	swait.ge @!p0 [sflag:s19], $0x2700  }
0x16c: {  	[sflag:s19] =	ssyncset.done @!p0 $0x0  }
0x16d: {  	[sflag:s19] =	ssyncadd.s32 @!p0 $0xFFFFD900  }
0x16e: {  	[bflag:$0x0] =	sbarrier.arrive $0xFFFF  }
0x16f: {  	[spmem:s16], [sflag:s7] =	dma.local [hbm:s5], $0x2780  }
0x170: {  	_ =	swait.ge [sflag:s30], $0x2780  }
0x171: {  	[sflag:s30] =	ssyncset.done $0x0  }
0x172: {  	[sflag:s30] =	ssyncadd.s32 $0xFFFFD880  }
0x173: {  	[bflag:$0x0] =	sbarrier.arrive $0xFFFF  }
0x174: {  	s22 =	simm.s32 $0x0;
	s23 =	rddreg [dreg:$0xc]  }
0x175: {  	[tilespmem:s31], [sflag:$0x3] =	stream.linear.gather [hbm4b:s23+s22], $0x1400, $0x38;
	[tilespmem:$0x1E400] =	vst v63  }
0x176: {  	_ =	swait.ge [sflag:s30], $0x1400  }
0x177: {  	[sflag:s30] =	ssyncset.done $0x0  }
0x178: {  	[sflag:s30] =	ssyncadd.s32 $0xFFFFEC00  }
0x179: {  	[tilespmem:s1], [sflag:$0x3] =	stream.linear.gather [hbm4b:s9+s22], $0x1400, $0x38;
	[tilespmem:$0x1E400] =	vst v63  }
0x17a: {  	_ =	swait.ge [sflag:s30], $0x1400  }
0x17b: {  	[sflag:s30] =	ssyncset.done $0x0  }
0x17c: {  	[sflag:s30] =	ssyncadd.s32 $0xFFFFEC00  }
0x17d: {  	[tilespmem:s3], [sflag:$0x1] =	stream.indirect.gather [hbm4b:s4+s0], $0x80, s31, s0, $0xb8;
	[tilespmem:$0x1E400] =	vst v63  }
0x17e: {  	s20 =	simm.s32 $0x13C80  }
0x17f: {  	[tilespmem:s6], [sflag:$0x2] =	stream.indirect.gather [hbm4b:s4+s0], $0x80, s20, s0, $0xb8;
	[tilespmem:$0x1E400] =	vst v63  }
0x180: {  	_ =	swait.ge [sflag:s8], $0x4000  }
0x181: {  	[sflag:s8] =	ssyncset.done $0x0  }
0x182: {  	s21 =	simm.s32 $0x15000;
	[sflag:s8] =	ssyncadd.s32 $0xFFFFC000  }
0x183: {  	[spmem:s2] =	stream.indirect.scatter.add.f32 [tilespmem:s3], [sflag:$0x3], $0x80, s21, s0, $0xb8;
	[tilespmem:$0x1E400] =	vst v63  }
0x184: {  	_ =	swait.ge [sflag:s30], $0x4000  }
0x185: {  	[sflag:s30] =	ssyncset.done $0x0  }
0x186: {  	s22 =	simm.s32 $0x13D00;
	[sflag:s30] =	ssyncadd.s32 $0xFFFFC000  }
0x187: {  	[tilespmem:s3], [sflag:$0x1] =	stream.indirect.gather [hbm4b:s4+s0], $0x80, s22, s0, $0xb8;
	[tilespmem:$0x1E400] =	vst v63  }
0x188: {  	_ =	swait.ge [sflag:s10], $0x4000  }
0x189: {  	[sflag:s10] =	ssyncset.done $0x0  }
0x18a: {  	s23 =	simm.s32 $0x15080;
	[sflag:s10] =	ssyncadd.s32 $0xFFFFC000  }
0x18b: {  	[spmem:s2] =	stream.indirect.scatter.add.f32 [tilespmem:s6], [sflag:$0x3], $0x80, s23, s0, $0xb8;
	[tilespmem:$0x1E400] =	vst v63  }
0x18c: {  	_ =	swait.ge [sflag:s30], $0x4000  }
0x18d: {  	s19 =	simm.s32 $0x100;
	s20 =	simm.s32 $0x800;
	[sflag:s30] =	ssyncset.done $0x0  }
.LBB2_10:
0x18e: {  	s21 =	sadd.s32 $0x13C80, s19  }
0x18f: {  	[sflag:s30] =	ssyncadd.s32 $0xFFFFC000;
	s22 =	smov.u32 s20;
	s23 =	sadd.s32 $0x400, s20  }
0x190: {  	[tilespmem:s6], [sflag:$0x2] =	stream.indirect.gather [hbm4b:s4+s0], $0x80, s21, s0, $0xb8;
	[tilespmem:$0x1E400] =	vst v63  }
0x191: {  	p1 =	sne.s32 s20, $0x4800;
	_ =	swait.ge [sflag:s8], $0x4000  }
0x192: {  	[sflag:s8] =	ssyncset.done $0x0  }
0x193: {  	s20 =	sadd.s32 $0x15000, s19;
	[sflag:s8] =	ssyncadd.s32 $0xFFFFC000  }
0x194: {  	[spmem:s2] =	stream.indirect.scatter.add.f32 [tilespmem:s3], [sflag:$0x3], $0x80, s20, s0, $0xb8;
	[tilespmem:$0x1E400] =	vst v63  }
0x195: {  	_ =	swait.ge [sflag:s30], $0x4000  }
0x196: {  	[sflag:s30] =	ssyncset.done $0x0  }
0x197: {  	s20 =	sadd.s32 $0x13D00, s19;
	[sflag:s30] =	ssyncadd.s32 $0xFFFFC000  }
0x198: {  	[tilespmem:s3], [sflag:$0x1] =	stream.indirect.gather [hbm4b:s4+s0], $0x80, s20, s0, $0xb8;
	[tilespmem:$0x1E400] =	vst v63  }
0x199: {  	_ =	swait.ge [sflag:s10], $0x4000  }
.Ltmp4:
0x19a: {  	[sflag:s10] =	ssyncset.done $0x0;
	(pc) =	sbr.rel @p1 .LBB2_10-.Ltmp4, $4  }
0x19b: {  	s19 =	sadd.s32 $0x15080, s19;
	[sflag:s10] =	ssyncadd.s32 $0xFFFFC000  }
0x19c: {  	[spmem:s2] =	stream.indirect.scatter.add.f32 [tilespmem:s6], [sflag:$0x3], $0x80, s19, s0, $0xb8;
	[tilespmem:$0x1E400] =	vst v63  }
0x19d: {  	_ =	swait.ge [sflag:s30], $0x4000  }
0x19e: {  	s20 =	smov.u32 s23;
	s19 =	sshra.s32 s22, $0x2;
	[sflag:s30] =	ssyncset.done $0x0  }
0x19f: {  	s20 =	sadd.s32 $0x13C80, s19;
	[sflag:s30] =	ssyncadd.s32 $0xFFFFC000  }
0x1a0: {  	[tilespmem:s6], [sflag:$0x2] =	stream.indirect.gather [hbm4b:s4+s0], $0x80, s20, s0, $0xb8;
	[tilespmem:$0x1E400] =	vst v63  }
0x1a1: {  	_ =	swait.ge [sflag:s8], $0x4000  }
0x1a2: {  	[sflag:s8] =	ssyncset.done $0x0  }
0x1a3: {  	s22 =	sadd.s32 $0x15000, s19;
	[sflag:s8] =	ssyncadd.s32 $0xFFFFC000  }
0x1a4: {  	[spmem:s2] =	stream.indirect.scatter.add.f32 [tilespmem:s3], [sflag:$0x3], $0x80, s22, s0, $0xb8;
	[tilespmem:$0x1E400] =	vst v63  }
0x1a5: {  	_ =	swait.ge [sflag:s30], $0x4000  }
0x1a6: {  	[sflag:s30] =	ssyncset.done $0x0  }
0x1a7: {  	s23 =	sadd.s32 $0x13D00, s19;
	[sflag:s30] =	ssyncadd.s32 $0xFFFFC000  }
0x1a8: {  	[tilespmem:s3], [sflag:$0x1] =	stream.indirect.gather [hbm4b:s4+s0], $0x80, s23, s0, $0xb8;
	[tilespmem:$0x1E400] =	vst v63  }
0x1a9: {  	_ =	swait.ge [sflag:s10], $0x4000  }
0x1aa: {  	[sflag:s10] =	ssyncset.done $0x0  }
0x1ab: {  	s21 =	sadd.s32 $0x15080, s19;
	[sflag:s10] =	ssyncadd.s32 $0xFFFFC000  }
0x1ac: {  	[spmem:s2] =	stream.indirect.scatter.add.f32 [tilespmem:s6], [sflag:$0x3], $0x80, s21, s0, $0xb8;
	[tilespmem:$0x1E400] =	vst v63  }
0x1ad: {  	_ =	swait.ge [sflag:s30], $0x4000  }
0x1ae: {  	[sflag:s30] =	ssyncset.done $0x0  }
0x1af: {  	[sflag:s30] =	ssyncadd.s32 $0xFFFFC000  }
0x1b0: {  	[tilespmem:s6], [sflag:$0x2] =	stream.indirect.gather [hbm4b:s4+s0], $0x80, s12, s0, $0xb8;
	[tilespmem:$0x1E400] =	vst v63  }
0x1b1: {  	_ =	swait.ge [sflag:s8], $0x4000  }
0x1b2: {  	[sflag:s8] =	ssyncset.done $0x0  }
0x1b3: {  	[sflag:s8] =	ssyncadd.s32 $0xFFFFC000  }
0x1b4: {  	[spmem:s2] =	stream.indirect.scatter.add.f32 [tilespmem:s3], [sflag:$0x3], $0x80, s13, s0, $0xb8;
	[tilespmem:$0x1E400] =	vst v63  }
0x1b5: {  	_ =	swait.ge [sflag:s30], $0x4000  }
0x1b6: {  	[sflag:s30] =	ssyncset.done $0x0  }
0x1b7: {  	[sflag:s30] =	ssyncadd.s32 $0xFFFFC000  }
0x1b8: {  	_ =	swait.ge [sflag:s10], $0x4000  }
0x1b9: {  	[sflag:s10] =	ssyncset.done $0x0  }
0x1ba: {  	[sflag:s10] =	ssyncadd.s32 $0xFFFFC000  }
0x1bb: {  	[spmem:s2] =	stream.indirect.scatter.add.f32 [tilespmem:s6], [sflag:$0x3], $0x80, s14, s0, $0xb8;
	[tilespmem:$0x1E400] =	vst v63  }
0x1bc: {  	_ =	swait.ge [sflag:s30], $0x4000  }
0x1bd: {  	[sflag:s30] =	ssyncset.done $0x0  }
0x1be: {  	s22 =	simm.s32 $0x0;
	s23 =	rddreg [dreg:$0xd];
	[sflag:s30] =	ssyncadd.s32 $0xFFFFC000  }
0x1bf: {  	[tilespmem:s31], [sflag:$0x3] =	stream.linear.gather [hbm4b:s23+s22], $0x1400, $0x38;
	[tilespmem:$0x1E400] =	vst v63  }
0x1c0: {  	_ =	swait.ge [sflag:s30], $0x1400  }
0x1c1: {  	[sflag:s30] =	ssyncset.done $0x0  }
0x1c2: {  	[sflag:s30] =	ssyncadd.s32 $0xFFFFEC00  }
0x1c3: {  	[tilespmem:s1], [sflag:$0x3] =	stream.linear.gather [hbm4b:s11+s22], $0x1400, $0x38;
	[tilespmem:$0x1E400] =	vst v63  }
0x1c4: {  	_ =	swait.ge [sflag:s30], $0x1400  }
0x1c5: {  	[sflag:s30] =	ssyncset.done $0x0  }
0x1c6: {  	[sflag:s30] =	ssyncadd.s32 $0xFFFFEC00  }
0x1c7: {  	[tilespmem:s3], [sflag:$0x1] =	stream.indirect.gather [hbm4b:s4+s0], $0x80, s31, s0, $0xb8;
	[tilespmem:$0x1E400] =	vst v63  }
0x1c8: {  	s20 =	simm.s32 $0x13C80  }
0x1c9: {  	[tilespmem:s6], [sflag:$0x2] =	stream.indirect.gather [hbm4b:s4+s0], $0x80, s20, s0, $0xb8;
	[tilespmem:$0x1E400] =	vst v63  }
0x1ca: {  	_ =	swait.ge [sflag:s8], $0x4000  }
0x1cb: {  	[sflag:s8] =	ssyncset.done $0x0  }
0x1cc: {  	s21 =	simm.s32 $0x15000;
	[sflag:s8] =	ssyncadd.s32 $0xFFFFC000  }
0x1cd: {  	[spmem:s2] =	stream.indirect.scatter.add.f32 [tilespmem:s3], [sflag:$0x3], $0x80, s21, s0, $0xb8;
	[tilespmem:$0x1E400] =	vst v63  }
0x1ce: {  	_ =	swait.ge [sflag:s30], $0x4000  }
0x1cf: {  	[sflag:s30] =	ssyncset.done $0x0  }
0x1d0: {  	s22 =	simm.s32 $0x13D00;
	[sflag:s30] =	ssyncadd.s32 $0xFFFFC000  }
0x1d1: {  	[tilespmem:s3], [sflag:$0x1] =	stream.indirect.gather [hbm4b:s4+s0], $0x80, s22, s0, $0xb8;
	[tilespmem:$0x1E400] =	vst v63  }
0x1d2: {  	_ =	swait.ge [sflag:s10], $0x4000  }
0x1d3: {  	[sflag:s10] =	ssyncset.done $0x0  }
0x1d4: {  	s23 =	simm.s32 $0x15080;
	[sflag:s10] =	ssyncadd.s32 $0xFFFFC000  }
0x1d5: {  	[spmem:s2] =	stream.indirect.scatter.add.f32 [tilespmem:s6], [sflag:$0x3], $0x80, s23, s0, $0xb8;
	[tilespmem:$0x1E400] =	vst v63  }
0x1d6: {  	_ =	swait.ge [sflag:s30], $0x4000  }
0x1d7: {  	s19 =	simm.s32 $0x100;
	s20 =	simm.s32 $0x800;
	[sflag:s30] =	ssyncset.done $0x0  }
.LBB2_12:
0x1d8: {  	s21 =	sadd.s32 $0x13C80, s19  }
0x1d9: {  	[sflag:s30] =	ssyncadd.s32 $0xFFFFC000;
	s22 =	smov.u32 s20;
	s23 =	sadd.s32 $0x400, s20  }
0x1da: {  	[tilespmem:s6], [sflag:$0x2] =	stream.indirect.gather [hbm4b:s4+s0], $0x80, s21, s0, $0xb8;
	[tilespmem:$0x1E400] =	vst v63  }
0x1db: {  	p1 =	sne.s32 s20, $0x4800;
	_ =	swait.ge [sflag:s8], $0x4000  }
0x1dc: {  	[sflag:s8] =	ssyncset.done $0x0  }
0x1dd: {  	s20 =	sadd.s32 $0x15000, s19;
	[sflag:s8] =	ssyncadd.s32 $0xFFFFC000  }
0x1de: {  	[spmem:s2] =	stream.indirect.scatter.add.f32 [tilespmem:s3], [sflag:$0x3], $0x80, s20, s0, $0xb8;
	[tilespmem:$0x1E400] =	vst v63  }
0x1df: {  	_ =	swait.ge [sflag:s30], $0x4000  }
0x1e0: {  	[sflag:s30] =	ssyncset.done $0x0  }
0x1e1: {  	s20 =	sadd.s32 $0x13D00, s19;
	[sflag:s30] =	ssyncadd.s32 $0xFFFFC000  }
0x1e2: {  	[tilespmem:s3], [sflag:$0x1] =	stream.indirect.gather [hbm4b:s4+s0], $0x80, s20, s0, $0xb8;
	[tilespmem:$0x1E400] =	vst v63  }
0x1e3: {  	_ =	swait.ge [sflag:s10], $0x4000  }
.Ltmp5:
0x1e4: {  	[sflag:s10] =	ssyncset.done $0x0;
	(pc) =	sbr.rel @p1 .LBB2_12-.Ltmp5, $4  }
0x1e5: {  	s19 =	sadd.s32 $0x15080, s19;
	[sflag:s10] =	ssyncadd.s32 $0xFFFFC000  }
0x1e6: {  	[spmem:s2] =	stream.indirect.scatter.add.f32 [tilespmem:s6], [sflag:$0x3], $0x80, s19, s0, $0xb8;
	[tilespmem:$0x1E400] =	vst v63  }
0x1e7: {  	_ =	swait.ge [sflag:s30], $0x4000  }
0x1e8: {  	s20 =	smov.u32 s23;
	s19 =	sshra.s32 s22, $0x2;
	[sflag:s30] =	ssyncset.done $0x0  }
0x1e9: {  	s20 =	sadd.s32 $0x13C80, s19;
	[sflag:s30] =	ssyncadd.s32 $0xFFFFC000  }
0x1ea: {  	[tilespmem:s6], [sflag:$0x2] =	stream.indirect.gather [hbm4b:s4+s0], $0x80, s20, s0, $0xb8;
	[tilespmem:$0x1E400] =	vst v63  }
0x1eb: {  	_ =	swait.ge [sflag:s8], $0x4000  }
0x1ec: {  	[sflag:s8] =	ssyncset.done $0x0  }
0x1ed: {  	s22 =	sadd.s32 $0x15000, s19;
	[sflag:s8] =	ssyncadd.s32 $0xFFFFC000  }
0x1ee: {  	[spmem:s2] =	stream.indirect.scatter.add.f32 [tilespmem:s3], [sflag:$0x3], $0x80, s22, s0, $0xb8;
	[tilespmem:$0x1E400] =	vst v63  }
0x1ef: {  	_ =	swait.ge [sflag:s30], $0x4000  }
0x1f0: {  	[sflag:s30] =	ssyncset.done $0x0  }
0x1f1: {  	s23 =	sadd.s32 $0x13D00, s19;
	[sflag:s30] =	ssyncadd.s32 $0xFFFFC000  }
0x1f2: {  	[tilespmem:s3], [sflag:$0x1] =	stream.indirect.gather [hbm4b:s4+s0], $0x80, s23, s0, $0xb8;
	[tilespmem:$0x1E400] =	vst v63  }
0x1f3: {  	_ =	swait.ge [sflag:s10], $0x4000  }
0x1f4: {  	[sflag:s10] =	ssyncset.done $0x0  }
0x1f5: {  	s21 =	sadd.s32 $0x15080, s19;
	[sflag:s10] =	ssyncadd.s32 $0xFFFFC000  }
0x1f6: {  	[spmem:s2] =	stream.indirect.scatter.add.f32 [tilespmem:s6], [sflag:$0x3], $0x80, s21, s0, $0xb8;
	[tilespmem:$0x1E400] =	vst v63  }
0x1f7: {  	_ =	swait.ge [sflag:s30], $0x4000  }
0x1f8: {  	[sflag:s30] =	ssyncset.done $0x0  }
0x1f9: {  	[sflag:s30] =	ssyncadd.s32 $0xFFFFC000  }
0x1fa: {  	[tilespmem:s6], [sflag:$0x2] =	stream.indirect.gather [hbm4b:s4+s0], $0x80, s12, s0, $0xb8;
	[tilespmem:$0x1E400] =	vst v63  }
0x1fb: {  	_ =	swait.ge [sflag:s8], $0x4000  }
0x1fc: {  	[sflag:s8] =	ssyncset.done $0x0  }
0x1fd: {  	[sflag:s8] =	ssyncadd.s32 $0xFFFFC000  }
0x1fe: {  	[spmem:s2] =	stream.indirect.scatter.add.f32 [tilespmem:s3], [sflag:$0x3], $0x80, s13, s0, $0xb8;
	[tilespmem:$0x1E400] =	vst v63  }
0x1ff: {  	_ =	swait.ge [sflag:s30], $0x4000  }
0x200: {  	[sflag:s30] =	ssyncset.done $0x0  }
0x201: {  	[sflag:s30] =	ssyncadd.s32 $0xFFFFC000  }
0x202: {  	_ =	swait.ge [sflag:s10], $0x4000  }
0x203: {  	[sflag:s10] =	ssyncset.done $0x0  }
0x204: {  	[sflag:s10] =	ssyncadd.s32 $0xFFFFC000  }
0x205: {  	[spmem:s2] =	stream.indirect.scatter.add.f32 [tilespmem:s6], [sflag:$0x3], $0x80, s14, s0, $0xb8;
	[tilespmem:$0x1E400] =	vst v63  }
0x206: {  	_ =	swait.ge [sflag:s30], $0x4000  }
0x207: {  	[sflag:s30] =	ssyncset.done $0x0  }
0x208: {  	[sflag:s30] =	ssyncadd.s32 $0xFFFFC000  }
0x209: {  	s19 =	simm.s32 @p0 $0x3;
	[bflag:$0x0] =	sbarrier.arrive $0xFFFF  }
0x20a: {  	[hbm:s25], [sflag:s7] =	dma.local @p0 [spmem:s17], $0x2800  }
0x20b: {  	_ =	swait.ge @p0 [sflag:s19], $0x2800  }
0x20c: {  	[sflag:s19] =	ssyncset.done @p0 $0x0  }
0x20d: {  	[sflag:s19] =	ssyncadd.s32 @p0 $0xFFFFD800;
	s19 =	rddreg [dreg:$0xe]  }
0x20e: {  	[hbm:s19], [sflag:s7] =	dma.local @!p0 [spmem:s18], $0x2700  }
0x20f: {  	s19 =	simm.s32 @!p0 $0x3  }
0x210: {  	_ =	swait.ge @!p0 [sflag:s19], $0x2700  }
0x211: {  	[sflag:s19] =	ssyncset.done @!p0 $0x0  }
0x212: {  	[sflag:s19] =	ssyncadd.s32 @!p0 $0xFFFFD900  }
0x213: {  	[bflag:$0x0] =	sbarrier.arrive $0xFFFF  }
0x214: {  	[spmem:s16], [sflag:s7] =	dma.local [hbm:s5], $0x2780  }
0x215: {  	_ =	swait.ge [sflag:s30], $0x2780  }
0x216: {  	[sflag:s30] =	ssyncset.done $0x0  }
0x217: {  	[sflag:s30] =	ssyncadd.s32 $0xFFFFD880  }
0x218: {  	[bflag:$0x0] =	sbarrier.arrive $0xFFFF  }
0x219: {  	s22 =	simm.s32 $0x0;
	s23 =	rddreg [dreg:$0xf]  }
0x21a: {  	[tilespmem:s31], [sflag:$0x3] =	stream.linear.gather [hbm4b:s23+s22], $0x1400, $0x38;
	[tilespmem:$0x1E400] =	vst v63  }
0x21b: {  	_ =	swait.ge [sflag:s30], $0x1400  }
0x21c: {  	[sflag:s30] =	ssyncset.done $0x0  }
0x21d: {  	[sflag:s30] =	ssyncadd.s32 $0xFFFFEC00  }
0x21e: {  	[tilespmem:s1], [sflag:$0x3] =	stream.linear.gather [hbm4b:s9+s22], $0x1400, $0x38;
	[tilespmem:$0x1E400] =	vst v63  }
0x21f: {  	_ =	swait.ge [sflag:s30], $0x1400  }
0x220: {  	[sflag:s30] =	ssyncset.done $0x0  }
0x221: {  	[sflag:s30] =	ssyncadd.s32 $0xFFFFEC00  }
0x222: {  	[tilespmem:s3], [sflag:$0x1] =	stream.indirect.gather [hbm4b:s4+s0], $0x80, s31, s0, $0xb8;
	[tilespmem:$0x1E400] =	vst v63  }
0x223: {  	s20 =	simm.s32 $0x13C80  }
0x224: {  	[tilespmem:s6], [sflag:$0x2] =	stream.indirect.gather [hbm4b:s4+s0], $0x80, s20, s0, $0xb8;
	[tilespmem:$0x1E400] =	vst v63  }
0x225: {  	_ =	swait.ge [sflag:s8], $0x4000  }
0x226: {  	[sflag:s8] =	ssyncset.done $0x0  }
0x227: {  	s21 =	simm.s32 $0x15000;
	[sflag:s8] =	ssyncadd.s32 $0xFFFFC000  }
0x228: {  	[spmem:s2] =	stream.indirect.scatter.add.f32 [tilespmem:s3], [sflag:$0x3], $0x80, s21, s0, $0xb8;
	[tilespmem:$0x1E400] =	vst v63  }
0x229: {  	_ =	swait.ge [sflag:s30], $0x4000  }
0x22a: {  	[sflag:s30] =	ssyncset.done $0x0  }
0x22b: {  	s22 =	simm.s32 $0x13D00;
	[sflag:s30] =	ssyncadd.s32 $0xFFFFC000  }
0x22c: {  	[tilespmem:s3], [sflag:$0x1] =	stream.indirect.gather [hbm4b:s4+s0], $0x80, s22, s0, $0xb8;
	[tilespmem:$0x1E400] =	vst v63  }
0x22d: {  	_ =	swait.ge [sflag:s10], $0x4000  }
0x22e: {  	[sflag:s10] =	ssyncset.done $0x0  }
0x22f: {  	s23 =	simm.s32 $0x15080;
	[sflag:s10] =	ssyncadd.s32 $0xFFFFC000  }
0x230: {  	[spmem:s2] =	stream.indirect.scatter.add.f32 [tilespmem:s6], [sflag:$0x3], $0x80, s23, s0, $0xb8;
	[tilespmem:$0x1E400] =	vst v63  }
0x231: {  	_ =	swait.ge [sflag:s30], $0x4000  }
0x232: {  	s19 =	simm.s32 $0x800;
	s16 =	simm.s32 $0x100;
	[sflag:s30] =	ssyncset.done $0x0  }
.LBB2_14:
0x233: {  	s20 =	sadd.s32 $0x13C80, s16  }
0x234: {  	[sflag:s30] =	ssyncadd.s32 $0xFFFFC000;
	s21 =	smov.u32 s19;
	s22 =	sadd.s32 $0x400, s19  }
0x235: {  	[tilespmem:s6], [sflag:$0x2] =	stream.indirect.gather [hbm4b:s4+s0], $0x80, s20, s0, $0xb8;
	[tilespmem:$0x1E400] =	vst v63  }
0x236: {  	p1 =	sne.s32 s19, $0x4800;
	_ =	swait.ge [sflag:s8], $0x4000  }
0x237: {  	[sflag:s8] =	ssyncset.done $0x0  }
0x238: {  	s19 =	sadd.s32 $0x15000, s16;
	[sflag:s8] =	ssyncadd.s32 $0xFFFFC000  }
0x239: {  	[spmem:s2] =	stream.indirect.scatter.add.f32 [tilespmem:s3], [sflag:$0x3], $0x80, s19, s0, $0xb8;
	[tilespmem:$0x1E400] =	vst v63  }
0x23a: {  	_ =	swait.ge [sflag:s30], $0x4000  }
0x23b: {  	[sflag:s30] =	ssyncset.done $0x0  }
0x23c: {  	s19 =	sadd.s32 $0x13D00, s16;
	[sflag:s30] =	ssyncadd.s32 $0xFFFFC000  }
0x23d: {  	[tilespmem:s3], [sflag:$0x1] =	stream.indirect.gather [hbm4b:s4+s0], $0x80, s19, s0, $0xb8;
	[tilespmem:$0x1E400] =	vst v63  }
0x23e: {  	_ =	swait.ge [sflag:s10], $0x4000  }
.Ltmp6:
0x23f: {  	[sflag:s10] =	ssyncset.done $0x0;
	(pc) =	sbr.rel @p1 .LBB2_14-.Ltmp6, $4  }
0x240: {  	s16 =	sadd.s32 $0x15080, s16;
	[sflag:s10] =	ssyncadd.s32 $0xFFFFC000  }
0x241: {  	[spmem:s2] =	stream.indirect.scatter.add.f32 [tilespmem:s6], [sflag:$0x3], $0x80, s16, s0, $0xb8;
	[tilespmem:$0x1E400] =	vst v63  }
0x242: {  	_ =	swait.ge [sflag:s30], $0x4000  }
0x243: {  	s19 =	smov.u32 s22;
	s16 =	sshra.s32 s21, $0x2;
	[sflag:s30] =	ssyncset.done $0x0  }
0x244: {  	s19 =	sadd.s32 $0x13C80, s16;
	[sflag:s30] =	ssyncadd.s32 $0xFFFFC000  }
0x245: {  	[tilespmem:s6], [sflag:$0x2] =	stream.indirect.gather [hbm4b:s4+s0], $0x80, s19, s0, $0xb8;
	[tilespmem:$0x1E400] =	vst v63  }
0x246: {  	_ =	swait.ge [sflag:s8], $0x4000  }
0x247: {  	[sflag:s8] =	ssyncset.done $0x0  }
0x248: {  	s23 =	sadd.s32 $0x15000, s16;
	[sflag:s8] =	ssyncadd.s32 $0xFFFFC000  }
0x249: {  	[spmem:s2] =	stream.indirect.scatter.add.f32 [tilespmem:s3], [sflag:$0x3], $0x80, s23, s0, $0xb8;
	[tilespmem:$0x1E400] =	vst v63  }
0x24a: {  	_ =	swait.ge [sflag:s30], $0x4000  }
0x24b: {  	[sflag:s30] =	ssyncset.done $0x0  }
0x24c: {  	s20 =	sadd.s32 $0x13D00, s16;
	[sflag:s30] =	ssyncadd.s32 $0xFFFFC000  }
0x24d: {  	[tilespmem:s3], [sflag:$0x1] =	stream.indirect.gather [hbm4b:s4+s0], $0x80, s20, s0, $0xb8;
	[tilespmem:$0x1E400] =	vst v63  }
0x24e: {  	_ =	swait.ge [sflag:s10], $0x4000  }
0x24f: {  	[sflag:s10] =	ssyncset.done $0x0  }
0x250: {  	s21 =	sadd.s32 $0x15080, s16;
	[sflag:s10] =	ssyncadd.s32 $0xFFFFC000  }
0x251: {  	[spmem:s2] =	stream.indirect.scatter.add.f32 [tilespmem:s6], [sflag:$0x3], $0x80, s21, s0, $0xb8;
	[tilespmem:$0x1E400] =	vst v63  }
0x252: {  	_ =	swait.ge [sflag:s30], $0x4000  }
0x253: {  	[sflag:s30] =	ssyncset.done $0x0  }
0x254: {  	[sflag:s30] =	ssyncadd.s32 $0xFFFFC000  }
0x255: {  	[tilespmem:s6], [sflag:$0x2] =	stream.indirect.gather [hbm4b:s4+s0], $0x80, s12, s0, $0xb8;
	[tilespmem:$0x1E400] =	vst v63  }
0x256: {  	_ =	swait.ge [sflag:s8], $0x4000  }
0x257: {  	[sflag:s8] =	ssyncset.done $0x0  }
0x258: {  	[sflag:s8] =	ssyncadd.s32 $0xFFFFC000  }
0x259: {  	[spmem:s2] =	stream.indirect.scatter.add.f32 [tilespmem:s3], [sflag:$0x3], $0x80, s13, s0, $0xb8;
	[tilespmem:$0x1E400] =	vst v63  }
0x25a: {  	_ =	swait.ge [sflag:s30], $0x4000  }
0x25b: {  	[sflag:s30] =	ssyncset.done $0x0  }
0x25c: {  	[sflag:s30] =	ssyncadd.s32 $0xFFFFC000  }
0x25d: {  	_ =	swait.ge [sflag:s10], $0x4000  }
0x25e: {  	[sflag:s10] =	ssyncset.done $0x0  }
0x25f: {  	[sflag:s10] =	ssyncadd.s32 $0xFFFFC000  }
0x260: {  	[spmem:s2] =	stream.indirect.scatter.add.f32 [tilespmem:s6], [sflag:$0x3], $0x80, s14, s0, $0xb8;
	[tilespmem:$0x1E400] =	vst v63  }
0x261: {  	_ =	swait.ge [sflag:s30], $0x4000  }
0x262: {  	[sflag:s30] =	ssyncset.done $0x0  }
0x263: {  	s22 =	simm.s32 $0x0;
	s23 =	rddreg [dreg:$0x10];
	[sflag:s30] =	ssyncadd.s32 $0xFFFFC000  }
0x264: {  	[tilespmem:s31], [sflag:$0x3] =	stream.linear.gather [hbm4b:s23+s22], $0x1400, $0x38;
	[tilespmem:$0x1E400] =	vst v63  }
0x265: {  	_ =	swait.ge [sflag:s30], $0x1400  }
0x266: {  	[sflag:s30] =	ssyncset.done $0x0  }
0x267: {  	[sflag:s30] =	ssyncadd.s32 $0xFFFFEC00  }
0x268: {  	[tilespmem:s1], [sflag:$0x3] =	stream.linear.gather [hbm4b:s11+s22], $0x1400, $0x38;
	[tilespmem:$0x1E400] =	vst v63  }
0x269: {  	_ =	swait.ge [sflag:s30], $0x1400  }
0x26a: {  	[sflag:s30] =	ssyncset.done $0x0  }
0x26b: {  	[sflag:s30] =	ssyncadd.s32 $0xFFFFEC00  }
0x26c: {  	[tilespmem:s3], [sflag:$0x1] =	stream.indirect.gather [hbm4b:s4+s0], $0x80, s31, s0, $0xb8;
	[tilespmem:$0x1E400] =	vst v63  }
0x26d: {  	s20 =	simm.s32 $0x13C80  }
0x26e: {  	[tilespmem:s6], [sflag:$0x2] =	stream.indirect.gather [hbm4b:s4+s0], $0x80, s20, s0, $0xb8;
	[tilespmem:$0x1E400] =	vst v63  }
0x26f: {  	_ =	swait.ge [sflag:s8], $0x4000  }
0x270: {  	[sflag:s8] =	ssyncset.done $0x0  }
0x271: {  	s21 =	simm.s32 $0x15000;
	[sflag:s8] =	ssyncadd.s32 $0xFFFFC000  }
0x272: {  	[spmem:s2] =	stream.indirect.scatter.add.f32 [tilespmem:s3], [sflag:$0x3], $0x80, s21, s0, $0xb8;
	[tilespmem:$0x1E400] =	vst v63  }
0x273: {  	_ =	swait.ge [sflag:s30], $0x4000  }
0x274: {  	[sflag:s30] =	ssyncset.done $0x0  }
0x275: {  	s22 =	simm.s32 $0x13D00;
	[sflag:s30] =	ssyncadd.s32 $0xFFFFC000  }
0x276: {  	[tilespmem:s3], [sflag:$0x1] =	stream.indirect.gather [hbm4b:s4+s0], $0x80, s22, s0, $0xb8;
	[tilespmem:$0x1E400] =	vst v63  }
0x277: {  	_ =	swait.ge [sflag:s10], $0x4000  }
0x278: {  	[sflag:s10] =	ssyncset.done $0x0  }
0x279: {  	s23 =	simm.s32 $0x15080;
	[sflag:s10] =	ssyncadd.s32 $0xFFFFC000  }
0x27a: {  	[spmem:s2] =	stream.indirect.scatter.add.f32 [tilespmem:s6], [sflag:$0x3], $0x80, s23, s0, $0xb8;
	[tilespmem:$0x1E400] =	vst v63  }
0x27b: {  	_ =	swait.ge [sflag:s30], $0x4000  }
0x27c: {  	s16 =	simm.s32 $0x100;
	s19 =	simm.s32 $0x800;
	[sflag:s30] =	ssyncset.done $0x0  }
.LBB2_16:
0x27d: {  	s20 =	sadd.s32 $0x13C80, s16  }
0x27e: {  	[sflag:s30] =	ssyncadd.s32 $0xFFFFC000;
	s21 =	smov.u32 s19;
	s22 =	sadd.s32 $0x400, s19  }
0x27f: {  	[tilespmem:s6], [sflag:$0x2] =	stream.indirect.gather [hbm4b:s4+s0], $0x80, s20, s0, $0xb8;
	[tilespmem:$0x1E400] =	vst v63  }
0x280: {  	p1 =	sne.s32 s19, $0x4800;
	_ =	swait.ge [sflag:s8], $0x4000  }
0x281: {  	[sflag:s8] =	ssyncset.done $0x0  }
0x282: {  	s19 =	sadd.s32 $0x15000, s16;
	[sflag:s8] =	ssyncadd.s32 $0xFFFFC000  }
0x283: {  	[spmem:s2] =	stream.indirect.scatter.add.f32 [tilespmem:s3], [sflag:$0x3], $0x80, s19, s0, $0xb8;
	[tilespmem:$0x1E400] =	vst v63  }
0x284: {  	_ =	swait.ge [sflag:s30], $0x4000  }
0x285: {  	[sflag:s30] =	ssyncset.done $0x0  }
0x286: {  	s19 =	sadd.s32 $0x13D00, s16;
	[sflag:s30] =	ssyncadd.s32 $0xFFFFC000  }
0x287: {  	[tilespmem:s3], [sflag:$0x1] =	stream.indirect.gather [hbm4b:s4+s0], $0x80, s19, s0, $0xb8;
	[tilespmem:$0x1E400] =	vst v63  }
0x288: {  	_ =	swait.ge [sflag:s10], $0x4000  }
.Ltmp7:
0x289: {  	[sflag:s10] =	ssyncset.done $0x0;
	(pc) =	sbr.rel @p1 .LBB2_16-.Ltmp7, $4  }
0x28a: {  	s16 =	sadd.s32 $0x15080, s16;
	[sflag:s10] =	ssyncadd.s32 $0xFFFFC000  }
0x28b: {  	[spmem:s2] =	stream.indirect.scatter.add.f32 [tilespmem:s6], [sflag:$0x3], $0x80, s16, s0, $0xb8;
	[tilespmem:$0x1E400] =	vst v63  }
0x28c: {  	_ =	swait.ge [sflag:s30], $0x4000  }
0x28d: {  	s19 =	smov.u32 s22;
	s16 =	sshra.s32 s21, $0x2;
	[sflag:s30] =	ssyncset.done $0x0  }
0x28e: {  	s19 =	sadd.s32 $0x13C80, s16;
	[sflag:s30] =	ssyncadd.s32 $0xFFFFC000  }
0x28f: {  	[tilespmem:s6], [sflag:$0x2] =	stream.indirect.gather [hbm4b:s4+s0], $0x80, s19, s0, $0xb8;
	[tilespmem:$0x1E400] =	vst v63  }
0x290: {  	_ =	swait.ge [sflag:s8], $0x4000  }
0x291: {  	[sflag:s8] =	ssyncset.done $0x0  }
0x292: {  	s21 =	sadd.s32 $0x15000, s16;
	[sflag:s8] =	ssyncadd.s32 $0xFFFFC000  }
0x293: {  	[spmem:s2] =	stream.indirect.scatter.add.f32 [tilespmem:s3], [sflag:$0x3], $0x80, s21, s0, $0xb8;
	[tilespmem:$0x1E400] =	vst v63  }
0x294: {  	_ =	swait.ge [sflag:s30], $0x4000  }
0x295: {  	[sflag:s30] =	ssyncset.done $0x0  }
0x296: {  	s22 =	sadd.s32 $0x13D00, s16;
	[sflag:s30] =	ssyncadd.s32 $0xFFFFC000  }
0x297: {  	[tilespmem:s3], [sflag:$0x1] =	stream.indirect.gather [hbm4b:s4+s0], $0x80, s22, s0, $0xb8;
	[tilespmem:$0x1E400] =	vst v63  }
0x298: {  	_ =	swait.ge [sflag:s10], $0x4000  }
0x299: {  	[sflag:s10] =	ssyncset.done $0x0  }
0x29a: {  	s23 =	sadd.s32 $0x15080, s16;
	[sflag:s10] =	ssyncadd.s32 $0xFFFFC000  }
0x29b: {  	[spmem:s2] =	stream.indirect.scatter.add.f32 [tilespmem:s6], [sflag:$0x3], $0x80, s23, s0, $0xb8;
	[tilespmem:$0x1E400] =	vst v63  }
0x29c: {  	_ =	swait.ge [sflag:s30], $0x4000  }
0x29d: {  	[sflag:s30] =	ssyncset.done $0x0  }
0x29e: {  	[sflag:s30] =	ssyncadd.s32 $0xFFFFC000  }
0x29f: {  	[tilespmem:s6], [sflag:$0x2] =	stream.indirect.gather [hbm4b:s4+s0], $0x80, s12, s0, $0xb8;
	[tilespmem:$0x1E400] =	vst v63  }
0x2a0: {  	_ =	swait.ge [sflag:s8], $0x4000  }
0x2a1: {  	[sflag:s8] =	ssyncset.done $0x0  }
0x2a2: {  	[sflag:s8] =	ssyncadd.s32 $0xFFFFC000  }
0x2a3: {  	[spmem:s2] =	stream.indirect.scatter.add.f32 [tilespmem:s3], [sflag:$0x3], $0x80, s13, s0, $0xb8;
	[tilespmem:$0x1E400] =	vst v63  }
0x2a4: {  	_ =	swait.ge [sflag:s30], $0x4000  }
0x2a5: {  	[sflag:s30] =	ssyncset.done $0x0  }
0x2a6: {  	[sflag:s30] =	ssyncadd.s32 $0xFFFFC000  }
0x2a7: {  	_ =	swait.ge [sflag:s10], $0x4000  }
0x2a8: {  	[sflag:s10] =	ssyncset.done $0x0  }
0x2a9: {  	[sflag:s10] =	ssyncadd.s32 $0xFFFFC000  }
0x2aa: {  	[spmem:s2] =	stream.indirect.scatter.add.f32 [tilespmem:s6], [sflag:$0x3], $0x80, s14, s0, $0xb8;
	[tilespmem:$0x1E400] =	vst v63  }
0x2ab: {  	_ =	swait.ge [sflag:s30], $0x4000  }
0x2ac: {  	[sflag:s30] =	ssyncset.done $0x0  }
0x2ad: {  	[sflag:s30] =	ssyncadd.s32 $0xFFFFC000  }
0x2ae: {  	s16 =	simm.s32 @p0 $0x3;
	[bflag:$0x0] =	sbarrier.arrive $0xFFFF  }
0x2af: {  	[hbm:s26], [sflag:s7] =	dma.local @p0 [spmem:s17], $0x2800  }
0x2b0: {  	_ =	swait.ge @p0 [sflag:s16], $0x2800  }
0x2b1: {  	s15 =	sadd.s32 $0x1, s15;
	[sflag:s16] =	ssyncset.done @p0 $0x0  }
0x2b2: {  	p1 =	sne.s32 s15, s28;
	[sflag:s16] =	ssyncadd.s32 @p0 $0xFFFFD800;
	s16 =	rddreg [dreg:$0x11]  }
0x2b3: {  	[hbm:s16], [sflag:s7] =	dma.local @!p0 [spmem:s18], $0x2700  }
.Ltmp8:
0x2b4: {  	_ = 	snop;
	(pc) =	sbr.rel @p1 .LBB2_1-.Ltmp8, $4  }
0x2b5: {  	s16 =	simm.s32 @!p0 $0x3  }
0x2b6: {  	_ =	swait.ge @!p0 [sflag:s16], $0x2700  }
0x2b7: {  	[sflag:s16] =	ssyncset.done @!p0 $0x0  }
0x2b8: {  	[sflag:s16] =	ssyncadd.s32 @!p0 $0xFFFFD900  }
0x2b9: {  	_ =	sfence.sel $0x180000  }
0x2ba: {  	[bflag:$0x0] =	sbarrier.arrive $0xFFFF  }
0x2bb: {  	_ =	strace $0x9000004A  }
0x2bc: {  	s0 =	stileid.u32;
	[bflag:$0x2] =	sbarrier.arrive $0xFFFF  }
0x2bd: {  	p0 =	sne.s32 s0, $0x0;
	s0 =	rddreg [dreg:$0x2]  }
0x2be: {  	s0 =	sadd.s32 @!p0 $0x100000, s0  }
0x2bf: {  	[sflag:s0] =	ssyncadd.tile.s32 @!p0 $0x1;
	_ =	shalt  }
.Lfunc_end2:
_tile_overlayer_lowered:
.L_overlay_start_2:
0x2c0: {  	(tag) =	ssettag $0x2  }
0x2c1: {  	s0 =	rddreg [dreg:$0x0];
	s2 =	stileid.u32  }
0x2c2: {  	s1 =	rddreg [dreg:$0x1];
	p0 =	sne.s32 s2, $0x0  }
0x2c3: {  	s3 =	rddreg [dreg:$0x2];
	[bflag:$0x3] =	sbarrier.arrive $0xFFFF;
	s2 =	simm.s32 @!p0 $0x1C03  }
0x2c4: {  	[timem:s3], [sflag:s2] =	dma.local @!p0 [hbm:s0], s1  }
0x2c5: {  	s0 =	simm.s32 @!p0 $0x3  }
0x2c6: {  	_ =	swait.ge @!p0 [sflag:s0], s1  }
0x2c7: {  	s1 =	ssub.s32 @!p0 $0x0, s1;
	[sflag:s0] =	ssyncset.done @!p0 $0x0  }
0x2c8: {  	[sflag:s0] =	ssyncadd.s32 @!p0 s1  }
0x2c9: {  	[bflag:$0x3] =	sbarrier.arrive $0xFFFF  }
0x2ca: {  	_ =	shalt  }

// kernel: kernel.15.cloned.1.call-start
scs
__scs_entry_jumppad:
0x0: {  	(pc) =	sbr.rel $0x88, $3  }
0x1: {  	(tag) =	ssettag $0x0;
	lr =	simm.s32 $0x1  }
0x2: {  	[smem:$0x3F99] =	sst lr;
	_ =	strace $0xD0000000  }
0x3: {  	_ = 	snop  }
0x4: {  	_ = 	snop  }
0x5: {  	_ = 	snop  }
0x6: {  	_ = 	snop  }
0x7: {  	_ = 	snop  }
__scs_overlays_trampoline_lowered:
0x8: {  	[smem:$0x3FA8] =	sst s0  }
0x9: {  	[smem:$0x3FA9] =	sst s1  }
0xa: {  	[smem:$0x3FAA] =	sst s2  }
0xb: {  	[smem:$0x3FAB] =	sst s3  }
0xc: {  	[smem:$0x3FAC] =	sst s4  }
0xd: {  	[smem:$0x3FAD] =	sst s5  }
0xe: {  	[smem:$0x3FAE] =	sst s6  }
0xf: {  	[smem:$0x3FAF] =	sst s7  }
0x10: {  	[smem:$0x3FB0] =	sst s8  }
0x11: {  	[smem:$0x3FB1] =	sst s9;
	s0 =	simm.s32 @!p0 $0x0  }
0x12: {  	s1 =	sld [smem:$0x3F97];
	s0 =	simm.s32 @p0 $0x1  }
0x13: {  	[smem:$0x3FB2] =	sst s0;
	s0 =	simm.s32 @!p1 $0x0  }
0x14: {  	s2 =	sld [smem:$0x3F96];
	s0 =	simm.s32 @p1 $0x1  }
0x15: {  	[smem:$0x3FB3] =	sst s0;
	s0 =	simm.s32 @!p2 $0x0  }
0x16: {  	s3 =	sld [smem:$0x3FDB];
	s0 =	simm.s32 @p2 $0x1  }
0x17: {  	s4 =	simm.s32 $0x1BF5;
	[smem:$0x3FB5] =	sst s0  }
0x18: {  	s0 =	sld [smem:$0x3F98];
	_ =	swait.ge [sflag:s4], $0x0  }
0x19: {  	s7 =	sld [smem:$0x3F99]  }
0x1a: {  	s8 =	sadd.s32 $0xFFFFE003, lr  }
0x1b: {  	s9 =	sadd.s32 $0xFFFFFEF7, lr;
	s5 =	simm.s32 $0xFFFFFFFF;
	p2 =	slt.u32 s8, $0xFFFFF086  }
0x1c: {  	p1 =	slt.u32 s9, $0xF7A;
	s5 =	simm.s32 @!p2 $0x0  }
0x1d: {  	s5 =	simm.s32 @p1 $0x1;
	p0 =	seq.s32 s7, s2  }
0x1e: {  	s7 =	smul.u32 @!p0 $0xF7A, s2;
	p2 =	seq.s32 @!p0 s5, $0x0  }
0x1f: {  	s9 =	smul.u32 $0xF7A, s1;
	s8 =	simm.s32 @!p0 $0x1BF5;
	p2 =	por !p2, p0  }
0x20: {  	[sflag:s8] =	ssyncset.s32 @!p0 $0xFFFFF086;
	s6 =	sadd.s32 @!p0 s3, s7;
	s7 =	simm.s32 @!p0 $0x108  }
0x21: {  	s3 =	sadd.s32 s3, s9;
	s6 =	sadd.s32 @!p0 $0x88, s6;
	s7 =	simm.s32 @p2 $0x1082  }
0x22: {  	[simem:s7], [sflag:s8] =	dma.local @!p0 [hbm:s6], $0xF7A  }
0x23: {  	s9 =	sor.u32 $0xD0000000, s2;
	s6 =	simm.s32 $0x108;
	_ =	swait.ge @!p0 [sflag:s8], $0x0  }
0x24: {  	s3 =	sadd.s32 $0x88, s3;
	s6 =	simm.s32 @!p1 $0x1082;
	[sflag:s4] =	ssyncset.s32 $0xFFFFF086  }
0x25: {  	[simem:s6], [sflag:s4] =	dma.local [hbm:s3], $0xF7A  }
0x26: {  	[smem:$0x3F99] =	sst s1;
	(tag) =	ssettag s2;
	_ =	strace s9  }
0x27: {  	s1 =	sld [smem:$0x3FA9]  }
0x28: {  	s2 =	sld [smem:$0x3FAA]  }
0x29: {  	s4 =	sld [smem:$0x3FAC]  }
0x2a: {  	p0 =	seq.s32 s5, $0x0;
	s5 =	sld [smem:$0x3FAD]  }
0x2b: {  	s6 =	sld [smem:$0x3FAE]  }
0x2c: {  	s7 =	sld [smem:$0x3FAF]  }
0x2d: {  	s3 =	simm.s32 $0x108;
	s8 =	sld [smem:$0x3FB0]  }
0x2e: {  	s3 =	simm.s32 @!p0 $0x1082;
	s9 =	sld [smem:$0x3FB1]  }
0x2f: {  	lr =	sadd.s32 s0, s3;
	s0 =	sld [smem:$0x3FA8]  }
0x30: {  	s3 =	sld [smem:$0x3FAB]  }
0x31: {  	[smem:$0x3FB4] =	sst s10  }
0x32: {  	s10 =	sld [smem:$0x3FB2];
	_ =	sdelay $0x3  }
0x33: {  	p0 =	seq.s32 s10, $0x1;
	s10 =	sld [smem:$0x3FB4];
	_ =	sdelay $0x3  }
0x34: {  	[smem:$0x3FB4] =	sst s10  }
0x35: {  	s10 =	sld [smem:$0x3FB3];
	_ =	sdelay $0x3  }
0x36: {  	p1 =	seq.s32 s10, $0x1;
	s10 =	sld [smem:$0x3FB4];
	_ =	sdelay $0x3  }
0x37: {  	[smem:$0x3FB4] =	sst s10  }
0x38: {  	s10 =	sld [smem:$0x3FB5]  }
0x39: {  	_ = 	snop;
	(pc) =	sbr.ind lr, $3  }
0x3a: {  	_ = 	snop  }
0x3b: {  	_ = 	snop  }
0x3c: {  	p2 =	seq.s32 s10, $0x1;
	s10 =	sld [smem:$0x3FB4]  }
0x3d: {  	_ =	shalt  }
0x3e: {  	_ =	shalt  }
0x3f: {  	_ =	shalt  }
0x40: {  	_ =	shalt  }
0x41: {  	_ =	shalt  }
0x42: {  	_ =	shalt  }
0x43: {  	_ =	shalt  }
0x44: {  	_ =	shalt  }
0x45: {  	_ =	shalt  }
0x46: {  	_ =	shalt  }
0x47: {  	_ =	shalt  }
0x48: {  	_ =	shalt  }
0x49: {  	_ =	shalt  }
0x4a: {  	_ =	shalt  }
0x4b: {  	_ =	shalt  }
0x4c: {  	_ =	shalt  }
0x4d: {  	_ =	shalt  }
0x4e: {  	_ =	shalt  }
0x4f: {  	_ =	shalt  }
0x50: {  	_ =	shalt  }
0x51: {  	_ =	shalt  }
0x52: {  	_ =	shalt  }
0x53: {  	_ =	shalt  }
0x54: {  	_ =	shalt  }
0x55: {  	_ =	shalt  }
0x56: {  	_ =	shalt  }
0x57: {  	_ =	shalt  }
0x58: {  	_ =	shalt  }
0x59: {  	_ =	shalt  }
0x5a: {  	_ =	shalt  }
0x5b: {  	_ =	shalt  }
0x5c: {  	_ =	shalt  }
0x5d: {  	_ =	shalt  }
0x5e: {  	_ =	shalt  }
0x5f: {  	_ =	shalt  }
0x60: {  	_ =	shalt  }
0x61: {  	_ =	shalt  }
0x62: {  	_ =	shalt  }
0x63: {  	_ =	shalt  }
0x64: {  	_ =	shalt  }
0x65: {  	_ =	shalt  }
0x66: {  	_ =	shalt  }
0x67: {  	_ =	shalt  }
0x68: {  	_ =	shalt  }
0x69: {  	_ =	shalt  }
0x6a: {  	_ =	shalt  }
0x6b: {  	_ =	shalt  }
0x6c: {  	_ =	shalt  }
0x6d: {  	_ =	shalt  }
0x6e: {  	_ =	shalt  }
0x6f: {  	_ =	shalt  }
0x70: {  	_ =	shalt  }
0x71: {  	_ =	shalt  }
0x72: {  	_ =	shalt  }
0x73: {  	_ =	shalt  }
0x74: {  	_ =	shalt  }
0x75: {  	_ =	shalt  }
0x76: {  	_ =	shalt  }
0x77: {  	_ =	shalt  }
0x78: {  	_ =	shalt  }
0x79: {  	_ =	shalt  }
0x7a: {  	_ =	shalt  }
0x7b: {  	_ =	shalt  }
0x7c: {  	_ =	shalt  }
0x7d: {  	_ =	shalt  }
0x7e: {  	_ =	shalt  }
0x7f: {  	_ =	shalt  }
0x80: {  	_ =	shalt  }
0x81: {  	_ =	shalt  }
0x82: {  	_ =	shalt  }
0x83: {  	_ =	shalt  }
0x84: {  	_ =	shalt  }
0x85: {  	_ =	shalt  }
0x86: {  	_ =	shalt  }
0x87: {  	_ =	shalt  }
.Lfunc_end0:
.L_simem_size_0:
called_computation.2_lowered:
.L_overlay_start_0:
0x88: {  	s2 =	sld [smem:$0x3FD9]  }
0x89: {  	s3 =	sld [smem:$0x3FFE];
	_ =	sdelay $0x1  }
0x8a: {  	s1 =	srdreg.scid  }
0x8b: {  	s0 =	sand.u32 $0x1, s1  }
0x8c: {  	s17 =	sshll.u32 s0, $0xA;
	s2 =	sadd.s32 s3, s2  }
0x8d: {  	s2 =	sadd.s32 s2, s17  }
0x8e: {  	[smem:$0x3FC0] =	sst s2  }
0x8f: {  	_ = 	snop  }
0x90: {  	s2 =	sld [smem:$0x3FD0];
	(tm) =	ssettm $0x1  }
0x91: {  	s18 =	sld [smem:$0x3FFB];
	_ =	sdelay $0x3  }
0x92: {  	_ =	strace s18  }
0x93: {  	s3 =	sld [smem:$0x3FFC];
	_ =	sdelay $0x3  }
0x94: {  	_ =	strace s3  }
0x95: {  	s3 =	sld [smem:$0x3FFD];
	_ =	sdelay $0x3  }
0x96: {  	_ =	strace s3  }
0x97: {  	_ =	strace $0x8FFFFFFF  }
0x98: {  	s19 =	sld [smem:$0x3FDB];
	_ =	sdelay $0x1  }
0x99: {  	s4 =	simm.s32 $_scs_section_size  }
0x9a: {  	s5 =	simm.s32 $_size__tile_overlayer_lowered;
	s6 =	simm.s32 $_tile_overlayer_lowered  }
0x9b: {  	s22 =	simm.s32 $0x1BFF;
	s21 =	sshll.u32 s6, $0x1;
	s3 =	sadd.s32 s4, s19  }
0x9c: {  	s7 =	simm.s32 $0x0;
	s20 =	sshll.u32 s5, $0x1;
	s5 =	sadd.s32 s21, s3  }
0x9d: {  	[timem:s7], [sflag:s22] =	dma.local [hbm:s5], s20  }
0x9e: {  	_ =	swait.ge [sflag:s22], s20  }
0x9f: {  	s4 =	ssub.s32 $0x0, s20;
	[sflag:s22] =	ssyncset.done $0x0  }
0xa0: {  	[sflag:s22] =	ssyncadd.s32 s4;
	_ =	sdelay $0x1  }
0xa1: {  	s23 =	simm.s32 $0x1B8B  }
0xa2: {  	_ =	swait.ge [sflag:s23], $0x1  }
0xa3: {  	[sflag:s23] =	ssyncset.done $0x0  }
0xa4: {  	s25 =	simm.s32 $0x1B8E;
	s24 =	sld [smem:$0x3FFE];
	[sflag:s23] =	ssyncadd.s32 $0xFFFFFFFF  }
0xa5: {  	s26 =	simm.s32 $execute0_lowered;
	[smem:$0x3FD2] =	sst s25  }
0xa6: {  	s5 =	sshll.u32 s26, $0x1;
	_ =	strace $0x8000004C;
	[dreg:$0x1] =	wrdreg $0xFFFFFFFF  }
0xa7: {  	s28 =	simm.s32 $_size_execute0_lowered;
	s3 =	sadd.s32 s3, s5;
	[dreg:$0x0] =	wrdreg $0x0  }
0xa8: {  	s5 =	sshll.u32 s28, $0x1;
	[dreg:$0x2] =	wrdreg s3  }
0xa9: {  	[dreg:$0x3] =	wrdreg s5  }
0xaa: {  	[dreg:$0x4] =	wrdreg $0xC0  }
0xab: {  	_ =	task [dreg:s7], $0x5FFFF  }
0xac: {  	[dreg:$0x1] =	wrdreg $0xFFFFFFFF  }
0xad: {  	[dreg:$0x0] =	wrdreg $0x60  }
0xae: {  	[dreg:$0x2] =	wrdreg s2  }
0xaf: {  	[dreg:$0x3] =	wrdreg s24  }
0xb0: {  	[dreg:$0x4] =	wrdreg $0x0  }
0xb1: {  	[dreg:$0x5] =	wrdreg $0x9  }
0xb2: {  	_ =	task.clear_ibuf [dreg:s7], $0x6FFFF;
	_ =	strace $0x9000004C  }
0xb3: {  	s29 =	simm.s32 $0x9;
	_ =	strace $0x8000004E  }
0xb4: {  	_ =	swait.ge [sflag:s29], $0x1  }
0xb5: {  	[sflag:s29] =	ssyncadd.s32 $0xFFFFFFFF  }
0xb6: {  	_ =	strace $0x9000004E  }
0xb7: {  	_ =	sfence  }
0xb8: {  	s30 =	sld [smem:$0x0];
	_ =	sdelay $0x2  }
0xb9: {  	s31 =	sshll.u32 s1, $0xD;
	s1 =	sshrl.u32 s1, $0x2  }
0xba: {  	s3 =	sand.u32 $0x4000, s31;
	s1 =	sadd.s32 s1, s30  }
0xbb: {  	s0 =	sor.u32 s3, s0;
	s1 =	sshll.u32 s1, $0x11  }
0xbc: {  	s0 =	sor.u32 s1, s0  }
0xbd: {  	s0 =	sadd.s32 $0x8F2B, s0  }
0xbe: {  	[sflag:s0] =	ssyncadd.remote.s32 $0x1  }
0xbf: {  	_ =	sfence.sel $0xFFFF  }
0xc0: {  	[dreg:$0x0] =	wrdreg $0xFFFFFFFF;
	(pc) =	sbr.abs _section_cstart, $3  }
0xc1: {  	[dreg:$0x1] =	wrdreg $0xFFFFFFFF  }
0xc2: {  	_ =	task.clear_ibuf [dreg:s7], $0x2FFFF;
	_ =	strace $0x9FFFFFFF  }
0xc3: {  	(tm) =	ssettm $0x7FFFFFFF  }
tec
execute0_lowered:
.L_overlay_start_1:
0x0: {  	(tag) =	ssettag $0x1  }
0x1: {  	s0 =	srdreg.scid  }
0x2: {  	s1 =	rddreg [dreg:$0x0];
	s7 =	sand.u32 $0x1, s0  }
0x3: {  	s0 =	stileid.u32;
	s5 =	smul.u32 $0x14000, s7  }
0x4: {  	s6 =	rddreg [dreg:$0x1];
	s8 =	smul.u32 $0x1400, s0  }
0x5: {  	s3 =	rddreg [dreg:$0x2];
	s21 =	smul.u32 $0x2780, s7  }
0x6: {  	s4 =	simm.s32 $0x0;
	s17 =	simm.s32 $0x16400;
	s10 =	smul.u32 $0x4F000, s0  }
0x7: {  	s18 =	simm.s32 $0x1A400;
	s19 =	simm.s32 $0x1;
	s12 =	smul.u32 $0x4E000, s0  }
0x8: {  	s20 =	simm.s32 $0x2;
	[smem:$0x7FF] =	sst s4;
	s26 =	smul.u32 $0x27100, s7  }
0x9: {  	s11 =	sadd.s32 $0x59E00, s6;
	_ =	strace $0x8000004D;
	s15 =	smul.u32 $0x2700, s0  }
0xa: {  	s23 =	ssub.s32 $0x2, s7;
	s28 =	sshll.u32 s0, $0x6;
	s16 =	smul.u32 $0x138800, s7  }
0xb: {  	p0 =	seq.s32 s0, $0xF;
	s24 =	sshrl.u32 s23, $0x1;
	s5 =	sadd.s32 s8, s5  }
0xc: {  	s22 =	sadd.s32 s21, s6;
	s13 =	ssub.s32 s23, s24;
	s25 =	sshrl.u32 s10, $0x2  }
0xd: {  	s29 =	sshrl.u32 s12, $0x2;
	s30 =	sadd.s32 s15, s26;
	s31 =	sshrl.u32 s16, $0x3  }
0xe: {  	s24 =	sadd.s32 $0x124800, s3;
	s15 =	simm.s32 $0x15000;
	s16 =	simm.s32 $0x80  }
0xf: {  	s21 =	simm.s32 $0x14F80;
	s23 =	simm.s32 $0x16380;
	s26 =	simm.s32 $0x0  }
0x10: {  	s5 =	sshrl.u32 s5, $0x3;
	s14 =	sadd.s32 s25, s3;
	s25 =	sadd.s32 s29, s3  }
0x11: {  	s10 =	sadd.s32 s11, s31;
	s24 =	sshrl.u32 @p0 s24, $0x3;
	s9 =	sadd.s32 s5, s6  }
0x12: {  	s5 =	sadd.s32 $0x6C00, s22;
	s6 =	sor.u32 $0x1C03, s28;
	s10 =	sadd.s32 $0x24900, s10  }
0x13: {  	s12 =	sshrl.u32 s14, $0x3;
	s14 =	simm.s32 $0x13C00;
	s22 =	simm.s32 $0x16300  }
0x14: {  	s25 =	sshrl.u32 @!p0 s25, $0x3;
	s7 =	sadd.s32 $0x1C00, s9;
	s8 =	sadd.s32 $0x54E00, s9  }
0x15: {  	s9 =	sadd.s32 s11, s30;
	s11 =	smax.u32 s13, $0x1;
	s13 =	simm.s32 $0x3  }
.LBB2_1:
0x16: {  	[spmem:s12], [sflag:s6] =	dma.local [hbm:s5], $0x2780  }
0x17: {  	_ =	swait.ge [sflag:s13], $0x2780  }
0x18: {  	[sflag:s13] =	ssyncset.done $0x0  }
0x19: {  	[sflag:s13] =	ssyncadd.s32 $0xFFFFD880  }
0x1a: {  	[bflag:$0x0] =	sbarrier.arrive $0xFFFF  }
0x1b: {  	[tilespmem:s14], [sflag:$0x3] =	stream.linear.gather [hbm4b:s7+s4], $0x1400, $0x38;
	[tilespmem:$0x1E400] =	vst v63  }
0x1c: {  	_ =	swait.ge [sflag:s13], $0x1400  }
0x1d: {  	[sflag:s13] =	ssyncset.done $0x0  }
0x1e: {  	[sflag:s13] =	ssyncadd.s32 $0xFFFFEC00  }
0x1f: {  	[tilespmem:s15], [sflag:$0x3] =	stream.linear.gather [hbm4b:s8+s4], $0x1400, $0x38;
	[tilespmem:$0x1E400] =	vst v63  }
0x20: {  	_ =	swait.ge [sflag:s13], $0x1400  }
0x21: {  	[sflag:s13] =	ssyncset.done $0x0  }
0x22: {  	[sflag:s13] =	ssyncadd.s32 $0xFFFFEC00  }
0x23: {  	[tilespmem:s17], [sflag:$0x1] =	stream.indirect.gather [hbm4b:s1+s16], $0x80, s14, s16, $0xb8;
	[tilespmem:$0x1E400] =	vst v63  }
0x24: {  	s28 =	simm.s32 $0x13C80  }
0x25: {  	[tilespmem:s18], [sflag:$0x2] =	stream.indirect.gather [hbm4b:s1+s16], $0x80, s28, s16, $0xb8;
	[tilespmem:$0x1E400] =	vst v63  }
0x26: {  	_ =	swait.ge [sflag:s19], $0x4000  }
0x27: {  	[sflag:s19] =	ssyncset.done $0x0  }
0x28: {  	s28 =	simm.s32 $0x15000;
	[sflag:s19] =	ssyncadd.s32 $0xFFFFC000  }
0x29: {  	[spmem:s3] =	stream.indirect.scatter.add.f32 [tilespmem:s17], [sflag:$0x3], $0x80, s28, s16, $0xb8;
	[tilespmem:$0x1E400] =	vst v63  }
0x2a: {  	_ =	swait.ge [sflag:s13], $0x4000  }
0x2b: {  	[sflag:s13] =	ssyncset.done $0x0  }
0x2c: {  	s28 =	simm.s32 $0x13D00;
	[sflag:s13] =	ssyncadd.s32 $0xFFFFC000  }
0x2d: {  	[tilespmem:s17], [sflag:$0x1] =	stream.indirect.gather [hbm4b:s1+s16], $0x80, s28, s16, $0xb8;
	[tilespmem:$0x1E400] =	vst v63  }
0x2e: {  	_ =	swait.ge [sflag:s20], $0x4000  }
0x2f: {  	[sflag:s20] =	ssyncset.done $0x0  }
0x30: {  	s28 =	simm.s32 $0x15080;
	[sflag:s20] =	ssyncadd.s32 $0xFFFFC000  }
0x31: {  	[spmem:s3] =	stream.indirect.scatter.add.f32 [tilespmem:s18], [sflag:$0x3], $0x80, s28, s16, $0xb8;
	[tilespmem:$0x1E400] =	vst v63  }
0x32: {  	_ =	swait.ge [sflag:s13], $0x4000  }
0x33: {  	s29 =	simm.s32 $0x800;
	s28 =	simm.s32 $0x100;
	[sflag:s13] =	ssyncset.done $0x0  }
.LBB2_2:
0x34: {  	s30 =	sadd.s32 $0x13C80, s28  }
0x35: {  	[sflag:s13] =	ssyncadd.s32 $0xFFFFC000;
	s31 =	smov.u32 s29;
	s2 =	sadd.s32 $0x400, s29  }
0x36: {  	[tilespmem:s18], [sflag:$0x2] =	stream.indirect.gather [hbm4b:s1+s16], $0x80, s30, s16, $0xb8;
	[tilespmem:$0x1E400] =	vst v63  }
0x37: {  	p1 =	sne.s32 s29, $0x4800;
	_ =	swait.ge [sflag:s19], $0x4000  }
0x38: {  	[sflag:s19] =	ssyncset.done $0x0  }
0x39: {  	s29 =	sadd.s32 $0x15000, s28;
	[sflag:s19] =	ssyncadd.s32 $0xFFFFC000  }
0x3a: {  	[spmem:s3] =	stream.indirect.scatter.add.f32 [tilespmem:s17], [sflag:$0x3], $0x80, s29, s16, $0xb8;
	[tilespmem:$0x1E400] =	vst v63  }
0x3b: {  	_ =	swait.ge [sflag:s13], $0x4000  }
0x3c: {  	[sflag:s13] =	ssyncset.done $0x0  }
0x3d: {  	s29 =	sadd.s32 $0x13D00, s28;
	[sflag:s13] =	ssyncadd.s32 $0xFFFFC000  }
0x3e: {  	[tilespmem:s17], [sflag:$0x1] =	stream.indirect.gather [hbm4b:s1+s16], $0x80, s29, s16, $0xb8;
	[tilespmem:$0x1E400] =	vst v63  }
0x3f: {  	_ =	swait.ge [sflag:s20], $0x4000  }
.Ltmp0:
0x40: {  	[sflag:s20] =	ssyncset.done $0x0;
	(pc) =	sbr.rel @p1 .LBB2_2-.Ltmp0, $4  }
0x41: {  	s28 =	sadd.s32 $0x15080, s28;
	[sflag:s20] =	ssyncadd.s32 $0xFFFFC000  }
0x42: {  	[spmem:s3] =	stream.indirect.scatter.add.f32 [tilespmem:s18], [sflag:$0x3], $0x80, s28, s16, $0xb8;
	[tilespmem:$0x1E400] =	vst v63  }
0x43: {  	_ =	swait.ge [sflag:s13], $0x4000  }
0x44: {  	s29 =	smov.u32 s2;
	s28 =	sshra.s32 s31, $0x2;
	[sflag:s13] =	ssyncset.done $0x0  }
0x45: {  	s2 =	sadd.s32 $0x13C80, s28;
	[sflag:s13] =	ssyncadd.s32 $0xFFFFC000  }
0x46: {  	[tilespmem:s18], [sflag:$0x2] =	stream.indirect.gather [hbm4b:s1+s16], $0x80, s2, s16, $0xb8;
	[tilespmem:$0x1E400] =	vst v63  }
0x47: {  	_ =	swait.ge [sflag:s19], $0x4000  }
0x48: {  	[sflag:s19] =	ssyncset.done $0x0  }
0x49: {  	s29 =	sadd.s32 $0x15000, s28;
	[sflag:s19] =	ssyncadd.s32 $0xFFFFC000  }
0x4a: {  	[spmem:s3] =	stream.indirect.scatter.add.f32 [tilespmem:s17], [sflag:$0x3], $0x80, s29, s16, $0xb8;
	[tilespmem:$0x1E400] =	vst v63  }
0x4b: {  	_ =	swait.ge [sflag:s13], $0x4000  }
0x4c: {  	[sflag:s13] =	ssyncset.done $0x0  }
0x4d: {  	s30 =	sadd.s32 $0x13D00, s28;
	[sflag:s13] =	ssyncadd.s32 $0xFFFFC000  }
0x4e: {  	[tilespmem:s17], [sflag:$0x1] =	stream.indirect.gather [hbm4b:s1+s16], $0x80, s30, s16, $0xb8;
	[tilespmem:$0x1E400] =	vst v63  }
0x4f: {  	_ =	swait.ge [sflag:s20], $0x4000  }
0x50: {  	[sflag:s20] =	ssyncset.done $0x0  }
0x51: {  	s31 =	sadd.s32 $0x15080, s28;
	[sflag:s20] =	ssyncadd.s32 $0xFFFFC000  }
0x52: {  	[spmem:s3] =	stream.indirect.scatter.add.f32 [tilespmem:s18], [sflag:$0x3], $0x80, s31, s16, $0xb8;
	[tilespmem:$0x1E400] =	vst v63  }
0x53: {  	_ =	swait.ge [sflag:s13], $0x4000  }
0x54: {  	[sflag:s13] =	ssyncset.done $0x0  }
0x55: {  	[sflag:s13] =	ssyncadd.s32 $0xFFFFC000  }
0x56: {  	[tilespmem:s18], [sflag:$0x2] =	stream.indirect.gather [hbm4b:s1+s16], $0x80, s21, s16, $0xb8;
	[tilespmem:$0x1E400] =	vst v63  }
0x57: {  	_ =	swait.ge [sflag:s19], $0x4000  }
0x58: {  	[sflag:s19] =	ssyncset.done $0x0  }
0x59: {  	[sflag:s19] =	ssyncadd.s32 $0xFFFFC000  }
0x5a: {  	[spmem:s3] =	stream.indirect.scatter.add.f32 [tilespmem:s17], [sflag:$0x3], $0x80, s22, s16, $0xb8;
	[tilespmem:$0x1E400] =	vst v63  }
0x5b: {  	_ =	swait.ge [sflag:s13], $0x4000  }
0x5c: {  	[sflag:s13] =	ssyncset.done $0x0  }
0x5d: {  	[sflag:s13] =	ssyncadd.s32 $0xFFFFC000  }
0x5e: {  	_ =	swait.ge [sflag:s20], $0x4000  }
0x5f: {  	[sflag:s20] =	ssyncset.done $0x0  }
0x60: {  	[sflag:s20] =	ssyncadd.s32 $0xFFFFC000  }
0x61: {  	[spmem:s3] =	stream.indirect.scatter.add.f32 [tilespmem:s18], [sflag:$0x3], $0x80, s23, s16, $0xb8;
	[tilespmem:$0x1E400] =	vst v63  }
0x62: {  	_ =	swait.ge [sflag:s13], $0x4000  }
0x63: {  	[sflag:s13] =	ssyncset.done $0x0  }
0x64: {  	[sflag:s13] =	ssyncadd.s32 $0xFFFFC000  }
0x65: {  	s2 =	simm.s32 @p0 $0x3;
	[bflag:$0x0] =	sbarrier.arrive $0xFFFF  }
0x66: {  	[hbm:s10], [sflag:s6] =	dma.local @p0 [spmem:s24], $0x2800  }
0x67: {  	s26 =	sadd.s32 $0x1, s26;
	_ =	swait.ge @p0 [sflag:s2], $0x2800  }
0x68: {  	p1 =	sne.s32 s26, s11;
	[sflag:s2] =	ssyncset.done @p0 $0x0  }
.Ltmp1:
0x69: {  	[sflag:s2] =	ssyncadd.s32 @p0 $0xFFFFD800;
	s2 =	simm.s32 @!p0 $0x3;
	(pc) =	sbr.rel @p1 .LBB2_1-.Ltmp1, $4  }
0x6a: {  	[hbm:s9], [sflag:s6] =	dma.local @!p0 [spmem:s25], $0x2700  }
0x6b: {  	_ =	swait.ge @!p0 [sflag:s2], $0x2700  }
0x6c: {  	[sflag:s2] =	ssyncset.done @!p0 $0x0  }
0x6d: {  	[sflag:s2] =	ssyncadd.s32 @!p0 $0xFFFFD900  }
0x6e: {  	_ =	sfence.sel $0x180000  }
0x6f: {  	[bflag:$0x0] =	sbarrier.arrive $0xFFFF  }
0x70: {  	_ =	strace $0x9000004D  }
0x71: {  	[bflag:$0x2] =	sbarrier.arrive $0xFFFF  }
0x72: {  	p0 =	sne.s32 s0, $0x0;
	s0 =	rddreg [dreg:$0x3]  }
0x73: {  	s0 =	sadd.s32 @!p0 $0x100000, s0  }
0x74: {  	[sflag:s0] =	ssyncadd.tile.s32 @!p0 $0x1;
	_ =	shalt  }
.Lfunc_end2:
_tile_overlayer_lowered:
.L_overlay_start_2:
0x75: {  	(tag) =	ssettag $0x2  }
0x76: {  	s0 =	rddreg [dreg:$0x0];
	s2 =	stileid.u32  }
0x77: {  	s1 =	rddreg [dreg:$0x1];
	p0 =	sne.s32 s2, $0x0  }
0x78: {  	s3 =	rddreg [dreg:$0x2];
	[bflag:$0x3] =	sbarrier.arrive $0xFFFF;
	s2 =	simm.s32 @!p0 $0x1C03  }
0x79: {  	[timem:s3], [sflag:s2] =	dma.local @!p0 [hbm:s0], s1  }
0x7a: {  	s0 =	simm.s32 @!p0 $0x3  }
0x7b: {  	_ =	swait.ge @!p0 [sflag:s0], s1  }
0x7c: {  	s1 =	ssub.s32 @!p0 $0x0, s1;
	[sflag:s0] =	ssyncset.done @!p0 $0x0  }
0x7d: {  	[sflag:s0] =	ssyncadd.s32 @!p0 s1  }
0x7e: {  	[bflag:$0x3] =	sbarrier.arrive $0xFFFF  }
0x7f: {  	_ =	shalt  }

// kernel: kernel.9.cloned.1.call-start
scs
__scs_entry_jumppad:
0x0: {  	(pc) =	sbr.rel $0x88, $3  }
0x1: {  	(tag) =	ssettag $0x0;
	lr =	simm.s32 $0x1  }
0x2: {  	[smem:$0x3F99] =	sst lr;
	_ =	strace $0xD0000000  }
0x3: {  	_ = 	snop  }
0x4: {  	_ = 	snop  }
0x5: {  	_ = 	snop  }
0x6: {  	_ = 	snop  }
0x7: {  	_ = 	snop  }
__scs_overlays_trampoline_lowered:
0x8: {  	[smem:$0x3FA8] =	sst s0  }
0x9: {  	[smem:$0x3FA9] =	sst s1  }
0xa: {  	[smem:$0x3FAA] =	sst s2  }
0xb: {  	[smem:$0x3FAB] =	sst s3  }
0xc: {  	[smem:$0x3FAC] =	sst s4  }
0xd: {  	[smem:$0x3FAD] =	sst s5  }
0xe: {  	[smem:$0x3FAE] =	sst s6  }
0xf: {  	[smem:$0x3FAF] =	sst s7  }
0x10: {  	[smem:$0x3FB0] =	sst s8  }
0x11: {  	[smem:$0x3FB1] =	sst s9;
	s0 =	simm.s32 @!p0 $0x0  }
0x12: {  	s1 =	sld [smem:$0x3F97];
	s0 =	simm.s32 @p0 $0x1  }
0x13: {  	[smem:$0x3FB2] =	sst s0;
	s0 =	simm.s32 @!p1 $0x0  }
0x14: {  	s2 =	sld [smem:$0x3F96];
	s0 =	simm.s32 @p1 $0x1  }
0x15: {  	[smem:$0x3FB3] =	sst s0;
	s0 =	simm.s32 @!p2 $0x0  }
0x16: {  	s3 =	sld [smem:$0x3FDB];
	s0 =	simm.s32 @p2 $0x1  }
0x17: {  	s4 =	simm.s32 $0x1BF5;
	[smem:$0x3FB5] =	sst s0  }
0x18: {  	s0 =	sld [smem:$0x3F98];
	_ =	swait.ge [sflag:s4], $0x0  }
0x19: {  	s7 =	sld [smem:$0x3F99]  }
0x1a: {  	s8 =	sadd.s32 $0xFFFFE003, lr  }
0x1b: {  	s9 =	sadd.s32 $0xFFFFFEF7, lr;
	s5 =	simm.s32 $0xFFFFFFFF;
	p2 =	slt.u32 s8, $0xFFFFF086  }
0x1c: {  	p1 =	slt.u32 s9, $0xF7A;
	s5 =	simm.s32 @!p2 $0x0  }
0x1d: {  	s5 =	simm.s32 @p1 $0x1;
	p0 =	seq.s32 s7, s2  }
0x1e: {  	s7 =	smul.u32 @!p0 $0xF7A, s2;
	p2 =	seq.s32 @!p0 s5, $0x0  }
0x1f: {  	s9 =	smul.u32 $0xF7A, s1;
	s8 =	simm.s32 @!p0 $0x1BF5;
	p2 =	por !p2, p0  }
0x20: {  	[sflag:s8] =	ssyncset.s32 @!p0 $0xFFFFF086;
	s6 =	sadd.s32 @!p0 s3, s7;
	s7 =	simm.s32 @!p0 $0x108  }
0x21: {  	s3 =	sadd.s32 s3, s9;
	s6 =	sadd.s32 @!p0 $0x88, s6;
	s7 =	simm.s32 @p2 $0x1082  }
0x22: {  	[simem:s7], [sflag:s8] =	dma.local @!p0 [hbm:s6], $0xF7A  }
0x23: {  	s9 =	sor.u32 $0xD0000000, s2;
	s6 =	simm.s32 $0x108;
	_ =	swait.ge @!p0 [sflag:s8], $0x0  }
0x24: {  	s3 =	sadd.s32 $0x88, s3;
	s6 =	simm.s32 @!p1 $0x1082;
	[sflag:s4] =	ssyncset.s32 $0xFFFFF086  }
0x25: {  	[simem:s6], [sflag:s4] =	dma.local [hbm:s3], $0xF7A  }
0x26: {  	[smem:$0x3F99] =	sst s1;
	(tag) =	ssettag s2;
	_ =	strace s9  }
0x27: {  	s1 =	sld [smem:$0x3FA9]  }
0x28: {  	s2 =	sld [smem:$0x3FAA]  }
0x29: {  	s4 =	sld [smem:$0x3FAC]  }
0x2a: {  	p0 =	seq.s32 s5, $0x0;
	s5 =	sld [smem:$0x3FAD]  }
0x2b: {  	s6 =	sld [smem:$0x3FAE]  }
0x2c: {  	s7 =	sld [smem:$0x3FAF]  }
0x2d: {  	s3 =	simm.s32 $0x108;
	s8 =	sld [smem:$0x3FB0]  }
0x2e: {  	s3 =	simm.s32 @!p0 $0x1082;
	s9 =	sld [smem:$0x3FB1]  }
0x2f: {  	lr =	sadd.s32 s0, s3;
	s0 =	sld [smem:$0x3FA8]  }
0x30: {  	s3 =	sld [smem:$0x3FAB]  }
0x31: {  	[smem:$0x3FB4] =	sst s10  }
0x32: {  	s10 =	sld [smem:$0x3FB2];
	_ =	sdelay $0x3  }
0x33: {  	p0 =	seq.s32 s10, $0x1;
	s10 =	sld [smem:$0x3FB4];
	_ =	sdelay $0x3  }
0x34: {  	[smem:$0x3FB4] =	sst s10  }
0x35: {  	s10 =	sld [smem:$0x3FB3];
	_ =	sdelay $0x3  }
0x36: {  	p1 =	seq.s32 s10, $0x1;
	s10 =	sld [smem:$0x3FB4];
	_ =	sdelay $0x3  }
0x37: {  	[smem:$0x3FB4] =	sst s10  }
0x38: {  	s10 =	sld [smem:$0x3FB5]  }
0x39: {  	_ = 	snop;
	(pc) =	sbr.ind lr, $3  }
0x3a: {  	_ = 	snop  }
0x3b: {  	_ = 	snop  }
0x3c: {  	p2 =	seq.s32 s10, $0x1;
	s10 =	sld [smem:$0x3FB4]  }
0x3d: {  	_ =	shalt  }
0x3e: {  	_ =	shalt  }
0x3f: {  	_ =	shalt  }
0x40: {  	_ =	shalt  }
0x41: {  	_ =	shalt  }
0x42: {  	_ =	shalt  }
0x43: {  	_ =	shalt  }
0x44: {  	_ =	shalt  }
0x45: {  	_ =	shalt  }
0x46: {  	_ =	shalt  }
0x47: {  	_ =	shalt  }
0x48: {  	_ =	shalt  }
0x49: {  	_ =	shalt  }
0x4a: {  	_ =	shalt  }
0x4b: {  	_ =	shalt  }
0x4c: {  	_ =	shalt  }
0x4d: {  	_ =	shalt  }
0x4e: {  	_ =	shalt  }
0x4f: {  	_ =	shalt  }
0x50: {  	_ =	shalt  }
0x51: {  	_ =	shalt  }
0x52: {  	_ =	shalt  }
0x53: {  	_ =	shalt  }
0x54: {  	_ =	shalt  }
0x55: {  	_ =	shalt  }
0x56: {  	_ =	shalt  }
0x57: {  	_ =	shalt  }
0x58: {  	_ =	shalt  }
0x59: {  	_ =	shalt  }
0x5a: {  	_ =	shalt  }
0x5b: {  	_ =	shalt  }
0x5c: {  	_ =	shalt  }
0x5d: {  	_ =	shalt  }
0x5e: {  	_ =	shalt  }
0x5f: {  	_ =	shalt  }
0x60: {  	_ =	shalt  }
0x61: {  	_ =	shalt  }
0x62: {  	_ =	shalt  }
0x63: {  	_ =	shalt  }
0x64: {  	_ =	shalt  }
0x65: {  	_ =	shalt  }
0x66: {  	_ =	shalt  }
0x67: {  	_ =	shalt  }
0x68: {  	_ =	shalt  }
0x69: {  	_ =	shalt  }
0x6a: {  	_ =	shalt  }
0x6b: {  	_ =	shalt  }
0x6c: {  	_ =	shalt  }
0x6d: {  	_ =	shalt  }
0x6e: {  	_ =	shalt  }
0x6f: {  	_ =	shalt  }
0x70: {  	_ =	shalt  }
0x71: {  	_ =	shalt  }
0x72: {  	_ =	shalt  }
0x73: {  	_ =	shalt  }
0x74: {  	_ =	shalt  }
0x75: {  	_ =	shalt  }
0x76: {  	_ =	shalt  }
0x77: {  	_ =	shalt  }
0x78: {  	_ =	shalt  }
0x79: {  	_ =	shalt  }
0x7a: {  	_ =	shalt  }
0x7b: {  	_ =	shalt  }
0x7c: {  	_ =	shalt  }
0x7d: {  	_ =	shalt  }
0x7e: {  	_ =	shalt  }
0x7f: {  	_ =	shalt  }
0x80: {  	_ =	shalt  }
0x81: {  	_ =	shalt  }
0x82: {  	_ =	shalt  }
0x83: {  	_ =	shalt  }
0x84: {  	_ =	shalt  }
0x85: {  	_ =	shalt  }
0x86: {  	_ =	shalt  }
0x87: {  	_ =	shalt  }
.Lfunc_end0:
.L_simem_size_0:
called_computation_lowered:
.L_overlay_start_0:
0x88: {  	s2 =	sld [smem:$0x3FD9]  }
0x89: {  	s3 =	sld [smem:$0x3FFE];
	_ =	sdelay $0x1  }
0x8a: {  	s1 =	srdreg.scid  }
0x8b: {  	s0 =	sand.u32 $0x1, s1  }
0x8c: {  	s17 =	sshll.u32 s0, $0xA;
	s2 =	sadd.s32 s3, s2  }
0x8d: {  	s2 =	sadd.s32 s2, s17  }
0x8e: {  	[smem:$0x3FC0] =	sst s2  }
0x8f: {  	_ = 	snop  }
0x90: {  	s2 =	sld [smem:$0x3FD0];
	(tm) =	ssettm $0x1  }
0x91: {  	s18 =	sld [smem:$0x3FFB];
	_ =	sdelay $0x3  }
0x92: {  	_ =	strace s18  }
0x93: {  	s3 =	sld [smem:$0x3FFC];
	_ =	sdelay $0x3  }
0x94: {  	_ =	strace s3  }
0x95: {  	s3 =	sld [smem:$0x3FFD];
	_ =	sdelay $0x3  }
0x96: {  	_ =	strace s3  }
0x97: {  	_ =	strace $0x8FFFFFFF  }
0x98: {  	s19 =	sld [smem:$0x3FDB];
	_ =	sdelay $0x1  }
0x99: {  	s4 =	simm.s32 $_scs_section_size  }
0x9a: {  	s5 =	simm.s32 $_size__tile_overlayer_lowered;
	s6 =	simm.s32 $_tile_overlayer_lowered  }
0x9b: {  	s22 =	simm.s32 $0x1BFF;
	s21 =	sshll.u32 s6, $0x1;
	s3 =	sadd.s32 s4, s19  }
0x9c: {  	s7 =	simm.s32 $0x0;
	s20 =	sshll.u32 s5, $0x1;
	s5 =	sadd.s32 s21, s3  }
0x9d: {  	[timem:s7], [sflag:s22] =	dma.local [hbm:s5], s20  }
0x9e: {  	_ =	swait.ge [sflag:s22], s20  }
0x9f: {  	s4 =	ssub.s32 $0x0, s20;
	[sflag:s22] =	ssyncset.done $0x0  }
0xa0: {  	[sflag:s22] =	ssyncadd.s32 s4;
	_ =	sdelay $0x1  }
0xa1: {  	s23 =	simm.s32 $0x1B8B  }
0xa2: {  	_ =	swait.ge [sflag:s23], $0x1  }
0xa3: {  	[sflag:s23] =	ssyncset.done $0x0  }
0xa4: {  	s25 =	simm.s32 $0x1B8E;
	s24 =	sld [smem:$0x3FFE];
	[sflag:s23] =	ssyncadd.s32 $0xFFFFFFFF  }
0xa5: {  	s26 =	simm.s32 $execute0_lowered;
	[smem:$0x3FD2] =	sst s25  }
0xa6: {  	s5 =	sshll.u32 s26, $0x1;
	_ =	strace $0x80000046;
	[dreg:$0x1] =	wrdreg $0xFFFFFFFF  }
0xa7: {  	s28 =	simm.s32 $_size_execute0_lowered;
	s3 =	sadd.s32 s3, s5;
	[dreg:$0x0] =	wrdreg $0x0  }
0xa8: {  	s5 =	sshll.u32 s28, $0x1;
	[dreg:$0x2] =	wrdreg s3  }
0xa9: {  	[dreg:$0x3] =	wrdreg s5  }
0xaa: {  	[dreg:$0x4] =	wrdreg $0xC0  }
0xab: {  	_ =	task [dreg:s7], $0x5FFFF  }
0xac: {  	[dreg:$0x1] =	wrdreg $0xFFFFFFFF  }
0xad: {  	[dreg:$0x0] =	wrdreg $0x60  }
0xae: {  	[dreg:$0x2] =	wrdreg s24  }
0xaf: {  	[dreg:$0x3] =	wrdreg s2  }
0xb0: {  	[dreg:$0x4] =	wrdreg $0x0  }
0xb1: {  	[dreg:$0x5] =	wrdreg $0x9  }
0xb2: {  	_ =	task.clear_ibuf [dreg:s7], $0x6FFFF;
	_ =	strace $0x90000046  }
0xb3: {  	s29 =	simm.s32 $0x9;
	_ =	strace $0x80000048  }
0xb4: {  	_ =	swait.ge [sflag:s29], $0x1  }
0xb5: {  	[sflag:s29] =	ssyncadd.s32 $0xFFFFFFFF  }
0xb6: {  	_ =	strace $0x90000048  }
0xb7: {  	_ =	sfence  }
0xb8: {  	s30 =	sld [smem:$0x0];
	_ =	sdelay $0x2  }
0xb9: {  	s31 =	sshll.u32 s1, $0xD;
	s1 =	sshrl.u32 s1, $0x2  }
0xba: {  	s3 =	sand.u32 $0x4000, s31;
	s1 =	sadd.s32 s1, s30  }
0xbb: {  	s0 =	sor.u32 s3, s0;
	s1 =	sshll.u32 s1, $0x11  }
0xbc: {  	s0 =	sor.u32 s1, s0  }
0xbd: {  	s0 =	sadd.s32 $0x8F2B, s0  }
0xbe: {  	[sflag:s0] =	ssyncadd.remote.s32 $0x1  }
0xbf: {  	_ =	sfence.sel $0xFFFF  }
0xc0: {  	[dreg:$0x0] =	wrdreg $0xFFFFFFFF;
	(pc) =	sbr.abs _section_cstart, $3  }
0xc1: {  	[dreg:$0x1] =	wrdreg $0xFFFFFFFF  }
0xc2: {  	_ =	task.clear_ibuf [dreg:s7], $0x2FFFF;
	_ =	strace $0x9FFFFFFF  }
0xc3: {  	(tm) =	ssettm $0x7FFFFFFF  }
tec
execute0_lowered:
.L_overlay_start_1:
0x0: {  	(tag) =	ssettag $0x1  }
0x1: {  	s6 =	rddreg [dreg:$0x0]  }
0x2: {  	s7 =	rddreg [dreg:$0x1]  }
0x3: {  	s2 =	rddreg [dreg:$0x2];
	s1 =	simm.s32 $0x0;
	s0 =	stileid.u32  }
0x4: {  	s9 =	srdreg.scid;
	s18 =	simm.s32 $0x80;
	s19 =	simm.s32 $0x16400  }
0x5: {  	s20 =	simm.s32 $0x1A400;
	s21 =	simm.s32 $0x1;
	s8 =	smul.u32 $0x2800, s0  }
0x6: {  	s22 =	simm.s32 $0x2;
	s28 =	simm.s32 $0x16380;
	s11 =	smul.u32 $0x4F000, s0  }
0x7: {  	s29 =	simm.s32 $0x0;
	[smem:$0x7FF] =	sst s1;
	s24 =	smul.u32 $0x4E000, s0  }
0x8: {  	s4 =	sadd.s32 $0x6C00, s6;
	s9 =	sand.u32 $0x1, s9;
	s16 =	smul.u32 $0x2700, s0  }
0x9: {  	s12 =	sadd.s32 $0x5C600, s6;
	s25 =	sshll.u32 s0, $0x6;
	s14 =	smul.u32 $0x28000, s9  }
0xa: {  	p0 =	seq.s32 s0, $0xF;
	_ =	strace $0x80000047;
	s26 =	smul.u32 $0x27100, s9  }
0xb: {  	s23 =	ssub.s32 $0x2, s9;
	s17 =	smul.u32 $0x138800, s9;
	s5 =	sshrl.u32 s8, $0x3  }
0xc: {  	s13 =	sshrl.u32 s23, $0x1;
	s11 =	sshrl.u32 s11, $0x2;
	s10 =	sadd.s32 s5, s6  }
0xd: {  	s5 =	sadd.s32 $0x59E00, s6;
	s13 =	ssub.s32 s23, s13;
	s15 =	sadd.s32 s11, s2  }
0xe: {  	s8 =	sadd.s32 s8, s14;
	s6 =	sor.u32 $0x1C03, s25;
	s11 =	sshrl.u32 s24, $0x2  }
0xf: {  	s30 =	sadd.s32 s16, s26;
	s31 =	sshrl.u32 s17, $0x3;
	s24 =	sadd.s32 $0x124800, s2  }
0x10: {  	s16 =	simm.s32 $0x13C00;
	s17 =	simm.s32 $0x15000;
	s23 =	simm.s32 $0x14F80  }
0x11: {  	s26 =	simm.s32 $0x16300;
	s8 =	sshrl.u32 s8, $0x3;
	s25 =	sadd.s32 s11, s2  }
0x12: {  	s11 =	sadd.s32 s12, s30;
	s12 =	sadd.s32 s12, s31;
	s13 =	smax.u32 s13, $0x1  }
0x13: {  	s14 =	sshrl.u32 s15, $0x3;
	s15 =	simm.s32 $0x3;
	s24 =	sshrl.u32 @p0 s24, $0x3  }
0x14: {  	s7 =	sadd.s32 s7, s8;
	s8 =	sadd.s32 $0x54E00, s10;
	s10 =	sadd.s32 $0x55080, s10  }
0x15: {  	s12 =	sadd.s32 $0x24900, s12;
	s25 =	sshrl.u32 @!p0 s25, $0x3;
	s9 =	sadd.s32 $0x280, s7  }
.LBB2_1:
0x16: {  	[spmem:s14], [sflag:s6] =	dma.local [hbm:s5], $0x2780  }
0x17: {  	_ =	swait.ge [sflag:s15], $0x2780  }
0x18: {  	[sflag:s15] =	ssyncset.done $0x0  }
0x19: {  	[sflag:s15] =	ssyncadd.s32 $0xFFFFD880  }
0x1a: {  	s0 =	simm.s32 $0x0;
	[bflag:$0x0] =	sbarrier.arrive $0xFFFF  }
0x1b: {  	[tilespmem:s16], [sflag:$0x3] =	stream.linear.gather [hbm4b:s7+s0], $0x1400, $0x38;
	[tilespmem:$0x1E400] =	vst v63  }
0x1c: {  	_ =	swait.ge [sflag:s15], $0x1400  }
0x1d: {  	[sflag:s15] =	ssyncset.done $0x0  }
0x1e: {  	[sflag:s15] =	ssyncadd.s32 $0xFFFFEC00  }
0x1f: {  	[tilespmem:s17], [sflag:$0x3] =	stream.linear.gather [hbm4b:s8+s0], $0x1400, $0x38;
	[tilespmem:$0x1E400] =	vst v63  }
0x20: {  	_ =	swait.ge [sflag:s15], $0x1400  }
0x21: {  	[sflag:s15] =	ssyncset.done $0x0  }
0x22: {  	[sflag:s15] =	ssyncadd.s32 $0xFFFFEC00  }
0x23: {  	[tilespmem:s19], [sflag:$0x1] =	stream.indirect.gather [hbm4b:s4+s18], $0x80, s16, s18, $0xb8;
	[tilespmem:$0x1E400] =	vst v63  }
0x24: {  	s30 =	simm.s32 $0x13C80  }
0x25: {  	[tilespmem:s20], [sflag:$0x2] =	stream.indirect.gather [hbm4b:s4+s18], $0x80, s30, s18, $0xb8;
	[tilespmem:$0x1E400] =	vst v63  }
0x26: {  	_ =	swait.ge [sflag:s21], $0x4000  }
0x27: {  	[sflag:s21] =	ssyncset.done $0x0  }
0x28: {  	s30 =	simm.s32 $0x15000;
	[sflag:s21] =	ssyncadd.s32 $0xFFFFC000  }
0x29: {  	[spmem:s2] =	stream.indirect.scatter.add.f32 [tilespmem:s19], [sflag:$0x3], $0x80, s30, s18, $0xb8;
	[tilespmem:$0x1E400] =	vst v63  }
0x2a: {  	_ =	swait.ge [sflag:s15], $0x4000  }
0x2b: {  	[sflag:s15] =	ssyncset.done $0x0  }
0x2c: {  	s30 =	simm.s32 $0x13D00;
	[sflag:s15] =	ssyncadd.s32 $0xFFFFC000  }
0x2d: {  	[tilespmem:s19], [sflag:$0x1] =	stream.indirect.gather [hbm4b:s4+s18], $0x80, s30, s18, $0xb8;
	[tilespmem:$0x1E400] =	vst v63  }
0x2e: {  	_ =	swait.ge [sflag:s22], $0x4000  }
0x2f: {  	[sflag:s22] =	ssyncset.done $0x0  }
0x30: {  	s30 =	simm.s32 $0x15080;
	[sflag:s22] =	ssyncadd.s32 $0xFFFFC000  }
0x31: {  	[spmem:s2] =	stream.indirect.scatter.add.f32 [tilespmem:s20], [sflag:$0x3], $0x80, s30, s18, $0xb8;
	[tilespmem:$0x1E400] =	vst v63  }
0x32: {  	_ =	swait.ge [sflag:s15], $0x4000  }
0x33: {  	s31 =	simm.s32 $0x800;
	s30 =	simm.s32 $0x100;
	[sflag:s15] =	ssyncset.done $0x0  }
.LBB2_2:
0x34: {  	s0 =	sadd.s32 $0x13C80, s30  }
0x35: {  	[sflag:s15] =	ssyncadd.s32 $0xFFFFC000;
	s1 =	smov.u32 s31;
	s3 =	sadd.s32 $0x400, s31  }
0x36: {  	[tilespmem:s20], [sflag:$0x2] =	stream.indirect.gather [hbm4b:s4+s18], $0x80, s0, s18, $0xb8;
	[tilespmem:$0x1E400] =	vst v63  }
0x37: {  	p1 =	sne.s32 s31, $0x4800;
	_ =	swait.ge [sflag:s21], $0x4000  }
0x38: {  	[sflag:s21] =	ssyncset.done $0x0  }
0x39: {  	s0 =	sadd.s32 $0x15000, s30;
	[sflag:s21] =	ssyncadd.s32 $0xFFFFC000  }
0x3a: {  	[spmem:s2] =	stream.indirect.scatter.add.f32 [tilespmem:s19], [sflag:$0x3], $0x80, s0, s18, $0xb8;
	[tilespmem:$0x1E400] =	vst v63  }
0x3b: {  	_ =	swait.ge [sflag:s15], $0x4000  }
0x3c: {  	[sflag:s15] =	ssyncset.done $0x0  }
0x3d: {  	s0 =	sadd.s32 $0x13D00, s30;
	[sflag:s15] =	ssyncadd.s32 $0xFFFFC000  }
0x3e: {  	[tilespmem:s19], [sflag:$0x1] =	stream.indirect.gather [hbm4b:s4+s18], $0x80, s0, s18, $0xb8;
	[tilespmem:$0x1E400] =	vst v63  }
0x3f: {  	_ =	swait.ge [sflag:s22], $0x4000  }
.Ltmp0:
0x40: {  	[sflag:s22] =	ssyncset.done $0x0;
	(pc) =	sbr.rel @p1 .LBB2_2-.Ltmp0, $4  }
0x41: {  	s0 =	sadd.s32 $0x15080, s30;
	[sflag:s22] =	ssyncadd.s32 $0xFFFFC000  }
0x42: {  	[spmem:s2] =	stream.indirect.scatter.add.f32 [tilespmem:s20], [sflag:$0x3], $0x80, s0, s18, $0xb8;
	[tilespmem:$0x1E400] =	vst v63  }
0x43: {  	_ =	swait.ge [sflag:s15], $0x4000  }
0x44: {  	s31 =	smov.u32 s3;
	s30 =	sshra.s32 s1, $0x2;
	[sflag:s15] =	ssyncset.done $0x0  }
0x45: {  	s0 =	sadd.s32 $0x13C80, s30;
	[sflag:s15] =	ssyncadd.s32 $0xFFFFC000  }
0x46: {  	[tilespmem:s20], [sflag:$0x2] =	stream.indirect.gather [hbm4b:s4+s18], $0x80, s0, s18, $0xb8;
	[tilespmem:$0x1E400] =	vst v63  }
0x47: {  	_ =	swait.ge [sflag:s21], $0x4000  }
0x48: {  	[sflag:s21] =	ssyncset.done $0x0  }
0x49: {  	s1 =	sadd.s32 $0x15000, s30;
	[sflag:s21] =	ssyncadd.s32 $0xFFFFC000  }
0x4a: {  	[spmem:s2] =	stream.indirect.scatter.add.f32 [tilespmem:s19], [sflag:$0x3], $0x80, s1, s18, $0xb8;
	[tilespmem:$0x1E400] =	vst v63  }
0x4b: {  	_ =	swait.ge [sflag:s15], $0x4000  }
0x4c: {  	[sflag:s15] =	ssyncset.done $0x0  }
0x4d: {  	s3 =	sadd.s32 $0x13D00, s30;
	[sflag:s15] =	ssyncadd.s32 $0xFFFFC000  }
0x4e: {  	[tilespmem:s19], [sflag:$0x1] =	stream.indirect.gather [hbm4b:s4+s18], $0x80, s3, s18, $0xb8;
	[tilespmem:$0x1E400] =	vst v63  }
0x4f: {  	_ =	swait.ge [sflag:s22], $0x4000  }
0x50: {  	[sflag:s22] =	ssyncset.done $0x0  }
0x51: {  	s1 =	sadd.s32 $0x15080, s30;
	[sflag:s22] =	ssyncadd.s32 $0xFFFFC000  }
0x52: {  	[spmem:s2] =	stream.indirect.scatter.add.f32 [tilespmem:s20], [sflag:$0x3], $0x80, s1, s18, $0xb8;
	[tilespmem:$0x1E400] =	vst v63  }
0x53: {  	_ =	swait.ge [sflag:s15], $0x4000  }
0x54: {  	[sflag:s15] =	ssyncset.done $0x0  }
0x55: {  	[sflag:s15] =	ssyncadd.s32 $0xFFFFC000  }
0x56: {  	[tilespmem:s20], [sflag:$0x2] =	stream.indirect.gather [hbm4b:s4+s18], $0x80, s23, s18, $0xb8;
	[tilespmem:$0x1E400] =	vst v63  }
0x57: {  	_ =	swait.ge [sflag:s21], $0x4000  }
0x58: {  	[sflag:s21] =	ssyncset.done $0x0  }
0x59: {  	[sflag:s21] =	ssyncadd.s32 $0xFFFFC000  }
0x5a: {  	[spmem:s2] =	stream.indirect.scatter.add.f32 [tilespmem:s19], [sflag:$0x3], $0x80, s26, s18, $0xb8;
	[tilespmem:$0x1E400] =	vst v63  }
0x5b: {  	_ =	swait.ge [sflag:s15], $0x4000  }
0x5c: {  	[sflag:s15] =	ssyncset.done $0x0  }
0x5d: {  	[sflag:s15] =	ssyncadd.s32 $0xFFFFC000  }
0x5e: {  	_ =	swait.ge [sflag:s22], $0x4000  }
0x5f: {  	[sflag:s22] =	ssyncset.done $0x0  }
0x60: {  	[sflag:s22] =	ssyncadd.s32 $0xFFFFC000  }
0x61: {  	[spmem:s2] =	stream.indirect.scatter.add.f32 [tilespmem:s20], [sflag:$0x3], $0x80, s28, s18, $0xb8;
	[tilespmem:$0x1E400] =	vst v63  }
0x62: {  	_ =	swait.ge [sflag:s15], $0x4000  }
0x63: {  	[sflag:s15] =	ssyncset.done $0x0  }
0x64: {  	s3 =	simm.s32 $0x0;
	[sflag:s15] =	ssyncadd.s32 $0xFFFFC000  }
0x65: {  	[tilespmem:s16], [sflag:$0x3] =	stream.linear.gather [hbm4b:s9+s3], $0x1400, $0x38;
	[tilespmem:$0x1E400] =	vst v63  }
0x66: {  	_ =	swait.ge [sflag:s15], $0x1400  }
0x67: {  	[sflag:s15] =	ssyncset.done $0x0  }
0x68: {  	[sflag:s15] =	ssyncadd.s32 $0xFFFFEC00  }
0x69: {  	[tilespmem:s17], [sflag:$0x3] =	stream.linear.gather [hbm4b:s10+s3], $0x1400, $0x38;
	[tilespmem:$0x1E400] =	vst v63  }
0x6a: {  	_ =	swait.ge [sflag:s15], $0x1400  }
0x6b: {  	[sflag:s15] =	ssyncset.done $0x0  }
0x6c: {  	[sflag:s15] =	ssyncadd.s32 $0xFFFFEC00  }
0x6d: {  	[tilespmem:s19], [sflag:$0x1] =	stream.indirect.gather [hbm4b:s4+s18], $0x80, s16, s18, $0xb8;
	[tilespmem:$0x1E400] =	vst v63  }
0x6e: {  	s1 =	simm.s32 $0x13C80  }
0x6f: {  	[tilespmem:s20], [sflag:$0x2] =	stream.indirect.gather [hbm4b:s4+s18], $0x80, s1, s18, $0xb8;
	[tilespmem:$0x1E400] =	vst v63  }
0x70: {  	_ =	swait.ge [sflag:s21], $0x4000  }
0x71: {  	[sflag:s21] =	ssyncset.done $0x0  }
0x72: {  	s3 =	simm.s32 $0x15000;
	[sflag:s21] =	ssyncadd.s32 $0xFFFFC000  }
0x73: {  	[spmem:s2] =	stream.indirect.scatter.add.f32 [tilespmem:s19], [sflag:$0x3], $0x80, s3, s18, $0xb8;
	[tilespmem:$0x1E400] =	vst v63  }
0x74: {  	_ =	swait.ge [sflag:s15], $0x4000  }
0x75: {  	[sflag:s15] =	ssyncset.done $0x0  }
0x76: {  	s1 =	simm.s32 $0x13D00;
	[sflag:s15] =	ssyncadd.s32 $0xFFFFC000  }
0x77: {  	[tilespmem:s19], [sflag:$0x1] =	stream.indirect.gather [hbm4b:s4+s18], $0x80, s1, s18, $0xb8;
	[tilespmem:$0x1E400] =	vst v63  }
0x78: {  	_ =	swait.ge [sflag:s22], $0x4000  }
0x79: {  	[sflag:s22] =	ssyncset.done $0x0  }
0x7a: {  	s3 =	simm.s32 $0x15080;
	[sflag:s22] =	ssyncadd.s32 $0xFFFFC000  }
0x7b: {  	[spmem:s2] =	stream.indirect.scatter.add.f32 [tilespmem:s20], [sflag:$0x3], $0x80, s3, s18, $0xb8;
	[tilespmem:$0x1E400] =	vst v63  }
0x7c: {  	_ =	swait.ge [sflag:s15], $0x4000  }
0x7d: {  	s31 =	simm.s32 $0x800;
	s30 =	simm.s32 $0x100;
	[sflag:s15] =	ssyncset.done $0x0  }
.LBB2_4:
0x7e: {  	s0 =	sadd.s32 $0x13C80, s30  }
0x7f: {  	[sflag:s15] =	ssyncadd.s32 $0xFFFFC000;
	s1 =	smov.u32 s31;
	s3 =	sadd.s32 $0x400, s31  }
0x80: {  	[tilespmem:s20], [sflag:$0x2] =	stream.indirect.gather [hbm4b:s4+s18], $0x80, s0, s18, $0xb8;
	[tilespmem:$0x1E400] =	vst v63  }
0x81: {  	p1 =	sne.s32 s31, $0x4800;
	_ =	swait.ge [sflag:s21], $0x4000  }
0x82: {  	[sflag:s21] =	ssyncset.done $0x0  }
0x83: {  	s0 =	sadd.s32 $0x15000, s30;
	[sflag:s21] =	ssyncadd.s32 $0xFFFFC000  }
0x84: {  	[spmem:s2] =	stream.indirect.scatter.add.f32 [tilespmem:s19], [sflag:$0x3], $0x80, s0, s18, $0xb8;
	[tilespmem:$0x1E400] =	vst v63  }
0x85: {  	_ =	swait.ge [sflag:s15], $0x4000  }
0x86: {  	[sflag:s15] =	ssyncset.done $0x0  }
0x87: {  	s0 =	sadd.s32 $0x13D00, s30;
	[sflag:s15] =	ssyncadd.s32 $0xFFFFC000  }
0x88: {  	[tilespmem:s19], [sflag:$0x1] =	stream.indirect.gather [hbm4b:s4+s18], $0x80, s0, s18, $0xb8;
	[tilespmem:$0x1E400] =	vst v63  }
0x89: {  	_ =	swait.ge [sflag:s22], $0x4000  }
.Ltmp1:
0x8a: {  	[sflag:s22] =	ssyncset.done $0x0;
	(pc) =	sbr.rel @p1 .LBB2_4-.Ltmp1, $4  }
0x8b: {  	s0 =	sadd.s32 $0x15080, s30;
	[sflag:s22] =	ssyncadd.s32 $0xFFFFC000  }
0x8c: {  	[spmem:s2] =	stream.indirect.scatter.add.f32 [tilespmem:s20], [sflag:$0x3], $0x80, s0, s18, $0xb8;
	[tilespmem:$0x1E400] =	vst v63  }
0x8d: {  	_ =	swait.ge [sflag:s15], $0x4000  }
0x8e: {  	s31 =	smov.u32 s3;
	s30 =	sshra.s32 s1, $0x2;
	[sflag:s15] =	ssyncset.done $0x0  }
0x8f: {  	s0 =	sadd.s32 $0x13C80, s30;
	[sflag:s15] =	ssyncadd.s32 $0xFFFFC000  }
0x90: {  	[tilespmem:s20], [sflag:$0x2] =	stream.indirect.gather [hbm4b:s4+s18], $0x80, s0, s18, $0xb8;
	[tilespmem:$0x1E400] =	vst v63  }
0x91: {  	_ =	swait.ge [sflag:s21], $0x4000  }
0x92: {  	[sflag:s21] =	ssyncset.done $0x0  }
0x93: {  	s1 =	sadd.s32 $0x15000, s30;
	[sflag:s21] =	ssyncadd.s32 $0xFFFFC000  }
0x94: {  	[spmem:s2] =	stream.indirect.scatter.add.f32 [tilespmem:s19], [sflag:$0x3], $0x80, s1, s18, $0xb8;
	[tilespmem:$0x1E400] =	vst v63  }
0x95: {  	_ =	swait.ge [sflag:s15], $0x4000  }
0x96: {  	[sflag:s15] =	ssyncset.done $0x0  }
0x97: {  	s3 =	sadd.s32 $0x13D00, s30;
	[sflag:s15] =	ssyncadd.s32 $0xFFFFC000  }
0x98: {  	[tilespmem:s19], [sflag:$0x1] =	stream.indirect.gather [hbm4b:s4+s18], $0x80, s3, s18, $0xb8;
	[tilespmem:$0x1E400] =	vst v63  }
0x99: {  	_ =	swait.ge [sflag:s22], $0x4000  }
0x9a: {  	[sflag:s22] =	ssyncset.done $0x0  }
0x9b: {  	s31 =	sadd.s32 $0x15080, s30;
	[sflag:s22] =	ssyncadd.s32 $0xFFFFC000  }
0x9c: {  	[spmem:s2] =	stream.indirect.scatter.add.f32 [tilespmem:s20], [sflag:$0x3], $0x80, s31, s18, $0xb8;
	[tilespmem:$0x1E400] =	vst v63  }
0x9d: {  	_ =	swait.ge [sflag:s15], $0x4000  }
0x9e: {  	[sflag:s15] =	ssyncset.done $0x0  }
0x9f: {  	[sflag:s15] =	ssyncadd.s32 $0xFFFFC000  }
0xa0: {  	[tilespmem:s20], [sflag:$0x2] =	stream.indirect.gather [hbm4b:s4+s18], $0x80, s23, s18, $0xb8;
	[tilespmem:$0x1E400] =	vst v63  }
0xa1: {  	_ =	swait.ge [sflag:s21], $0x4000  }
0xa2: {  	[sflag:s21] =	ssyncset.done $0x0  }
0xa3: {  	[sflag:s21] =	ssyncadd.s32 $0xFFFFC000  }
0xa4: {  	[spmem:s2] =	stream.indirect.scatter.add.f32 [tilespmem:s19], [sflag:$0x3], $0x80, s26, s18, $0xb8;
	[tilespmem:$0x1E400] =	vst v63  }
0xa5: {  	_ =	swait.ge [sflag:s15], $0x4000  }
0xa6: {  	[sflag:s15] =	ssyncset.done $0x0  }
0xa7: {  	[sflag:s15] =	ssyncadd.s32 $0xFFFFC000  }
0xa8: {  	_ =	swait.ge [sflag:s22], $0x4000  }
0xa9: {  	[sflag:s22] =	ssyncset.done $0x0  }
0xaa: {  	[sflag:s22] =	ssyncadd.s32 $0xFFFFC000  }
0xab: {  	[spmem:s2] =	stream.indirect.scatter.add.f32 [tilespmem:s20], [sflag:$0x3], $0x80, s28, s18, $0xb8;
	[tilespmem:$0x1E400] =	vst v63  }
0xac: {  	_ =	swait.ge [sflag:s15], $0x4000  }
0xad: {  	[sflag:s15] =	ssyncset.done $0x0  }
0xae: {  	[sflag:s15] =	ssyncadd.s32 $0xFFFFC000  }
0xaf: {  	s0 =	simm.s32 @p0 $0x3;
	[bflag:$0x0] =	sbarrier.arrive $0xFFFF  }
0xb0: {  	[hbm:s12], [sflag:s6] =	dma.local @p0 [spmem:s24], $0x2800  }
0xb1: {  	s29 =	sadd.s32 $0x1, s29;
	_ =	swait.ge @p0 [sflag:s0], $0x2800  }
0xb2: {  	p1 =	sne.s32 s29, s13;
	[sflag:s0] =	ssyncset.done @p0 $0x0  }
.Ltmp2:
0xb3: {  	[sflag:s0] =	ssyncadd.s32 @p0 $0xFFFFD800;
	s0 =	simm.s32 @!p0 $0x3;
	(pc) =	sbr.rel @p1 .LBB2_1-.Ltmp2, $4  }
0xb4: {  	[hbm:s11], [sflag:s6] =	dma.local @!p0 [spmem:s25], $0x2700  }
0xb5: {  	_ =	swait.ge @!p0 [sflag:s0], $0x2700  }
0xb6: {  	[sflag:s0] =	ssyncset.done @!p0 $0x0  }
0xb7: {  	[sflag:s0] =	ssyncadd.s32 @!p0 $0xFFFFD900  }
0xb8: {  	_ =	sfence.sel $0x180000  }
0xb9: {  	[bflag:$0x0] =	sbarrier.arrive $0xFFFF  }
0xba: {  	_ =	strace $0x90000047  }
0xbb: {  	s0 =	stileid.u32;
	[bflag:$0x2] =	sbarrier.arrive $0xFFFF  }
0xbc: {  	p0 =	sne.s32 s0, $0x0;
	s0 =	rddreg [dreg:$0x3]  }
0xbd: {  	s0 =	sadd.s32 @!p0 $0x100000, s0  }
0xbe: {  	[sflag:s0] =	ssyncadd.tile.s32 @!p0 $0x1;
	_ =	shalt  }
.Lfunc_end2:
_tile_overlayer_lowered:
.L_overlay_start_2:
0xbf: {  	(tag) =	ssettag $0x2  }
0xc0: {  	s0 =	rddreg [dreg:$0x0];
	s2 =	stileid.u32  }
0xc1: {  	s1 =	rddreg [dreg:$0x1];
	p0 =	sne.s32 s2, $0x0  }
0xc2: {  	s3 =	rddreg [dreg:$0x2];
	[bflag:$0x3] =	sbarrier.arrive $0xFFFF;
	s2 =	simm.s32 @!p0 $0x1C03  }
0xc3: {  	[timem:s3], [sflag:s2] =	dma.local @!p0 [hbm:s0], s1  }
0xc4: {  	s0 =	simm.s32 @!p0 $0x3  }
0xc5: {  	_ =	swait.ge @!p0 [sflag:s0], s1  }
0xc6: {  	s1 =	ssub.s32 @!p0 $0x0, s1;
	[sflag:s0] =	ssyncset.done @!p0 $0x0  }
0xc7: {  	[sflag:s0] =	ssyncadd.s32 @!p0 s1  }
0xc8: {  	[bflag:$0x3] =	sbarrier.arrive $0xFFFF  }
0xc9: {  	_ =	shalt  }

</sc_bundles>
